<compile_context>
chip_gen: v7x
topology: tpu7x:2x2x1
jax: 0.10.2.dev20260603
libtpu: 0.0.44.dev20260713+nightly
codegen_flags: <defaults>
</compile_context>

<pallas_src>
import functools

import jax
import jax.numpy as jnp
from jax import lax
from jax.experimental import pallas as pl
from jax.experimental.pallas import tpu as pltpu
from jax.experimental.pallas import tpu_sc as plsc

_LANES = 16
_NBUF = 2
_BBLK = 512
_SUB = 128


@functools.lru_cache(maxsize=None)
def _build_sc_kernel(b_total: int, s_len: int, n_ctx: int, d: int,
                     nc: int, ns: int):
    nw = nc * ns
    bpb = b_total // _BBLK
    items = s_len * bpb
    items_pw = items // nw
    d_vecs = d // _LANES
    dt_n = d // 8
    bt_n = _BBLK // _SUB

    mesh = plsc.VectorSubcoreMesh(core_axis_name="c", subcore_axis_name="s")

    @functools.partial(
        pl.kernel,
        out_type=jax.ShapeDtypeStruct((s_len, dt_n, b_total // _SUB, 8, _SUB),
                                      jnp.float32),
        mesh=mesh,
        scratch_types=[
            pltpu.VMEM((n_ctx, d), jnp.float32),
            pltpu.VMEM((2, d), jnp.float32),
            pltpu.VMEM((2 * n_ctx * (d + 8),), jnp.float32),
            [pltpu.VMEM((_BBLK,), jnp.int32)] * _NBUF,
            [pltpu.VMEM((_BBLK,), jnp.int32)] * _NBUF,
            [pltpu.VMEM((dt_n, bt_n, 8, _SUB), jnp.float32)] * _NBUF,
            [pltpu.SemaphoreType.DMA] * _NBUF,
            [pltpu.SemaphoreType.DMA] * _NBUF,
        ],
        compiler_params=pltpu.CompilerParams(use_tc_tiling_on_sc=False,
                                             needs_layout_passes=False),
    )
    def sc_kernel(pos_hbm, seq_hbm, ptab_hbm, stab_hbm, out_hbm,
                  ptab_v, stab_v, comb, posv, seqv, outv, sem_in, sem_w):
        c = lax.axis_index("c")
        s = lax.axis_index("s")
        wid = c * ns + s
        item0 = wid * items_pw

        pltpu.sync_copy(ptab_hbm, ptab_v)
        pltpu.sync_copy(stab_hbm, stab_v)

        dp = d + 8

        def row(p, carry):
            for dc in range(d_vecs):
                sl = pl.ds(dc * _LANES, _LANES)
                v = ptab_v[p, sl]
                comb[pl.ds(p * dp + dc * _LANES, _LANES)] = v + stab_v[0, sl]
                comb[pl.ds(n_ctx * dp + p * dp + dc * _LANES, _LANES)] = (
                    v + stab_v[1, sl])
            return carry

        lax.fori_loop(0, n_ctx, row, 0)

        def load_idx(item, b):
            t = item // bpb
            b0 = (item % bpb) * _BBLK
            pltpu.async_copy(pos_hbm.at[t, pl.ds(b0, _BBLK)], posv[b],
                             sem_in[b])
            pltpu.async_copy(seq_hbm.at[t, pl.ds(b0, _BBLK)], seqv[b],
                             sem_in[b])

        def drain_idx(item, b):
            t = item // bpb
            b0 = (item % bpb) * _BBLK
            pltpu.make_async_copy(pos_hbm.at[t, pl.ds(b0, _BBLK)], posv[b],
                                  sem_in[b]).wait()
            pltpu.make_async_copy(seq_hbm.at[t, pl.ds(b0, _BBLK)], seqv[b],
                                  sem_in[b]).wait()

        def out_slice(item):
            t = item // bpb
            bb = item % bpb
            return out_hbm.at[t, :, pl.ds(bb * bt_n, bt_n), :, :]

        for b in range(_NBUF):
            load_idx(item0 + b, b)

        def super_body(m2, carry):
            for b in range(_NBUF):
                m = m2 * _NBUF + b
                item = item0 + m
                drain_idx(item, b)

                @pl.when(m2 > 0)
                def _drain_wb():
                    pltpu.make_async_copy(outv[b], out_slice(item),
                                          sem_w[b]).wait()

                @plsc.parallel_loop(0, _BBLK // _LANES)
                def jgroup(j):
                    bt = j // (_SUB // _LANES)
                    bcg = j % (_SUB // _LANES)
                    sl = pl.ds(j * _LANES, _LANES)
                    ci = seqv[b][sl] * (n_ctx * dp) + posv[b][sl] * dp
                    osl = pl.ds(bcg * _LANES, _LANES)
                    for dg in range(d // 16):
                        vs = [plsc.load_gather(comb, [ci + dg * 16 + dr])
                              for dr in range(16)]
                        for dr in range(16):
                            dd = dg * 16 + dr
                            outv[b][dd // 8, bt, dd % 8, osl] = vs[dr]

                @pl.when(m + _NBUF < items_pw)
                def _prefetch():
                    load_idx(item + _NBUF, b)

                pltpu.async_copy(outv[b], out_slice(item), sem_w[b])
            return carry

        lax.fori_loop(0, items_pw // _NBUF, super_body, 0)

        for b in range(_NBUF):
            pltpu.make_async_copy(
                outv[b], out_slice(item0 + items_pw - _NBUF + b),
                sem_w[b]).wait()

    return sc_kernel


def kernel(positions, sequence_ids, pos_table, seq_table):
    b, s = positions.shape
    n_ctx, d = pos_table.shape

    info = plsc.get_sparse_core_info()
    nc, ns = info.num_cores, info.num_subcores
    nw = nc * ns

    assert (s * (b // _BBLK)) % (nw * _NBUF) == 0
    assert b % _BBLK == 0 and d % _LANES == 0

    sc = _build_sc_kernel(b, s, n_ctx, d, nc, ns)
    out5 = sc(positions.T.astype(jnp.int32), sequence_ids.T.astype(jnp.int32),
              pos_table.astype(jnp.float32), seq_table.astype(jnp.float32))
    return jnp.transpose(out5, (2, 4, 0, 1, 3)).reshape(b, s, d)

# --- scband reference (transcript-rebuilt; emitter-appended) ---
"""Pipeline reference for scband-positional-encoding-49675591745881 (READ-ONLY COPY).

The authoritative reference and input builder live on the scoring server;
editing this copy changes nothing except your own understanding.
"""

import jax, jax.numpy as jnp
import numpy as np

B = 4096
N_CTX = 200
SEQ_LEN = 2 * N_CTX
D_INPUT = 64


def setup_inputs(seed: int = 0) -> dict:
    key = jax.random.key(seed)
    k1, k2, k3, k4 = jax.random.split(key, 4)
    # Index tensors: positions in [0, n_ctx_each_side), sequence ids in {0, 1}.
    # The original forward builds these from ragged first/second item lists; here we
    # materialize them directly as the int index tensors fed to the embedding lookups.
    positions = jax.random.randint(k1, (B, SEQ_LEN), 0, N_CTX, dtype=jnp.int64 if jax.config.jax_enable_x64 else jnp.int32)
    sequence_ids = jax.random.randint(k2, (B, SEQ_LEN), 0, 2, dtype=jnp.int64 if jax.config.jax_enable_x64 else jnp.int32)
    # Learned parameters (nn.Embedding weights), sized per config.
    pos_table = jax.random.normal(k3, (N_CTX, D_INPUT), dtype=jnp.float32)
    seq_table = jax.random.normal(k4, (2, D_INPUT), dtype=jnp.float32)
    return {
        "positions": positions,
        "sequence_ids": sequence_ids,
        "pos_table": pos_table,
        "seq_table": seq_table,
    }


def reference(positions, sequence_ids, pos_table, seq_table):
    # positions_embs = self._embs(positions)
    positions_embs = jnp.take(pos_table, positions, axis=0)
    # sequence_embs = self._embs_sequence(sequence_embs)
    sequence_embs = jnp.take(seq_table, sequence_ids, axis=0)
    return positions_embs + sequence_embs

if __name__ == "__main__":
    import jax
    _d = setup_inputs()
    print(jax.jit(kernel)(*tuple(_d.values())))

</pallas_src>

<mosaic_0001>
#map = affine_map<(d0, d1) -> (0, 0)>
#map1 = affine_map<(d0, d1) -> (0, 0, 0, 0, 0)>
module attributes {stable_mosaic.version = 14 : i64} {
  func.func @sc_kernel(%arg0: i32, %arg1: i32, %arg2: memref<400x4096xi32, #tpu.memory_space<hbm>>, %arg3: memref<400x4096xi32, #tpu.memory_space<hbm>>, %arg4: memref<200x64xf32, #tpu.memory_space<hbm>>, %arg5: memref<2x64xf32, #tpu.memory_space<hbm>>, %arg6: memref<400x8x32x8x128xf32, #tpu.memory_space<hbm>>, %arg7: memref<200x64xf32, #tpu.memory_space<vmem>>, %arg8: memref<2x64xf32, #tpu.memory_space<vmem>>, %arg9: memref<28800xf32, #tpu.memory_space<vmem>>, %arg10: memref<512xi32, #tpu.memory_space<vmem>>, %arg11: memref<512xi32, #tpu.memory_space<vmem>>, %arg12: memref<512xi32, #tpu.memory_space<vmem>>, %arg13: memref<512xi32, #tpu.memory_space<vmem>>, %arg14: memref<8x4x8x128xf32, #tpu.memory_space<vmem>>, %arg15: memref<8x4x8x128xf32, #tpu.memory_space<vmem>>, %arg16: memref<!tpu.dma_semaphore, #tpu.memory_space<semaphore_mem>>, %arg17: memref<!tpu.dma_semaphore, #tpu.memory_space<semaphore_mem>>, %arg18: memref<!tpu.dma_semaphore, #tpu.memory_space<semaphore_mem>>, %arg19: memref<!tpu.dma_semaphore, #tpu.memory_space<semaphore_mem>>) attributes {dimension_semantics = [#tpu.dimension_semantics<core_parallel>, #tpu.dimension_semantics<subcore_parallel>], iteration_bounds = array<i64: 2, 16>, scalar_prefetch = 0 : i64, scratch_operands = 13 : i64, tpu.core_type = #tpu.core_type<sc_vector_subcore>, window_params = [{transform_indices = #map}, {transform_indices = #map}, {transform_indices = #map}, {transform_indices = #map}, {transform_indices = #map1}]} {
    %mul3A = arith.constant 16 : i32
    %mul3A_0 = arith.muli %arg0, %mul3A : i32
    %add3A = arith.addi %mul3A_0, %arg1 : i32
    %mul3A_1 = arith.constant 100 : i32
    %mul3A_2 = arith.muli %add3A, %mul3A_1 : i32
    "tpu.region"() ({
      %run_scoped3A = tpu.sem_alloc : memref<!tpu.dma_semaphore, #tpu.memory_space<semaphore_mem>>
      tpu.enqueue_dma source(%arg4 : memref<200x64xf32, #tpu.memory_space<hbm>>) target(%arg7 : memref<200x64xf32, #tpu.memory_space<vmem>>) target_semaphore(%run_scoped3A : memref<!tpu.dma_semaphore, #tpu.memory_space<semaphore_mem>>)
      tpu.wait_dma2 semaphore(%run_scoped3A : memref<!tpu.dma_semaphore, #tpu.memory_space<semaphore_mem>>) src(%arg4 : memref<200x64xf32, #tpu.memory_space<hbm>>) dst(%arg7 : memref<200x64xf32, #tpu.memory_space<vmem>>)
      tpu.yield
    }) : () -> ()
    "tpu.region"() ({
      %run_scoped3A = tpu.sem_alloc : memref<!tpu.dma_semaphore, #tpu.memory_space<semaphore_mem>>
      tpu.enqueue_dma source(%arg5 : memref<2x64xf32, #tpu.memory_space<hbm>>) target(%arg8 : memref<2x64xf32, #tpu.memory_space<vmem>>) target_semaphore(%run_scoped3A : memref<!tpu.dma_semaphore, #tpu.memory_space<semaphore_mem>>)
      tpu.wait_dma2 semaphore(%run_scoped3A : memref<!tpu.dma_semaphore, #tpu.memory_space<semaphore_mem>>) src(%arg5 : memref<2x64xf32, #tpu.memory_space<hbm>>) dst(%arg8 : memref<2x64xf32, #tpu.memory_space<vmem>>)
      tpu.yield
    }) : () -> ()
    %scan3A = arith.constant 0 : i32
    %scan3A_3 = arith.constant 0 : i32
    %scan3A_4 = arith.constant 200 : i32
    %scan3A_5 = arith.addi %scan3A_3, %scan3A_4 : i32
    %scan3A_6 = arith.constant 1 : i32
    scf.for %scan3A_222 = %scan3A_3 to %scan3A_5 step %scan3A_6  : i32 {
      %get3A = arith.index_cast %scan3A_222 : i32 to index
      %get3A_223 = arith.constant 0 : index
      %get3A_224 = tpu.vector_load %arg7[%get3A, %get3A_223] {strides = array<i32>} : memref<200x64xf32, #tpu.memory_space<vmem>>, vector<16xf32>,
      %get3A_225 = arith.constant 0 : i32
      %get3A_226 = arith.index_cast %get3A_225 : i32 to index
      %get3A_227 = arith.constant 0 : index
      %get3A_228 = tpu.vector_load %arg8[%get3A_226, %get3A_227] {strides = array<i32>} : memref<2x64xf32, #tpu.memory_space<vmem>>, vector<16xf32>,
      %add3A_229 = arith.addf %get3A_224, %get3A_228 : vector<16xf32>
      %mul3A_230 = arith.constant 72 : i32
      %mul3A_231 = arith.muli %scan3A_222, %mul3A_230 : i32
      %add3A_232 = arith.constant 0 : i32
      %add3A_233 = arith.addi %mul3A_231, %add3A_232 : i32
      %swap3A = arith.index_cast %add3A_233 : i32 to index
      %swap3A_234 = tpu.vector_load %arg9[%swap3A] {strides = array<i32>} : memref<28800xf32, #tpu.memory_space<vmem>>, vector<16xf32>,
      tpu.vector_store %arg9[%swap3A], %add3A_229 {strides = array<i32>} : memref<28800xf32, #tpu.memory_space<vmem>>, vector<16xf32>,
      %get3A_235 = arith.constant 1 : i32
      %get3A_236 = arith.index_cast %get3A_235 : i32 to index
      %get3A_237 = arith.constant 0 : index
      %get3A_238 = tpu.vector_load %arg8[%get3A_236, %get3A_237] {strides = array<i32>} : memref<2x64xf32, #tpu.memory_space<vmem>>, vector<16xf32>,
      %add3A_239 = arith.addf %get3A_224, %get3A_238 : vector<16xf32>
      %mul3A_240 = arith.constant 72 : i32
      %mul3A_241 = arith.muli %scan3A_222, %mul3A_240 : i32
      %add3A_242 = arith.constant 14400 : i32
      %add3A_243 = arith.addi %add3A_242, %mul3A_241 : i32
      %add3A_244 = arith.constant 0 : i32
      %add3A_245 = arith.addi %add3A_243, %add3A_244 : i32
      %swap3A_246 = arith.index_cast %add3A_245 : i32 to index
      %swap3A_247 = tpu.vector_load %arg9[%swap3A_246] {strides = array<i32>} : memref<28800xf32, #tpu.memory_space<vmem>>, vector<16xf32>,
      tpu.vector_store %arg9[%swap3A_246], %add3A_239 {strides = array<i32>} : memref<28800xf32, #tpu.memory_space<vmem>>, vector<16xf32>,
      %get3A_248 = arith.index_cast %scan3A_222 : i32 to index
      %get3A_249 = arith.constant 16 : index
      %get3A_250 = tpu.vector_load %arg7[%get3A_248, %get3A_249] {strides = array<i32>} : memref<200x64xf32, #tpu.memory_space<vmem>>, vector<16xf32>,
      %get3A_251 = arith.constant 0 : i32
      %get3A_252 = arith.index_cast %get3A_251 : i32 to index
      %get3A_253 = arith.constant 16 : index
      %get3A_254 = tpu.vector_load %arg8[%get3A_252, %get3A_253] {strides = array<i32>} : memref<2x64xf32, #tpu.memory_space<vmem>>, vector<16xf32>,
      %add3A_255 = arith.addf %get3A_250, %get3A_254 : vector<16xf32>
      %mul3A_256 = arith.constant 72 : i32
      %mul3A_257 = arith.muli %scan3A_222, %mul3A_256 : i32
      %add3A_258 = arith.constant 16 : i32
      %add3A_259 = arith.addi %mul3A_257, %add3A_258 : i32
      %swap3A_260 = arith.index_cast %add3A_259 : i32 to index
      %swap3A_261 = tpu.vector_load %arg9[%swap3A_260] {strides = array<i32>} : memref<28800xf32, #tpu.memory_space<vmem>>, vector<16xf32>,
      tpu.vector_store %arg9[%swap3A_260], %add3A_255 {strides = array<i32>} : memref<28800xf32, #tpu.memory_space<vmem>>, vector<16xf32>,
      %get3A_262 = arith.constant 1 : i32
      %get3A_263 = arith.index_cast %get3A_262 : i32 to index
      %get3A_264 = arith.constant 16 : index
      %get3A_265 = tpu.vector_load %arg8[%get3A_263, %get3A_264] {strides = array<i32>} : memref<2x64xf32, #tpu.memory_space<vmem>>, vector<16xf32>,
      %add3A_266 = arith.addf %get3A_250, %get3A_265 : vector<16xf32>
      %mul3A_267 = arith.constant 72 : i32
      %mul3A_268 = arith.muli %scan3A_222, %mul3A_267 : i32
      %add3A_269 = arith.constant 14400 : i32
      %add3A_270 = arith.addi %add3A_269, %mul3A_268 : i32
      %add3A_271 = arith.constant 16 : i32
      %add3A_272 = arith.addi %add3A_270, %add3A_271 : i32
      %swap3A_273 = arith.index_cast %add3A_272 : i32 to index
      %swap3A_274 = tpu.vector_load %arg9[%swap3A_273] {strides = array<i32>} : memref<28800xf32, #tpu.memory_space<vmem>>, vector<16xf32>,
      tpu.vector_store %arg9[%swap3A_273], %add3A_266 {strides = array<i32>} : memref<28800xf32, #tpu.memory_space<vmem>>, vector<16xf32>,
      %get3A_275 = arith.index_cast %scan3A_222 : i32 to index
      %get3A_276 = arith.constant 32 : index
      %get3A_277 = tpu.vector_load %arg7[%get3A_275, %get3A_276] {strides = array<i32>} : memref<200x64xf32, #tpu.memory_space<vmem>>, vector<16xf32>,
      %get3A_278 = arith.constant 0 : i32
      %get3A_279 = arith.index_cast %get3A_278 : i32 to index
      %get3A_280 = arith.constant 32 : index
      %get3A_281 = tpu.vector_load %arg8[%get3A_279, %get3A_280] {strides = array<i32>} : memref<2x64xf32, #tpu.memory_space<vmem>>, vector<16xf32>,
      %add3A_282 = arith.addf %get3A_277, %get3A_281 : vector<16xf32>
      %mul3A_283 = arith.constant 72 : i32
      %mul3A_284 = arith.muli %scan3A_222, %mul3A_283 : i32
      %add3A_285 = arith.constant 32 : i32
      %add3A_286 = arith.addi %mul3A_284, %add3A_285 : i32
      %swap3A_287 = arith.index_cast %add3A_286 : i32 to index
      %swap3A_288 = tpu.vector_load %arg9[%swap3A_287] {strides = array<i32>} : memref<28800xf32, #tpu.memory_space<vmem>>, vector<16xf32>,
      tpu.vector_store %arg9[%swap3A_287], %add3A_282 {strides = array<i32>} : memref<28800xf32, #tpu.memory_space<vmem>>, vector<16xf32>,
      %get3A_289 = arith.constant 1 : i32
      %get3A_290 = arith.index_cast %get3A_289 : i32 to index
      %get3A_291 = arith.constant 32 : index
      %get3A_292 = tpu.vector_load %arg8[%get3A_290, %get3A_291] {strides = array<i32>} : memref<2x64xf32, #tpu.memory_space<vmem>>, vector<16xf32>,
      %add3A_293 = arith.addf %get3A_277, %get3A_292 : vector<16xf32>
      %mul3A_294 = arith.constant 72 : i32
      %mul3A_295 = arith.muli %scan3A_222, %mul3A_294 : i32
      %add3A_296 = arith.constant 14400 : i32
      %add3A_297 = arith.addi %add3A_296, %mul3A_295 : i32
      %add3A_298 = arith.constant 32 : i32
      %add3A_299 = arith.addi %add3A_297, %add3A_298 : i32
      %swap3A_300 = arith.index_cast %add3A_299 : i32 to index
      %swap3A_301 = tpu.vector_load %arg9[%swap3A_300] {strides = array<i32>} : memref<28800xf32, #tpu.memory_space<vmem>>, vector<16xf32>,
      tpu.vector_store %arg9[%swap3A_300], %add3A_293 {strides = array<i32>} : memref<28800xf32, #tpu.memory_space<vmem>>, vector<16xf32>,
      %get3A_302 = arith.index_cast %scan3A_222 : i32 to index
      %get3A_303 = arith.constant 48 : index
      %get3A_304 = tpu.vector_load %arg7[%get3A_302, %get3A_303] {strides = array<i32>} : memref<200x64xf32, #tpu.memory_space<vmem>>, vector<16xf32>,
      %get3A_305 = arith.constant 0 : i32
      %get3A_306 = arith.index_cast %get3A_305 : i32 to index
      %get3A_307 = arith.constant 48 : index
      %get3A_308 = tpu.vector_load %arg8[%get3A_306, %get3A_307] {strides = array<i32>} : memref<2x64xf32, #tpu.memory_space<vmem>>, vector<16xf32>,
      %add3A_309 = arith.addf %get3A_304, %get3A_308 : vector<16xf32>
      %mul3A_310 = arith.constant 72 : i32
      %mul3A_311 = arith.muli %scan3A_222, %mul3A_310 : i32
      %add3A_312 = arith.constant 48 : i32
      %add3A_313 = arith.addi %mul3A_311, %add3A_312 : i32
      %swap3A_314 = arith.index_cast %add3A_313 : i32 to index
      %swap3A_315 = tpu.vector_load %arg9[%swap3A_314] {strides = array<i32>} : memref<28800xf32, #tpu.memory_space<vmem>>, vector<16xf32>,
      tpu.vector_store %arg9[%swap3A_314], %add3A_309 {strides = array<i32>} : memref<28800xf32, #tpu.memory_space<vmem>>, vector<16xf32>,
      %get3A_316 = arith.constant 1 : i32
      %get3A_317 = arith.index_cast %get3A_316 : i32 to index
      %get3A_318 = arith.constant 48 : index
      %get3A_319 = tpu.vector_load %arg8[%get3A_317, %get3A_318] {strides = array<i32>} : memref<2x64xf32, #tpu.memory_space<vmem>>, vector<16xf32>,
      %add3A_320 = arith.addf %get3A_304, %get3A_319 : vector<16xf32>
      %mul3A_321 = arith.constant 72 : i32
      %mul3A_322 = arith.muli %scan3A_222, %mul3A_321 : i32
      %add3A_323 = arith.constant 14400 : i32
      %add3A_324 = arith.addi %add3A_323, %mul3A_322 : i32
      %add3A_325 = arith.constant 48 : i32
      %add3A_326 = arith.addi %add3A_324, %add3A_325 : i32
      %swap3A_327 = arith.index_cast %add3A_326 : i32 to index
      %swap3A_328 = tpu.vector_load %arg9[%swap3A_327] {strides = array<i32>} : memref<28800xf32, #tpu.memory_space<vmem>>, vector<16xf32>,
      tpu.vector_store %arg9[%swap3A_327], %add3A_320 {strides = array<i32>} : memref<28800xf32, #tpu.memory_space<vmem>>, vector<16xf32>,
    }
    %scan3A_7 = arith.constant 200 : i32
    %add3A_8 = arith.constant 0 : i32
    %add3A_9 = arith.addi %mul3A_2, %add3A_8 : i32
    %jit3A = arith.constant 8 : i32
    %div3A = arith.divsi %add3A_9, %jit3A : i32
    %sign3A = arith.constant 0 : i32
    %sign3A_10 = arith.cmpi sgt, %add3A_9, %sign3A : i32
    %sign3A_11 = arith.extui %sign3A_10 : i1 to i32
    %sign3A_12 = arith.constant 0 : i32
    %sign3A_13 = arith.cmpi slt, %add3A_9, %sign3A_12 : i32
    %sign3A_14 = arith.extui %sign3A_13 : i1 to i32
    %sign3A_15 = arith.subi %sign3A_11, %sign3A_14 : i32
    %sign3A_16 = arith.constant 0 : i32
    %sign3A_17 = arith.cmpi sgt, %jit3A, %sign3A_16 : i32
    %sign3A_18 = arith.extui %sign3A_17 : i1 to i32
    %sign3A_19 = arith.constant 0 : i32
    %sign3A_20 = arith.cmpi slt, %jit3A, %sign3A_19 : i32
    %sign3A_21 = arith.extui %sign3A_20 : i1 to i32
    %sign3A_22 = arith.subi %sign3A_18, %sign3A_21 : i32
    %ne3A = arith.cmpi ne, %sign3A_15, %sign3A_22 : i32
    %rem3A = arith.remsi %add3A_9, %jit3A : i32
    %ne3A_23 = arith.constant 0 : i32
    %ne3A_24 = arith.cmpi ne, %rem3A, %ne3A_23 : i32
    %and3A = arith.andi %ne3A, %ne3A_24 : i1
    %sub3A = arith.constant 1 : i32
    %sub3A_25 = arith.subi %div3A, %sub3A : i32
    %select_n3A = arith.select %and3A, %sub3A_25, %div3A : i32
    %jit3A_26 = arith.constant 8 : i32
    %eq3A = arith.constant 0 : i32
    %eq3A_27 = arith.cmpi eq, %jit3A_26, %eq3A : i32
    %jit3A_28 = arith.constant 1 : i32
    %select_n3A_29 = arith.select %eq3A_27, %jit3A_28, %jit3A_26 : i32
    %rem3A_30 = arith.remsi %add3A_9, %select_n3A_29 : i32
    %ne3A_31 = arith.constant 0 : i32
    %ne3A_32 = arith.cmpi ne, %rem3A_30, %ne3A_31 : i32
    %lt3A = arith.constant 0 : i32
    %lt3A_33 = arith.cmpi slt, %rem3A_30, %lt3A : i32
    %lt3A_34 = arith.constant 0 : i32
    %lt3A_35 = arith.cmpi slt, %select_n3A_29, %lt3A_34 : i32
    %ne3A_36 = arith.xori %lt3A_33, %lt3A_35 : i1
    %and3A_37 = arith.andi %ne3A_36, %ne3A_32 : i1
    %add3A_38 = arith.addi %rem3A_30, %select_n3A_29 : i32
    %select_n3A_39 = arith.select %and3A_37, %add3A_38, %rem3A_30 : i32
    %mul3A_40 = arith.constant 512 : i32
    %mul3A_41 = arith.muli %select_n3A_39, %mul3A_40 : i32
    %dma_start3A = tpu.memref_slice %arg2[%select_n3A, %mul3A_41] : memref<400x4096xi32, #tpu.memory_space<hbm>> -> memref<1x512xi32, #tpu.memory_space<hbm>>
    %dma_start3A_42 = tpu.memref_squeeze %dma_start3A : memref<1x512xi32, #tpu.memory_space<hbm>> -> memref<512xi32, #tpu.memory_space<hbm>>
    %dma_start3A_43 = tpu.memref_slice %arg2[%select_n3A, %mul3A_41] : memref<400x4096xi32, #tpu.memory_space<hbm>> -> memref<1x512xi32, #tpu.memory_space<hbm>>
    %dma_start3A_44 = tpu.memref_squeeze %dma_start3A_43 : memref<1x512xi32, #tpu.memory_space<hbm>> -> memref<512xi32, #tpu.memory_space<hbm>>
    tpu.enqueue_dma source(%dma_start3A_44 : memref<512xi32, #tpu.memory_space<hbm>>) target(%arg10 : memref<512xi32, #tpu.memory_space<vmem>>) target_semaphore(%arg16 : memref<!tpu.dma_semaphore, #tpu.memory_space<semaphore_mem>>)
    %dma_start3A_45 = tpu.memref_slice %arg3[%select_n3A, %mul3A_41] : memref<400x4096xi32, #tpu.memory_space<hbm>> -> memref<1x512xi32, #tpu.memory_space<hbm>>
    %dma_start3A_46 = tpu.memref_squeeze %dma_start3A_45 : memref<1x512xi32, #tpu.memory_space<hbm>> -> memref<512xi32, #tpu.memory_space<hbm>>
    %dma_start3A_47 = tpu.memref_slice %arg3[%select_n3A, %mul3A_41] : memref<400x4096xi32, #tpu.memory_space<hbm>> -> memref<1x512xi32, #tpu.memory_space<hbm>>
    %dma_start3A_48 = tpu.memref_squeeze %dma_start3A_47 : memref<1x512xi32, #tpu.memory_space<hbm>> -> memref<512xi32, #tpu.memory_space<hbm>>
    tpu.enqueue_dma source(%dma_start3A_48 : memref<512xi32, #tpu.memory_space<hbm>>) target(%arg12 : memref<512xi32, #tpu.memory_space<vmem>>) target_semaphore(%arg16 : memref<!tpu.dma_semaphore, #tpu.memory_space<semaphore_mem>>)
    %add3A_49 = arith.constant 1 : i32
    %add3A_50 = arith.addi %mul3A_2, %add3A_49 : i32
    %jit3A_51 = arith.constant 8 : i32
    %div3A_52 = arith.divsi %add3A_50, %jit3A_51 : i32
    %sign3A_53 = arith.constant 0 : i32
    %sign3A_54 = arith.cmpi sgt, %add3A_50, %sign3A_53 : i32
    %sign3A_55 = arith.extui %sign3A_54 : i1 to i32
    %sign3A_56 = arith.constant 0 : i32
    %sign3A_57 = arith.cmpi slt, %add3A_50, %sign3A_56 : i32
    %sign3A_58 = arith.extui %sign3A_57 : i1 to i32
    %sign3A_59 = arith.subi %sign3A_55, %sign3A_58 : i32
    %sign3A_60 = arith.constant 0 : i32
    %sign3A_61 = arith.cmpi sgt, %jit3A_51, %sign3A_60 : i32
    %sign3A_62 = arith.extui %sign3A_61 : i1 to i32
    %sign3A_63 = arith.constant 0 : i32
    %sign3A_64 = arith.cmpi slt, %jit3A_51, %sign3A_63 : i32
    %sign3A_65 = arith.extui %sign3A_64 : i1 to i32
    %sign3A_66 = arith.subi %sign3A_62, %sign3A_65 : i32
    %ne3A_67 = arith.cmpi ne, %sign3A_59, %sign3A_66 : i32
    %rem3A_68 = arith.remsi %add3A_50, %jit3A_51 : i32
    %ne3A_69 = arith.constant 0 : i32
    %ne3A_70 = arith.cmpi ne, %rem3A_68, %ne3A_69 : i32
    %and3A_71 = arith.andi %ne3A_67, %ne3A_70 : i1
    %sub3A_72 = arith.constant 1 : i32
    %sub3A_73 = arith.subi %div3A_52, %sub3A_72 : i32
    %select_n3A_74 = arith.select %and3A_71, %sub3A_73, %div3A_52 : i32
    %jit3A_75 = arith.constant 8 : i32
    %eq3A_76 = arith.constant 0 : i32
    %eq3A_77 = arith.cmpi eq, %jit3A_75, %eq3A_76 : i32
    %jit3A_78 = arith.constant 1 : i32
    %select_n3A_79 = arith.select %eq3A_77, %jit3A_78, %jit3A_75 : i32
    %rem3A_80 = arith.remsi %add3A_50, %select_n3A_79 : i32
    %ne3A_81 = arith.constant 0 : i32
    %ne3A_82 = arith.cmpi ne, %rem3A_80, %ne3A_81 : i32
    %lt3A_83 = arith.constant 0 : i32
    %lt3A_84 = arith.cmpi slt, %rem3A_80, %lt3A_83 : i32
    %lt3A_85 = arith.constant 0 : i32
    %lt3A_86 = arith.cmpi slt, %select_n3A_79, %lt3A_85 : i32
    %ne3A_87 = arith.xori %lt3A_84, %lt3A_86 : i1
    %and3A_88 = arith.andi %ne3A_87, %ne3A_82 : i1
    %add3A_89 = arith.addi %rem3A_80, %select_n3A_79 : i32
    %select_n3A_90 = arith.select %and3A_88, %add3A_89, %rem3A_80 : i32
    %mul3A_91 = arith.constant 512 : i32
    %mul3A_92 = arith.muli %select_n3A_90, %mul3A_91 : i32
    %dma_start3A_93 = tpu.memref_slice %arg2[%select_n3A_74, %mul3A_92] : memref<400x4096xi32, #tpu.memory_space<hbm>> -> memref<1x512xi32, #tpu.memory_space<hbm>>
    %dma_start3A_94 = tpu.memref_squeeze %dma_start3A_93 : memref<1x512xi32, #tpu.memory_space<hbm>> -> memref<512xi32, #tpu.memory_space<hbm>>
    %dma_start3A_95 = tpu.memref_slice %arg2[%select_n3A_74, %mul3A_92] : memref<400x4096xi32, #tpu.memory_space<hbm>> -> memref<1x512xi32, #tpu.memory_space<hbm>>
    %dma_start3A_96 = tpu.memref_squeeze %dma_start3A_95 : memref<1x512xi32, #tpu.memory_space<hbm>> -> memref<512xi32, #tpu.memory_space<hbm>>
    tpu.enqueue_dma source(%dma_start3A_96 : memref<512xi32, #tpu.memory_space<hbm>>) target(%arg11 : memref<512xi32, #tpu.memory_space<vmem>>) target_semaphore(%arg17 : memref<!tpu.dma_semaphore, #tpu.memory_space<semaphore_mem>>)
    %dma_start3A_97 = tpu.memref_slice %arg3[%select_n3A_74, %mul3A_92] : memref<400x4096xi32, #tpu.memory_space<hbm>> -> memref<1x512xi32, #tpu.memory_space<hbm>>
    %dma_start3A_98 = tpu.memref_squeeze %dma_start3A_97 : memref<1x512xi32, #tpu.memory_space<hbm>> -> memref<512xi32, #tpu.memory_space<hbm>>
    %dma_start3A_99 = tpu.memref_slice %arg3[%select_n3A_74, %mul3A_92] : memref<400x4096xi32, #tpu.memory_space<hbm>> -> memref<1x512xi32, #tpu.memory_space<hbm>>
    %dma_start3A_100 = tpu.memref_squeeze %dma_start3A_99 : memref<1x512xi32, #tpu.memory_space<hbm>> -> memref<512xi32, #tpu.memory_space<hbm>>
    tpu.enqueue_dma source(%dma_start3A_100 : memref<512xi32, #tpu.memory_space<hbm>>) target(%arg13 : memref<512xi32, #tpu.memory_space<vmem>>) target_semaphore(%arg17 : memref<!tpu.dma_semaphore, #tpu.memory_space<semaphore_mem>>)
    %scan3A_101 = arith.constant 0 : i32
    %scan3A_102 = arith.constant 0 : i32
    %scan3A_103 = arith.constant 50 : i32
    %scan3A_104 = arith.addi %scan3A_102, %scan3A_103 : i32
    %scan3A_105 = arith.constant 1 : i32
    scf.for %scan3A_222 = %scan3A_102 to %scan3A_104 step %scan3A_105  : i32 {
      %mul3A_223 = arith.constant 2 : i32
      %mul3A_224 = arith.muli %scan3A_222, %mul3A_223 : i32
      %add3A_225 = arith.constant 0 : i32
      %add3A_226 = arith.addi %mul3A_224, %add3A_225 : i32
      %add3A_227 = arith.addi %mul3A_2, %add3A_226 : i32
      %jit3A_228 = arith.constant 8 : i32
      %div3A_229 = arith.divsi %add3A_227, %jit3A_228 : i32
      %sign3A_230 = arith.constant 0 : i32
      %sign3A_231 = arith.cmpi sgt, %add3A_227, %sign3A_230 : i32
      %sign3A_232 = arith.extui %sign3A_231 : i1 to i32
      %sign3A_233 = arith.constant 0 : i32
      %sign3A_234 = arith.cmpi slt, %add3A_227, %sign3A_233 : i32
      %sign3A_235 = arith.extui %sign3A_234 : i1 to i32
      %sign3A_236 = arith.subi %sign3A_232, %sign3A_235 : i32
      %sign3A_237 = arith.constant 0 : i32
      %sign3A_238 = arith.cmpi sgt, %jit3A_228, %sign3A_237 : i32
      %sign3A_239 = arith.extui %sign3A_238 : i1 to i32
      %sign3A_240 = arith.constant 0 : i32
      %sign3A_241 = arith.cmpi slt, %jit3A_228, %sign3A_240 : i32
      %sign3A_242 = arith.extui %sign3A_241 : i1 to i32
      %sign3A_243 = arith.subi %sign3A_239, %sign3A_242 : i32
      %ne3A_244 = arith.cmpi ne, %sign3A_236, %sign3A_243 : i32
      %rem3A_245 = arith.remsi %add3A_227, %jit3A_228 : i32
      %ne3A_246 = arith.constant 0 : i32
      %ne3A_247 = arith.cmpi ne, %rem3A_245, %ne3A_246 : i32
      %and3A_248 = arith.andi %ne3A_244, %ne3A_247 : i1
      %sub3A_249 = arith.constant 1 : i32
      %sub3A_250 = arith.subi %div3A_229, %sub3A_249 : i32
      %select_n3A_251 = arith.select %and3A_248, %sub3A_250, %div3A_229 : i32
      %jit3A_252 = arith.constant 8 : i32
      %eq3A_253 = arith.constant 0 : i32
      %eq3A_254 = arith.cmpi eq, %jit3A_252, %eq3A_253 : i32
      %jit3A_255 = arith.constant 1 : i32
      %select_n3A_256 = arith.select %eq3A_254, %jit3A_255, %jit3A_252 : i32
      %rem3A_257 = arith.remsi %add3A_227, %select_n3A_256 : i32
      %ne3A_258 = arith.constant 0 : i32
      %ne3A_259 = arith.cmpi ne, %rem3A_257, %ne3A_258 : i32
      %lt3A_260 = arith.constant 0 : i32
      %lt3A_261 = arith.cmpi slt, %rem3A_257, %lt3A_260 : i32
      %lt3A_262 = arith.constant 0 : i32
      %lt3A_263 = arith.cmpi slt, %select_n3A_256, %lt3A_262 : i32
      %ne3A_264 = arith.xori %lt3A_261, %lt3A_263 : i1
      %and3A_265 = arith.andi %ne3A_264, %ne3A_259 : i1
      %add3A_266 = arith.addi %rem3A_257, %select_n3A_256 : i32
      %select_n3A_267 = arith.select %and3A_265, %add3A_266, %rem3A_257 : i32
      %mul3A_268 = arith.constant 512 : i32
      %mul3A_269 = arith.muli %select_n3A_267, %mul3A_268 : i32
      %dma_wait3A_270 = tpu.memref_slice %arg2[%select_n3A_251, %mul3A_269] : memref<400x4096xi32, #tpu.memory_space<hbm>> -> memref<1x512xi32, #tpu.memory_space<hbm>>
      %dma_wait3A_271 = tpu.memref_squeeze %dma_wait3A_270 : memref<1x512xi32, #tpu.memory_space<hbm>> -> memref<512xi32, #tpu.memory_space<hbm>>
      %dma_wait3A_272 = tpu.memref_slice %arg2[%select_n3A_251, %mul3A_269] : memref<400x4096xi32, #tpu.memory_space<hbm>> -> memref<1x512xi32, #tpu.memory_space<hbm>>
      %dma_wait3A_273 = tpu.memref_squeeze %dma_wait3A_272 : memref<1x512xi32, #tpu.memory_space<hbm>> -> memref<512xi32, #tpu.memory_space<hbm>>
      tpu.wait_dma2 semaphore(%arg16 : memref<!tpu.dma_semaphore, #tpu.memory_space<semaphore_mem>>) src(%dma_wait3A_273 : memref<512xi32, #tpu.memory_space<hbm>>) dst(%arg10 : memref<512xi32, #tpu.memory_space<vmem>>)
      %dma_wait3A_274 = tpu.memref_slice %arg3[%select_n3A_251, %mul3A_269] : memref<400x4096xi32, #tpu.memory_space<hbm>> -> memref<1x512xi32, #tpu.memory_space<hbm>>
      %dma_wait3A_275 = tpu.memref_squeeze %dma_wait3A_274 : memref<1x512xi32, #tpu.memory_space<hbm>> -> memref<512xi32, #tpu.memory_space<hbm>>
      %dma_wait3A_276 = tpu.memref_slice %arg3[%select_n3A_251, %mul3A_269] : memref<400x4096xi32, #tpu.memory_space<hbm>> -> memref<1x512xi32, #tpu.memory_space<hbm>>
      %dma_wait3A_277 = tpu.memref_squeeze %dma_wait3A_276 : memref<1x512xi32, #tpu.memory_space<hbm>> -> memref<512xi32, #tpu.memory_space<hbm>>
      tpu.wait_dma2 semaphore(%arg16 : memref<!tpu.dma_semaphore, #tpu.memory_space<semaphore_mem>>) src(%dma_wait3A_277 : memref<512xi32, #tpu.memory_space<hbm>>) dst(%arg12 : memref<512xi32, #tpu.memory_space<vmem>>)
      %gt3A = arith.constant 0 : i32
      %gt3A_278 = arith.cmpi sgt, %scan3A_222, %gt3A : i32
      %convert_element_type3A = arith.extui %gt3A_278 : i1 to i32
      %cond3A = arith.constant 0 : i32
      %cond3A_279 = arith.cmpi ne, %convert_element_type3A, %cond3A : i32
      scf.if %cond3A_279 {
        %jit3A_463 = arith.constant 8 : i32
        %div3A_464 = arith.divsi %add3A_227, %jit3A_463 : i32
        %sign3A_465 = arith.constant 0 : i32
        %sign3A_466 = arith.cmpi sgt, %add3A_227, %sign3A_465 : i32
        %sign3A_467 = arith.extui %sign3A_466 : i1 to i32
        %sign3A_468 = arith.constant 0 : i32
        %sign3A_469 = arith.cmpi slt, %add3A_227, %sign3A_468 : i32
        %sign3A_470 = arith.extui %sign3A_469 : i1 to i32
        %sign3A_471 = arith.subi %sign3A_467, %sign3A_470 : i32
        %sign3A_472 = arith.constant 0 : i32
        %sign3A_473 = arith.cmpi sgt, %jit3A_463, %sign3A_472 : i32
        %sign3A_474 = arith.extui %sign3A_473 : i1 to i32
        %sign3A_475 = arith.constant 0 : i32
        %sign3A_476 = arith.cmpi slt, %jit3A_463, %sign3A_475 : i32
        %sign3A_477 = arith.extui %sign3A_476 : i1 to i32
        %sign3A_478 = arith.subi %sign3A_474, %sign3A_477 : i32
        %ne3A_479 = arith.cmpi ne, %sign3A_471, %sign3A_478 : i32
        %rem3A_480 = arith.remsi %add3A_227, %jit3A_463 : i32
        %ne3A_481 = arith.constant 0 : i32
        %ne3A_482 = arith.cmpi ne, %rem3A_480, %ne3A_481 : i32
        %and3A_483 = arith.andi %ne3A_479, %ne3A_482 : i1
        %sub3A_484 = arith.constant 1 : i32
        %sub3A_485 = arith.subi %div3A_464, %sub3A_484 : i32
        %select_n3A_486 = arith.select %and3A_483, %sub3A_485, %div3A_464 : i32
        %jit3A_487 = arith.constant 8 : i32
        %eq3A_488 = arith.constant 0 : i32
        %eq3A_489 = arith.cmpi eq, %jit3A_487, %eq3A_488 : i32
        %jit3A_490 = arith.constant 1 : i32
        %select_n3A_491 = arith.select %eq3A_489, %jit3A_490, %jit3A_487 : i32
        %rem3A_492 = arith.remsi %add3A_227, %select_n3A_491 : i32
        %ne3A_493 = arith.constant 0 : i32
        %ne3A_494 = arith.cmpi ne, %rem3A_492, %ne3A_493 : i32
        %lt3A_495 = arith.constant 0 : i32
        %lt3A_496 = arith.cmpi slt, %rem3A_492, %lt3A_495 : i32
        %lt3A_497 = arith.constant 0 : i32
        %lt3A_498 = arith.cmpi slt, %select_n3A_491, %lt3A_497 : i32
        %ne3A_499 = arith.xori %lt3A_496, %lt3A_498 : i1
        %and3A_500 = arith.andi %ne3A_499, %ne3A_494 : i1
        %add3A_501 = arith.addi %rem3A_492, %select_n3A_491 : i32
        %select_n3A_502 = arith.select %and3A_500, %add3A_501, %rem3A_492 : i32
        %mul3A_503 = arith.constant 4 : i32
        %mul3A_504 = arith.muli %select_n3A_502, %mul3A_503 : i32
        %dma_wait3A_505 = arith.constant 0 : i32
        %dma_wait3A_506 = arith.constant 0 : i32
        %dma_wait3A_507 = arith.constant 0 : i32
        %dma_wait3A_508 = tpu.memref_slice %arg6[%select_n3A_486, %dma_wait3A_505, %mul3A_504, %dma_wait3A_506, %dma_wait3A_507] : memref<400x8x32x8x128xf32, #tpu.memory_space<hbm>> -> memref<1x8x4x8x128xf32, #tpu.memory_space<hbm>>
        %dma_wait3A_509 = tpu.memref_squeeze %dma_wait3A_508 : memref<1x8x4x8x128xf32, #tpu.memory_space<hbm>> -> memref<8x4x8x128xf32, #tpu.memory_space<hbm>>
        %dma_wait3A_510 = arith.constant 0 : i32
        %dma_wait3A_511 = arith.constant 0 : i32
        %dma_wait3A_512 = arith.constant 0 : i32
        %dma_wait3A_513 = tpu.memref_slice %arg6[%select_n3A_486, %dma_wait3A_510, %mul3A_504, %dma_wait3A_511, %dma_wait3A_512] : memref<400x8x32x8x128xf32, #tpu.memory_space<hbm>> -> memref<1x8x4x8x128xf32, #tpu.memory_space<hbm>>
        %dma_wait3A_514 = tpu.memref_squeeze %dma_wait3A_513 : memref<1x8x4x8x128xf32, #tpu.memory_space<hbm>> -> memref<8x4x8x128xf32, #tpu.memory_space<hbm>>
        tpu.wait_dma2 semaphore(%arg18 : memref<!tpu.dma_semaphore, #tpu.memory_space<semaphore_mem>>) src(%arg14 : memref<8x4x8x128xf32, #tpu.memory_space<vmem>>) dst(%dma_wait3A_514 : memref<8x4x8x128xf32, #tpu.memory_space<hbm>>)
      } else {
      }
      %parallel_loop3A = arith.constant 0 : i32
      %parallel_loop3A_280 = arith.constant 32 : i32
      %parallel_loop3A_281 = arith.constant 1 : i32
      scf.for %parallel_loop3A_463 = %parallel_loop3A to %parallel_loop3A_280 step %parallel_loop3A_281  : i32 {
        %parallel_loop3A_464 = arith.constant 8 : i32
        %parallel_loop3A_465 = arith.divsi %parallel_loop3A_463, %parallel_loop3A_464 : i32
        %parallel_loop3A_466 = arith.constant 0 : i32
        %parallel_loop3A_467 = arith.cmpi sgt, %parallel_loop3A_463, %parallel_loop3A_466 : i32
        %parallel_loop3A_468 = arith.extui %parallel_loop3A_467 : i1 to i32
        %parallel_loop3A_469 = arith.constant 0 : i32
        %parallel_loop3A_470 = arith.cmpi slt, %parallel_loop3A_463, %parallel_loop3A_469 : i32
        %parallel_loop3A_471 = arith.extui %parallel_loop3A_470 : i1 to i32
        %parallel_loop3A_472 = arith.subi %parallel_loop3A_468, %parallel_loop3A_471 : i32
        %parallel_loop3A_473 = arith.constant 0 : i32
        %parallel_loop3A_474 = arith.cmpi sgt, %parallel_loop3A_464, %parallel_loop3A_473 : i32
        %parallel_loop3A_475 = arith.extui %parallel_loop3A_474 : i1 to i32
        %parallel_loop3A_476 = arith.constant 0 : i32
        %parallel_loop3A_477 = arith.cmpi slt, %parallel_loop3A_464, %parallel_loop3A_476 : i32
        %parallel_loop3A_478 = arith.extui %parallel_loop3A_477 : i1 to i32
        %parallel_loop3A_479 = arith.subi %parallel_loop3A_475, %parallel_loop3A_478 : i32
        %parallel_loop3A_480 = arith.cmpi ne, %parallel_loop3A_472, %parallel_loop3A_479 : i32
        %parallel_loop3A_481 = arith.remsi %parallel_loop3A_463, %parallel_loop3A_464 : i32
        %parallel_loop3A_482 = arith.constant 0 : i32
        %parallel_loop3A_483 = arith.cmpi ne, %parallel_loop3A_481, %parallel_loop3A_482 : i32
        %parallel_loop3A_484 = arith.andi %parallel_loop3A_480, %parallel_loop3A_483 : i1
        %parallel_loop3A_485 = arith.constant 1 : i32
        %parallel_loop3A_486 = arith.subi %parallel_loop3A_465, %parallel_loop3A_485 : i32
        %parallel_loop3A_487 = arith.select %parallel_loop3A_484, %parallel_loop3A_486, %parallel_loop3A_465 : i32
        %parallel_loop3A_488 = arith.constant 8 : i32
        %parallel_loop3A_489 = arith.constant 0 : i32
        %parallel_loop3A_490 = arith.cmpi eq, %parallel_loop3A_488, %parallel_loop3A_489 : i32
        %parallel_loop3A_491 = arith.constant 1 : i32
        %parallel_loop3A_492 = arith.select %parallel_loop3A_490, %parallel_loop3A_491, %parallel_loop3A_488 : i32
        %parallel_loop3A_493 = arith.remsi %parallel_loop3A_463, %parallel_loop3A_492 : i32
        %parallel_loop3A_494 = arith.constant 0 : i32
        %parallel_loop3A_495 = arith.cmpi ne, %parallel_loop3A_493, %parallel_loop3A_494 : i32
        %parallel_loop3A_496 = arith.constant 0 : i32
        %parallel_loop3A_497 = arith.cmpi slt, %parallel_loop3A_493, %parallel_loop3A_496 : i32
        %parallel_loop3A_498 = arith.constant 0 : i32
        %parallel_loop3A_499 = arith.cmpi slt, %parallel_loop3A_492, %parallel_loop3A_498 : i32
        %parallel_loop3A_500 = arith.xori %parallel_loop3A_497, %parallel_loop3A_499 : i1
        %parallel_loop3A_501 = arith.andi %parallel_loop3A_500, %parallel_loop3A_495 : i1
        %parallel_loop3A_502 = arith.addi %parallel_loop3A_493, %parallel_loop3A_492 : i32
        %parallel_loop3A_503 = arith.select %parallel_loop3A_501, %parallel_loop3A_502, %parallel_loop3A_493 : i32
        %parallel_loop3A_504 = arith.constant 16 : i32
        %parallel_loop3A_505 = arith.muli %parallel_loop3A_463, %parallel_loop3A_504 : i32
        %parallel_loop3A_506 = arith.index_cast %parallel_loop3A_505 : i32 to index
        %parallel_loop3A_507 = tpu.vector_load %arg12[%parallel_loop3A_506] {strides = array<i32>} : memref<512xi32, #tpu.memory_space<vmem>>, vector<16xi32>,
        %parallel_loop3A_508 = arith.constant 14400 : i32
        %parallel_loop3A_509 = vector.broadcast %parallel_loop3A_508 : i32 to vector<16xi32>
        %parallel_loop3A_510 = arith.muli %parallel_loop3A_507, %parallel_loop3A_509 : vector<16xi32>
        %parallel_loop3A_511 = arith.index_cast %parallel_loop3A_505 : i32 to index
        %parallel_loop3A_512 = tpu.vector_load %arg10[%parallel_loop3A_511] {strides = array<i32>} : memref<512xi32, #tpu.memory_space<vmem>>, vector<16xi32>,
        %parallel_loop3A_513 = arith.constant 72 : i32
        %parallel_loop3A_514 = vector.broadcast %parallel_loop3A_513 : i32 to vector<16xi32>
        %parallel_loop3A_515 = arith.muli %parallel_loop3A_512, %parallel_loop3A_514 : vector<16xi32>
        %parallel_loop3A_516 = arith.addi %parallel_loop3A_510, %parallel_loop3A_515 : vector<16xi32>
        %parallel_loop3A_517 = arith.constant 16 : i32
        %parallel_loop3A_518 = arith.muli %parallel_loop3A_503, %parallel_loop3A_517 : i32
        %parallel_loop3A_519 = arith.constant 0 : i32
        %parallel_loop3A_520 = vector.broadcast %parallel_loop3A_519 : i32 to vector<16xi32>
        %parallel_loop3A_521 = arith.addi %parallel_loop3A_516, %parallel_loop3A_520 : vector<16xi32>
        %parallel_loop3A_522 = arith.constant 0 : i32
        %parallel_loop3A_523 = vector.broadcast %parallel_loop3A_522 : i32 to vector<16xi32>
        %parallel_loop3A_524 = arith.addi %parallel_loop3A_521, %parallel_loop3A_523 : vector<16xi32>
        %parallel_loop3A_525 = tpu.vector_load_idx %arg9[%parallel_loop3A_524] : memref<28800xf32, #tpu.memory_space<vmem>>[vector<16xi32>], vector<16xf32>,
        %parallel_loop3A_526 = arith.constant 0 : i32
        %parallel_loop3A_527 = vector.broadcast %parallel_loop3A_526 : i32 to vector<16xi32>
        %parallel_loop3A_528 = arith.addi %parallel_loop3A_516, %parallel_loop3A_527 : vector<16xi32>
        %parallel_loop3A_529 = arith.constant 1 : i32
        %parallel_loop3A_530 = vector.broadcast %parallel_loop3A_529 : i32 to vector<16xi32>
        %parallel_loop3A_531 = arith.addi %parallel_loop3A_528, %parallel_loop3A_530 : vector<16xi32>
        %parallel_loop3A_532 = tpu.vector_load_idx %arg9[%parallel_loop3A_531] : memref<28800xf32, #tpu.memory_space<vmem>>[vector<16xi32>], vector<16xf32>,
        %parallel_loop3A_533 = arith.constant 0 : i32
        %parallel_loop3A_534 = vector.broadcast %parallel_loop3A_533 : i32 to vector<16xi32>
        %parallel_loop3A_535 = arith.addi %parallel_loop3A_516, %parallel_loop3A_534 : vector<16xi32>
        %parallel_loop3A_536 = arith.constant 2 : i32
        %parallel_loop3A_537 = vector.broadcast %parallel_loop3A_536 : i32 to vector<16xi32>
        %parallel_loop3A_538 = arith.addi %parallel_loop3A_535, %parallel_loop3A_537 : vector<16xi32>
        %parallel_loop3A_539 = tpu.vector_load_idx %arg9[%parallel_loop3A_538] : memref<28800xf32, #tpu.memory_space<vmem>>[vector<16xi32>], vector<16xf32>,
        %parallel_loop3A_540 = arith.constant 0 : i32
        %parallel_loop3A_541 = vector.broadcast %parallel_loop3A_540 : i32 to vector<16xi32>
        %parallel_loop3A_542 = arith.addi %parallel_loop3A_516, %parallel_loop3A_541 : vector<16xi32>
        %parallel_loop3A_543 = arith.constant 3 : i32
        %parallel_loop3A_544 = vector.broadcast %parallel_loop3A_543 : i32 to vector<16xi32>
        %parallel_loop3A_545 = arith.addi %parallel_loop3A_542, %parallel_loop3A_544 : vector<16xi32>
        %parallel_loop3A_546 = tpu.vector_load_idx %arg9[%parallel_loop3A_545] : memref<28800xf32, #tpu.memory_space<vmem>>[vector<16xi32>], vector<16xf32>,
        %parallel_loop3A_547 = arith.constant 0 : i32
        %parallel_loop3A_548 = vector.broadcast %parallel_loop3A_547 : i32 to vector<16xi32>
        %parallel_loop3A_549 = arith.addi %parallel_loop3A_516, %parallel_loop3A_548 : vector<16xi32>
        %parallel_loop3A_550 = arith.constant 4 : i32
        %parallel_loop3A_551 = vector.broadcast %parallel_loop3A_550 : i32 to vector<16xi32>
        %parallel_loop3A_552 = arith.addi %parallel_loop3A_549, %parallel_loop3A_551 : vector<16xi32>
        %parallel_loop3A_553 = tpu.vector_load_idx %arg9[%parallel_loop3A_552] : memref<28800xf32, #tpu.memory_space<vmem>>[vector<16xi32>], vector<16xf32>,
        %parallel_loop3A_554 = arith.constant 0 : i32
        %parallel_loop3A_555 = vector.broadcast %parallel_loop3A_554 : i32 to vector<16xi32>
        %parallel_loop3A_556 = arith.addi %parallel_loop3A_516, %parallel_loop3A_555 : vector<16xi32>
        %parallel_loop3A_557 = arith.constant 5 : i32
        %parallel_loop3A_558 = vector.broadcast %parallel_loop3A_557 : i32 to vector<16xi32>
        %parallel_loop3A_559 = arith.addi %parallel_loop3A_556, %parallel_loop3A_558 : vector<16xi32>
        %parallel_loop3A_560 = tpu.vector_load_idx %arg9[%parallel_loop3A_559] : memref<28800xf32, #tpu.memory_space<vmem>>[vector<16xi32>], vector<16xf32>,
        %parallel_loop3A_561 = arith.constant 0 : i32
        %parallel_loop3A_562 = vector.broadcast %parallel_loop3A_561 : i32 to vector<16xi32>
        %parallel_loop3A_563 = arith.addi %parallel_loop3A_516, %parallel_loop3A_562 : vector<16xi32>
        %parallel_loop3A_564 = arith.constant 6 : i32
        %parallel_loop3A_565 = vector.broadcast %parallel_loop3A_564 : i32 to vector<16xi32>
        %parallel_loop3A_566 = arith.addi %parallel_loop3A_563, %parallel_loop3A_565 : vector<16xi32>
        %parallel_loop3A_567 = tpu.vector_load_idx %arg9[%parallel_loop3A_566] : memref<28800xf32, #tpu.memory_space<vmem>>[vector<16xi32>], vector<16xf32>,
        %parallel_loop3A_568 = arith.constant 0 : i32
        %parallel_loop3A_569 = vector.broadcast %parallel_loop3A_568 : i32 to vector<16xi32>
        %parallel_loop3A_570 = arith.addi %parallel_loop3A_516, %parallel_loop3A_569 : vector<16xi32>
        %parallel_loop3A_571 = arith.constant 7 : i32
        %parallel_loop3A_572 = vector.broadcast %parallel_loop3A_571 : i32 to vector<16xi32>
        %parallel_loop3A_573 = arith.addi %parallel_loop3A_570, %parallel_loop3A_572 : vector<16xi32>
        %parallel_loop3A_574 = tpu.vector_load_idx %arg9[%parallel_loop3A_573] : memref<28800xf32, #tpu.memory_space<vmem>>[vector<16xi32>], vector<16xf32>,
        %parallel_loop3A_575 = arith.constant 0 : i32
        %parallel_loop3A_576 = vector.broadcast %parallel_loop3A_575 : i32 to vector<16xi32>
        %parallel_loop3A_577 = arith.addi %parallel_loop3A_516, %parallel_loop3A_576 : vector<16xi32>
        %parallel_loop3A_578 = arith.constant 8 : i32
        %parallel_loop3A_579 = vector.broadcast %parallel_loop3A_578 : i32 to vector<16xi32>
        %parallel_loop3A_580 = arith.addi %parallel_loop3A_577, %parallel_loop3A_579 : vector<16xi32>
        %parallel_loop3A_581 = tpu.vector_load_idx %arg9[%parallel_loop3A_580] : memref<28800xf32, #tpu.memory_space<vmem>>[vector<16xi32>], vector<16xf32>,
        %parallel_loop3A_582 = arith.constant 0 : i32
        %parallel_loop3A_583 = vector.broadcast %parallel_loop3A_582 : i32 to vector<16xi32>
        %parallel_loop3A_584 = arith.addi %parallel_loop3A_516, %parallel_loop3A_583 : vector<16xi32>
        %parallel_loop3A_585 = arith.constant 9 : i32
        %parallel_loop3A_586 = vector.broadcast %parallel_loop3A_585 : i32 to vector<16xi32>
        %parallel_loop3A_587 = arith.addi %parallel_loop3A_584, %parallel_loop3A_586 : vector<16xi32>
        %parallel_loop3A_588 = tpu.vector_load_idx %arg9[%parallel_loop3A_587] : memref<28800xf32, #tpu.memory_space<vmem>>[vector<16xi32>], vector<16xf32>,
        %parallel_loop3A_589 = arith.constant 0 : i32
        %parallel_loop3A_590 = vector.broadcast %parallel_loop3A_589 : i32 to vector<16xi32>
        %parallel_loop3A_591 = arith.addi %parallel_loop3A_516, %parallel_loop3A_590 : vector<16xi32>
        %parallel_loop3A_592 = arith.constant 10 : i32
        %parallel_loop3A_593 = vector.broadcast %parallel_loop3A_592 : i32 to vector<16xi32>
        %parallel_loop3A_594 = arith.addi %parallel_loop3A_591, %parallel_loop3A_593 : vector<16xi32>
        %parallel_loop3A_595 = tpu.vector_load_idx %arg9[%parallel_loop3A_594] : memref<28800xf32, #tpu.memory_space<vmem>>[vector<16xi32>], vector<16xf32>,
        %parallel_loop3A_596 = arith.constant 0 : i32
        %parallel_loop3A_597 = vector.broadcast %parallel_loop3A_596 : i32 to vector<16xi32>
        %parallel_loop3A_598 = arith.addi %parallel_loop3A_516, %parallel_loop3A_597 : vector<16xi32>
        %parallel_loop3A_599 = arith.constant 11 : i32
        %parallel_loop3A_600 = vector.broadcast %parallel_loop3A_599 : i32 to vector<16xi32>
        %parallel_loop3A_601 = arith.addi %parallel_loop3A_598, %parallel_loop3A_600 : vector<16xi32>
        %parallel_loop3A_602 = tpu.vector_load_idx %arg9[%parallel_loop3A_601] : memref<28800xf32, #tpu.memory_space<vmem>>[vector<16xi32>], vector<16xf32>,
        %parallel_loop3A_603 = arith.constant 0 : i32
        %parallel_loop3A_604 = vector.broadcast %parallel_loop3A_603 : i32 to vector<16xi32>
        %parallel_loop3A_605 = arith.addi %parallel_loop3A_516, %parallel_loop3A_604 : vector<16xi32>
        %parallel_loop3A_606 = arith.constant 12 : i32
        %parallel_loop3A_607 = vector.broadcast %parallel_loop3A_606 : i32 to vector<16xi32>
        %parallel_loop3A_608 = arith.addi %parallel_loop3A_605, %parallel_loop3A_607 : vector<16xi32>
        %parallel_loop3A_609 = tpu.vector_load_idx %arg9[%parallel_loop3A_608] : memref<28800xf32, #tpu.memory_space<vmem>>[vector<16xi32>], vector<16xf32>,
        %parallel_loop3A_610 = arith.constant 0 : i32
        %parallel_loop3A_611 = vector.broadcast %parallel_loop3A_610 : i32 to vector<16xi32>
        %parallel_loop3A_612 = arith.addi %parallel_loop3A_516, %parallel_loop3A_611 : vector<16xi32>
        %parallel_loop3A_613 = arith.constant 13 : i32
        %parallel_loop3A_614 = vector.broadcast %parallel_loop3A_613 : i32 to vector<16xi32>
        %parallel_loop3A_615 = arith.addi %parallel_loop3A_612, %parallel_loop3A_614 : vector<16xi32>
        %parallel_loop3A_616 = tpu.vector_load_idx %arg9[%parallel_loop3A_615] : memref<28800xf32, #tpu.memory_space<vmem>>[vector<16xi32>], vector<16xf32>,
        %parallel_loop3A_617 = arith.constant 0 : i32
        %parallel_loop3A_618 = vector.broadcast %parallel_loop3A_617 : i32 to vector<16xi32>
        %parallel_loop3A_619 = arith.addi %parallel_loop3A_516, %parallel_loop3A_618 : vector<16xi32>
        %parallel_loop3A_620 = arith.constant 14 : i32
        %parallel_loop3A_621 = vector.broadcast %parallel_loop3A_620 : i32 to vector<16xi32>
        %parallel_loop3A_622 = arith.addi %parallel_loop3A_619, %parallel_loop3A_621 : vector<16xi32>
        %parallel_loop3A_623 = tpu.vector_load_idx %arg9[%parallel_loop3A_622] : memref<28800xf32, #tpu.memory_space<vmem>>[vector<16xi32>], vector<16xf32>,
        %parallel_loop3A_624 = arith.constant 0 : i32
        %parallel_loop3A_625 = vector.broadcast %parallel_loop3A_624 : i32 to vector<16xi32>
        %parallel_loop3A_626 = arith.addi %parallel_loop3A_516, %parallel_loop3A_625 : vector<16xi32>
        %parallel_loop3A_627 = arith.constant 15 : i32
        %parallel_loop3A_628 = vector.broadcast %parallel_loop3A_627 : i32 to vector<16xi32>
        %parallel_loop3A_629 = arith.addi %parallel_loop3A_626, %parallel_loop3A_628 : vector<16xi32>
        %parallel_loop3A_630 = tpu.vector_load_idx %arg9[%parallel_loop3A_629] : memref<28800xf32, #tpu.memory_space<vmem>>[vector<16xi32>], vector<16xf32>,
        %parallel_loop3A_631 = arith.constant 0 : i32
        %parallel_loop3A_632 = arith.constant 0 : i32
        %parallel_loop3A_633 = arith.index_cast %parallel_loop3A_631 : i32 to index
        %parallel_loop3A_634 = arith.index_cast %parallel_loop3A_487 : i32 to index
        %parallel_loop3A_635 = arith.index_cast %parallel_loop3A_632 : i32 to index
        %parallel_loop3A_636 = arith.index_cast %parallel_loop3A_518 : i32 to index
        %parallel_loop3A_637 = tpu.vector_load %arg14[%parallel_loop3A_633, %parallel_loop3A_634, %parallel_loop3A_635, %parallel_loop3A_636] {strides = array<i32>} : memref<8x4x8x128xf32, #tpu.memory_space<vmem>>, vector<16xf32>,
        tpu.vector_store %arg14[%parallel_loop3A_633, %parallel_loop3A_634, %parallel_loop3A_635, %parallel_loop3A_636], %parallel_loop3A_525 {strides = array<i32>} : memref<8x4x8x128xf32, #tpu.memory_space<vmem>>, vector<16xf32>,
        %parallel_loop3A_638 = arith.constant 0 : i32
        %parallel_loop3A_639 = arith.constant 1 : i32
        %parallel_loop3A_640 = arith.index_cast %parallel_loop3A_638 : i32 to index
        %parallel_loop3A_641 = arith.index_cast %parallel_loop3A_487 : i32 to index
        %parallel_loop3A_642 = arith.index_cast %parallel_loop3A_639 : i32 to index
        %parallel_loop3A_643 = arith.index_cast %parallel_loop3A_518 : i32 to index
        %parallel_loop3A_644 = tpu.vector_load %arg14[%parallel_loop3A_640, %parallel_loop3A_641, %parallel_loop3A_642, %parallel_loop3A_643] {strides = array<i32>} : memref<8x4x8x128xf32, #tpu.memory_space<vmem>>, vector<16xf32>,
        tpu.vector_store %arg14[%parallel_loop3A_640, %parallel_loop3A_641, %parallel_loop3A_642, %parallel_loop3A_643], %parallel_loop3A_532 {strides = array<i32>} : memref<8x4x8x128xf32, #tpu.memory_space<vmem>>, vector<16xf32>,
        %parallel_loop3A_645 = arith.constant 0 : i32
        %parallel_loop3A_646 = arith.constant 2 : i32
        %parallel_loop3A_647 = arith.index_cast %parallel_loop3A_645 : i32 to index
        %parallel_loop3A_648 = arith.index_cast %parallel_loop3A_487 : i32 to index
        %parallel_loop3A_649 = arith.index_cast %parallel_loop3A_646 : i32 to index
        %parallel_loop3A_650 = arith.index_cast %parallel_loop3A_518 : i32 to index
        %parallel_loop3A_651 = tpu.vector_load %arg14[%parallel_loop3A_647, %parallel_loop3A_648, %parallel_loop3A_649, %parallel_loop3A_650] {strides = array<i32>} : memref<8x4x8x128xf32, #tpu.memory_space<vmem>>, vector<16xf32>,
        tpu.vector_store %arg14[%parallel_loop3A_647, %parallel_loop3A_648, %parallel_loop3A_649, %parallel_loop3A_650], %parallel_loop3A_539 {strides = array<i32>} : memref<8x4x8x128xf32, #tpu.memory_space<vmem>>, vector<16xf32>,
        %parallel_loop3A_652 = arith.constant 0 : i32
        %parallel_loop3A_653 = arith.constant 3 : i32
        %parallel_loop3A_654 = arith.index_cast %parallel_loop3A_652 : i32 to index
        %parallel_loop3A_655 = arith.index_cast %parallel_loop3A_487 : i32 to index
        %parallel_loop3A_656 = arith.index_cast %parallel_loop3A_653 : i32 to index
        %parallel_loop3A_657 = arith.index_cast %parallel_loop3A_518 : i32 to index
        %parallel_loop3A_658 = tpu.vector_load %arg14[%parallel_loop3A_654, %parallel_loop3A_655, %parallel_loop3A_656, %parallel_loop3A_657] {strides = array<i32>} : memref<8x4x8x128xf32, #tpu.memory_space<vmem>>, vector<16xf32>,
        tpu.vector_store %arg14[%parallel_loop3A_654, %parallel_loop3A_655, %parallel_loop3A_656, %parallel_loop3A_657], %parallel_loop3A_546 {strides = array<i32>} : memref<8x4x8x128xf32, #tpu.memory_space<vmem>>, vector<16xf32>,
        %parallel_loop3A_659 = arith.constant 0 : i32
        %parallel_loop3A_660 = arith.constant 4 : i32
        %parallel_loop3A_661 = arith.index_cast %parallel_loop3A_659 : i32 to index
        %parallel_loop3A_662 = arith.index_cast %parallel_loop3A_487 : i32 to index
        %parallel_loop3A_663 = arith.index_cast %parallel_loop3A_660 : i32 to index
        %parallel_loop3A_664 = arith.index_cast %parallel_loop3A_518 : i32 to index
        %parallel_loop3A_665 = tpu.vector_load %arg14[%parallel_loop3A_661, %parallel_loop3A_662, %parallel_loop3A_663, %parallel_loop3A_664] {strides = array<i32>} : memref<8x4x8x128xf32, #tpu.memory_space<vmem>>, vector<16xf32>,
        tpu.vector_store %arg14[%parallel_loop3A_661, %parallel_loop3A_662, %parallel_loop3A_663, %parallel_loop3A_664], %parallel_loop3A_553 {strides = array<i32>} : memref<8x4x8x128xf32, #tpu.memory_space<vmem>>, vector<16xf32>,
        %parallel_loop3A_666 = arith.constant 0 : i32
        %parallel_loop3A_667 = arith.constant 5 : i32
        %parallel_loop3A_668 = arith.index_cast %parallel_loop3A_666 : i32 to index
        %parallel_loop3A_669 = arith.index_cast %parallel_loop3A_487 : i32 to index
        %parallel_loop3A_670 = arith.index_cast %parallel_loop3A_667 : i32 to index
        %parallel_loop3A_671 = arith.index_cast %parallel_loop3A_518 : i32 to index
        %parallel_loop3A_672 = tpu.vector_load %arg14[%parallel_loop3A_668, %parallel_loop3A_669, %parallel_loop3A_670, %parallel_loop3A_671] {strides = array<i32>} : memref<8x4x8x128xf32, #tpu.memory_space<vmem>>, vector<16xf32>,
        tpu.vector_store %arg14[%parallel_loop3A_668, %parallel_loop3A_669, %parallel_loop3A_670, %parallel_loop3A_671], %parallel_loop3A_560 {strides = array<i32>} : memref<8x4x8x128xf32, #tpu.memory_space<vmem>>, vector<16xf32>,
        %parallel_loop3A_673 = arith.constant 0 : i32
        %parallel_loop3A_674 = arith.constant 6 : i32
        %parallel_loop3A_675 = arith.index_cast %parallel_loop3A_673 : i32 to index
        %parallel_loop3A_676 = arith.index_cast %parallel_loop3A_487 : i32 to index
        %parallel_loop3A_677 = arith.index_cast %parallel_loop3A_674 : i32 to index
        %parallel_loop3A_678 = arith.index_cast %parallel_loop3A_518 : i32 to index
        %parallel_loop3A_679 = tpu.vector_load %arg14[%parallel_loop3A_675, %parallel_loop3A_676, %parallel_loop3A_677, %parallel_loop3A_678] {strides = array<i32>} : memref<8x4x8x128xf32, #tpu.memory_space<vmem>>, vector<16xf32>,
        tpu.vector_store %arg14[%parallel_loop3A_675, %parallel_loop3A_676, %parallel_loop3A_677, %parallel_loop3A_678], %parallel_loop3A_567 {strides = array<i32>} : memref<8x4x8x128xf32, #tpu.memory_space<vmem>>, vector<16xf32>,
        %parallel_loop3A_680 = arith.constant 0 : i32
        %parallel_loop3A_681 = arith.constant 7 : i32
        %parallel_loop3A_682 = arith.index_cast %parallel_loop3A_680 : i32 to index
        %parallel_loop3A_683 = arith.index_cast %parallel_loop3A_487 : i32 to index
        %parallel_loop3A_684 = arith.index_cast %parallel_loop3A_681 : i32 to index
        %parallel_loop3A_685 = arith.index_cast %parallel_loop3A_518 : i32 to index
        %parallel_loop3A_686 = tpu.vector_load %arg14[%parallel_loop3A_682, %parallel_loop3A_683, %parallel_loop3A_684, %parallel_loop3A_685] {strides = array<i32>} : memref<8x4x8x128xf32, #tpu.memory_space<vmem>>, vector<16xf32>,
        tpu.vector_store %arg14[%parallel_loop3A_682, %parallel_loop3A_683, %parallel_loop3A_684, %parallel_loop3A_685], %parallel_loop3A_574 {strides = array<i32>} : memref<8x4x8x128xf32, #tpu.memory_space<vmem>>, vector<16xf32>,
        %parallel_loop3A_687 = arith.constant 1 : i32
        %parallel_loop3A_688 = arith.constant 0 : i32
        %parallel_loop3A_689 = arith.index_cast %parallel_loop3A_687 : i32 to index
        %parallel_loop3A_690 = arith.index_cast %parallel_loop3A_487 : i32 to index
        %parallel_loop3A_691 = arith.index_cast %parallel_loop3A_688 : i32 to index
        %parallel_loop3A_692 = arith.index_cast %parallel_loop3A_518 : i32 to index
        %parallel_loop3A_693 = tpu.vector_load %arg14[%parallel_loop3A_689, %parallel_loop3A_690, %parallel_loop3A_691, %parallel_loop3A_692] {strides = array<i32>} : memref<8x4x8x128xf32, #tpu.memory_space<vmem>>, vector<16xf32>,
        tpu.vector_store %arg14[%parallel_loop3A_689, %parallel_loop3A_690, %parallel_loop3A_691, %parallel_loop3A_692], %parallel_loop3A_581 {strides = array<i32>} : memref<8x4x8x128xf32, #tpu.memory_space<vmem>>, vector<16xf32>,
        %parallel_loop3A_694 = arith.constant 1 : i32
        %parallel_loop3A_695 = arith.constant 1 : i32
        %parallel_loop3A_696 = arith.index_cast %parallel_loop3A_694 : i32 to index
        %parallel_loop3A_697 = arith.index_cast %parallel_loop3A_487 : i32 to index
        %parallel_loop3A_698 = arith.index_cast %parallel_loop3A_695 : i32 to index
        %parallel_loop3A_699 = arith.index_cast %parallel_loop3A_518 : i32 to index
        %parallel_loop3A_700 = tpu.vector_load %arg14[%parallel_loop3A_696, %parallel_loop3A_697, %parallel_loop3A_698, %parallel_loop3A_699] {strides = array<i32>} : memref<8x4x8x128xf32, #tpu.memory_space<vmem>>, vector<16xf32>,
        tpu.vector_store %arg14[%parallel_loop3A_696, %parallel_loop3A_697, %parallel_loop3A_698, %parallel_loop3A_699], %parallel_loop3A_588 {strides = array<i32>} : memref<8x4x8x128xf32, #tpu.memory_space<vmem>>, vector<16xf32>,
        %parallel_loop3A_701 = arith.constant 1 : i32
        %parallel_loop3A_702 = arith.constant 2 : i32
        %parallel_loop3A_703 = arith.index_cast %parallel_loop3A_701 : i32 to index
        %parallel_loop3A_704 = arith.index_cast %parallel_loop3A_487 : i32 to index
        %parallel_loop3A_705 = arith.index_cast %parallel_loop3A_702 : i32 to index
        %parallel_loop3A_706 = arith.index_cast %parallel_loop3A_518 : i32 to index
        %parallel_loop3A_707 = tpu.vector_load %arg14[%parallel_loop3A_703, %parallel_loop3A_704, %parallel_loop3A_705, %parallel_loop3A_706] {strides = array<i32>} : memref<8x4x8x128xf32, #tpu.memory_space<vmem>>, vector<16xf32>,
        tpu.vector_store %arg14[%parallel_loop3A_703, %parallel_loop3A_704, %parallel_loop3A_705, %parallel_loop3A_706], %parallel_loop3A_595 {strides = array<i32>} : memref<8x4x8x128xf32, #tpu.memory_space<vmem>>, vector<16xf32>,
        %parallel_loop3A_708 = arith.constant 1 : i32
        %parallel_loop3A_709 = arith.constant 3 : i32
        %parallel_loop3A_710 = arith.index_cast %parallel_loop3A_708 : i32 to index
        %parallel_loop3A_711 = arith.index_cast %parallel_loop3A_487 : i32 to index
        %parallel_loop3A_712 = arith.index_cast %parallel_loop3A_709 : i32 to index
        %parallel_loop3A_713 = arith.index_cast %parallel_loop3A_518 : i32 to index
        %parallel_loop3A_714 = tpu.vector_load %arg14[%parallel_loop3A_710, %parallel_loop3A_711, %parallel_loop3A_712, %parallel_loop3A_713] {strides = array<i32>} : memref<8x4x8x128xf32, #tpu.memory_space<vmem>>, vector<16xf32>,
        tpu.vector_store %arg14[%parallel_loop3A_710, %parallel_loop3A_711, %parallel_loop3A_712, %parallel_loop3A_713], %parallel_loop3A_602 {strides = array<i32>} : memref<8x4x8x128xf32, #tpu.memory_space<vmem>>, vector<16xf32>,
        %parallel_loop3A_715 = arith.constant 1 : i32
        %parallel_loop3A_716 = arith.constant 4 : i32
        %parallel_loop3A_717 = arith.index_cast %parallel_loop3A_715 : i32 to index
        %parallel_loop3A_718 = arith.index_cast %parallel_loop3A_487 : i32 to index
        %parallel_loop3A_719 = arith.index_cast %parallel_loop3A_716 : i32 to index
        %parallel_loop3A_720 = arith.index_cast %parallel_loop3A_518 : i32 to index
        %parallel_loop3A_721 = tpu.vector_load %arg14[%parallel_loop3A_717, %parallel_loop3A_718, %parallel_loop3A_719, %parallel_loop3A_720] {strides = array<i32>} : memref<8x4x8x128xf32, #tpu.memory_space<vmem>>, vector<16xf32>,
        tpu.vector_store %arg14[%parallel_loop3A_717, %parallel_loop3A_718, %parallel_loop3A_719, %parallel_loop3A_720], %parallel_loop3A_609 {strides = array<i32>} : memref<8x4x8x128xf32, #tpu.memory_space<vmem>>, vector<16xf32>,
        %parallel_loop3A_722 = arith.constant 1 : i32
        %parallel_loop3A_723 = arith.constant 5 : i32
        %parallel_loop3A_724 = arith.index_cast %parallel_loop3A_722 : i32 to index
        %parallel_loop3A_725 = arith.index_cast %parallel_loop3A_487 : i32 to index
        %parallel_loop3A_726 = arith.index_cast %parallel_loop3A_723 : i32 to index
        %parallel_loop3A_727 = arith.index_cast %parallel_loop3A_518 : i32 to index
        %parallel_loop3A_728 = tpu.vector_load %arg14[%parallel_loop3A_724, %parallel_loop3A_725, %parallel_loop3A_726, %parallel_loop3A_727] {strides = array<i32>} : memref<8x4x8x128xf32, #tpu.memory_space<vmem>>, vector<16xf32>,
        tpu.vector_store %arg14[%parallel_loop3A_724, %parallel_loop3A_725, %parallel_loop3A_726, %parallel_loop3A_727], %parallel_loop3A_616 {strides = array<i32>} : memref<8x4x8x128xf32, #tpu.memory_space<vmem>>, vector<16xf32>,
        %parallel_loop3A_729 = arith.constant 1 : i32
        %parallel_loop3A_730 = arith.constant 6 : i32
        %parallel_loop3A_731 = arith.index_cast %parallel_loop3A_729 : i32 to index
        %parallel_loop3A_732 = arith.index_cast %parallel_loop3A_487 : i32 to index
        %parallel_loop3A_733 = arith.index_cast %parallel_loop3A_730 : i32 to index
        %parallel_loop3A_734 = arith.index_cast %parallel_loop3A_518 : i32 to index
        %parallel_loop3A_735 = tpu.vector_load %arg14[%parallel_loop3A_731, %parallel_loop3A_732, %parallel_loop3A_733, %parallel_loop3A_734] {strides = array<i32>} : memref<8x4x8x128xf32, #tpu.memory_space<vmem>>, vector<16xf32>,
        tpu.vector_store %arg14[%parallel_loop3A_731, %parallel_loop3A_732, %parallel_loop3A_733, %parallel_loop3A_734], %parallel_loop3A_623 {strides = array<i32>} : memref<8x4x8x128xf32, #tpu.memory_space<vmem>>, vector<16xf32>,
        %parallel_loop3A_736 = arith.constant 1 : i32
        %parallel_loop3A_737 = arith.constant 7 : i32
        %parallel_loop3A_738 = arith.index_cast %parallel_loop3A_736 : i32 to index
        %parallel_loop3A_739 = arith.index_cast %parallel_loop3A_487 : i32 to index
        %parallel_loop3A_740 = arith.index_cast %parallel_loop3A_737 : i32 to index
        %parallel_loop3A_741 = arith.index_cast %parallel_loop3A_518 : i32 to index
        %parallel_loop3A_742 = tpu.vector_load %arg14[%parallel_loop3A_738, %parallel_loop3A_739, %parallel_loop3A_740, %parallel_loop3A_741] {strides = array<i32>} : memref<8x4x8x128xf32, #tpu.memory_space<vmem>>, vector<16xf32>,
        tpu.vector_store %arg14[%parallel_loop3A_738, %parallel_loop3A_739, %parallel_loop3A_740, %parallel_loop3A_741], %parallel_loop3A_630 {strides = array<i32>} : memref<8x4x8x128xf32, #tpu.memory_space<vmem>>, vector<16xf32>,
        %parallel_loop3A_743 = arith.constant 16 : i32
        %parallel_loop3A_744 = vector.broadcast %parallel_loop3A_743 : i32 to vector<16xi32>
        %parallel_loop3A_745 = arith.addi %parallel_loop3A_516, %parallel_loop3A_744 : vector<16xi32>
        %parallel_loop3A_746 = arith.constant 0 : i32
        %parallel_loop3A_747 = vector.broadcast %parallel_loop3A_746 : i32 to vector<16xi32>
        %parallel_loop3A_748 = arith.addi %parallel_loop3A_745, %parallel_loop3A_747 : vector<16xi32>
        %parallel_loop3A_749 = tpu.vector_load_idx %arg9[%parallel_loop3A_748] : memref<28800xf32, #tpu.memory_space<vmem>>[vector<16xi32>], vector<16xf32>,
        %parallel_loop3A_750 = arith.constant 16 : i32
        %parallel_loop3A_751 = vector.broadcast %parallel_loop3A_750 : i32 to vector<16xi32>
        %parallel_loop3A_752 = arith.addi %parallel_loop3A_516, %parallel_loop3A_751 : vector<16xi32>
        %parallel_loop3A_753 = arith.constant 1 : i32
        %parallel_loop3A_754 = vector.broadcast %parallel_loop3A_753 : i32 to vector<16xi32>
        %parallel_loop3A_755 = arith.addi %parallel_loop3A_752, %parallel_loop3A_754 : vector<16xi32>
        %parallel_loop3A_756 = tpu.vector_load_idx %arg9[%parallel_loop3A_755] : memref<28800xf32, #tpu.memory_space<vmem>>[vector<16xi32>], vector<16xf32>,
        %parallel_loop3A_757 = arith.constant 16 : i32
        %parallel_loop3A_758 = vector.broadcast %parallel_loop3A_757 : i32 to vector<16xi32>
        %parallel_loop3A_759 = arith.addi %parallel_loop3A_516, %parallel_loop3A_758 : vector<16xi32>
        %parallel_loop3A_760 = arith.constant 2 : i32
        %parallel_loop3A_761 = vector.broadcast %parallel_loop3A_760 : i32 to vector<16xi32>
        %parallel_loop3A_762 = arith.addi %parallel_loop3A_759, %parallel_loop3A_761 : vector<16xi32>
        %parallel_loop3A_763 = tpu.vector_load_idx %arg9[%parallel_loop3A_762] : memref<28800xf32, #tpu.memory_space<vmem>>[vector<16xi32>], vector<16xf32>,
        %parallel_loop3A_764 = arith.constant 16 : i32
        %parallel_loop3A_765 = vector.broadcast %parallel_loop3A_764 : i32 to vector<16xi32>
        %parallel_loop3A_766 = arith.addi %parallel_loop3A_516, %parallel_loop3A_765 : vector<16xi32>
        %parallel_loop3A_767 = arith.constant 3 : i32
        %parallel_loop3A_768 = vector.broadcast %parallel_loop3A_767 : i32 to vector<16xi32>
        %parallel_loop3A_769 = arith.addi %parallel_loop3A_766, %parallel_loop3A_768 : vector<16xi32>
        %parallel_loop3A_770 = tpu.vector_load_idx %arg9[%parallel_loop3A_769] : memref<28800xf32, #tpu.memory_space<vmem>>[vector<16xi32>], vector<16xf32>,
        %parallel_loop3A_771 = arith.constant 16 : i32
        %parallel_loop3A_772 = vector.broadcast %parallel_loop3A_771 : i32 to vector<16xi32>
        %parallel_loop3A_773 = arith.addi %parallel_loop3A_516, %parallel_loop3A_772 : vector<16xi32>
        %parallel_loop3A_774 = arith.constant 4 : i32
        %parallel_loop3A_775 = vector.broadcast %parallel_loop3A_774 : i32 to vector<16xi32>
        %parallel_loop3A_776 = arith.addi %parallel_loop3A_773, %parallel_loop3A_775 : vector<16xi32>
        %parallel_loop3A_777 = tpu.vector_load_idx %arg9[%parallel_loop3A_776] : memref<28800xf32, #tpu.memory_space<vmem>>[vector<16xi32>], vector<16xf32>,
        %parallel_loop3A_778 = arith.constant 16 : i32
        %parallel_loop3A_779 = vector.broadcast %parallel_loop3A_778 : i32 to vector<16xi32>
        %parallel_loop3A_780 = arith.addi %parallel_loop3A_516, %parallel_loop3A_779 : vector<16xi32>
        %parallel_loop3A_781 = arith.constant 5 : i32
        %parallel_loop3A_782 = vector.broadcast %parallel_loop3A_781 : i32 to vector<16xi32>
        %parallel_loop3A_783 = arith.addi %parallel_loop3A_780, %parallel_loop3A_782 : vector<16xi32>
        %parallel_loop3A_784 = tpu.vector_load_idx %arg9[%parallel_loop3A_783] : memref<28800xf32, #tpu.memory_space<vmem>>[vector<16xi32>], vector<16xf32>,
        %parallel_loop3A_785 = arith.constant 16 : i32
        %parallel_loop3A_786 = vector.broadcast %parallel_loop3A_785 : i32 to vector<16xi32>
        %parallel_loop3A_787 = arith.addi %parallel_loop3A_516, %parallel_loop3A_786 : vector<16xi32>
        %parallel_loop3A_788 = arith.constant 6 : i32
        %parallel_loop3A_789 = vector.broadcast %parallel_loop3A_788 : i32 to vector<16xi32>
        %parallel_loop3A_790 = arith.addi %parallel_loop3A_787, %parallel_loop3A_789 : vector<16xi32>
        %parallel_loop3A_791 = tpu.vector_load_idx %arg9[%parallel_loop3A_790] : memref<28800xf32, #tpu.memory_space<vmem>>[vector<16xi32>], vector<16xf32>,
        %parallel_loop3A_792 = arith.constant 16 : i32
        %parallel_loop3A_793 = vector.broadcast %parallel_loop3A_792 : i32 to vector<16xi32>
        %parallel_loop3A_794 = arith.addi %parallel_loop3A_516, %parallel_loop3A_793 : vector<16xi32>
        %parallel_loop3A_795 = arith.constant 7 : i32
        %parallel_loop3A_796 = vector.broadcast %parallel_loop3A_795 : i32 to vector<16xi32>
        %parallel_loop3A_797 = arith.addi %parallel_loop3A_794, %parallel_loop3A_796 : vector<16xi32>
        %parallel_loop3A_798 = tpu.vector_load_idx %arg9[%parallel_loop3A_797] : memref<28800xf32, #tpu.memory_space<vmem>>[vector<16xi32>], vector<16xf32>,
        %parallel_loop3A_799 = arith.constant 16 : i32
        %parallel_loop3A_800 = vector.broadcast %parallel_loop3A_799 : i32 to vector<16xi32>
        %parallel_loop3A_801 = arith.addi %parallel_loop3A_516, %parallel_loop3A_800 : vector<16xi32>
        %parallel_loop3A_802 = arith.constant 8 : i32
        %parallel_loop3A_803 = vector.broadcast %parallel_loop3A_802 : i32 to vector<16xi32>
        %parallel_loop3A_804 = arith.addi %parallel_loop3A_801, %parallel_loop3A_803 : vector<16xi32>
        %parallel_loop3A_805 = tpu.vector_load_idx %arg9[%parallel_loop3A_804] : memref<28800xf32, #tpu.memory_space<vmem>>[vector<16xi32>], vector<16xf32>,
        %parallel_loop3A_806 = arith.constant 16 : i32
        %parallel_loop3A_807 = vector.broadcast %parallel_loop3A_806 : i32 to vector<16xi32>
        %parallel_loop3A_808 = arith.addi %parallel_loop3A_516, %parallel_loop3A_807 : vector<16xi32>
        %parallel_loop3A_809 = arith.constant 9 : i32
        %parallel_loop3A_810 = vector.broadcast %parallel_loop3A_809 : i32 to vector<16xi32>
        %parallel_loop3A_811 = arith.addi %parallel_loop3A_808, %parallel_loop3A_810 : vector<16xi32>
        %parallel_loop3A_812 = tpu.vector_load_idx %arg9[%parallel_loop3A_811] : memref<28800xf32, #tpu.memory_space<vmem>>[vector<16xi32>], vector<16xf32>,
        %parallel_loop3A_813 = arith.constant 16 : i32
        %parallel_loop3A_814 = vector.broadcast %parallel_loop3A_813 : i32 to vector<16xi32>
        %parallel_loop3A_815 = arith.addi %parallel_loop3A_516, %parallel_loop3A_814 : vector<16xi32>
        %parallel_loop3A_816 = arith.constant 10 : i32
        %parallel_loop3A_817 = vector.broadcast %parallel_loop3A_816 : i32 to vector<16xi32>
        %parallel_loop3A_818 = arith.addi %parallel_loop3A_815, %parallel_loop3A_817 : vector<16xi32>
        %parallel_loop3A_819 = tpu.vector_load_idx %arg9[%parallel_loop3A_818] : memref<28800xf32, #tpu.memory_space<vmem>>[vector<16xi32>], vector<16xf32>,
        %parallel_loop3A_820 = arith.constant 16 : i32
        %parallel_loop3A_821 = vector.broadcast %parallel_loop3A_820 : i32 to vector<16xi32>
        %parallel_loop3A_822 = arith.addi %parallel_loop3A_516, %parallel_loop3A_821 : vector<16xi32>
        %parallel_loop3A_823 = arith.constant 11 : i32
        %parallel_loop3A_824 = vector.broadcast %parallel_loop3A_823 : i32 to vector<16xi32>
        %parallel_loop3A_825 = arith.addi %parallel_loop3A_822, %parallel_loop3A_824 : vector<16xi32>
        %parallel_loop3A_826 = tpu.vector_load_idx %arg9[%parallel_loop3A_825] : memref<28800xf32, #tpu.memory_space<vmem>>[vector<16xi32>], vector<16xf32>,
        %parallel_loop3A_827 = arith.constant 16 : i32
        %parallel_loop3A_828 = vector.broadcast %parallel_loop3A_827 : i32 to vector<16xi32>
        %parallel_loop3A_829 = arith.addi %parallel_loop3A_516, %parallel_loop3A_828 : vector<16xi32>
        %parallel_loop3A_830 = arith.constant 12 : i32
        %parallel_loop3A_831 = vector.broadcast %parallel_loop3A_830 : i32 to vector<16xi32>
        %parallel_loop3A_832 = arith.addi %parallel_loop3A_829, %parallel_loop3A_831 : vector<16xi32>
        %parallel_loop3A_833 = tpu.vector_load_idx %arg9[%parallel_loop3A_832] : memref<28800xf32, #tpu.memory_space<vmem>>[vector<16xi32>], vector<16xf32>,
        %parallel_loop3A_834 = arith.constant 16 : i32
        %parallel_loop3A_835 = vector.broadcast %parallel_loop3A_834 : i32 to vector<16xi32>
        %parallel_loop3A_836 = arith.addi %parallel_loop3A_516, %parallel_loop3A_835 : vector<16xi32>
        %parallel_loop3A_837 = arith.constant 13 : i32
        %parallel_loop3A_838 = vector.broadcast %parallel_loop3A_837 : i32 to vector<16xi32>
        %parallel_loop3A_839 = arith.addi %parallel_loop3A_836, %parallel_loop3A_838 : vector<16xi32>
        %parallel_loop3A_840 = tpu.vector_load_idx %arg9[%parallel_loop3A_839] : memref<28800xf32, #tpu.memory_space<vmem>>[vector<16xi32>], vector<16xf32>,
        %parallel_loop3A_841 = arith.constant 16 : i32
        %parallel_loop3A_842 = vector.broadcast %parallel_loop3A_841 : i32 to vector<16xi32>
        %parallel_loop3A_843 = arith.addi %parallel_loop3A_516, %parallel_loop3A_842 : vector<16xi32>
        %parallel_loop3A_844 = arith.constant 14 : i32
        %parallel_loop3A_845 = vector.broadcast %parallel_loop3A_844 : i32 to vector<16xi32>
        %parallel_loop3A_846 = arith.addi %parallel_loop3A_843, %parallel_loop3A_845 : vector<16xi32>
        %parallel_loop3A_847 = tpu.vector_load_idx %arg9[%parallel_loop3A_846] : memref<28800xf32, #tpu.memory_space<vmem>>[vector<16xi32>], vector<16xf32>,
        %parallel_loop3A_848 = arith.constant 16 : i32
        %parallel_loop3A_849 = vector.broadcast %parallel_loop3A_848 : i32 to vector<16xi32>
        %parallel_loop3A_850 = arith.addi %parallel_loop3A_516, %parallel_loop3A_849 : vector<16xi32>
        %parallel_loop3A_851 = arith.constant 15 : i32
        %parallel_loop3A_852 = vector.broadcast %parallel_loop3A_851 : i32 to vector<16xi32>
        %parallel_loop3A_853 = arith.addi %parallel_loop3A_850, %parallel_loop3A_852 : vector<16xi32>
        %parallel_loop3A_854 = tpu.vector_load_idx %arg9[%parallel_loop3A_853] : memref<28800xf32, #tpu.memory_space<vmem>>[vector<16xi32>], vector<16xf32>,
        %parallel_loop3A_855 = arith.constant 2 : i32
        %parallel_loop3A_856 = arith.constant 0 : i32
        %parallel_loop3A_857 = arith.index_cast %parallel_loop3A_855 : i32 to index
        %parallel_loop3A_858 = arith.index_cast %parallel_loop3A_487 : i32 to index
        %parallel_loop3A_859 = arith.index_cast %parallel_loop3A_856 : i32 to index
        %parallel_loop3A_860 = arith.index_cast %parallel_loop3A_518 : i32 to index
        %parallel_loop3A_861 = tpu.vector_load %arg14[%parallel_loop3A_857, %parallel_loop3A_858, %parallel_loop3A_859, %parallel_loop3A_860] {strides = array<i32>} : memref<8x4x8x128xf32, #tpu.memory_space<vmem>>, vector<16xf32>,
        tpu.vector_store %arg14[%parallel_loop3A_857, %parallel_loop3A_858, %parallel_loop3A_859, %parallel_loop3A_860], %parallel_loop3A_749 {strides = array<i32>} : memref<8x4x8x128xf32, #tpu.memory_space<vmem>>, vector<16xf32>,
        %parallel_loop3A_862 = arith.constant 2 : i32
        %parallel_loop3A_863 = arith.constant 1 : i32
        %parallel_loop3A_864 = arith.index_cast %parallel_loop3A_862 : i32 to index
        %parallel_loop3A_865 = arith.index_cast %parallel_loop3A_487 : i32 to index
        %parallel_loop3A_866 = arith.index_cast %parallel_loop3A_863 : i32 to index
        %parallel_loop3A_867 = arith.index_cast %parallel_loop3A_518 : i32 to index
        %parallel_loop3A_868 = tpu.vector_load %arg14[%parallel_loop3A_864, %parallel_loop3A_865, %parallel_loop3A_866, %parallel_loop3A_867] {strides = array<i32>} : memref<8x4x8x128xf32, #tpu.memory_space<vmem>>, vector<16xf32>,
        tpu.vector_store %arg14[%parallel_loop3A_864, %parallel_loop3A_865, %parallel_loop3A_866, %parallel_loop3A_867], %parallel_loop3A_756 {strides = array<i32>} : memref<8x4x8x128xf32, #tpu.memory_space<vmem>>, vector<16xf32>,
        %parallel_loop3A_869 = arith.constant 2 : i32
        %parallel_loop3A_870 = arith.constant 2 : i32
        %parallel_loop3A_871 = arith.index_cast %parallel_loop3A_869 : i32 to index
        %parallel_loop3A_872 = arith.index_cast %parallel_loop3A_487 : i32 to index
        %parallel_loop3A_873 = arith.index_cast %parallel_loop3A_870 : i32 to index
        %parallel_loop3A_874 = arith.index_cast %parallel_loop3A_518 : i32 to index
        %parallel_loop3A_875 = tpu.vector_load %arg14[%parallel_loop3A_871, %parallel_loop3A_872, %parallel_loop3A_873, %parallel_loop3A_874] {strides = array<i32>} : memref<8x4x8x128xf32, #tpu.memory_space<vmem>>, vector<16xf32>,
        tpu.vector_store %arg14[%parallel_loop3A_871, %parallel_loop3A_872, %parallel_loop3A_873, %parallel_loop3A_874], %parallel_loop3A_763 {strides = array<i32>} : memref<8x4x8x128xf32, #tpu.memory_space<vmem>>, vector<16xf32>,
        %parallel_loop3A_876 = arith.constant 2 : i32
        %parallel_loop3A_877 = arith.constant 3 : i32
        %parallel_loop3A_878 = arith.index_cast %parallel_loop3A_876 : i32 to index
        %parallel_loop3A_879 = arith.index_cast %parallel_loop3A_487 : i32 to index
        %parallel_loop3A_880 = arith.index_cast %parallel_loop3A_877 : i32 to index
        %parallel_loop3A_881 = arith.index_cast %parallel_loop3A_518 : i32 to index
        %parallel_loop3A_882 = tpu.vector_load %arg14[%parallel_loop3A_878, %parallel_loop3A_879, %parallel_loop3A_880, %parallel_loop3A_881] {strides = array<i32>} : memref<8x4x8x128xf32, #tpu.memory_space<vmem>>, vector<16xf32>,
        tpu.vector_store %arg14[%parallel_loop3A_878, %parallel_loop3A_879, %parallel_loop3A_880, %parallel_loop3A_881], %parallel_loop3A_770 {strides = array<i32>} : memref<8x4x8x128xf32, #tpu.memory_space<vmem>>, vector<16xf32>,
        %parallel_loop3A_883 = arith.constant 2 : i32
        %parallel_loop3A_884 = arith.constant 4 : i32
        %parallel_loop3A_885 = arith.index_cast %parallel_loop3A_883 : i32 to index
        %parallel_loop3A_886 = arith.index_cast %parallel_loop3A_487 : i32 to index
        %parallel_loop3A_887 = arith.index_cast %parallel_loop3A_884 : i32 to index
        %parallel_loop3A_888 = arith.index_cast %parallel_loop3A_518 : i32 to index
        %parallel_loop3A_889 = tpu.vector_load %arg14[%parallel_loop3A_885, %parallel_loop3A_886, %parallel_loop3A_887, %parallel_loop3A_888] {strides = array<i32>} : memref<8x4x8x128xf32, #tpu.memory_space<vmem>>, vector<16xf32>,
        tpu.vector_store %arg14[%parallel_loop3A_885, %parallel_loop3A_886, %parallel_loop3A_887, %parallel_loop3A_888], %parallel_loop3A_777 {strides = array<i32>} : memref<8x4x8x128xf32, #tpu.memory_space<vmem>>, vector<16xf32>,
        %parallel_loop3A_890 = arith.constant 2 : i32
        %parallel_loop3A_891 = arith.constant 5 : i32
        %parallel_loop3A_892 = arith.index_cast %parallel_loop3A_890 : i32 to index
        %parallel_loop3A_893 = arith.index_cast %parallel_loop3A_487 : i32 to index
        %parallel_loop3A_894 = arith.index_cast %parallel_loop3A_891 : i32 to index
        %parallel_loop3A_895 = arith.index_cast %parallel_loop3A_518 : i32 to index
        %parallel_loop3A_896 = tpu.vector_load %arg14[%parallel_loop3A_892, %parallel_loop3A_893, %parallel_loop3A_894, %parallel_loop3A_895] {strides = array<i32>} : memref<8x4x8x128xf32, #tpu.memory_space<vmem>>, vector<16xf32>,
        tpu.vector_store %arg14[%parallel_loop3A_892, %parallel_loop3A_893, %parallel_loop3A_894, %parallel_loop3A_895], %parallel_loop3A_784 {strides = array<i32>} : memref<8x4x8x128xf32, #tpu.memory_space<vmem>>, vector<16xf32>,
        %parallel_loop3A_897 = arith.constant 2 : i32
        %parallel_loop3A_898 = arith.constant 6 : i32
        %parallel_loop3A_899 = arith.index_cast %parallel_loop3A_897 : i32 to index
        %parallel_loop3A_900 = arith.index_cast %parallel_loop3A_487 : i32 to index
        %parallel_loop3A_901 = arith.index_cast %parallel_loop3A_898 : i32 to index
        %parallel_loop3A_902 = arith.index_cast %parallel_loop3A_518 : i32 to index
        %parallel_loop3A_903 = tpu.vector_load %arg14[%parallel_loop3A_899, %parallel_loop3A_900, %parallel_loop3A_901, %parallel_loop3A_902] {strides = array<i32>} : memref<8x4x8x128xf32, #tpu.memory_space<vmem>>, vector<16xf32>,
        tpu.vector_store %arg14[%parallel_loop3A_899, %parallel_loop3A_900, %parallel_loop3A_901, %parallel_loop3A_902], %parallel_loop3A_791 {strides = array<i32>} : memref<8x4x8x128xf32, #tpu.memory_space<vmem>>, vector<16xf32>,
        %parallel_loop3A_904 = arith.constant 2 : i32
        %parallel_loop3A_905 = arith.constant 7 : i32
        %parallel_loop3A_906 = arith.index_cast %parallel_loop3A_904 : i32 to index
        %parallel_loop3A_907 = arith.index_cast %parallel_loop3A_487 : i32 to index
        %parallel_loop3A_908 = arith.index_cast %parallel_loop3A_905 : i32 to index
        %parallel_loop3A_909 = arith.index_cast %parallel_loop3A_518 : i32 to index
        %parallel_loop3A_910 = tpu.vector_load %arg14[%parallel_loop3A_906, %parallel_loop3A_907, %parallel_loop3A_908, %parallel_loop3A_909] {strides = array<i32>} : memref<8x4x8x128xf32, #tpu.memory_space<vmem>>, vector<16xf32>,
        tpu.vector_store %arg14[%parallel_loop3A_906, %parallel_loop3A_907, %parallel_loop3A_908, %parallel_loop3A_909], %parallel_loop3A_798 {strides = array<i32>} : memref<8x4x8x128xf32, #tpu.memory_space<vmem>>, vector<16xf32>,
        %parallel_loop3A_911 = arith.constant 3 : i32
        %parallel_loop3A_912 = arith.constant 0 : i32
        %parallel_loop3A_913 = arith.index_cast %parallel_loop3A_911 : i32 to index
        %parallel_loop3A_914 = arith.index_cast %parallel_loop3A_487 : i32 to index
        %parallel_loop3A_915 = arith.index_cast %parallel_loop3A_912 : i32 to index
        %parallel_loop3A_916 = arith.index_cast %parallel_loop3A_518 : i32 to index
        %parallel_loop3A_917 = tpu.vector_load %arg14[%parallel_loop3A_913, %parallel_loop3A_914, %parallel_loop3A_915, %parallel_loop3A_916] {strides = array<i32>} : memref<8x4x8x128xf32, #tpu.memory_space<vmem>>, vector<16xf32>,
        tpu.vector_store %arg14[%parallel_loop3A_913, %parallel_loop3A_914, %parallel_loop3A_915, %parallel_loop3A_916], %parallel_loop3A_805 {strides = array<i32>} : memref<8x4x8x128xf32, #tpu.memory_space<vmem>>, vector<16xf32>,
        %parallel_loop3A_918 = arith.constant 3 : i32
        %parallel_loop3A_919 = arith.constant 1 : i32
        %parallel_loop3A_920 = arith.index_cast %parallel_loop3A_918 : i32 to index
        %parallel_loop3A_921 = arith.index_cast %parallel_loop3A_487 : i32 to index
        %parallel_loop3A_922 = arith.index_cast %parallel_loop3A_919 : i32 to index
        %parallel_loop3A_923 = arith.index_cast %parallel_loop3A_518 : i32 to index
        %parallel_loop3A_924 = tpu.vector_load %arg14[%parallel_loop3A_920, %parallel_loop3A_921, %parallel_loop3A_922, %parallel_loop3A_923] {strides = array<i32>} : memref<8x4x8x128xf32, #tpu.memory_space<vmem>>, vector<16xf32>,
        tpu.vector_store %arg14[%parallel_loop3A_920, %parallel_loop3A_921, %parallel_loop3A_922, %parallel_loop3A_923], %parallel_loop3A_812 {strides = array<i32>} : memref<8x4x8x128xf32, #tpu.memory_space<vmem>>, vector<16xf32>,
        %parallel_loop3A_925 = arith.constant 3 : i32
        %parallel_loop3A_926 = arith.constant 2 : i32
        %parallel_loop3A_927 = arith.index_cast %parallel_loop3A_925 : i32 to index
        %parallel_loop3A_928 = arith.index_cast %parallel_loop3A_487 : i32 to index
        %parallel_loop3A_929 = arith.index_cast %parallel_loop3A_926 : i32 to index
        %parallel_loop3A_930 = arith.index_cast %parallel_loop3A_518 : i32 to index
        %parallel_loop3A_931 = tpu.vector_load %arg14[%parallel_loop3A_927, %parallel_loop3A_928, %parallel_loop3A_929, %parallel_loop3A_930] {strides = array<i32>} : memref<8x4x8x128xf32, #tpu.memory_space<vmem>>, vector<16xf32>,
        tpu.vector_store %arg14[%parallel_loop3A_927, %parallel_loop3A_928, %parallel_loop3A_929, %parallel_loop3A_930], %parallel_loop3A_819 {strides = array<i32>} : memref<8x4x8x128xf32, #tpu.memory_space<vmem>>, vector<16xf32>,
        %parallel_loop3A_932 = arith.constant 3 : i32
        %parallel_loop3A_933 = arith.constant 3 : i32
        %parallel_loop3A_934 = arith.index_cast %parallel_loop3A_932 : i32 to index
        %parallel_loop3A_935 = arith.index_cast %parallel_loop3A_487 : i32 to index
        %parallel_loop3A_936 = arith.index_cast %parallel_loop3A_933 : i32 to index
        %parallel_loop3A_937 = arith.index_cast %parallel_loop3A_518 : i32 to index
        %parallel_loop3A_938 = tpu.vector_load %arg14[%parallel_loop3A_934, %parallel_loop3A_935, %parallel_loop3A_936, %parallel_loop3A_937] {strides = array<i32>} : memref<8x4x8x128xf32, #tpu.memory_space<vmem>>, vector<16xf32>,
        tpu.vector_store %arg14[%parallel_loop3A_934, %parallel_loop3A_935, %parallel_loop3A_936, %parallel_loop3A_937], %parallel_loop3A_826 {strides = array<i32>} : memref<8x4x8x128xf32, #tpu.memory_space<vmem>>, vector<16xf32>,
        %parallel_loop3A_939 = arith.constant 3 : i32
        %parallel_loop3A_940 = arith.constant 4 : i32
        %parallel_loop3A_941 = arith.index_cast %parallel_loop3A_939 : i32 to index
        %parallel_loop3A_942 = arith.index_cast %parallel_loop3A_487 : i32 to index
        %parallel_loop3A_943 = arith.index_cast %parallel_loop3A_940 : i32 to index
        %parallel_loop3A_944 = arith.index_cast %parallel_loop3A_518 : i32 to index
        %parallel_loop3A_945 = tpu.vector_load %arg14[%parallel_loop3A_941, %parallel_loop3A_942, %parallel_loop3A_943, %parallel_loop3A_944] {strides = array<i32>} : memref<8x4x8x128xf32, #tpu.memory_space<vmem>>, vector<16xf32>,
        tpu.vector_store %arg14[%parallel_loop3A_941, %parallel_loop3A_942, %parallel_loop3A_943, %parallel_loop3A_944], %parallel_loop3A_833 {strides = array<i32>} : memref<8x4x8x128xf32, #tpu.memory_space<vmem>>, vector<16xf32>,
        %parallel_loop3A_946 = arith.constant 3 : i32
        %parallel_loop3A_947 = arith.constant 5 : i32
        %parallel_loop3A_948 = arith.index_cast %parallel_loop3A_946 : i32 to index
        %parallel_loop3A_949 = arith.index_cast %parallel_loop3A_487 : i32 to index
        %parallel_loop3A_950 = arith.index_cast %parallel_loop3A_947 : i32 to index
        %parallel_loop3A_951 = arith.index_cast %parallel_loop3A_518 : i32 to index
        %parallel_loop3A_952 = tpu.vector_load %arg14[%parallel_loop3A_948, %parallel_loop3A_949, %parallel_loop3A_950, %parallel_loop3A_951] {strides = array<i32>} : memref<8x4x8x128xf32, #tpu.memory_space<vmem>>, vector<16xf32>,
        tpu.vector_store %arg14[%parallel_loop3A_948, %parallel_loop3A_949, %parallel_loop3A_950, %parallel_loop3A_951], %parallel_loop3A_840 {strides = array<i32>} : memref<8x4x8x128xf32, #tpu.memory_space<vmem>>, vector<16xf32>,
        %parallel_loop3A_953 = arith.constant 3 : i32
        %parallel_loop3A_954 = arith.constant 6 : i32
        %parallel_loop3A_955 = arith.index_cast %parallel_loop3A_953 : i32 to index
        %parallel_loop3A_956 = arith.index_cast %parallel_loop3A_487 : i32 to index
        %parallel_loop3A_957 = arith.index_cast %parallel_loop3A_954 : i32 to index
        %parallel_loop3A_958 = arith.index_cast %parallel_loop3A_518 : i32 to index
        %parallel_loop3A_959 = tpu.vector_load %arg14[%parallel_loop3A_955, %parallel_loop3A_956, %parallel_loop3A_957, %parallel_loop3A_958] {strides = array<i32>} : memref<8x4x8x128xf32, #tpu.memory_space<vmem>>, vector<16xf32>,
        tpu.vector_store %arg14[%parallel_loop3A_955, %parallel_loop3A_956, %parallel_loop3A_957, %parallel_loop3A_958], %parallel_loop3A_847 {strides = array<i32>} : memref<8x4x8x128xf32, #tpu.memory_space<vmem>>, vector<16xf32>,
        %parallel_loop3A_960 = arith.constant 3 : i32
        %parallel_loop3A_961 = arith.constant 7 : i32
        %parallel_loop3A_962 = arith.index_cast %parallel_loop3A_960 : i32 to index
        %parallel_loop3A_963 = arith.index_cast %parallel_loop3A_487 : i32 to index
        %parallel_loop3A_964 = arith.index_cast %parallel_loop3A_961 : i32 to index
        %parallel_loop3A_965 = arith.index_cast %parallel_loop3A_518 : i32 to index
        %parallel_loop3A_966 = tpu.vector_load %arg14[%parallel_loop3A_962, %parallel_loop3A_963, %parallel_loop3A_964, %parallel_loop3A_965] {strides = array<i32>} : memref<8x4x8x128xf32, #tpu.memory_space<vmem>>, vector<16xf32>,
        tpu.vector_store %arg14[%parallel_loop3A_962, %parallel_loop3A_963, %parallel_loop3A_964, %parallel_loop3A_965], %parallel_loop3A_854 {strides = array<i32>} : memref<8x4x8x128xf32, #tpu.memory_space<vmem>>, vector<16xf32>,
        %parallel_loop3A_967 = arith.constant 32 : i32
        %parallel_loop3A_968 = vector.broadcast %parallel_loop3A_967 : i32 to vector<16xi32>
        %parallel_loop3A_969 = arith.addi %parallel_loop3A_516, %parallel_loop3A_968 : vector<16xi32>
        %parallel_loop3A_970 = arith.constant 0 : i32
        %parallel_loop3A_971 = vector.broadcast %parallel_loop3A_970 : i32 to vector<16xi32>
        %parallel_loop3A_972 = arith.addi %parallel_loop3A_969, %parallel_loop3A_971 : vector<16xi32>
        %parallel_loop3A_973 = tpu.vector_load_idx %arg9[%parallel_loop3A_972] : memref<28800xf32, #tpu.memory_space<vmem>>[vector<16xi32>], vector<16xf32>,
        %parallel_loop3A_974 = arith.constant 32 : i32
        %parallel_loop3A_975 = vector.broadcast %parallel_loop3A_974 : i32 to vector<16xi32>
        %parallel_loop3A_976 = arith.addi %parallel_loop3A_516, %parallel_loop3A_975 : vector<16xi32>
        %parallel_loop3A_977 = arith.constant 1 : i32
        %parallel_loop3A_978 = vector.broadcast %parallel_loop3A_977 : i32 to vector<16xi32>
        %parallel_loop3A_979 = arith.addi %parallel_loop3A_976, %parallel_loop3A_978 : vector<16xi32>
        %parallel_loop3A_980 = tpu.vector_load_idx %arg9[%parallel_loop3A_979] : memref<28800xf32, #tpu.memory_space<vmem>>[vector<16xi32>], vector<16xf32>,
        %parallel_loop3A_981 = arith.constant 32 : i32
        %parallel_loop3A_982 = vector.broadcast %parallel_loop3A_981 : i32 to vector<16xi32>
        %parallel_loop3A_983 = arith.addi %parallel_loop3A_516, %parallel_loop3A_982 : vector<16xi32>
        %parallel_loop3A_984 = arith.constant 2 : i32
        %parallel_loop3A_985 = vector.broadcast %parallel_loop3A_984 : i32 to vector<16xi32>
        %parallel_loop3A_986 = arith.addi %parallel_loop3A_983, %parallel_loop3A_985 : vector<16xi32>
        %parallel_loop3A_987 = tpu.vector_load_idx %arg9[%parallel_loop3A_986] : memref<28800xf32, #tpu.memory_space<vmem>>[vector<16xi32>], vector<16xf32>,
        %parallel_loop3A_988 = arith.constant 32 : i32
        %parallel_loop3A_989 = vector.broadcast %parallel_loop3A_988 : i32 to vector<16xi32>
        %parallel_loop3A_990 = arith.addi %parallel_loop3A_516, %parallel_loop3A_989 : vector<16xi32>
        %parallel_loop3A_991 = arith.constant 3 : i32
        %parallel_loop3A_992 = vector.broadcast %parallel_loop3A_991 : i32 to vector<16xi32>
        %parallel_loop3A_993 = arith.addi %parallel_loop3A_990, %parallel_loop3A_992 : vector<16xi32>
        %parallel_loop3A_994 = tpu.vector_load_idx %arg9[%parallel_loop3A_993] : memref<28800xf32, #tpu.memory_space<vmem>>[vector<16xi32>], vector<16xf32>,
        %parallel_loop3A_995 = arith.constant 32 : i32
        %parallel_loop3A_996 = vector.broadcast %parallel_loop3A_995 : i32 to vector<16xi32>
        %parallel_loop3A_997 = arith.addi %parallel_loop3A_516, %parallel_loop3A_996 : vector<16xi32>
        %parallel_loop3A_998 = arith.constant 4 : i32
        %parallel_loop3A_999 = vector.broadcast %parallel_loop3A_998 : i32 to vector<16xi32>
        %parallel_loop3A_1000 = arith.addi %parallel_loop3A_997, %parallel_loop3A_999 : vector<16xi32>
        %parallel_loop3A_1001 = tpu.vector_load_idx %arg9[%parallel_loop3A_1000] : memref<28800xf32, #tpu.memory_space<vmem>>[vector<16xi32>], vector<16xf32>,
        %parallel_loop3A_1002 = arith.constant 32 : i32
        %parallel_loop3A_1003 = vector.broadcast %parallel_loop3A_1002 : i32 to vector<16xi32>
        %parallel_loop3A_1004 = arith.addi %parallel_loop3A_516, %parallel_loop3A_1003 : vector<16xi32>
        %parallel_loop3A_1005 = arith.constant 5 : i32
        %parallel_loop3A_1006 = vector.broadcast %parallel_loop3A_1005 : i32 to vector<16xi32>
        %parallel_loop3A_1007 = arith.addi %parallel_loop3A_1004, %parallel_loop3A_1006 : vector<16xi32>
        %parallel_loop3A_1008 = tpu.vector_load_idx %arg9[%parallel_loop3A_1007] : memref<28800xf32, #tpu.memory_space<vmem>>[vector<16xi32>], vector<16xf32>,
        %parallel_loop3A_1009 = arith.constant 32 : i32
        %parallel_loop3A_1010 = vector.broadcast %parallel_loop3A_1009 : i32 to vector<16xi32>
        %parallel_loop3A_1011 = arith.addi %parallel_loop3A_516, %parallel_loop3A_1010 : vector<16xi32>
        %parallel_loop3A_1012 = arith.constant 6 : i32
        %parallel_loop3A_1013 = vector.broadcast %parallel_loop3A_1012 : i32 to vector<16xi32>
        %parallel_loop3A_1014 = arith.addi %parallel_loop3A_1011, %parallel_loop3A_1013 : vector<16xi32>
        %parallel_loop3A_1015 = tpu.vector_load_idx %arg9[%parallel_loop3A_1014] : memref<28800xf32, #tpu.memory_space<vmem>>[vector<16xi32>], vector<16xf32>,
        %parallel_loop3A_1016 = arith.constant 32 : i32
        %parallel_loop3A_1017 = vector.broadcast %parallel_loop3A_1016 : i32 to vector<16xi32>
        %parallel_loop3A_1018 = arith.addi %parallel_loop3A_516, %parallel_loop3A_1017 : vector<16xi32>
        %parallel_loop3A_1019 = arith.constant 7 : i32
        %parallel_loop3A_1020 = vector.broadcast %parallel_loop3A_1019 : i32 to vector<16xi32>
        %parallel_loop3A_1021 = arith.addi %parallel_loop3A_1018, %parallel_loop3A_1020 : vector<16xi32>
        %parallel_loop3A_1022 = tpu.vector_load_idx %arg9[%parallel_loop3A_1021] : memref<28800xf32, #tpu.memory_space<vmem>>[vector<16xi32>], vector<16xf32>,
        %parallel_loop3A_1023 = arith.constant 32 : i32
        %parallel_loop3A_1024 = vector.broadcast %parallel_loop3A_1023 : i32 to vector<16xi32>
        %parallel_loop3A_1025 = arith.addi %parallel_loop3A_516, %parallel_loop3A_1024 : vector<16xi32>
        %parallel_loop3A_1026 = arith.constant 8 : i32
        %parallel_loop3A_1027 = vector.broadcast %parallel_loop3A_1026 : i32 to vector<16xi32>
        %parallel_loop3A_1028 = arith.addi %parallel_loop3A_1025, %parallel_loop3A_1027 : vector<16xi32>
        %parallel_loop3A_1029 = tpu.vector_load_idx %arg9[%parallel_loop3A_1028] : memref<28800xf32, #tpu.memory_space<vmem>>[vector<16xi32>], vector<16xf32>,
        %parallel_loop3A_1030 = arith.constant 32 : i32
        %parallel_loop3A_1031 = vector.broadcast %parallel_loop3A_1030 : i32 to vector<16xi32>
        %parallel_loop3A_1032 = arith.addi %parallel_loop3A_516, %parallel_loop3A_1031 : vector<16xi32>
        %parallel_loop3A_1033 = arith.constant 9 : i32
        %parallel_loop3A_1034 = vector.broadcast %parallel_loop3A_1033 : i32 to vector<16xi32>
        %parallel_loop3A_1035 = arith.addi %parallel_loop3A_1032, %parallel_loop3A_1034 : vector<16xi32>
        %parallel_loop3A_1036 = tpu.vector_load_idx %arg9[%parallel_loop3A_1035] : memref<28800xf32, #tpu.memory_space<vmem>>[vector<16xi32>], vector<16xf32>,
        %parallel_loop3A_1037 = arith.constant 32 : i32
        %parallel_loop3A_1038 = vector.broadcast %parallel_loop3A_1037 : i32 to vector<16xi32>
        %parallel_loop3A_1039 = arith.addi %parallel_loop3A_516, %parallel_loop3A_1038 : vector<16xi32>
        %parallel_loop3A_1040 = arith.constant 10 : i32
        %parallel_loop3A_1041 = vector.broadcast %parallel_loop3A_1040 : i32 to vector<16xi32>
        %parallel_loop3A_1042 = arith.addi %parallel_loop3A_1039, %parallel_loop3A_1041 : vector<16xi32>
        %parallel_loop3A_1043 = tpu.vector_load_idx %arg9[%parallel_loop3A_1042] : memref<28800xf32, #tpu.memory_space<vmem>>[vector<16xi32>], vector<16xf32>,
        %parallel_loop3A_1044 = arith.constant 32 : i32
        %parallel_loop3A_1045 = vector.broadcast %parallel_loop3A_1044 : i32 to vector<16xi32>
        %parallel_loop3A_1046 = arith.addi %parallel_loop3A_516, %parallel_loop3A_1045 : vector<16xi32>
        %parallel_loop3A_1047 = arith.constant 11 : i32
        %parallel_loop3A_1048 = vector.broadcast %parallel_loop3A_1047 : i32 to vector<16xi32>
        %parallel_loop3A_1049 = arith.addi %parallel_loop3A_1046, %parallel_loop3A_1048 : vector<16xi32>
        %parallel_loop3A_1050 = tpu.vector_load_idx %arg9[%parallel_loop3A_1049] : memref<28800xf32, #tpu.memory_space<vmem>>[vector<16xi32>], vector<16xf32>,
        %parallel_loop3A_1051 = arith.constant 32 : i32
        %parallel_loop3A_1052 = vector.broadcast %parallel_loop3A_1051 : i32 to vector<16xi32>
        %parallel_loop3A_1053 = arith.addi %parallel_loop3A_516, %parallel_loop3A_1052 : vector<16xi32>
        %parallel_loop3A_1054 = arith.constant 12 : i32
        %parallel_loop3A_1055 = vector.broadcast %parallel_loop3A_1054 : i32 to vector<16xi32>
        %parallel_loop3A_1056 = arith.addi %parallel_loop3A_1053, %parallel_loop3A_1055 : vector<16xi32>
        %parallel_loop3A_1057 = tpu.vector_load_idx %arg9[%parallel_loop3A_1056] : memref<28800xf32, #tpu.memory_space<vmem>>[vector<16xi32>], vector<16xf32>,
        %parallel_loop3A_1058 = arith.constant 32 : i32
        %parallel_loop3A_1059 = vector.broadcast %parallel_loop3A_1058 : i32 to vector<16xi32>
        %parallel_loop3A_1060 = arith.addi %parallel_loop3A_516, %parallel_loop3A_1059 : vector<16xi32>
        %parallel_loop3A_1061 = arith.constant 13 : i32
        %parallel_loop3A_1062 = vector.broadcast %parallel_loop3A_1061 : i32 to vector<16xi32>
        %parallel_loop3A_1063 = arith.addi %parallel_loop3A_1060, %parallel_loop3A_1062 : vector<16xi32>
        %parallel_loop3A_1064 = tpu.vector_load_idx %arg9[%parallel_loop3A_1063] : memref<28800xf32, #tpu.memory_space<vmem>>[vector<16xi32>], vector<16xf32>,
        %parallel_loop3A_1065 = arith.constant 32 : i32
        %parallel_loop3A_1066 = vector.broadcast %parallel_loop3A_1065 : i32 to vector<16xi32>
        %parallel_loop3A_1067 = arith.addi %parallel_loop3A_516, %parallel_loop3A_1066 : vector<16xi32>
        %parallel_loop3A_1068 = arith.constant 14 : i32
        %parallel_loop3A_1069 = vector.broadcast %parallel_loop3A_1068 : i32 to vector<16xi32>
        %parallel_loop3A_1070 = arith.addi %parallel_loop3A_1067, %parallel_loop3A_1069 : vector<16xi32>
        %parallel_loop3A_1071 = tpu.vector_load_idx %arg9[%parallel_loop3A_1070] : memref<28800xf32, #tpu.memory_space<vmem>>[vector<16xi32>], vector<16xf32>,
        %parallel_loop3A_1072 = arith.constant 32 : i32
        %parallel_loop3A_1073 = vector.broadcast %parallel_loop3A_1072 : i32 to vector<16xi32>
        %parallel_loop3A_1074 = arith.addi %parallel_loop3A_516, %parallel_loop3A_1073 : vector<16xi32>
        %parallel_loop3A_1075 = arith.constant 15 : i32
        %parallel_loop3A_1076 = vector.broadcast %parallel_loop3A_1075 : i32 to vector<16xi32>
        %parallel_loop3A_1077 = arith.addi %parallel_loop3A_1074, %parallel_loop3A_1076 : vector<16xi32>
        %parallel_loop3A_1078 = tpu.vector_load_idx %arg9[%parallel_loop3A_1077] : memref<28800xf32, #tpu.memory_space<vmem>>[vector<16xi32>], vector<16xf32>,
        %parallel_loop3A_1079 = arith.constant 4 : i32
        %parallel_loop3A_1080 = arith.constant 0 : i32
        %parallel_loop3A_1081 = arith.index_cast %parallel_loop3A_1079 : i32 to index
        %parallel_loop3A_1082 = arith.index_cast %parallel_loop3A_487 : i32 to index
        %parallel_loop3A_1083 = arith.index_cast %parallel_loop3A_1080 : i32 to index
        %parallel_loop3A_1084 = arith.index_cast %parallel_loop3A_518 : i32 to index
        %parallel_loop3A_1085 = tpu.vector_load %arg14[%parallel_loop3A_1081, %parallel_loop3A_1082, %parallel_loop3A_1083, %parallel_loop3A_1084] {strides = array<i32>} : memref<8x4x8x128xf32, #tpu.memory_space<vmem>>, vector<16xf32>,
        tpu.vector_store %arg14[%parallel_loop3A_1081, %parallel_loop3A_1082, %parallel_loop3A_1083, %parallel_loop3A_1084], %parallel_loop3A_973 {strides = array<i32>} : memref<8x4x8x128xf32, #tpu.memory_space<vmem>>, vector<16xf32>,
        %parallel_loop3A_1086 = arith.constant 4 : i32
        %parallel_loop3A_1087 = arith.constant 1 : i32
        %parallel_loop3A_1088 = arith.index_cast %parallel_loop3A_1086 : i32 to index
        %parallel_loop3A_1089 = arith.index_cast %parallel_loop3A_487 : i32 to index
        %parallel_loop3A_1090 = arith.index_cast %parallel_loop3A_1087 : i32 to index
        %parallel_loop3A_1091 = arith.index_cast %parallel_loop3A_518 : i32 to index
        %parallel_loop3A_1092 = tpu.vector_load %arg14[%parallel_loop3A_1088, %parallel_loop3A_1089, %parallel_loop3A_1090, %parallel_loop3A_1091] {strides = array<i32>} : memref<8x4x8x128xf32, #tpu.memory_space<vmem>>, vector<16xf32>,
        tpu.vector_store %arg14[%parallel_loop3A_1088, %parallel_loop3A_1089, %parallel_loop3A_1090, %parallel_loop3A_1091], %parallel_loop3A_980 {strides = array<i32>} : memref<8x4x8x128xf32, #tpu.memory_space<vmem>>, vector<16xf32>,
        %parallel_loop3A_1093 = arith.constant 4 : i32
        %parallel_loop3A_1094 = arith.constant 2 : i32
        %parallel_loop3A_1095 = arith.index_cast %parallel_loop3A_1093 : i32 to index
        %parallel_loop3A_1096 = arith.index_cast %parallel_loop3A_487 : i32 to index
        %parallel_loop3A_1097 = arith.index_cast %parallel_loop3A_1094 : i32 to index
        %parallel_loop3A_1098 = arith.index_cast %parallel_loop3A_518 : i32 to index
        %parallel_loop3A_1099 = tpu.vector_load %arg14[%parallel_loop3A_1095, %parallel_loop3A_1096, %parallel_loop3A_1097, %parallel_loop3A_1098] {strides = array<i32>} : memref<8x4x8x128xf32, #tpu.memory_space<vmem>>, vector<16xf32>,
        tpu.vector_store %arg14[%parallel_loop3A_1095, %parallel_loop3A_1096, %parallel_loop3A_1097, %parallel_loop3A_1098], %parallel_loop3A_987 {strides = array<i32>} : memref<8x4x8x128xf32, #tpu.memory_space<vmem>>, vector<16xf32>,
        %parallel_loop3A_1100 = arith.constant 4 : i32
        %parallel_loop3A_1101 = arith.constant 3 : i32
        %parallel_loop3A_1102 = arith.index_cast %parallel_loop3A_1100 : i32 to index
        %parallel_loop3A_1103 = arith.index_cast %parallel_loop3A_487 : i32 to index
        %parallel_loop3A_1104 = arith.index_cast %parallel_loop3A_1101 : i32 to index
        %parallel_loop3A_1105 = arith.index_cast %parallel_loop3A_518 : i32 to index
        %parallel_loop3A_1106 = tpu.vector_load %arg14[%parallel_loop3A_1102, %parallel_loop3A_1103, %parallel_loop3A_1104, %parallel_loop3A_1105] {strides = array<i32>} : memref<8x4x8x128xf32, #tpu.memory_space<vmem>>, vector<16xf32>,
        tpu.vector_store %arg14[%parallel_loop3A_1102, %parallel_loop3A_1103, %parallel_loop3A_1104, %parallel_loop3A_1105], %parallel_loop3A_994 {strides = array<i32>} : memref<8x4x8x128xf32, #tpu.memory_space<vmem>>, vector<16xf32>,
        %parallel_loop3A_1107 = arith.constant 4 : i32
        %parallel_loop3A_1108 = arith.constant 4 : i32
        %parallel_loop3A_1109 = arith.index_cast %parallel_loop3A_1107 : i32 to index
        %parallel_loop3A_1110 = arith.index_cast %parallel_loop3A_487 : i32 to index
        %parallel_loop3A_1111 = arith.index_cast %parallel_loop3A_1108 : i32 to index
        %parallel_loop3A_1112 = arith.index_cast %parallel_loop3A_518 : i32 to index
        %parallel_loop3A_1113 = tpu.vector_load %arg14[%parallel_loop3A_1109, %parallel_loop3A_1110, %parallel_loop3A_1111, %parallel_loop3A_1112] {strides = array<i32>} : memref<8x4x8x128xf32, #tpu.memory_space<vmem>>, vector<16xf32>,
        tpu.vector_store %arg14[%parallel_loop3A_1109, %parallel_loop3A_1110, %parallel_loop3A_1111, %parallel_loop3A_1112], %parallel_loop3A_1001 {strides = array<i32>} : memref<8x4x8x128xf32, #tpu.memory_space<vmem>>, vector<16xf32>,
        %parallel_loop3A_1114 = arith.constant 4 : i32
        %parallel_loop3A_1115 = arith.constant 5 : i32
        %parallel_loop3A_1116 = arith.index_cast %parallel_loop3A_1114 : i32 to index
        %parallel_loop3A_1117 = arith.index_cast %parallel_loop3A_487 : i32 to index
        %parallel_loop3A_1118 = arith.index_cast %parallel_loop3A_1115 : i32 to index
        %parallel_loop3A_1119 = arith.index_cast %parallel_loop3A_518 : i32 to index
        %parallel_loop3A_1120 = tpu.vector_load %arg14[%parallel_loop3A_1116, %parallel_loop3A_1117, %parallel_loop3A_1118, %parallel_loop3A_1119] {strides = array<i32>} : memref<8x4x8x128xf32, #tpu.memory_space<vmem>>, vector<16xf32>,
        tpu.vector_store %arg14[%parallel_loop3A_1116, %parallel_loop3A_1117, %parallel_loop3A_1118, %parallel_loop3A_1119], %parallel_loop3A_1008 {strides = array<i32>} : memref<8x4x8x128xf32, #tpu.memory_space<vmem>>, vector<16xf32>,
        %parallel_loop3A_1121 = arith.constant 4 : i32
        %parallel_loop3A_1122 = arith.constant 6 : i32
        %parallel_loop3A_1123 = arith.index_cast %parallel_loop3A_1121 : i32 to index
        %parallel_loop3A_1124 = arith.index_cast %parallel_loop3A_487 : i32 to index
        %parallel_loop3A_1125 = arith.index_cast %parallel_loop3A_1122 : i32 to index
        %parallel_loop3A_1126 = arith.index_cast %parallel_loop3A_518 : i32 to index
        %parallel_loop3A_1127 = tpu.vector_load %arg14[%parallel_loop3A_1123, %parallel_loop3A_1124, %parallel_loop3A_1125, %parallel_loop3A_1126] {strides = array<i32>} : memref<8x4x8x128xf32, #tpu.memory_space<vmem>>, vector<16xf32>,
        tpu.vector_store %arg14[%parallel_loop3A_1123, %parallel_loop3A_1124, %parallel_loop3A_1125, %parallel_loop3A_1126], %parallel_loop3A_1015 {strides = array<i32>} : memref<8x4x8x128xf32, #tpu.memory_space<vmem>>, vector<16xf32>,
        %parallel_loop3A_1128 = arith.constant 4 : i32
        %parallel_loop3A_1129 = arith.constant 7 : i32
        %parallel_loop3A_1130 = arith.index_cast %parallel_loop3A_1128 : i32 to index
        %parallel_loop3A_1131 = arith.index_cast %parallel_loop3A_487 : i32 to index
        %parallel_loop3A_1132 = arith.index_cast %parallel_loop3A_1129 : i32 to index
        %parallel_loop3A_1133 = arith.index_cast %parallel_loop3A_518 : i32 to index
        %parallel_loop3A_1134 = tpu.vector_load %arg14[%parallel_loop3A_1130, %parallel_loop3A_1131, %parallel_loop3A_1132, %parallel_loop3A_1133] {strides = array<i32>} : memref<8x4x8x128xf32, #tpu.memory_space<vmem>>, vector<16xf32>,
        tpu.vector_store %arg14[%parallel_loop3A_1130, %parallel_loop3A_1131, %parallel_loop3A_1132, %parallel_loop3A_1133], %parallel_loop3A_1022 {strides = array<i32>} : memref<8x4x8x128xf32, #tpu.memory_space<vmem>>, vector<16xf32>,
        %parallel_loop3A_1135 = arith.constant 5 : i32
        %parallel_loop3A_1136 = arith.constant 0 : i32
        %parallel_loop3A_1137 = arith.index_cast %parallel_loop3A_1135 : i32 to index
        %parallel_loop3A_1138 = arith.index_cast %parallel_loop3A_487 : i32 to index
        %parallel_loop3A_1139 = arith.index_cast %parallel_loop3A_1136 : i32 to index
        %parallel_loop3A_1140 = arith.index_cast %parallel_loop3A_518 : i32 to index
        %parallel_loop3A_1141 = tpu.vector_load %arg14[%parallel_loop3A_1137, %parallel_loop3A_1138, %parallel_loop3A_1139, %parallel_loop3A_1140] {strides = array<i32>} : memref<8x4x8x128xf32, #tpu.memory_space<vmem>>, vector<16xf32>,
        tpu.vector_store %arg14[%parallel_loop3A_1137, %parallel_loop3A_1138, %parallel_loop3A_1139, %parallel_loop3A_1140], %parallel_loop3A_1029 {strides = array<i32>} : memref<8x4x8x128xf32, #tpu.memory_space<vmem>>, vector<16xf32>,
        %parallel_loop3A_1142 = arith.constant 5 : i32
        %parallel_loop3A_1143 = arith.constant 1 : i32
        %parallel_loop3A_1144 = arith.index_cast %parallel_loop3A_1142 : i32 to index
        %parallel_loop3A_1145 = arith.index_cast %parallel_loop3A_487 : i32 to index
        %parallel_loop3A_1146 = arith.index_cast %parallel_loop3A_1143 : i32 to index
        %parallel_loop3A_1147 = arith.index_cast %parallel_loop3A_518 : i32 to index
        %parallel_loop3A_1148 = tpu.vector_load %arg14[%parallel_loop3A_1144, %parallel_loop3A_1145, %parallel_loop3A_1146, %parallel_loop3A_1147] {strides = array<i32>} : memref<8x4x8x128xf32, #tpu.memory_space<vmem>>, vector<16xf32>,
        tpu.vector_store %arg14[%parallel_loop3A_1144, %parallel_loop3A_1145, %parallel_loop3A_1146, %parallel_loop3A_1147], %parallel_loop3A_1036 {strides = array<i32>} : memref<8x4x8x128xf32, #tpu.memory_space<vmem>>, vector<16xf32>,
        %parallel_loop3A_1149 = arith.constant 5 : i32
        %parallel_loop3A_1150 = arith.constant 2 : i32
        %parallel_loop3A_1151 = arith.index_cast %parallel_loop3A_1149 : i32 to index
        %parallel_loop3A_1152 = arith.index_cast %parallel_loop3A_487 : i32 to index
        %parallel_loop3A_1153 = arith.index_cast %parallel_loop3A_1150 : i32 to index
        %parallel_loop3A_1154 = arith.index_cast %parallel_loop3A_518 : i32 to index
        %parallel_loop3A_1155 = tpu.vector_load %arg14[%parallel_loop3A_1151, %parallel_loop3A_1152, %parallel_loop3A_1153, %parallel_loop3A_1154] {strides = array<i32>} : memref<8x4x8x128xf32, #tpu.memory_space<vmem>>, vector<16xf32>,
        tpu.vector_store %arg14[%parallel_loop3A_1151, %parallel_loop3A_1152, %parallel_loop3A_1153, %parallel_loop3A_1154], %parallel_loop3A_1043 {strides = array<i32>} : memref<8x4x8x128xf32, #tpu.memory_space<vmem>>, vector<16xf32>,
        %parallel_loop3A_1156 = arith.constant 5 : i32
        %parallel_loop3A_1157 = arith.constant 3 : i32
        %parallel_loop3A_1158 = arith.index_cast %parallel_loop3A_1156 : i32 to index
        %parallel_loop3A_1159 = arith.index_cast %parallel_loop3A_487 : i32 to index
        %parallel_loop3A_1160 = arith.index_cast %parallel_loop3A_1157 : i32 to index
        %parallel_loop3A_1161 = arith.index_cast %parallel_loop3A_518 : i32 to index
        %parallel_loop3A_1162 = tpu.vector_load %arg14[%parallel_loop3A_1158, %parallel_loop3A_1159, %parallel_loop3A_1160, %parallel_loop3A_1161] {strides = array<i32>} : memref<8x4x8x128xf32, #tpu.memory_space<vmem>>, vector<16xf32>,
        tpu.vector_store %arg14[%parallel_loop3A_1158, %parallel_loop3A_1159, %parallel_loop3A_1160, %parallel_loop3A_1161], %parallel_loop3A_1050 {strides = array<i32>} : memref<8x4x8x128xf32, #tpu.memory_space<vmem>>, vector<16xf32>,
        %parallel_loop3A_1163 = arith.constant 5 : i32
        %parallel_loop3A_1164 = arith.constant 4 : i32
        %parallel_loop3A_1165 = arith.index_cast %parallel_loop3A_1163 : i32 to index
        %parallel_loop3A_1166 = arith.index_cast %parallel_loop3A_487 : i32 to index
        %parallel_loop3A_1167 = arith.index_cast %parallel_loop3A_1164 : i32 to index
        %parallel_loop3A_1168 = arith.index_cast %parallel_loop3A_518 : i32 to index
        %parallel_loop3A_1169 = tpu.vector_load %arg14[%parallel_loop3A_1165, %parallel_loop3A_1166, %parallel_loop3A_1167, %parallel_loop3A_1168] {strides = array<i32>} : memref<8x4x8x128xf32, #tpu.memory_space<vmem>>, vector<16xf32>,
        tpu.vector_store %arg14[%parallel_loop3A_1165, %parallel_loop3A_1166, %parallel_loop3A_1167, %parallel_loop3A_1168], %parallel_loop3A_1057 {strides = array<i32>} : memref<8x4x8x128xf32, #tpu.memory_space<vmem>>, vector<16xf32>,
        %parallel_loop3A_1170 = arith.constant 5 : i32
        %parallel_loop3A_1171 = arith.constant 5 : i32
        %parallel_loop3A_1172 = arith.index_cast %parallel_loop3A_1170 : i32 to index
        %parallel_loop3A_1173 = arith.index_cast %parallel_loop3A_487 : i32 to index
        %parallel_loop3A_1174 = arith.index_cast %parallel_loop3A_1171 : i32 to index
        %parallel_loop3A_1175 = arith.index_cast %parallel_loop3A_518 : i32 to index
        %parallel_loop3A_1176 = tpu.vector_load %arg14[%parallel_loop3A_1172, %parallel_loop3A_1173, %parallel_loop3A_1174, %parallel_loop3A_1175] {strides = array<i32>} : memref<8x4x8x128xf32, #tpu.memory_space<vmem>>, vector<16xf32>,
        tpu.vector_store %arg14[%parallel_loop3A_1172, %parallel_loop3A_1173, %parallel_loop3A_1174, %parallel_loop3A_1175], %parallel_loop3A_1064 {strides = array<i32>} : memref<8x4x8x128xf32, #tpu.memory_space<vmem>>, vector<16xf32>,
        %parallel_loop3A_1177 = arith.constant 5 : i32
        %parallel_loop3A_1178 = arith.constant 6 : i32
        %parallel_loop3A_1179 = arith.index_cast %parallel_loop3A_1177 : i32 to index
        %parallel_loop3A_1180 = arith.index_cast %parallel_loop3A_487 : i32 to index
        %parallel_loop3A_1181 = arith.index_cast %parallel_loop3A_1178 : i32 to index
        %parallel_loop3A_1182 = arith.index_cast %parallel_loop3A_518 : i32 to index
        %parallel_loop3A_1183 = tpu.vector_load %arg14[%parallel_loop3A_1179, %parallel_loop3A_1180, %parallel_loop3A_1181, %parallel_loop3A_1182] {strides = array<i32>} : memref<8x4x8x128xf32, #tpu.memory_space<vmem>>, vector<16xf32>,
        tpu.vector_store %arg14[%parallel_loop3A_1179, %parallel_loop3A_1180, %parallel_loop3A_1181, %parallel_loop3A_1182], %parallel_loop3A_1071 {strides = array<i32>} : memref<8x4x8x128xf32, #tpu.memory_space<vmem>>, vector<16xf32>,
        %parallel_loop3A_1184 = arith.constant 5 : i32
        %parallel_loop3A_1185 = arith.constant 7 : i32
        %parallel_loop3A_1186 = arith.index_cast %parallel_loop3A_1184 : i32 to index
        %parallel_loop3A_1187 = arith.index_cast %parallel_loop3A_487 : i32 to index
        %parallel_loop3A_1188 = arith.index_cast %parallel_loop3A_1185 : i32 to index
        %parallel_loop3A_1189 = arith.index_cast %parallel_loop3A_518 : i32 to index
        %parallel_loop3A_1190 = tpu.vector_load %arg14[%parallel_loop3A_1186, %parallel_loop3A_1187, %parallel_loop3A_1188, %parallel_loop3A_1189] {strides = array<i32>} : memref<8x4x8x128xf32, #tpu.memory_space<vmem>>, vector<16xf32>,
        tpu.vector_store %arg14[%parallel_loop3A_1186, %parallel_loop3A_1187, %parallel_loop3A_1188, %parallel_loop3A_1189], %parallel_loop3A_1078 {strides = array<i32>} : memref<8x4x8x128xf32, #tpu.memory_space<vmem>>, vector<16xf32>,
        %parallel_loop3A_1191 = arith.constant 48 : i32
        %parallel_loop3A_1192 = vector.broadcast %parallel_loop3A_1191 : i32 to vector<16xi32>
        %parallel_loop3A_1193 = arith.addi %parallel_loop3A_516, %parallel_loop3A_1192 : vector<16xi32>
        %parallel_loop3A_1194 = arith.constant 0 : i32
        %parallel_loop3A_1195 = vector.broadcast %parallel_loop3A_1194 : i32 to vector<16xi32>
        %parallel_loop3A_1196 = arith.addi %parallel_loop3A_1193, %parallel_loop3A_1195 : vector<16xi32>
        %parallel_loop3A_1197 = tpu.vector_load_idx %arg9[%parallel_loop3A_1196] : memref<28800xf32, #tpu.memory_space<vmem>>[vector<16xi32>], vector<16xf32>,
        %parallel_loop3A_1198 = arith.constant 48 : i32
        %parallel_loop3A_1199 = vector.broadcast %parallel_loop3A_1198 : i32 to vector<16xi32>
        %parallel_loop3A_1200 = arith.addi %parallel_loop3A_516, %parallel_loop3A_1199 : vector<16xi32>
        %parallel_loop3A_1201 = arith.constant 1 : i32
        %parallel_loop3A_1202 = vector.broadcast %parallel_loop3A_1201 : i32 to vector<16xi32>
        %parallel_loop3A_1203 = arith.addi %parallel_loop3A_1200, %parallel_loop3A_1202 : vector<16xi32>
        %parallel_loop3A_1204 = tpu.vector_load_idx %arg9[%parallel_loop3A_1203] : memref<28800xf32, #tpu.memory_space<vmem>>[vector<16xi32>], vector<16xf32>,
        %parallel_loop3A_1205 = arith.constant 48 : i32
        %parallel_loop3A_1206 = vector.broadcast %parallel_loop3A_1205 : i32 to vector<16xi32>
        %parallel_loop3A_1207 = arith.addi %parallel_loop3A_516, %parallel_loop3A_1206 : vector<16xi32>
        %parallel_loop3A_1208 = arith.constant 2 : i32
        %parallel_loop3A_1209 = vector.broadcast %parallel_loop3A_1208 : i32 to vector<16xi32>
        %parallel_loop3A_1210 = arith.addi %parallel_loop3A_1207, %parallel_loop3A_1209 : vector<16xi32>
        %parallel_loop3A_1211 = tpu.vector_load_idx %arg9[%parallel_loop3A_1210] : memref<28800xf32, #tpu.memory_space<vmem>>[vector<16xi32>], vector<16xf32>,
        %parallel_loop3A_1212 = arith.constant 48 : i32
        %parallel_loop3A_1213 = vector.broadcast %parallel_loop3A_1212 : i32 to vector<16xi32>
        %parallel_loop3A_1214 = arith.addi %parallel_loop3A_516, %parallel_loop3A_1213 : vector<16xi32>
        %parallel_loop3A_1215 = arith.constant 3 : i32
        %parallel_loop3A_1216 = vector.broadcast %parallel_loop3A_1215 : i32 to vector<16xi32>
        %parallel_loop3A_1217 = arith.addi %parallel_loop3A_1214, %parallel_loop3A_1216 : vector<16xi32>
        %parallel_loop3A_1218 = tpu.vector_load_idx %arg9[%parallel_loop3A_1217] : memref<28800xf32, #tpu.memory_space<vmem>>[vector<16xi32>], vector<16xf32>,
        %parallel_loop3A_1219 = arith.constant 48 : i32
        %parallel_loop3A_1220 = vector.broadcast %parallel_loop3A_1219 : i32 to vector<16xi32>
        %parallel_loop3A_1221 = arith.addi %parallel_loop3A_516, %parallel_loop3A_1220 : vector<16xi32>
        %parallel_loop3A_1222 = arith.constant 4 : i32
        %parallel_loop3A_1223 = vector.broadcast %parallel_loop3A_1222 : i32 to vector<16xi32>
        %parallel_loop3A_1224 = arith.addi %parallel_loop3A_1221, %parallel_loop3A_1223 : vector<16xi32>
        %parallel_loop3A_1225 = tpu.vector_load_idx %arg9[%parallel_loop3A_1224] : memref<28800xf32, #tpu.memory_space<vmem>>[vector<16xi32>], vector<16xf32>,
        %parallel_loop3A_1226 = arith.constant 48 : i32
        %parallel_loop3A_1227 = vector.broadcast %parallel_loop3A_1226 : i32 to vector<16xi32>
        %parallel_loop3A_1228 = arith.addi %parallel_loop3A_516, %parallel_loop3A_1227 : vector<16xi32>
        %parallel_loop3A_1229 = arith.constant 5 : i32
        %parallel_loop3A_1230 = vector.broadcast %parallel_loop3A_1229 : i32 to vector<16xi32>
        %parallel_loop3A_1231 = arith.addi %parallel_loop3A_1228, %parallel_loop3A_1230 : vector<16xi32>
        %parallel_loop3A_1232 = tpu.vector_load_idx %arg9[%parallel_loop3A_1231] : memref<28800xf32, #tpu.memory_space<vmem>>[vector<16xi32>], vector<16xf32>,
        %parallel_loop3A_1233 = arith.constant 48 : i32
        %parallel_loop3A_1234 = vector.broadcast %parallel_loop3A_1233 : i32 to vector<16xi32>
        %parallel_loop3A_1235 = arith.addi %parallel_loop3A_516, %parallel_loop3A_1234 : vector<16xi32>
        %parallel_loop3A_1236 = arith.constant 6 : i32
        %parallel_loop3A_1237 = vector.broadcast %parallel_loop3A_1236 : i32 to vector<16xi32>
        %parallel_loop3A_1238 = arith.addi %parallel_loop3A_1235, %parallel_loop3A_1237 : vector<16xi32>
        %parallel_loop3A_1239 = tpu.vector_load_idx %arg9[%parallel_loop3A_1238] : memref<28800xf32, #tpu.memory_space<vmem>>[vector<16xi32>], vector<16xf32>,
        %parallel_loop3A_1240 = arith.constant 48 : i32
        %parallel_loop3A_1241 = vector.broadcast %parallel_loop3A_1240 : i32 to vector<16xi32>
        %parallel_loop3A_1242 = arith.addi %parallel_loop3A_516, %parallel_loop3A_1241 : vector<16xi32>
        %parallel_loop3A_1243 = arith.constant 7 : i32
        %parallel_loop3A_1244 = vector.broadcast %parallel_loop3A_1243 : i32 to vector<16xi32>
        %parallel_loop3A_1245 = arith.addi %parallel_loop3A_1242, %parallel_loop3A_1244 : vector<16xi32>
        %parallel_loop3A_1246 = tpu.vector_load_idx %arg9[%parallel_loop3A_1245] : memref<28800xf32, #tpu.memory_space<vmem>>[vector<16xi32>], vector<16xf32>,
        %parallel_loop3A_1247 = arith.constant 48 : i32
        %parallel_loop3A_1248 = vector.broadcast %parallel_loop3A_1247 : i32 to vector<16xi32>
        %parallel_loop3A_1249 = arith.addi %parallel_loop3A_516, %parallel_loop3A_1248 : vector<16xi32>
        %parallel_loop3A_1250 = arith.constant 8 : i32
        %parallel_loop3A_1251 = vector.broadcast %parallel_loop3A_1250 : i32 to vector<16xi32>
        %parallel_loop3A_1252 = arith.addi %parallel_loop3A_1249, %parallel_loop3A_1251 : vector<16xi32>
        %parallel_loop3A_1253 = tpu.vector_load_idx %arg9[%parallel_loop3A_1252] : memref<28800xf32, #tpu.memory_space<vmem>>[vector<16xi32>], vector<16xf32>,
        %parallel_loop3A_1254 = arith.constant 48 : i32
        %parallel_loop3A_1255 = vector.broadcast %parallel_loop3A_1254 : i32 to vector<16xi32>
        %parallel_loop3A_1256 = arith.addi %parallel_loop3A_516, %parallel_loop3A_1255 : vector<16xi32>
        %parallel_loop3A_1257 = arith.constant 9 : i32
        %parallel_loop3A_1258 = vector.broadcast %parallel_loop3A_1257 : i32 to vector<16xi32>
        %parallel_loop3A_1259 = arith.addi %parallel_loop3A_1256, %parallel_loop3A_1258 : vector<16xi32>
        %parallel_loop3A_1260 = tpu.vector_load_idx %arg9[%parallel_loop3A_1259] : memref<28800xf32, #tpu.memory_space<vmem>>[vector<16xi32>], vector<16xf32>,
        %parallel_loop3A_1261 = arith.constant 48 : i32
        %parallel_loop3A_1262 = vector.broadcast %parallel_loop3A_1261 : i32 to vector<16xi32>
        %parallel_loop3A_1263 = arith.addi %parallel_loop3A_516, %parallel_loop3A_1262 : vector<16xi32>
        %parallel_loop3A_1264 = arith.constant 10 : i32
        %parallel_loop3A_1265 = vector.broadcast %parallel_loop3A_1264 : i32 to vector<16xi32>
        %parallel_loop3A_1266 = arith.addi %parallel_loop3A_1263, %parallel_loop3A_1265 : vector<16xi32>
        %parallel_loop3A_1267 = tpu.vector_load_idx %arg9[%parallel_loop3A_1266] : memref<28800xf32, #tpu.memory_space<vmem>>[vector<16xi32>], vector<16xf32>,
        %parallel_loop3A_1268 = arith.constant 48 : i32
        %parallel_loop3A_1269 = vector.broadcast %parallel_loop3A_1268 : i32 to vector<16xi32>
        %parallel_loop3A_1270 = arith.addi %parallel_loop3A_516, %parallel_loop3A_1269 : vector<16xi32>
        %parallel_loop3A_1271 = arith.constant 11 : i32
        %parallel_loop3A_1272 = vector.broadcast %parallel_loop3A_1271 : i32 to vector<16xi32>
        %parallel_loop3A_1273 = arith.addi %parallel_loop3A_1270, %parallel_loop3A_1272 : vector<16xi32>
        %parallel_loop3A_1274 = tpu.vector_load_idx %arg9[%parallel_loop3A_1273] : memref<28800xf32, #tpu.memory_space<vmem>>[vector<16xi32>], vector<16xf32>,
        %parallel_loop3A_1275 = arith.constant 48 : i32
        %parallel_loop3A_1276 = vector.broadcast %parallel_loop3A_1275 : i32 to vector<16xi32>
        %parallel_loop3A_1277 = arith.addi %parallel_loop3A_516, %parallel_loop3A_1276 : vector<16xi32>
        %parallel_loop3A_1278 = arith.constant 12 : i32
        %parallel_loop3A_1279 = vector.broadcast %parallel_loop3A_1278 : i32 to vector<16xi32>
        %parallel_loop3A_1280 = arith.addi %parallel_loop3A_1277, %parallel_loop3A_1279 : vector<16xi32>
        %parallel_loop3A_1281 = tpu.vector_load_idx %arg9[%parallel_loop3A_1280] : memref<28800xf32, #tpu.memory_space<vmem>>[vector<16xi32>], vector<16xf32>,
        %parallel_loop3A_1282 = arith.constant 48 : i32
        %parallel_loop3A_1283 = vector.broadcast %parallel_loop3A_1282 : i32 to vector<16xi32>
        %parallel_loop3A_1284 = arith.addi %parallel_loop3A_516, %parallel_loop3A_1283 : vector<16xi32>
        %parallel_loop3A_1285 = arith.constant 13 : i32
        %parallel_loop3A_1286 = vector.broadcast %parallel_loop3A_1285 : i32 to vector<16xi32>
        %parallel_loop3A_1287 = arith.addi %parallel_loop3A_1284, %parallel_loop3A_1286 : vector<16xi32>
        %parallel_loop3A_1288 = tpu.vector_load_idx %arg9[%parallel_loop3A_1287] : memref<28800xf32, #tpu.memory_space<vmem>>[vector<16xi32>], vector<16xf32>,
        %parallel_loop3A_1289 = arith.constant 48 : i32
        %parallel_loop3A_1290 = vector.broadcast %parallel_loop3A_1289 : i32 to vector<16xi32>
        %parallel_loop3A_1291 = arith.addi %parallel_loop3A_516, %parallel_loop3A_1290 : vector<16xi32>
        %parallel_loop3A_1292 = arith.constant 14 : i32
        %parallel_loop3A_1293 = vector.broadcast %parallel_loop3A_1292 : i32 to vector<16xi32>
        %parallel_loop3A_1294 = arith.addi %parallel_loop3A_1291, %parallel_loop3A_1293 : vector<16xi32>
        %parallel_loop3A_1295 = tpu.vector_load_idx %arg9[%parallel_loop3A_1294] : memref<28800xf32, #tpu.memory_space<vmem>>[vector<16xi32>], vector<16xf32>,
        %parallel_loop3A_1296 = arith.constant 48 : i32
        %parallel_loop3A_1297 = vector.broadcast %parallel_loop3A_1296 : i32 to vector<16xi32>
        %parallel_loop3A_1298 = arith.addi %parallel_loop3A_516, %parallel_loop3A_1297 : vector<16xi32>
        %parallel_loop3A_1299 = arith.constant 15 : i32
        %parallel_loop3A_1300 = vector.broadcast %parallel_loop3A_1299 : i32 to vector<16xi32>
        %parallel_loop3A_1301 = arith.addi %parallel_loop3A_1298, %parallel_loop3A_1300 : vector<16xi32>
        %parallel_loop3A_1302 = tpu.vector_load_idx %arg9[%parallel_loop3A_1301] : memref<28800xf32, #tpu.memory_space<vmem>>[vector<16xi32>], vector<16xf32>,
        %parallel_loop3A_1303 = arith.constant 6 : i32
        %parallel_loop3A_1304 = arith.constant 0 : i32
        %parallel_loop3A_1305 = arith.index_cast %parallel_loop3A_1303 : i32 to index
        %parallel_loop3A_1306 = arith.index_cast %parallel_loop3A_487 : i32 to index
        %parallel_loop3A_1307 = arith.index_cast %parallel_loop3A_1304 : i32 to index
        %parallel_loop3A_1308 = arith.index_cast %parallel_loop3A_518 : i32 to index
        %parallel_loop3A_1309 = tpu.vector_load %arg14[%parallel_loop3A_1305, %parallel_loop3A_1306, %parallel_loop3A_1307, %parallel_loop3A_1308] {strides = array<i32>} : memref<8x4x8x128xf32, #tpu.memory_space<vmem>>, vector<16xf32>,
        tpu.vector_store %arg14[%parallel_loop3A_1305, %parallel_loop3A_1306, %parallel_loop3A_1307, %parallel_loop3A_1308], %parallel_loop3A_1197 {strides = array<i32>} : memref<8x4x8x128xf32, #tpu.memory_space<vmem>>, vector<16xf32>,
        %parallel_loop3A_1310 = arith.constant 6 : i32
        %parallel_loop3A_1311 = arith.constant 1 : i32
        %parallel_loop3A_1312 = arith.index_cast %parallel_loop3A_1310 : i32 to index
        %parallel_loop3A_1313 = arith.index_cast %parallel_loop3A_487 : i32 to index
        %parallel_loop3A_1314 = arith.index_cast %parallel_loop3A_1311 : i32 to index
        %parallel_loop3A_1315 = arith.index_cast %parallel_loop3A_518 : i32 to index
        %parallel_loop3A_1316 = tpu.vector_load %arg14[%parallel_loop3A_1312, %parallel_loop3A_1313, %parallel_loop3A_1314, %parallel_loop3A_1315] {strides = array<i32>} : memref<8x4x8x128xf32, #tpu.memory_space<vmem>>, vector<16xf32>,
        tpu.vector_store %arg14[%parallel_loop3A_1312, %parallel_loop3A_1313, %parallel_loop3A_1314, %parallel_loop3A_1315], %parallel_loop3A_1204 {strides = array<i32>} : memref<8x4x8x128xf32, #tpu.memory_space<vmem>>, vector<16xf32>,
        %parallel_loop3A_1317 = arith.constant 6 : i32
        %parallel_loop3A_1318 = arith.constant 2 : i32
        %parallel_loop3A_1319 = arith.index_cast %parallel_loop3A_1317 : i32 to index
        %parallel_loop3A_1320 = arith.index_cast %parallel_loop3A_487 : i32 to index
        %parallel_loop3A_1321 = arith.index_cast %parallel_loop3A_1318 : i32 to index
        %parallel_loop3A_1322 = arith.index_cast %parallel_loop3A_518 : i32 to index
        %parallel_loop3A_1323 = tpu.vector_load %arg14[%parallel_loop3A_1319, %parallel_loop3A_1320, %parallel_loop3A_1321, %parallel_loop3A_1322] {strides = array<i32>} : memref<8x4x8x128xf32, #tpu.memory_space<vmem>>, vector<16xf32>,
        tpu.vector_store %arg14[%parallel_loop3A_1319, %parallel_loop3A_1320, %parallel_loop3A_1321, %parallel_loop3A_1322], %parallel_loop3A_1211 {strides = array<i32>} : memref<8x4x8x128xf32, #tpu.memory_space<vmem>>, vector<16xf32>,
        %parallel_loop3A_1324 = arith.constant 6 : i32
        %parallel_loop3A_1325 = arith.constant 3 : i32
        %parallel_loop3A_1326 = arith.index_cast %parallel_loop3A_1324 : i32 to index
        %parallel_loop3A_1327 = arith.index_cast %parallel_loop3A_487 : i32 to index
        %parallel_loop3A_1328 = arith.index_cast %parallel_loop3A_1325 : i32 to index
        %parallel_loop3A_1329 = arith.index_cast %parallel_loop3A_518 : i32 to index
        %parallel_loop3A_1330 = tpu.vector_load %arg14[%parallel_loop3A_1326, %parallel_loop3A_1327, %parallel_loop3A_1328, %parallel_loop3A_1329] {strides = array<i32>} : memref<8x4x8x128xf32, #tpu.memory_space<vmem>>, vector<16xf32>,
        tpu.vector_store %arg14[%parallel_loop3A_1326, %parallel_loop3A_1327, %parallel_loop3A_1328, %parallel_loop3A_1329], %parallel_loop3A_1218 {strides = array<i32>} : memref<8x4x8x128xf32, #tpu.memory_space<vmem>>, vector<16xf32>,
        %parallel_loop3A_1331 = arith.constant 6 : i32
        %parallel_loop3A_1332 = arith.constant 4 : i32
        %parallel_loop3A_1333 = arith.index_cast %parallel_loop3A_1331 : i32 to index
        %parallel_loop3A_1334 = arith.index_cast %parallel_loop3A_487 : i32 to index
        %parallel_loop3A_1335 = arith.index_cast %parallel_loop3A_1332 : i32 to index
        %parallel_loop3A_1336 = arith.index_cast %parallel_loop3A_518 : i32 to index
        %parallel_loop3A_1337 = tpu.vector_load %arg14[%parallel_loop3A_1333, %parallel_loop3A_1334, %parallel_loop3A_1335, %parallel_loop3A_1336] {strides = array<i32>} : memref<8x4x8x128xf32, #tpu.memory_space<vmem>>, vector<16xf32>,
        tpu.vector_store %arg14[%parallel_loop3A_1333, %parallel_loop3A_1334, %parallel_loop3A_1335, %parallel_loop3A_1336], %parallel_loop3A_1225 {strides = array<i32>} : memref<8x4x8x128xf32, #tpu.memory_space<vmem>>, vector<16xf32>,
        %parallel_loop3A_1338 = arith.constant 6 : i32
        %parallel_loop3A_1339 = arith.constant 5 : i32
        %parallel_loop3A_1340 = arith.index_cast %parallel_loop3A_1338 : i32 to index
        %parallel_loop3A_1341 = arith.index_cast %parallel_loop3A_487 : i32 to index
        %parallel_loop3A_1342 = arith.index_cast %parallel_loop3A_1339 : i32 to index
        %parallel_loop3A_1343 = arith.index_cast %parallel_loop3A_518 : i32 to index
        %parallel_loop3A_1344 = tpu.vector_load %arg14[%parallel_loop3A_1340, %parallel_loop3A_1341, %parallel_loop3A_1342, %parallel_loop3A_1343] {strides = array<i32>} : memref<8x4x8x128xf32, #tpu.memory_space<vmem>>, vector<16xf32>,
        tpu.vector_store %arg14[%parallel_loop3A_1340, %parallel_loop3A_1341, %parallel_loop3A_1342, %parallel_loop3A_1343], %parallel_loop3A_1232 {strides = array<i32>} : memref<8x4x8x128xf32, #tpu.memory_space<vmem>>, vector<16xf32>,
        %parallel_loop3A_1345 = arith.constant 6 : i32
        %parallel_loop3A_1346 = arith.constant 6 : i32
        %parallel_loop3A_1347 = arith.index_cast %parallel_loop3A_1345 : i32 to index
        %parallel_loop3A_1348 = arith.index_cast %parallel_loop3A_487 : i32 to index
        %parallel_loop3A_1349 = arith.index_cast %parallel_loop3A_1346 : i32 to index
        %parallel_loop3A_1350 = arith.index_cast %parallel_loop3A_518 : i32 to index
        %parallel_loop3A_1351 = tpu.vector_load %arg14[%parallel_loop3A_1347, %parallel_loop3A_1348, %parallel_loop3A_1349, %parallel_loop3A_1350] {strides = array<i32>} : memref<8x4x8x128xf32, #tpu.memory_space<vmem>>, vector<16xf32>,
        tpu.vector_store %arg14[%parallel_loop3A_1347, %parallel_loop3A_1348, %parallel_loop3A_1349, %parallel_loop3A_1350], %parallel_loop3A_1239 {strides = array<i32>} : memref<8x4x8x128xf32, #tpu.memory_space<vmem>>, vector<16xf32>,
        %parallel_loop3A_1352 = arith.constant 6 : i32
        %parallel_loop3A_1353 = arith.constant 7 : i32
        %parallel_loop3A_1354 = arith.index_cast %parallel_loop3A_1352 : i32 to index
        %parallel_loop3A_1355 = arith.index_cast %parallel_loop3A_487 : i32 to index
        %parallel_loop3A_1356 = arith.index_cast %parallel_loop3A_1353 : i32 to index
        %parallel_loop3A_1357 = arith.index_cast %parallel_loop3A_518 : i32 to index
        %parallel_loop3A_1358 = tpu.vector_load %arg14[%parallel_loop3A_1354, %parallel_loop3A_1355, %parallel_loop3A_1356, %parallel_loop3A_1357] {strides = array<i32>} : memref<8x4x8x128xf32, #tpu.memory_space<vmem>>, vector<16xf32>,
        tpu.vector_store %arg14[%parallel_loop3A_1354, %parallel_loop3A_1355, %parallel_loop3A_1356, %parallel_loop3A_1357], %parallel_loop3A_1246 {strides = array<i32>} : memref<8x4x8x128xf32, #tpu.memory_space<vmem>>, vector<16xf32>,
        %parallel_loop3A_1359 = arith.constant 7 : i32
        %parallel_loop3A_1360 = arith.constant 0 : i32
        %parallel_loop3A_1361 = arith.index_cast %parallel_loop3A_1359 : i32 to index
        %parallel_loop3A_1362 = arith.index_cast %parallel_loop3A_487 : i32 to index
        %parallel_loop3A_1363 = arith.index_cast %parallel_loop3A_1360 : i32 to index
        %parallel_loop3A_1364 = arith.index_cast %parallel_loop3A_518 : i32 to index
        %parallel_loop3A_1365 = tpu.vector_load %arg14[%parallel_loop3A_1361, %parallel_loop3A_1362, %parallel_loop3A_1363, %parallel_loop3A_1364] {strides = array<i32>} : memref<8x4x8x128xf32, #tpu.memory_space<vmem>>, vector<16xf32>,
        tpu.vector_store %arg14[%parallel_loop3A_1361, %parallel_loop3A_1362, %parallel_loop3A_1363, %parallel_loop3A_1364], %parallel_loop3A_1253 {strides = array<i32>} : memref<8x4x8x128xf32, #tpu.memory_space<vmem>>, vector<16xf32>,
        %parallel_loop3A_1366 = arith.constant 7 : i32
        %parallel_loop3A_1367 = arith.constant 1 : i32
        %parallel_loop3A_1368 = arith.index_cast %parallel_loop3A_1366 : i32 to index
        %parallel_loop3A_1369 = arith.index_cast %parallel_loop3A_487 : i32 to index
        %parallel_loop3A_1370 = arith.index_cast %parallel_loop3A_1367 : i32 to index
        %parallel_loop3A_1371 = arith.index_cast %parallel_loop3A_518 : i32 to index
        %parallel_loop3A_1372 = tpu.vector_load %arg14[%parallel_loop3A_1368, %parallel_loop3A_1369, %parallel_loop3A_1370, %parallel_loop3A_1371] {strides = array<i32>} : memref<8x4x8x128xf32, #tpu.memory_space<vmem>>, vector<16xf32>,
        tpu.vector_store %arg14[%parallel_loop3A_1368, %parallel_loop3A_1369, %parallel_loop3A_1370, %parallel_loop3A_1371], %parallel_loop3A_1260 {strides = array<i32>} : memref<8x4x8x128xf32, #tpu.memory_space<vmem>>, vector<16xf32>,
        %parallel_loop3A_1373 = arith.constant 7 : i32
        %parallel_loop3A_1374 = arith.constant 2 : i32
        %parallel_loop3A_1375 = arith.index_cast %parallel_loop3A_1373 : i32 to index
        %parallel_loop3A_1376 = arith.index_cast %parallel_loop3A_487 : i32 to index
        %parallel_loop3A_1377 = arith.index_cast %parallel_loop3A_1374 : i32 to index
        %parallel_loop3A_1378 = arith.index_cast %parallel_loop3A_518 : i32 to index
        %parallel_loop3A_1379 = tpu.vector_load %arg14[%parallel_loop3A_1375, %parallel_loop3A_1376, %parallel_loop3A_1377, %parallel_loop3A_1378] {strides = array<i32>} : memref<8x4x8x128xf32, #tpu.memory_space<vmem>>, vector<16xf32>,
        tpu.vector_store %arg14[%parallel_loop3A_1375, %parallel_loop3A_1376, %parallel_loop3A_1377, %parallel_loop3A_1378], %parallel_loop3A_1267 {strides = array<i32>} : memref<8x4x8x128xf32, #tpu.memory_space<vmem>>, vector<16xf32>,
        %parallel_loop3A_1380 = arith.constant 7 : i32
        %parallel_loop3A_1381 = arith.constant 3 : i32
        %parallel_loop3A_1382 = arith.index_cast %parallel_loop3A_1380 : i32 to index
        %parallel_loop3A_1383 = arith.index_cast %parallel_loop3A_487 : i32 to index
        %parallel_loop3A_1384 = arith.index_cast %parallel_loop3A_1381 : i32 to index
        %parallel_loop3A_1385 = arith.index_cast %parallel_loop3A_518 : i32 to index
        %parallel_loop3A_1386 = tpu.vector_load %arg14[%parallel_loop3A_1382, %parallel_loop3A_1383, %parallel_loop3A_1384, %parallel_loop3A_1385] {strides = array<i32>} : memref<8x4x8x128xf32, #tpu.memory_space<vmem>>, vector<16xf32>,
        tpu.vector_store %arg14[%parallel_loop3A_1382, %parallel_loop3A_1383, %parallel_loop3A_1384, %parallel_loop3A_1385], %parallel_loop3A_1274 {strides = array<i32>} : memref<8x4x8x128xf32, #tpu.memory_space<vmem>>, vector<16xf32>,
        %parallel_loop3A_1387 = arith.constant 7 : i32
        %parallel_loop3A_1388 = arith.constant 4 : i32
        %parallel_loop3A_1389 = arith.index_cast %parallel_loop3A_1387 : i32 to index
        %parallel_loop3A_1390 = arith.index_cast %parallel_loop3A_487 : i32 to index
        %parallel_loop3A_1391 = arith.index_cast %parallel_loop3A_1388 : i32 to index
        %parallel_loop3A_1392 = arith.index_cast %parallel_loop3A_518 : i32 to index
        %parallel_loop3A_1393 = tpu.vector_load %arg14[%parallel_loop3A_1389, %parallel_loop3A_1390, %parallel_loop3A_1391, %parallel_loop3A_1392] {strides = array<i32>} : memref<8x4x8x128xf32, #tpu.memory_space<vmem>>, vector<16xf32>,
        tpu.vector_store %arg14[%parallel_loop3A_1389, %parallel_loop3A_1390, %parallel_loop3A_1391, %parallel_loop3A_1392], %parallel_loop3A_1281 {strides = array<i32>} : memref<8x4x8x128xf32, #tpu.memory_space<vmem>>, vector<16xf32>,
        %parallel_loop3A_1394 = arith.constant 7 : i32
        %parallel_loop3A_1395 = arith.constant 5 : i32
        %parallel_loop3A_1396 = arith.index_cast %parallel_loop3A_1394 : i32 to index
        %parallel_loop3A_1397 = arith.index_cast %parallel_loop3A_487 : i32 to index
        %parallel_loop3A_1398 = arith.index_cast %parallel_loop3A_1395 : i32 to index
        %parallel_loop3A_1399 = arith.index_cast %parallel_loop3A_518 : i32 to index
        %parallel_loop3A_1400 = tpu.vector_load %arg14[%parallel_loop3A_1396, %parallel_loop3A_1397, %parallel_loop3A_1398, %parallel_loop3A_1399] {strides = array<i32>} : memref<8x4x8x128xf32, #tpu.memory_space<vmem>>, vector<16xf32>,
        tpu.vector_store %arg14[%parallel_loop3A_1396, %parallel_loop3A_1397, %parallel_loop3A_1398, %parallel_loop3A_1399], %parallel_loop3A_1288 {strides = array<i32>} : memref<8x4x8x128xf32, #tpu.memory_space<vmem>>, vector<16xf32>,
        %parallel_loop3A_1401 = arith.constant 7 : i32
        %parallel_loop3A_1402 = arith.constant 6 : i32
        %parallel_loop3A_1403 = arith.index_cast %parallel_loop3A_1401 : i32 to index
        %parallel_loop3A_1404 = arith.index_cast %parallel_loop3A_487 : i32 to index
        %parallel_loop3A_1405 = arith.index_cast %parallel_loop3A_1402 : i32 to index
        %parallel_loop3A_1406 = arith.index_cast %parallel_loop3A_518 : i32 to index
        %parallel_loop3A_1407 = tpu.vector_load %arg14[%parallel_loop3A_1403, %parallel_loop3A_1404, %parallel_loop3A_1405, %parallel_loop3A_1406] {strides = array<i32>} : memref<8x4x8x128xf32, #tpu.memory_space<vmem>>, vector<16xf32>,
        tpu.vector_store %arg14[%parallel_loop3A_1403, %parallel_loop3A_1404, %parallel_loop3A_1405, %parallel_loop3A_1406], %parallel_loop3A_1295 {strides = array<i32>} : memref<8x4x8x128xf32, #tpu.memory_space<vmem>>, vector<16xf32>,
        %parallel_loop3A_1408 = arith.constant 7 : i32
        %parallel_loop3A_1409 = arith.constant 7 : i32
        %parallel_loop3A_1410 = arith.index_cast %parallel_loop3A_1408 : i32 to index
        %parallel_loop3A_1411 = arith.index_cast %parallel_loop3A_487 : i32 to index
        %parallel_loop3A_1412 = arith.index_cast %parallel_loop3A_1409 : i32 to index
        %parallel_loop3A_1413 = arith.index_cast %parallel_loop3A_518 : i32 to index
        %parallel_loop3A_1414 = tpu.vector_load %arg14[%parallel_loop3A_1410, %parallel_loop3A_1411, %parallel_loop3A_1412, %parallel_loop3A_1413] {strides = array<i32>} : memref<8x4x8x128xf32, #tpu.memory_space<vmem>>, vector<16xf32>,
        tpu.vector_store %arg14[%parallel_loop3A_1410, %parallel_loop3A_1411, %parallel_loop3A_1412, %parallel_loop3A_1413], %parallel_loop3A_1302 {strides = array<i32>} : memref<8x4x8x128xf32, #tpu.memory_space<vmem>>, vector<16xf32>,
      } {sc.loop_unroll_factor = 1 : i64, sc.parallel_access}
      %add3A_282 = arith.constant 2 : i32
      %add3A_283 = arith.addi %add3A_226, %add3A_282 : i32
      %lt3A_284 = arith.constant 100 : i32
      %lt3A_285 = arith.cmpi slt, %add3A_283, %lt3A_284 : i32
      %convert_element_type3A_286 = arith.extui %lt3A_285 : i1 to i32
      %cond3A_287 = arith.constant 0 : i32
      %cond3A_288 = arith.cmpi ne, %convert_element_type3A_286, %cond3A_287 : i32
      scf.if %cond3A_288 {
        %add3A_463 = arith.constant 2 : i32
        %add3A_464 = arith.addi %add3A_227, %add3A_463 : i32
        %jit3A_465 = arith.constant 8 : i32
        %div3A_466 = arith.divsi %add3A_464, %jit3A_465 : i32
        %sign3A_467 = arith.constant 0 : i32
        %sign3A_468 = arith.cmpi sgt, %add3A_464, %sign3A_467 : i32
        %sign3A_469 = arith.extui %sign3A_468 : i1 to i32
        %sign3A_470 = arith.constant 0 : i32
        %sign3A_471 = arith.cmpi slt, %add3A_464, %sign3A_470 : i32
        %sign3A_472 = arith.extui %sign3A_471 : i1 to i32
        %sign3A_473 = arith.subi %sign3A_469, %sign3A_472 : i32
        %sign3A_474 = arith.constant 0 : i32
        %sign3A_475 = arith.cmpi sgt, %jit3A_465, %sign3A_474 : i32
        %sign3A_476 = arith.extui %sign3A_475 : i1 to i32
        %sign3A_477 = arith.constant 0 : i32
        %sign3A_478 = arith.cmpi slt, %jit3A_465, %sign3A_477 : i32
        %sign3A_479 = arith.extui %sign3A_478 : i1 to i32
        %sign3A_480 = arith.subi %sign3A_476, %sign3A_479 : i32
        %ne3A_481 = arith.cmpi ne, %sign3A_473, %sign3A_480 : i32
        %rem3A_482 = arith.remsi %add3A_464, %jit3A_465 : i32
        %ne3A_483 = arith.constant 0 : i32
        %ne3A_484 = arith.cmpi ne, %rem3A_482, %ne3A_483 : i32
        %and3A_485 = arith.andi %ne3A_481, %ne3A_484 : i1
        %sub3A_486 = arith.constant 1 : i32
        %sub3A_487 = arith.subi %div3A_466, %sub3A_486 : i32
        %select_n3A_488 = arith.select %and3A_485, %sub3A_487, %div3A_466 : i32
        %jit3A_489 = arith.constant 8 : i32
        %eq3A_490 = arith.constant 0 : i32
        %eq3A_491 = arith.cmpi eq, %jit3A_489, %eq3A_490 : i32
        %jit3A_492 = arith.constant 1 : i32
        %select_n3A_493 = arith.select %eq3A_491, %jit3A_492, %jit3A_489 : i32
        %rem3A_494 = arith.remsi %add3A_464, %select_n3A_493 : i32
        %ne3A_495 = arith.constant 0 : i32
        %ne3A_496 = arith.cmpi ne, %rem3A_494, %ne3A_495 : i32
        %lt3A_497 = arith.constant 0 : i32
        %lt3A_498 = arith.cmpi slt, %rem3A_494, %lt3A_497 : i32
        %lt3A_499 = arith.constant 0 : i32
        %lt3A_500 = arith.cmpi slt, %select_n3A_493, %lt3A_499 : i32
        %ne3A_501 = arith.xori %lt3A_498, %lt3A_500 : i1
        %and3A_502 = arith.andi %ne3A_501, %ne3A_496 : i1
        %add3A_503 = arith.addi %rem3A_494, %select_n3A_493 : i32
        %select_n3A_504 = arith.select %and3A_502, %add3A_503, %rem3A_494 : i32
        %mul3A_505 = arith.constant 512 : i32
        %mul3A_506 = arith.muli %select_n3A_504, %mul3A_505 : i32
        %dma_start3A_507 = tpu.memref_slice %arg2[%select_n3A_488, %mul3A_506] : memref<400x4096xi32, #tpu.memory_space<hbm>> -> memref<1x512xi32, #tpu.memory_space<hbm>>
        %dma_start3A_508 = tpu.memref_squeeze %dma_start3A_507 : memref<1x512xi32, #tpu.memory_space<hbm>> -> memref<512xi32, #tpu.memory_space<hbm>>
        %dma_start3A_509 = tpu.memref_slice %arg2[%select_n3A_488, %mul3A_506] : memref<400x4096xi32, #tpu.memory_space<hbm>> -> memref<1x512xi32, #tpu.memory_space<hbm>>
        %dma_start3A_510 = tpu.memref_squeeze %dma_start3A_509 : memref<1x512xi32, #tpu.memory_space<hbm>> -> memref<512xi32, #tpu.memory_space<hbm>>
        tpu.enqueue_dma source(%dma_start3A_510 : memref<512xi32, #tpu.memory_space<hbm>>) target(%arg10 : memref<512xi32, #tpu.memory_space<vmem>>) target_semaphore(%arg16 : memref<!tpu.dma_semaphore, #tpu.memory_space<semaphore_mem>>)
        %dma_start3A_511 = tpu.memref_slice %arg3[%select_n3A_488, %mul3A_506] : memref<400x4096xi32, #tpu.memory_space<hbm>> -> memref<1x512xi32, #tpu.memory_space<hbm>>
        %dma_start3A_512 = tpu.memref_squeeze %dma_start3A_511 : memref<1x512xi32, #tpu.memory_space<hbm>> -> memref<512xi32, #tpu.memory_space<hbm>>
        %dma_start3A_513 = tpu.memref_slice %arg3[%select_n3A_488, %mul3A_506] : memref<400x4096xi32, #tpu.memory_space<hbm>> -> memref<1x512xi32, #tpu.memory_space<hbm>>
        %dma_start3A_514 = tpu.memref_squeeze %dma_start3A_513 : memref<1x512xi32, #tpu.memory_space<hbm>> -> memref<512xi32, #tpu.memory_space<hbm>>
        tpu.enqueue_dma source(%dma_start3A_514 : memref<512xi32, #tpu.memory_space<hbm>>) target(%arg12 : memref<512xi32, #tpu.memory_space<vmem>>) target_semaphore(%arg16 : memref<!tpu.dma_semaphore, #tpu.memory_space<semaphore_mem>>)
      } else {
      }
      %jit3A_289 = arith.constant 8 : i32
      %div3A_290 = arith.divsi %add3A_227, %jit3A_289 : i32
      %sign3A_291 = arith.constant 0 : i32
      %sign3A_292 = arith.cmpi sgt, %add3A_227, %sign3A_291 : i32
      %sign3A_293 = arith.extui %sign3A_292 : i1 to i32
      %sign3A_294 = arith.constant 0 : i32
      %sign3A_295 = arith.cmpi slt, %add3A_227, %sign3A_294 : i32
      %sign3A_296 = arith.extui %sign3A_295 : i1 to i32
      %sign3A_297 = arith.subi %sign3A_293, %sign3A_296 : i32
      %sign3A_298 = arith.constant 0 : i32
      %sign3A_299 = arith.cmpi sgt, %jit3A_289, %sign3A_298 : i32
      %sign3A_300 = arith.extui %sign3A_299 : i1 to i32
      %sign3A_301 = arith.constant 0 : i32
      %sign3A_302 = arith.cmpi slt, %jit3A_289, %sign3A_301 : i32
      %sign3A_303 = arith.extui %sign3A_302 : i1 to i32
      %sign3A_304 = arith.subi %sign3A_300, %sign3A_303 : i32
      %ne3A_305 = arith.cmpi ne, %sign3A_297, %sign3A_304 : i32
      %rem3A_306 = arith.remsi %add3A_227, %jit3A_289 : i32
      %ne3A_307 = arith.constant 0 : i32
      %ne3A_308 = arith.cmpi ne, %rem3A_306, %ne3A_307 : i32
      %and3A_309 = arith.andi %ne3A_305, %ne3A_308 : i1
      %sub3A_310 = arith.constant 1 : i32
      %sub3A_311 = arith.subi %div3A_290, %sub3A_310 : i32
      %select_n3A_312 = arith.select %and3A_309, %sub3A_311, %div3A_290 : i32
      %jit3A_313 = arith.constant 8 : i32
      %eq3A_314 = arith.constant 0 : i32
      %eq3A_315 = arith.cmpi eq, %jit3A_313, %eq3A_314 : i32
      %jit3A_316 = arith.constant 1 : i32
      %select_n3A_317 = arith.select %eq3A_315, %jit3A_316, %jit3A_313 : i32
      %rem3A_318 = arith.remsi %add3A_227, %select_n3A_317 : i32
      %ne3A_319 = arith.constant 0 : i32
      %ne3A_320 = arith.cmpi ne, %rem3A_318, %ne3A_319 : i32
      %lt3A_321 = arith.constant 0 : i32
      %lt3A_322 = arith.cmpi slt, %rem3A_318, %lt3A_321 : i32
      %lt3A_323 = arith.constant 0 : i32
      %lt3A_324 = arith.cmpi slt, %select_n3A_317, %lt3A_323 : i32
      %ne3A_325 = arith.xori %lt3A_322, %lt3A_324 : i1
      %and3A_326 = arith.andi %ne3A_325, %ne3A_320 : i1
      %add3A_327 = arith.addi %rem3A_318, %select_n3A_317 : i32
      %select_n3A_328 = arith.select %and3A_326, %add3A_327, %rem3A_318 : i32
      %mul3A_329 = arith.constant 4 : i32
      %mul3A_330 = arith.muli %select_n3A_328, %mul3A_329 : i32
      %dma_start3A_331 = arith.constant 0 : i32
      %dma_start3A_332 = arith.constant 0 : i32
      %dma_start3A_333 = arith.constant 0 : i32
      %dma_start3A_334 = tpu.memref_slice %arg6[%select_n3A_312, %dma_start3A_331, %mul3A_330, %dma_start3A_332, %dma_start3A_333] : memref<400x8x32x8x128xf32, #tpu.memory_space<hbm>> -> memref<1x8x4x8x128xf32, #tpu.memory_space<hbm>>
      %dma_start3A_335 = tpu.memref_squeeze %dma_start3A_334 : memref<1x8x4x8x128xf32, #tpu.memory_space<hbm>> -> memref<8x4x8x128xf32, #tpu.memory_space<hbm>>
      %dma_start3A_336 = arith.constant 0 : i32
      %dma_start3A_337 = arith.constant 0 : i32
      %dma_start3A_338 = arith.constant 0 : i32
      %dma_start3A_339 = tpu.memref_slice %arg6[%select_n3A_312, %dma_start3A_336, %mul3A_330, %dma_start3A_337, %dma_start3A_338] : memref<400x8x32x8x128xf32, #tpu.memory_space<hbm>> -> memref<1x8x4x8x128xf32, #tpu.memory_space<hbm>>
      %dma_start3A_340 = tpu.memref_squeeze %dma_start3A_339 : memref<1x8x4x8x128xf32, #tpu.memory_space<hbm>> -> memref<8x4x8x128xf32, #tpu.memory_space<hbm>>
      tpu.enqueue_dma source(%arg14 : memref<8x4x8x128xf32, #tpu.memory_space<vmem>>) target(%dma_start3A_340 : memref<8x4x8x128xf32, #tpu.memory_space<hbm>>) target_semaphore(%arg18 : memref<!tpu.dma_semaphore, #tpu.memory_space<semaphore_mem>>)
      %mul3A_341 = arith.constant 2 : i32
      %mul3A_342 = arith.muli %scan3A_222, %mul3A_341 : i32
      %add3A_343 = arith.constant 1 : i32
      %add3A_344 = arith.addi %mul3A_342, %add3A_343 : i32
      %add3A_345 = arith.addi %mul3A_2, %add3A_344 : i32
      %jit3A_346 = arith.constant 8 : i32
      %div3A_347 = arith.divsi %add3A_345, %jit3A_346 : i32
      %sign3A_348 = arith.constant 0 : i32
      %sign3A_349 = arith.cmpi sgt, %add3A_345, %sign3A_348 : i32
      %sign3A_350 = arith.extui %sign3A_349 : i1 to i32
      %sign3A_351 = arith.constant 0 : i32
      %sign3A_352 = arith.cmpi slt, %add3A_345, %sign3A_351 : i32
      %sign3A_353 = arith.extui %sign3A_352 : i1 to i32
      %sign3A_354 = arith.subi %sign3A_350, %sign3A_353 : i32
      %sign3A_355 = arith.constant 0 : i32
      %sign3A_356 = arith.cmpi sgt, %jit3A_346, %sign3A_355 : i32
      %sign3A_357 = arith.extui %sign3A_356 : i1 to i32
      %sign3A_358 = arith.constant 0 : i32
      %sign3A_359 = arith.cmpi slt, %jit3A_346, %sign3A_358 : i32
      %sign3A_360 = arith.extui %sign3A_359 : i1 to i32
      %sign3A_361 = arith.subi %sign3A_357, %sign3A_360 : i32
      %ne3A_362 = arith.cmpi ne, %sign3A_354, %sign3A_361 : i32
      %rem3A_363 = arith.remsi %add3A_345, %jit3A_346 : i32
      %ne3A_364 = arith.constant 0 : i32
      %ne3A_365 = arith.cmpi ne, %rem3A_363, %ne3A_364 : i32
      %and3A_366 = arith.andi %ne3A_362, %ne3A_365 : i1
      %sub3A_367 = arith.constant 1 : i32
      %sub3A_368 = arith.subi %div3A_347, %sub3A_367 : i32
      %select_n3A_369 = arith.select %and3A_366, %sub3A_368, %div3A_347 : i32
      %jit3A_370 = arith.constant 8 : i32
      %eq3A_371 = arith.constant 0 : i32
      %eq3A_372 = arith.cmpi eq, %jit3A_370, %eq3A_371 : i32
      %jit3A_373 = arith.constant 1 : i32
      %select_n3A_374 = arith.select %eq3A_372, %jit3A_373, %jit3A_370 : i32
      %rem3A_375 = arith.remsi %add3A_345, %select_n3A_374 : i32
      %ne3A_376 = arith.constant 0 : i32
      %ne3A_377 = arith.cmpi ne, %rem3A_375, %ne3A_376 : i32
      %lt3A_378 = arith.constant 0 : i32
      %lt3A_379 = arith.cmpi slt, %rem3A_375, %lt3A_378 : i32
      %lt3A_380 = arith.constant 0 : i32
      %lt3A_381 = arith.cmpi slt, %select_n3A_374, %lt3A_380 : i32
      %ne3A_382 = arith.xori %lt3A_379, %lt3A_381 : i1
      %and3A_383 = arith.andi %ne3A_382, %ne3A_377 : i1
      %add3A_384 = arith.addi %rem3A_375, %select_n3A_374 : i32
      %select_n3A_385 = arith.select %and3A_383, %add3A_384, %rem3A_375 : i32
      %mul3A_386 = arith.constant 512 : i32
      %mul3A_387 = arith.muli %select_n3A_385, %mul3A_386 : i32
      %dma_wait3A_388 = tpu.memref_slice %arg2[%select_n3A_369, %mul3A_387] : memref<400x4096xi32, #tpu.memory_space<hbm>> -> memref<1x512xi32, #tpu.memory_space<hbm>>
      %dma_wait3A_389 = tpu.memref_squeeze %dma_wait3A_388 : memref<1x512xi32, #tpu.memory_space<hbm>> -> memref<512xi32, #tpu.memory_space<hbm>>
      %dma_wait3A_390 = tpu.memref_slice %arg2[%select_n3A_369, %mul3A_387] : memref<400x4096xi32, #tpu.memory_space<hbm>> -> memref<1x512xi32, #tpu.memory_space<hbm>>
      %dma_wait3A_391 = tpu.memref_squeeze %dma_wait3A_390 : memref<1x512xi32, #tpu.memory_space<hbm>> -> memref<512xi32, #tpu.memory_space<hbm>>
      tpu.wait_dma2 semaphore(%arg17 : memref<!tpu.dma_semaphore, #tpu.memory_space<semaphore_mem>>) src(%dma_wait3A_391 : memref<512xi32, #tpu.memory_space<hbm>>) dst(%arg11 : memref<512xi32, #tpu.memory_space<vmem>>)
      %dma_wait3A_392 = tpu.memref_slice %arg3[%select_n3A_369, %mul3A_387] : memref<400x4096xi32, #tpu.memory_space<hbm>> -> memref<1x512xi32, #tpu.memory_space<hbm>>
      %dma_wait3A_393 = tpu.memref_squeeze %dma_wait3A_392 : memref<1x512xi32, #tpu.memory_space<hbm>> -> memref<512xi32, #tpu.memory_space<hbm>>
      %dma_wait3A_394 = tpu.memref_slice %arg3[%select_n3A_369, %mul3A_387] : memref<400x4096xi32, #tpu.memory_space<hbm>> -> memref<1x512xi32, #tpu.memory_space<hbm>>
      %dma_wait3A_395 = tpu.memref_squeeze %dma_wait3A_394 : memref<1x512xi32, #tpu.memory_space<hbm>> -> memref<512xi32, #tpu.memory_space<hbm>>
      tpu.wait_dma2 semaphore(%arg17 : memref<!tpu.dma_semaphore, #tpu.memory_space<semaphore_mem>>) src(%dma_wait3A_395 : memref<512xi32, #tpu.memory_space<hbm>>) dst(%arg13 : memref<512xi32, #tpu.memory_space<vmem>>)
      %gt3A_396 = arith.constant 0 : i32
      %gt3A_397 = arith.cmpi sgt, %scan3A_222, %gt3A_396 : i32
      %convert_element_type3A_398 = arith.extui %gt3A_397 : i1 to i32
      %cond3A_399 = arith.constant 0 : i32
      %cond3A_400 = arith.cmpi ne, %convert_element_type3A_398, %cond3A_399 : i32
      scf.if %cond3A_400 {
        %jit3A_463 = arith.constant 8 : i32
        %div3A_464 = arith.divsi %add3A_345, %jit3A_463 : i32
        %sign3A_465 = arith.constant 0 : i32
        %sign3A_466 = arith.cmpi sgt, %add3A_345, %sign3A_465 : i32
        %sign3A_467 = arith.extui %sign3A_466 : i1 to i32
        %sign3A_468 = arith.constant 0 : i32
        %sign3A_469 = arith.cmpi slt, %add3A_345, %sign3A_468 : i32
        %sign3A_470 = arith.extui %sign3A_469 : i1 to i32
        %sign3A_471 = arith.subi %sign3A_467, %sign3A_470 : i32
        %sign3A_472 = arith.constant 0 : i32
        %sign3A_473 = arith.cmpi sgt, %jit3A_463, %sign3A_472 : i32
        %sign3A_474 = arith.extui %sign3A_473 : i1 to i32
        %sign3A_475 = arith.constant 0 : i32
        %sign3A_476 = arith.cmpi slt, %jit3A_463, %sign3A_475 : i32
        %sign3A_477 = arith.extui %sign3A_476 : i1 to i32
        %sign3A_478 = arith.subi %sign3A_474, %sign3A_477 : i32
        %ne3A_479 = arith.cmpi ne, %sign3A_471, %sign3A_478 : i32
        %rem3A_480 = arith.remsi %add3A_345, %jit3A_463 : i32
        %ne3A_481 = arith.constant 0 : i32
        %ne3A_482 = arith.cmpi ne, %rem3A_480, %ne3A_481 : i32
        %and3A_483 = arith.andi %ne3A_479, %ne3A_482 : i1
        %sub3A_484 = arith.constant 1 : i32
        %sub3A_485 = arith.subi %div3A_464, %sub3A_484 : i32
        %select_n3A_486 = arith.select %and3A_483, %sub3A_485, %div3A_464 : i32
        %jit3A_487 = arith.constant 8 : i32
        %eq3A_488 = arith.constant 0 : i32
        %eq3A_489 = arith.cmpi eq, %jit3A_487, %eq3A_488 : i32
        %jit3A_490 = arith.constant 1 : i32
        %select_n3A_491 = arith.select %eq3A_489, %jit3A_490, %jit3A_487 : i32
        %rem3A_492 = arith.remsi %add3A_345, %select_n3A_491 : i32
        %ne3A_493 = arith.constant 0 : i32
        %ne3A_494 = arith.cmpi ne, %rem3A_492, %ne3A_493 : i32
        %lt3A_495 = arith.constant 0 : i32
        %lt3A_496 = arith.cmpi slt, %rem3A_492, %lt3A_495 : i32
        %lt3A_497 = arith.constant 0 : i32
        %lt3A_498 = arith.cmpi slt, %select_n3A_491, %lt3A_497 : i32
        %ne3A_499 = arith.xori %lt3A_496, %lt3A_498 : i1
        %and3A_500 = arith.andi %ne3A_499, %ne3A_494 : i1
        %add3A_501 = arith.addi %rem3A_492, %select_n3A_491 : i32
        %select_n3A_502 = arith.select %and3A_500, %add3A_501, %rem3A_492 : i32
        %mul3A_503 = arith.constant 4 : i32
        %mul3A_504 = arith.muli %select_n3A_502, %mul3A_503 : i32
        %dma_wait3A_505 = arith.constant 0 : i32
        %dma_wait3A_506 = arith.constant 0 : i32
        %dma_wait3A_507 = arith.constant 0 : i32
        %dma_wait3A_508 = tpu.memref_slice %arg6[%select_n3A_486, %dma_wait3A_505, %mul3A_504, %dma_wait3A_506, %dma_wait3A_507] : memref<400x8x32x8x128xf32, #tpu.memory_space<hbm>> -> memref<1x8x4x8x128xf32, #tpu.memory_space<hbm>>
        %dma_wait3A_509 = tpu.memref_squeeze %dma_wait3A_508 : memref<1x8x4x8x128xf32, #tpu.memory_space<hbm>> -> memref<8x4x8x128xf32, #tpu.memory_space<hbm>>
        %dma_wait3A_510 = arith.constant 0 : i32
        %dma_wait3A_511 = arith.constant 0 : i32
        %dma_wait3A_512 = arith.constant 0 : i32
        %dma_wait3A_513 = tpu.memref_slice %arg6[%select_n3A_486, %dma_wait3A_510, %mul3A_504, %dma_wait3A_511, %dma_wait3A_512] : memref<400x8x32x8x128xf32, #tpu.memory_space<hbm>> -> memref<1x8x4x8x128xf32, #tpu.memory_space<hbm>>
        %dma_wait3A_514 = tpu.memref_squeeze %dma_wait3A_513 : memref<1x8x4x8x128xf32, #tpu.memory_space<hbm>> -> memref<8x4x8x128xf32, #tpu.memory_space<hbm>>
        tpu.wait_dma2 semaphore(%arg19 : memref<!tpu.dma_semaphore, #tpu.memory_space<semaphore_mem>>) src(%arg15 : memref<8x4x8x128xf32, #tpu.memory_space<vmem>>) dst(%dma_wait3A_514 : memref<8x4x8x128xf32, #tpu.memory_space<hbm>>)
      } else {
      }
      %parallel_loop3A_401 = arith.constant 0 : i32
      %parallel_loop3A_402 = arith.constant 32 : i32
      %parallel_loop3A_403 = arith.constant 1 : i32
      scf.for %parallel_loop3A_463 = %parallel_loop3A_401 to %parallel_loop3A_402 step %parallel_loop3A_403  : i32 {
        %parallel_loop3A_464 = arith.constant 8 : i32
        %parallel_loop3A_465 = arith.divsi %parallel_loop3A_463, %parallel_loop3A_464 : i32
        %parallel_loop3A_466 = arith.constant 0 : i32
        %parallel_loop3A_467 = arith.cmpi sgt, %parallel_loop3A_463, %parallel_loop3A_466 : i32
        %parallel_loop3A_468 = arith.extui %parallel_loop3A_467 : i1 to i32
        %parallel_loop3A_469 = arith.constant 0 : i32
        %parallel_loop3A_470 = arith.cmpi slt, %parallel_loop3A_463, %parallel_loop3A_469 : i32
        %parallel_loop3A_471 = arith.extui %parallel_loop3A_470 : i1 to i32
        %parallel_loop3A_472 = arith.subi %parallel_loop3A_468, %parallel_loop3A_471 : i32
        %parallel_loop3A_473 = arith.constant 0 : i32
        %parallel_loop3A_474 = arith.cmpi sgt, %parallel_loop3A_464, %parallel_loop3A_473 : i32
        %parallel_loop3A_475 = arith.extui %parallel_loop3A_474 : i1 to i32
        %parallel_loop3A_476 = arith.constant 0 : i32
        %parallel_loop3A_477 = arith.cmpi slt, %parallel_loop3A_464, %parallel_loop3A_476 : i32
        %parallel_loop3A_478 = arith.extui %parallel_loop3A_477 : i1 to i32
        %parallel_loop3A_479 = arith.subi %parallel_loop3A_475, %parallel_loop3A_478 : i32
        %parallel_loop3A_480 = arith.cmpi ne, %parallel_loop3A_472, %parallel_loop3A_479 : i32
        %parallel_loop3A_481 = arith.remsi %parallel_loop3A_463, %parallel_loop3A_464 : i32
        %parallel_loop3A_482 = arith.constant 0 : i32
        %parallel_loop3A_483 = arith.cmpi ne, %parallel_loop3A_481, %parallel_loop3A_482 : i32
        %parallel_loop3A_484 = arith.andi %parallel_loop3A_480, %parallel_loop3A_483 : i1
        %parallel_loop3A_485 = arith.constant 1 : i32
        %parallel_loop3A_486 = arith.subi %parallel_loop3A_465, %parallel_loop3A_485 : i32
        %parallel_loop3A_487 = arith.select %parallel_loop3A_484, %parallel_loop3A_486, %parallel_loop3A_465 : i32
        %parallel_loop3A_488 = arith.constant 8 : i32
        %parallel_loop3A_489 = arith.constant 0 : i32
        %parallel_loop3A_490 = arith.cmpi eq, %parallel_loop3A_488, %parallel_loop3A_489 : i32
        %parallel_loop3A_491 = arith.constant 1 : i32
        %parallel_loop3A_492 = arith.select %parallel_loop3A_490, %parallel_loop3A_491, %parallel_loop3A_488 : i32
        %parallel_loop3A_493 = arith.remsi %parallel_loop3A_463, %parallel_loop3A_492 : i32
        %parallel_loop3A_494 = arith.constant 0 : i32
        %parallel_loop3A_495 = arith.cmpi ne, %parallel_loop3A_493, %parallel_loop3A_494 : i32
        %parallel_loop3A_496 = arith.constant 0 : i32
        %parallel_loop3A_497 = arith.cmpi slt, %parallel_loop3A_493, %parallel_loop3A_496 : i32
        %parallel_loop3A_498 = arith.constant 0 : i32
        %parallel_loop3A_499 = arith.cmpi slt, %parallel_loop3A_492, %parallel_loop3A_498 : i32
        %parallel_loop3A_500 = arith.xori %parallel_loop3A_497, %parallel_loop3A_499 : i1
        %parallel_loop3A_501 = arith.andi %parallel_loop3A_500, %parallel_loop3A_495 : i1
        %parallel_loop3A_502 = arith.addi %parallel_loop3A_493, %parallel_loop3A_492 : i32
        %parallel_loop3A_503 = arith.select %parallel_loop3A_501, %parallel_loop3A_502, %parallel_loop3A_493 : i32
        %parallel_loop3A_504 = arith.constant 16 : i32
        %parallel_loop3A_505 = arith.muli %parallel_loop3A_463, %parallel_loop3A_504 : i32
        %parallel_loop3A_506 = arith.index_cast %parallel_loop3A_505 : i32 to index
        %parallel_loop3A_507 = tpu.vector_load %arg13[%parallel_loop3A_506] {strides = array<i32>} : memref<512xi32, #tpu.memory_space<vmem>>, vector<16xi32>,
        %parallel_loop3A_508 = arith.constant 14400 : i32
        %parallel_loop3A_509 = vector.broadcast %parallel_loop3A_508 : i32 to vector<16xi32>
        %parallel_loop3A_510 = arith.muli %parallel_loop3A_507, %parallel_loop3A_509 : vector<16xi32>
        %parallel_loop3A_511 = arith.index_cast %parallel_loop3A_505 : i32 to index
        %parallel_loop3A_512 = tpu.vector_load %arg11[%parallel_loop3A_511] {strides = array<i32>} : memref<512xi32, #tpu.memory_space<vmem>>, vector<16xi32>,
        %parallel_loop3A_513 = arith.constant 72 : i32
        %parallel_loop3A_514 = vector.broadcast %parallel_loop3A_513 : i32 to vector<16xi32>
        %parallel_loop3A_515 = arith.muli %parallel_loop3A_512, %parallel_loop3A_514 : vector<16xi32>
        %parallel_loop3A_516 = arith.addi %parallel_loop3A_510, %parallel_loop3A_515 : vector<16xi32>
        %parallel_loop3A_517 = arith.constant 16 : i32
        %parallel_loop3A_518 = arith.muli %parallel_loop3A_503, %parallel_loop3A_517 : i32
        %parallel_loop3A_519 = arith.constant 0 : i32
        %parallel_loop3A_520 = vector.broadcast %parallel_loop3A_519 : i32 to vector<16xi32>
        %parallel_loop3A_521 = arith.addi %parallel_loop3A_516, %parallel_loop3A_520 : vector<16xi32>
        %parallel_loop3A_522 = arith.constant 0 : i32
        %parallel_loop3A_523 = vector.broadcast %parallel_loop3A_522 : i32 to vector<16xi32>
        %parallel_loop3A_524 = arith.addi %parallel_loop3A_521, %parallel_loop3A_523 : vector<16xi32>
        %parallel_loop3A_525 = tpu.vector_load_idx %arg9[%parallel_loop3A_524] : memref<28800xf32, #tpu.memory_space<vmem>>[vector<16xi32>], vector<16xf32>,
        %parallel_loop3A_526 = arith.constant 0 : i32
        %parallel_loop3A_527 = vector.broadcast %parallel_loop3A_526 : i32 to vector<16xi32>
        %parallel_loop3A_528 = arith.addi %parallel_loop3A_516, %parallel_loop3A_527 : vector<16xi32>
        %parallel_loop3A_529 = arith.constant 1 : i32
        %parallel_loop3A_530 = vector.broadcast %parallel_loop3A_529 : i32 to vector<16xi32>
        %parallel_loop3A_531 = arith.addi %parallel_loop3A_528, %parallel_loop3A_530 : vector<16xi32>
        %parallel_loop3A_532 = tpu.vector_load_idx %arg9[%parallel_loop3A_531] : memref<28800xf32, #tpu.memory_space<vmem>>[vector<16xi32>], vector<16xf32>,
        %parallel_loop3A_533 = arith.constant 0 : i32
        %parallel_loop3A_534 = vector.broadcast %parallel_loop3A_533 : i32 to vector<16xi32>
        %parallel_loop3A_535 = arith.addi %parallel_loop3A_516, %parallel_loop3A_534 : vector<16xi32>
        %parallel_loop3A_536 = arith.constant 2 : i32
        %parallel_loop3A_537 = vector.broadcast %parallel_loop3A_536 : i32 to vector<16xi32>
        %parallel_loop3A_538 = arith.addi %parallel_loop3A_535, %parallel_loop3A_537 : vector<16xi32>
        %parallel_loop3A_539 = tpu.vector_load_idx %arg9[%parallel_loop3A_538] : memref<28800xf32, #tpu.memory_space<vmem>>[vector<16xi32>], vector<16xf32>,
        %parallel_loop3A_540 = arith.constant 0 : i32
        %parallel_loop3A_541 = vector.broadcast %parallel_loop3A_540 : i32 to vector<16xi32>
        %parallel_loop3A_542 = arith.addi %parallel_loop3A_516, %parallel_loop3A_541 : vector<16xi32>
        %parallel_loop3A_543 = arith.constant 3 : i32
        %parallel_loop3A_544 = vector.broadcast %parallel_loop3A_543 : i32 to vector<16xi32>
        %parallel_loop3A_545 = arith.addi %parallel_loop3A_542, %parallel_loop3A_544 : vector<16xi32>
        %parallel_loop3A_546 = tpu.vector_load_idx %arg9[%parallel_loop3A_545] : memref<28800xf32, #tpu.memory_space<vmem>>[vector<16xi32>], vector<16xf32>,
        %parallel_loop3A_547 = arith.constant 0 : i32
        %parallel_loop3A_548 = vector.broadcast %parallel_loop3A_547 : i32 to vector<16xi32>
        %parallel_loop3A_549 = arith.addi %parallel_loop3A_516, %parallel_loop3A_548 : vector<16xi32>
        %parallel_loop3A_550 = arith.constant 4 : i32
        %parallel_loop3A_551 = vector.broadcast %parallel_loop3A_550 : i32 to vector<16xi32>
        %parallel_loop3A_552 = arith.addi %parallel_loop3A_549, %parallel_loop3A_551 : vector<16xi32>
        %parallel_loop3A_553 = tpu.vector_load_idx %arg9[%parallel_loop3A_552] : memref<28800xf32, #tpu.memory_space<vmem>>[vector<16xi32>], vector<16xf32>,
        %parallel_loop3A_554 = arith.constant 0 : i32
        %parallel_loop3A_555 = vector.broadcast %parallel_loop3A_554 : i32 to vector<16xi32>
        %parallel_loop3A_556 = arith.addi %parallel_loop3A_516, %parallel_loop3A_555 : vector<16xi32>
        %parallel_loop3A_557 = arith.constant 5 : i32
        %parallel_loop3A_558 = vector.broadcast %parallel_loop3A_557 : i32 to vector<16xi32>
        %parallel_loop3A_559 = arith.addi %parallel_loop3A_556, %parallel_loop3A_558 : vector<16xi32>
        %parallel_loop3A_560 = tpu.vector_load_idx %arg9[%parallel_loop3A_559] : memref<28800xf32, #tpu.memory_space<vmem>>[vector<16xi32>], vector<16xf32>,
        %parallel_loop3A_561 = arith.constant 0 : i32
        %parallel_loop3A_562 = vector.broadcast %parallel_loop3A_561 : i32 to vector<16xi32>
        %parallel_loop3A_563 = arith.addi %parallel_loop3A_516, %parallel_loop3A_562 : vector<16xi32>
        %parallel_loop3A_564 = arith.constant 6 : i32
        %parallel_loop3A_565 = vector.broadcast %parallel_loop3A_564 : i32 to vector<16xi32>
        %parallel_loop3A_566 = arith.addi %parallel_loop3A_563, %parallel_loop3A_565 : vector<16xi32>
        %parallel_loop3A_567 = tpu.vector_load_idx %arg9[%parallel_loop3A_566] : memref<28800xf32, #tpu.memory_space<vmem>>[vector<16xi32>], vector<16xf32>,
        %parallel_loop3A_568 = arith.constant 0 : i32
        %parallel_loop3A_569 = vector.broadcast %parallel_loop3A_568 : i32 to vector<16xi32>
        %parallel_loop3A_570 = arith.addi %parallel_loop3A_516, %parallel_loop3A_569 : vector<16xi32>
        %parallel_loop3A_571 = arith.constant 7 : i32
        %parallel_loop3A_572 = vector.broadcast %parallel_loop3A_571 : i32 to vector<16xi32>
        %parallel_loop3A_573 = arith.addi %parallel_loop3A_570, %parallel_loop3A_572 : vector<16xi32>
        %parallel_loop3A_574 = tpu.vector_load_idx %arg9[%parallel_loop3A_573] : memref<28800xf32, #tpu.memory_space<vmem>>[vector<16xi32>], vector<16xf32>,
        %parallel_loop3A_575 = arith.constant 0 : i32
        %parallel_loop3A_576 = vector.broadcast %parallel_loop3A_575 : i32 to vector<16xi32>
        %parallel_loop3A_577 = arith.addi %parallel_loop3A_516, %parallel_loop3A_576 : vector<16xi32>
        %parallel_loop3A_578 = arith.constant 8 : i32
        %parallel_loop3A_579 = vector.broadcast %parallel_loop3A_578 : i32 to vector<16xi32>
        %parallel_loop3A_580 = arith.addi %parallel_loop3A_577, %parallel_loop3A_579 : vector<16xi32>
        %parallel_loop3A_581 = tpu.vector_load_idx %arg9[%parallel_loop3A_580] : memref<28800xf32, #tpu.memory_space<vmem>>[vector<16xi32>], vector<16xf32>,
        %parallel_loop3A_582 = arith.constant 0 : i32
        %parallel_loop3A_583 = vector.broadcast %parallel_loop3A_582 : i32 to vector<16xi32>
        %parallel_loop3A_584 = arith.addi %parallel_loop3A_516, %parallel_loop3A_583 : vector<16xi32>
        %parallel_loop3A_585 = arith.constant 9 : i32
        %parallel_loop3A_586 = vector.broadcast %parallel_loop3A_585 : i32 to vector<16xi32>
        %parallel_loop3A_587 = arith.addi %parallel_loop3A_584, %parallel_loop3A_586 : vector<16xi32>
        %parallel_loop3A_588 = tpu.vector_load_idx %arg9[%parallel_loop3A_587] : memref<28800xf32, #tpu.memory_space<vmem>>[vector<16xi32>], vector<16xf32>,
        %parallel_loop3A_589 = arith.constant 0 : i32
        %parallel_loop3A_590 = vector.broadcast %parallel_loop3A_589 : i32 to vector<16xi32>
        %parallel_loop3A_591 = arith.addi %parallel_loop3A_516, %parallel_loop3A_590 : vector<16xi32>
        %parallel_loop3A_592 = arith.constant 10 : i32
        %parallel_loop3A_593 = vector.broadcast %parallel_loop3A_592 : i32 to vector<16xi32>
        %parallel_loop3A_594 = arith.addi %parallel_loop3A_591, %parallel_loop3A_593 : vector<16xi32>
        %parallel_loop3A_595 = tpu.vector_load_idx %arg9[%parallel_loop3A_594] : memref<28800xf32, #tpu.memory_space<vmem>>[vector<16xi32>], vector<16xf32>,
        %parallel_loop3A_596 = arith.constant 0 : i32
        %parallel_loop3A_597 = vector.broadcast %parallel_loop3A_596 : i32 to vector<16xi32>
        %parallel_loop3A_598 = arith.addi %parallel_loop3A_516, %parallel_loop3A_597 : vector<16xi32>
        %parallel_loop3A_599 = arith.constant 11 : i32
        %parallel_loop3A_600 = vector.broadcast %parallel_loop3A_599 : i32 to vector<16xi32>
        %parallel_loop3A_601 = arith.addi %parallel_loop3A_598, %parallel_loop3A_600 : vector<16xi32>
        %parallel_loop3A_602 = tpu.vector_load_idx %arg9[%parallel_loop3A_601] : memref<28800xf32, #tpu.memory_space<vmem>>[vector<16xi32>], vector<16xf32>,
        %parallel_loop3A_603 = arith.constant 0 : i32
        %parallel_loop3A_604 = vector.broadcast %parallel_loop3A_603 : i32 to vector<16xi32>
        %parallel_loop3A_605 = arith.addi %parallel_loop3A_516, %parallel_loop3A_604 : vector<16xi32>
        %parallel_loop3A_606 = arith.constant 12 : i32
        %parallel_loop3A_607 = vector.broadcast %parallel_loop3A_606 : i32 to vector<16xi32>
        %parallel_loop3A_608 = arith.addi %parallel_loop3A_605, %parallel_loop3A_607 : vector<16xi32>
        %parallel_loop3A_609 = tpu.vector_load_idx %arg9[%parallel_loop3A_608] : memref<28800xf32, #tpu.memory_space<vmem>>[vector<16xi32>], vector<16xf32>,
        %parallel_loop3A_610 = arith.constant 0 : i32
        %parallel_loop3A_611 = vector.broadcast %parallel_loop3A_610 : i32 to vector<16xi32>
        %parallel_loop3A_612 = arith.addi %parallel_loop3A_516, %parallel_loop3A_611 : vector<16xi32>
        %parallel_loop3A_613 = arith.constant 13 : i32
        %parallel_loop3A_614 = vector.broadcast %parallel_loop3A_613 : i32 to vector<16xi32>
        %parallel_loop3A_615 = arith.addi %parallel_loop3A_612, %parallel_loop3A_614 : vector<16xi32>
        %parallel_loop3A_616 = tpu.vector_load_idx %arg9[%parallel_loop3A_615] : memref<28800xf32, #tpu.memory_space<vmem>>[vector<16xi32>], vector<16xf32>,
        %parallel_loop3A_617 = arith.constant 0 : i32
        %parallel_loop3A_618 = vector.broadcast %parallel_loop3A_617 : i32 to vector<16xi32>
        %parallel_loop3A_619 = arith.addi %parallel_loop3A_516, %parallel_loop3A_618 : vector<16xi32>
        %parallel_loop3A_620 = arith.constant 14 : i32
        %parallel_loop3A_621 = vector.broadcast %parallel_loop3A_620 : i32 to vector<16xi32>
        %parallel_loop3A_622 = arith.addi %parallel_loop3A_619, %parallel_loop3A_621 : vector<16xi32>
        %parallel_loop3A_623 = tpu.vector_load_idx %arg9[%parallel_loop3A_622] : memref<28800xf32, #tpu.memory_space<vmem>>[vector<16xi32>], vector<16xf32>,
        %parallel_loop3A_624 = arith.constant 0 : i32
        %parallel_loop3A_625 = vector.broadcast %parallel_loop3A_624 : i32 to vector<16xi32>
        %parallel_loop3A_626 = arith.addi %parallel_loop3A_516, %parallel_loop3A_625 : vector<16xi32>
        %parallel_loop3A_627 = arith.constant 15 : i32
        %parallel_loop3A_628 = vector.broadcast %parallel_loop3A_627 : i32 to vector<16xi32>
        %parallel_loop3A_629 = arith.addi %parallel_loop3A_626, %parallel_loop3A_628 : vector<16xi32>
        %parallel_loop3A_630 = tpu.vector_load_idx %arg9[%parallel_loop3A_629] : memref<28800xf32, #tpu.memory_space<vmem>>[vector<16xi32>], vector<16xf32>,
        %parallel_loop3A_631 = arith.constant 0 : i32
        %parallel_loop3A_632 = arith.constant 0 : i32
        %parallel_loop3A_633 = arith.index_cast %parallel_loop3A_631 : i32 to index
        %parallel_loop3A_634 = arith.index_cast %parallel_loop3A_487 : i32 to index
        %parallel_loop3A_635 = arith.index_cast %parallel_loop3A_632 : i32 to index
        %parallel_loop3A_636 = arith.index_cast %parallel_loop3A_518 : i32 to index
        %parallel_loop3A_637 = tpu.vector_load %arg15[%parallel_loop3A_633, %parallel_loop3A_634, %parallel_loop3A_635, %parallel_loop3A_636] {strides = array<i32>} : memref<8x4x8x128xf32, #tpu.memory_space<vmem>>, vector<16xf32>,
        tpu.vector_store %arg15[%parallel_loop3A_633, %parallel_loop3A_634, %parallel_loop3A_635, %parallel_loop3A_636], %parallel_loop3A_525 {strides = array<i32>} : memref<8x4x8x128xf32, #tpu.memory_space<vmem>>, vector<16xf32>,
        %parallel_loop3A_638 = arith.constant 0 : i32
        %parallel_loop3A_639 = arith.constant 1 : i32
        %parallel_loop3A_640 = arith.index_cast %parallel_loop3A_638 : i32 to index
        %parallel_loop3A_641 = arith.index_cast %parallel_loop3A_487 : i32 to index
        %parallel_loop3A_642 = arith.index_cast %parallel_loop3A_639 : i32 to index
        %parallel_loop3A_643 = arith.index_cast %parallel_loop3A_518 : i32 to index
        %parallel_loop3A_644 = tpu.vector_load %arg15[%parallel_loop3A_640, %parallel_loop3A_641, %parallel_loop3A_642, %parallel_loop3A_643] {strides = array<i32>} : memref<8x4x8x128xf32, #tpu.memory_space<vmem>>, vector<16xf32>,
        tpu.vector_store %arg15[%parallel_loop3A_640, %parallel_loop3A_641, %parallel_loop3A_642, %parallel_loop3A_643], %parallel_loop3A_532 {strides = array<i32>} : memref<8x4x8x128xf32, #tpu.memory_space<vmem>>, vector<16xf32>,
        %parallel_loop3A_645 = arith.constant 0 : i32
        %parallel_loop3A_646 = arith.constant 2 : i32
        %parallel_loop3A_647 = arith.index_cast %parallel_loop3A_645 : i32 to index
        %parallel_loop3A_648 = arith.index_cast %parallel_loop3A_487 : i32 to index
        %parallel_loop3A_649 = arith.index_cast %parallel_loop3A_646 : i32 to index
        %parallel_loop3A_650 = arith.index_cast %parallel_loop3A_518 : i32 to index
        %parallel_loop3A_651 = tpu.vector_load %arg15[%parallel_loop3A_647, %parallel_loop3A_648, %parallel_loop3A_649, %parallel_loop3A_650] {strides = array<i32>} : memref<8x4x8x128xf32, #tpu.memory_space<vmem>>, vector<16xf32>,
        tpu.vector_store %arg15[%parallel_loop3A_647, %parallel_loop3A_648, %parallel_loop3A_649, %parallel_loop3A_650], %parallel_loop3A_539 {strides = array<i32>} : memref<8x4x8x128xf32, #tpu.memory_space<vmem>>, vector<16xf32>,
        %parallel_loop3A_652 = arith.constant 0 : i32
        %parallel_loop3A_653 = arith.constant 3 : i32
        %parallel_loop3A_654 = arith.index_cast %parallel_loop3A_652 : i32 to index
        %parallel_loop3A_655 = arith.index_cast %parallel_loop3A_487 : i32 to index
        %parallel_loop3A_656 = arith.index_cast %parallel_loop3A_653 : i32 to index
        %parallel_loop3A_657 = arith.index_cast %parallel_loop3A_518 : i32 to index
        %parallel_loop3A_658 = tpu.vector_load %arg15[%parallel_loop3A_654, %parallel_loop3A_655, %parallel_loop3A_656, %parallel_loop3A_657] {strides = array<i32>} : memref<8x4x8x128xf32, #tpu.memory_space<vmem>>, vector<16xf32>,
        tpu.vector_store %arg15[%parallel_loop3A_654, %parallel_loop3A_655, %parallel_loop3A_656, %parallel_loop3A_657], %parallel_loop3A_546 {strides = array<i32>} : memref<8x4x8x128xf32, #tpu.memory_space<vmem>>, vector<16xf32>,
        %parallel_loop3A_659 = arith.constant 0 : i32
        %parallel_loop3A_660 = arith.constant 4 : i32
        %parallel_loop3A_661 = arith.index_cast %parallel_loop3A_659 : i32 to index
        %parallel_loop3A_662 = arith.index_cast %parallel_loop3A_487 : i32 to index
        %parallel_loop3A_663 = arith.index_cast %parallel_loop3A_660 : i32 to index
        %parallel_loop3A_664 = arith.index_cast %parallel_loop3A_518 : i32 to index
        %parallel_loop3A_665 = tpu.vector_load %arg15[%parallel_loop3A_661, %parallel_loop3A_662, %parallel_loop3A_663, %parallel_loop3A_664] {strides = array<i32>} : memref<8x4x8x128xf32, #tpu.memory_space<vmem>>, vector<16xf32>,
        tpu.vector_store %arg15[%parallel_loop3A_661, %parallel_loop3A_662, %parallel_loop3A_663, %parallel_loop3A_664], %parallel_loop3A_553 {strides = array<i32>} : memref<8x4x8x128xf32, #tpu.memory_space<vmem>>, vector<16xf32>,
        %parallel_loop3A_666 = arith.constant 0 : i32
        %parallel_loop3A_667 = arith.constant 5 : i32
        %parallel_loop3A_668 = arith.index_cast %parallel_loop3A_666 : i32 to index
        %parallel_loop3A_669 = arith.index_cast %parallel_loop3A_487 : i32 to index
        %parallel_loop3A_670 = arith.index_cast %parallel_loop3A_667 : i32 to index
        %parallel_loop3A_671 = arith.index_cast %parallel_loop3A_518 : i32 to index
        %parallel_loop3A_672 = tpu.vector_load %arg15[%parallel_loop3A_668, %parallel_loop3A_669, %parallel_loop3A_670, %parallel_loop3A_671] {strides = array<i32>} : memref<8x4x8x128xf32, #tpu.memory_space<vmem>>, vector<16xf32>,
        tpu.vector_store %arg15[%parallel_loop3A_668, %parallel_loop3A_669, %parallel_loop3A_670, %parallel_loop3A_671], %parallel_loop3A_560 {strides = array<i32>} : memref<8x4x8x128xf32, #tpu.memory_space<vmem>>, vector<16xf32>,
        %parallel_loop3A_673 = arith.constant 0 : i32
        %parallel_loop3A_674 = arith.constant 6 : i32
        %parallel_loop3A_675 = arith.index_cast %parallel_loop3A_673 : i32 to index
        %parallel_loop3A_676 = arith.index_cast %parallel_loop3A_487 : i32 to index
        %parallel_loop3A_677 = arith.index_cast %parallel_loop3A_674 : i32 to index
        %parallel_loop3A_678 = arith.index_cast %parallel_loop3A_518 : i32 to index
        %parallel_loop3A_679 = tpu.vector_load %arg15[%parallel_loop3A_675, %parallel_loop3A_676, %parallel_loop3A_677, %parallel_loop3A_678] {strides = array<i32>} : memref<8x4x8x128xf32, #tpu.memory_space<vmem>>, vector<16xf32>,
        tpu.vector_store %arg15[%parallel_loop3A_675, %parallel_loop3A_676, %parallel_loop3A_677, %parallel_loop3A_678], %parallel_loop3A_567 {strides = array<i32>} : memref<8x4x8x128xf32, #tpu.memory_space<vmem>>, vector<16xf32>,
        %parallel_loop3A_680 = arith.constant 0 : i32
        %parallel_loop3A_681 = arith.constant 7 : i32
        %parallel_loop3A_682 = arith.index_cast %parallel_loop3A_680 : i32 to index
        %parallel_loop3A_683 = arith.index_cast %parallel_loop3A_487 : i32 to index
        %parallel_loop3A_684 = arith.index_cast %parallel_loop3A_681 : i32 to index
        %parallel_loop3A_685 = arith.index_cast %parallel_loop3A_518 : i32 to index
        %parallel_loop3A_686 = tpu.vector_load %arg15[%parallel_loop3A_682, %parallel_loop3A_683, %parallel_loop3A_684, %parallel_loop3A_685] {strides = array<i32>} : memref<8x4x8x128xf32, #tpu.memory_space<vmem>>, vector<16xf32>,
        tpu.vector_store %arg15[%parallel_loop3A_682, %parallel_loop3A_683, %parallel_loop3A_684, %parallel_loop3A_685], %parallel_loop3A_574 {strides = array<i32>} : memref<8x4x8x128xf32, #tpu.memory_space<vmem>>, vector<16xf32>,
        %parallel_loop3A_687 = arith.constant 1 : i32
        %parallel_loop3A_688 = arith.constant 0 : i32
        %parallel_loop3A_689 = arith.index_cast %parallel_loop3A_687 : i32 to index
        %parallel_loop3A_690 = arith.index_cast %parallel_loop3A_487 : i32 to index
        %parallel_loop3A_691 = arith.index_cast %parallel_loop3A_688 : i32 to index
        %parallel_loop3A_692 = arith.index_cast %parallel_loop3A_518 : i32 to index
        %parallel_loop3A_693 = tpu.vector_load %arg15[%parallel_loop3A_689, %parallel_loop3A_690, %parallel_loop3A_691, %parallel_loop3A_692] {strides = array<i32>} : memref<8x4x8x128xf32, #tpu.memory_space<vmem>>, vector<16xf32>,
        tpu.vector_store %arg15[%parallel_loop3A_689, %parallel_loop3A_690, %parallel_loop3A_691, %parallel_loop3A_692], %parallel_loop3A_581 {strides = array<i32>} : memref<8x4x8x128xf32, #tpu.memory_space<vmem>>, vector<16xf32>,
        %parallel_loop3A_694 = arith.constant 1 : i32
        %parallel_loop3A_695 = arith.constant 1 : i32
        %parallel_loop3A_696 = arith.index_cast %parallel_loop3A_694 : i32 to index
        %parallel_loop3A_697 = arith.index_cast %parallel_loop3A_487 : i32 to index
        %parallel_loop3A_698 = arith.index_cast %parallel_loop3A_695 : i32 to index
        %parallel_loop3A_699 = arith.index_cast %parallel_loop3A_518 : i32 to index
        %parallel_loop3A_700 = tpu.vector_load %arg15[%parallel_loop3A_696, %parallel_loop3A_697, %parallel_loop3A_698, %parallel_loop3A_699] {strides = array<i32>} : memref<8x4x8x128xf32, #tpu.memory_space<vmem>>, vector<16xf32>,
        tpu.vector_store %arg15[%parallel_loop3A_696, %parallel_loop3A_697, %parallel_loop3A_698, %parallel_loop3A_699], %parallel_loop3A_588 {strides = array<i32>} : memref<8x4x8x128xf32, #tpu.memory_space<vmem>>, vector<16xf32>,
        %parallel_loop3A_701 = arith.constant 1 : i32
        %parallel_loop3A_702 = arith.constant 2 : i32
        %parallel_loop3A_703 = arith.index_cast %parallel_loop3A_701 : i32 to index
        %parallel_loop3A_704 = arith.index_cast %parallel_loop3A_487 : i32 to index
        %parallel_loop3A_705 = arith.index_cast %parallel_loop3A_702 : i32 to index
        %parallel_loop3A_706 = arith.index_cast %parallel_loop3A_518 : i32 to index
        %parallel_loop3A_707 = tpu.vector_load %arg15[%parallel_loop3A_703, %parallel_loop3A_704, %parallel_loop3A_705, %parallel_loop3A_706] {strides = array<i32>} : memref<8x4x8x128xf32, #tpu.memory_space<vmem>>, vector<16xf32>,
        tpu.vector_store %arg15[%parallel_loop3A_703, %parallel_loop3A_704, %parallel_loop3A_705, %parallel_loop3A_706], %parallel_loop3A_595 {strides = array<i32>} : memref<8x4x8x128xf32, #tpu.memory_space<vmem>>, vector<16xf32>,
        %parallel_loop3A_708 = arith.constant 1 : i32
        %parallel_loop3A_709 = arith.constant 3 : i32
        %parallel_loop3A_710 = arith.index_cast %parallel_loop3A_708 : i32 to index
        %parallel_loop3A_711 = arith.index_cast %parallel_loop3A_487 : i32 to index
        %parallel_loop3A_712 = arith.index_cast %parallel_loop3A_709 : i32 to index
        %parallel_loop3A_713 = arith.index_cast %parallel_loop3A_518 : i32 to index
        %parallel_loop3A_714 = tpu.vector_load %arg15[%parallel_loop3A_710, %parallel_loop3A_711, %parallel_loop3A_712, %parallel_loop3A_713] {strides = array<i32>} : memref<8x4x8x128xf32, #tpu.memory_space<vmem>>, vector<16xf32>,
        tpu.vector_store %arg15[%parallel_loop3A_710, %parallel_loop3A_711, %parallel_loop3A_712, %parallel_loop3A_713], %parallel_loop3A_602 {strides = array<i32>} : memref<8x4x8x128xf32, #tpu.memory_space<vmem>>, vector<16xf32>,
        %parallel_loop3A_715 = arith.constant 1 : i32
        %parallel_loop3A_716 = arith.constant 4 : i32
        %parallel_loop3A_717 = arith.index_cast %parallel_loop3A_715 : i32 to index
        %parallel_loop3A_718 = arith.index_cast %parallel_loop3A_487 : i32 to index
        %parallel_loop3A_719 = arith.index_cast %parallel_loop3A_716 : i32 to index
        %parallel_loop3A_720 = arith.index_cast %parallel_loop3A_518 : i32 to index
        %parallel_loop3A_721 = tpu.vector_load %arg15[%parallel_loop3A_717, %parallel_loop3A_718, %parallel_loop3A_719, %parallel_loop3A_720] {strides = array<i32>} : memref<8x4x8x128xf32, #tpu.memory_space<vmem>>, vector<16xf32>,
        tpu.vector_store %arg15[%parallel_loop3A_717, %parallel_loop3A_718, %parallel_loop3A_719, %parallel_loop3A_720], %parallel_loop3A_609 {strides = array<i32>} : memref<8x4x8x128xf32, #tpu.memory_space<vmem>>, vector<16xf32>,
        %parallel_loop3A_722 = arith.constant 1 : i32
        %parallel_loop3A_723 = arith.constant 5 : i32
        %parallel_loop3A_724 = arith.index_cast %parallel_loop3A_722 : i32 to index
        %parallel_loop3A_725 = arith.index_cast %parallel_loop3A_487 : i32 to index
        %parallel_loop3A_726 = arith.index_cast %parallel_loop3A_723 : i32 to index
        %parallel_loop3A_727 = arith.index_cast %parallel_loop3A_518 : i32 to index
        %parallel_loop3A_728 = tpu.vector_load %arg15[%parallel_loop3A_724, %parallel_loop3A_725, %parallel_loop3A_726, %parallel_loop3A_727] {strides = array<i32>} : memref<8x4x8x128xf32, #tpu.memory_space<vmem>>, vector<16xf32>,
        tpu.vector_store %arg15[%parallel_loop3A_724, %parallel_loop3A_725, %parallel_loop3A_726, %parallel_loop3A_727], %parallel_loop3A_616 {strides = array<i32>} : memref<8x4x8x128xf32, #tpu.memory_space<vmem>>, vector<16xf32>,
        %parallel_loop3A_729 = arith.constant 1 : i32
        %parallel_loop3A_730 = arith.constant 6 : i32
        %parallel_loop3A_731 = arith.index_cast %parallel_loop3A_729 : i32 to index
        %parallel_loop3A_732 = arith.index_cast %parallel_loop3A_487 : i32 to index
        %parallel_loop3A_733 = arith.index_cast %parallel_loop3A_730 : i32 to index
        %parallel_loop3A_734 = arith.index_cast %parallel_loop3A_518 : i32 to index
        %parallel_loop3A_735 = tpu.vector_load %arg15[%parallel_loop3A_731, %parallel_loop3A_732, %parallel_loop3A_733, %parallel_loop3A_734] {strides = array<i32>} : memref<8x4x8x128xf32, #tpu.memory_space<vmem>>, vector<16xf32>,
        tpu.vector_store %arg15[%parallel_loop3A_731, %parallel_loop3A_732, %parallel_loop3A_733, %parallel_loop3A_734], %parallel_loop3A_623 {strides = array<i32>} : memref<8x4x8x128xf32, #tpu.memory_space<vmem>>, vector<16xf32>,
        %parallel_loop3A_736 = arith.constant 1 : i32
        %parallel_loop3A_737 = arith.constant 7 : i32
        %parallel_loop3A_738 = arith.index_cast %parallel_loop3A_736 : i32 to index
        %parallel_loop3A_739 = arith.index_cast %parallel_loop3A_487 : i32 to index
        %parallel_loop3A_740 = arith.index_cast %parallel_loop3A_737 : i32 to index
        %parallel_loop3A_741 = arith.index_cast %parallel_loop3A_518 : i32 to index
        %parallel_loop3A_742 = tpu.vector_load %arg15[%parallel_loop3A_738, %parallel_loop3A_739, %parallel_loop3A_740, %parallel_loop3A_741] {strides = array<i32>} : memref<8x4x8x128xf32, #tpu.memory_space<vmem>>, vector<16xf32>,
        tpu.vector_store %arg15[%parallel_loop3A_738, %parallel_loop3A_739, %parallel_loop3A_740, %parallel_loop3A_741], %parallel_loop3A_630 {strides = array<i32>} : memref<8x4x8x128xf32, #tpu.memory_space<vmem>>, vector<16xf32>,
        %parallel_loop3A_743 = arith.constant 16 : i32
        %parallel_loop3A_744 = vector.broadcast %parallel_loop3A_743 : i32 to vector<16xi32>
        %parallel_loop3A_745 = arith.addi %parallel_loop3A_516, %parallel_loop3A_744 : vector<16xi32>
        %parallel_loop3A_746 = arith.constant 0 : i32
        %parallel_loop3A_747 = vector.broadcast %parallel_loop3A_746 : i32 to vector<16xi32>
        %parallel_loop3A_748 = arith.addi %parallel_loop3A_745, %parallel_loop3A_747 : vector<16xi32>
        %parallel_loop3A_749 = tpu.vector_load_idx %arg9[%parallel_loop3A_748] : memref<28800xf32, #tpu.memory_space<vmem>>[vector<16xi32>], vector<16xf32>,
        %parallel_loop3A_750 = arith.constant 16 : i32
        %parallel_loop3A_751 = vector.broadcast %parallel_loop3A_750 : i32 to vector<16xi32>
        %parallel_loop3A_752 = arith.addi %parallel_loop3A_516, %parallel_loop3A_751 : vector<16xi32>
        %parallel_loop3A_753 = arith.constant 1 : i32
        %parallel_loop3A_754 = vector.broadcast %parallel_loop3A_753 : i32 to vector<16xi32>
        %parallel_loop3A_755 = arith.addi %parallel_loop3A_752, %parallel_loop3A_754 : vector<16xi32>
        %parallel_loop3A_756 = tpu.vector_load_idx %arg9[%parallel_loop3A_755] : memref<28800xf32, #tpu.memory_space<vmem>>[vector<16xi32>], vector<16xf32>,
        %parallel_loop3A_757 = arith.constant 16 : i32
        %parallel_loop3A_758 = vector.broadcast %parallel_loop3A_757 : i32 to vector<16xi32>
        %parallel_loop3A_759 = arith.addi %parallel_loop3A_516, %parallel_loop3A_758 : vector<16xi32>
        %parallel_loop3A_760 = arith.constant 2 : i32
        %parallel_loop3A_761 = vector.broadcast %parallel_loop3A_760 : i32 to vector<16xi32>
        %parallel_loop3A_762 = arith.addi %parallel_loop3A_759, %parallel_loop3A_761 : vector<16xi32>
        %parallel_loop3A_763 = tpu.vector_load_idx %arg9[%parallel_loop3A_762] : memref<28800xf32, #tpu.memory_space<vmem>>[vector<16xi32>], vector<16xf32>,
        %parallel_loop3A_764 = arith.constant 16 : i32
        %parallel_loop3A_765 = vector.broadcast %parallel_loop3A_764 : i32 to vector<16xi32>
        %parallel_loop3A_766 = arith.addi %parallel_loop3A_516, %parallel_loop3A_765 : vector<16xi32>
        %parallel_loop3A_767 = arith.constant 3 : i32
        %parallel_loop3A_768 = vector.broadcast %parallel_loop3A_767 : i32 to vector<16xi32>
        %parallel_loop3A_769 = arith.addi %parallel_loop3A_766, %parallel_loop3A_768 : vector<16xi32>
        %parallel_loop3A_770 = tpu.vector_load_idx %arg9[%parallel_loop3A_769] : memref<28800xf32, #tpu.memory_space<vmem>>[vector<16xi32>], vector<16xf32>,
        %parallel_loop3A_771 = arith.constant 16 : i32
        %parallel_loop3A_772 = vector.broadcast %parallel_loop3A_771 : i32 to vector<16xi32>
        %parallel_loop3A_773 = arith.addi %parallel_loop3A_516, %parallel_loop3A_772 : vector<16xi32>
        %parallel_loop3A_774 = arith.constant 4 : i32
        %parallel_loop3A_775 = vector.broadcast %parallel_loop3A_774 : i32 to vector<16xi32>
        %parallel_loop3A_776 = arith.addi %parallel_loop3A_773, %parallel_loop3A_775 : vector<16xi32>
        %parallel_loop3A_777 = tpu.vector_load_idx %arg9[%parallel_loop3A_776] : memref<28800xf32, #tpu.memory_space<vmem>>[vector<16xi32>], vector<16xf32>,
        %parallel_loop3A_778 = arith.constant 16 : i32
        %parallel_loop3A_779 = vector.broadcast %parallel_loop3A_778 : i32 to vector<16xi32>
        %parallel_loop3A_780 = arith.addi %parallel_loop3A_516, %parallel_loop3A_779 : vector<16xi32>
        %parallel_loop3A_781 = arith.constant 5 : i32
        %parallel_loop3A_782 = vector.broadcast %parallel_loop3A_781 : i32 to vector<16xi32>
        %parallel_loop3A_783 = arith.addi %parallel_loop3A_780, %parallel_loop3A_782 : vector<16xi32>
        %parallel_loop3A_784 = tpu.vector_load_idx %arg9[%parallel_loop3A_783] : memref<28800xf32, #tpu.memory_space<vmem>>[vector<16xi32>], vector<16xf32>,
        %parallel_loop3A_785 = arith.constant 16 : i32
        %parallel_loop3A_786 = vector.broadcast %parallel_loop3A_785 : i32 to vector<16xi32>
        %parallel_loop3A_787 = arith.addi %parallel_loop3A_516, %parallel_loop3A_786 : vector<16xi32>
        %parallel_loop3A_788 = arith.constant 6 : i32
        %parallel_loop3A_789 = vector.broadcast %parallel_loop3A_788 : i32 to vector<16xi32>
        %parallel_loop3A_790 = arith.addi %parallel_loop3A_787, %parallel_loop3A_789 : vector<16xi32>
        %parallel_loop3A_791 = tpu.vector_load_idx %arg9[%parallel_loop3A_790] : memref<28800xf32, #tpu.memory_space<vmem>>[vector<16xi32>], vector<16xf32>,
        %parallel_loop3A_792 = arith.constant 16 : i32
        %parallel_loop3A_793 = vector.broadcast %parallel_loop3A_792 : i32 to vector<16xi32>
        %parallel_loop3A_794 = arith.addi %parallel_loop3A_516, %parallel_loop3A_793 : vector<16xi32>
        %parallel_loop3A_795 = arith.constant 7 : i32
        %parallel_loop3A_796 = vector.broadcast %parallel_loop3A_795 : i32 to vector<16xi32>
        %parallel_loop3A_797 = arith.addi %parallel_loop3A_794, %parallel_loop3A_796 : vector<16xi32>
        %parallel_loop3A_798 = tpu.vector_load_idx %arg9[%parallel_loop3A_797] : memref<28800xf32, #tpu.memory_space<vmem>>[vector<16xi32>], vector<16xf32>,
        %parallel_loop3A_799 = arith.constant 16 : i32
        %parallel_loop3A_800 = vector.broadcast %parallel_loop3A_799 : i32 to vector<16xi32>
        %parallel_loop3A_801 = arith.addi %parallel_loop3A_516, %parallel_loop3A_800 : vector<16xi32>
        %parallel_loop3A_802 = arith.constant 8 : i32
        %parallel_loop3A_803 = vector.broadcast %parallel_loop3A_802 : i32 to vector<16xi32>
        %parallel_loop3A_804 = arith.addi %parallel_loop3A_801, %parallel_loop3A_803 : vector<16xi32>
        %parallel_loop3A_805 = tpu.vector_load_idx %arg9[%parallel_loop3A_804] : memref<28800xf32, #tpu.memory_space<vmem>>[vector<16xi32>], vector<16xf32>,
        %parallel_loop3A_806 = arith.constant 16 : i32
        %parallel_loop3A_807 = vector.broadcast %parallel_loop3A_806 : i32 to vector<16xi32>
        %parallel_loop3A_808 = arith.addi %parallel_loop3A_516, %parallel_loop3A_807 : vector<16xi32>
        %parallel_loop3A_809 = arith.constant 9 : i32
        %parallel_loop3A_810 = vector.broadcast %parallel_loop3A_809 : i32 to vector<16xi32>
        %parallel_loop3A_811 = arith.addi %parallel_loop3A_808, %parallel_loop3A_810 : vector<16xi32>
        %parallel_loop3A_812 = tpu.vector_load_idx %arg9[%parallel_loop3A_811] : memref<28800xf32, #tpu.memory_space<vmem>>[vector<16xi32>], vector<16xf32>,
        %parallel_loop3A_813 = arith.constant 16 : i32
        %parallel_loop3A_814 = vector.broadcast %parallel_loop3A_813 : i32 to vector<16xi32>
        %parallel_loop3A_815 = arith.addi %parallel_loop3A_516, %parallel_loop3A_814 : vector<16xi32>
        %parallel_loop3A_816 = arith.constant 10 : i32
        %parallel_loop3A_817 = vector.broadcast %parallel_loop3A_816 : i32 to vector<16xi32>
        %parallel_loop3A_818 = arith.addi %parallel_loop3A_815, %parallel_loop3A_817 : vector<16xi32>
        %parallel_loop3A_819 = tpu.vector_load_idx %arg9[%parallel_loop3A_818] : memref<28800xf32, #tpu.memory_space<vmem>>[vector<16xi32>], vector<16xf32>,
        %parallel_loop3A_820 = arith.constant 16 : i32
        %parallel_loop3A_821 = vector.broadcast %parallel_loop3A_820 : i32 to vector<16xi32>
        %parallel_loop3A_822 = arith.addi %parallel_loop3A_516, %parallel_loop3A_821 : vector<16xi32>
        %parallel_loop3A_823 = arith.constant 11 : i32
        %parallel_loop3A_824 = vector.broadcast %parallel_loop3A_823 : i32 to vector<16xi32>
        %parallel_loop3A_825 = arith.addi %parallel_loop3A_822, %parallel_loop3A_824 : vector<16xi32>
        %parallel_loop3A_826 = tpu.vector_load_idx %arg9[%parallel_loop3A_825] : memref<28800xf32, #tpu.memory_space<vmem>>[vector<16xi32>], vector<16xf32>,
        %parallel_loop3A_827 = arith.constant 16 : i32
        %parallel_loop3A_828 = vector.broadcast %parallel_loop3A_827 : i32 to vector<16xi32>
        %parallel_loop3A_829 = arith.addi %parallel_loop3A_516, %parallel_loop3A_828 : vector<16xi32>
        %parallel_loop3A_830 = arith.constant 12 : i32
        %parallel_loop3A_831 = vector.broadcast %parallel_loop3A_830 : i32 to vector<16xi32>
        %parallel_loop3A_832 = arith.addi %parallel_loop3A_829, %parallel_loop3A_831 : vector<16xi32>
        %parallel_loop3A_833 = tpu.vector_load_idx %arg9[%parallel_loop3A_832] : memref<28800xf32, #tpu.memory_space<vmem>>[vector<16xi32>], vector<16xf32>,
        %parallel_loop3A_834 = arith.constant 16 : i32
        %parallel_loop3A_835 = vector.broadcast %parallel_loop3A_834 : i32 to vector<16xi32>
        %parallel_loop3A_836 = arith.addi %parallel_loop3A_516, %parallel_loop3A_835 : vector<16xi32>
        %parallel_loop3A_837 = arith.constant 13 : i32
        %parallel_loop3A_838 = vector.broadcast %parallel_loop3A_837 : i32 to vector<16xi32>
        %parallel_loop3A_839 = arith.addi %parallel_loop3A_836, %parallel_loop3A_838 : vector<16xi32>
        %parallel_loop3A_840 = tpu.vector_load_idx %arg9[%parallel_loop3A_839] : memref<28800xf32, #tpu.memory_space<vmem>>[vector<16xi32>], vector<16xf32>,
        %parallel_loop3A_841 = arith.constant 16 : i32
        %parallel_loop3A_842 = vector.broadcast %parallel_loop3A_841 : i32 to vector<16xi32>
        %parallel_loop3A_843 = arith.addi %parallel_loop3A_516, %parallel_loop3A_842 : vector<16xi32>
        %parallel_loop3A_844 = arith.constant 14 : i32
        %parallel_loop3A_845 = vector.broadcast %parallel_loop3A_844 : i32 to vector<16xi32>
        %parallel_loop3A_846 = arith.addi %parallel_loop3A_843, %parallel_loop3A_845 : vector<16xi32>
        %parallel_loop3A_847 = tpu.vector_load_idx %arg9[%parallel_loop3A_846] : memref<28800xf32, #tpu.memory_space<vmem>>[vector<16xi32>], vector<16xf32>,
        %parallel_loop3A_848 = arith.constant 16 : i32
        %parallel_loop3A_849 = vector.broadcast %parallel_loop3A_848 : i32 to vector<16xi32>
        %parallel_loop3A_850 = arith.addi %parallel_loop3A_516, %parallel_loop3A_849 : vector<16xi32>
        %parallel_loop3A_851 = arith.constant 15 : i32
        %parallel_loop3A_852 = vector.broadcast %parallel_loop3A_851 : i32 to vector<16xi32>
        %parallel_loop3A_853 = arith.addi %parallel_loop3A_850, %parallel_loop3A_852 : vector<16xi32>
        %parallel_loop3A_854 = tpu.vector_load_idx %arg9[%parallel_loop3A_853] : memref<28800xf32, #tpu.memory_space<vmem>>[vector<16xi32>], vector<16xf32>,
        %parallel_loop3A_855 = arith.constant 2 : i32
        %parallel_loop3A_856 = arith.constant 0 : i32
        %parallel_loop3A_857 = arith.index_cast %parallel_loop3A_855 : i32 to index
        %parallel_loop3A_858 = arith.index_cast %parallel_loop3A_487 : i32 to index
        %parallel_loop3A_859 = arith.index_cast %parallel_loop3A_856 : i32 to index
        %parallel_loop3A_860 = arith.index_cast %parallel_loop3A_518 : i32 to index
        %parallel_loop3A_861 = tpu.vector_load %arg15[%parallel_loop3A_857, %parallel_loop3A_858, %parallel_loop3A_859, %parallel_loop3A_860] {strides = array<i32>} : memref<8x4x8x128xf32, #tpu.memory_space<vmem>>, vector<16xf32>,
        tpu.vector_store %arg15[%parallel_loop3A_857, %parallel_loop3A_858, %parallel_loop3A_859, %parallel_loop3A_860], %parallel_loop3A_749 {strides = array<i32>} : memref<8x4x8x128xf32, #tpu.memory_space<vmem>>, vector<16xf32>,
        %parallel_loop3A_862 = arith.constant 2 : i32
        %parallel_loop3A_863 = arith.constant 1 : i32
        %parallel_loop3A_864 = arith.index_cast %parallel_loop3A_862 : i32 to index
        %parallel_loop3A_865 = arith.index_cast %parallel_loop3A_487 : i32 to index
        %parallel_loop3A_866 = arith.index_cast %parallel_loop3A_863 : i32 to index
        %parallel_loop3A_867 = arith.index_cast %parallel_loop3A_518 : i32 to index
        %parallel_loop3A_868 = tpu.vector_load %arg15[%parallel_loop3A_864, %parallel_loop3A_865, %parallel_loop3A_866, %parallel_loop3A_867] {strides = array<i32>} : memref<8x4x8x128xf32, #tpu.memory_space<vmem>>, vector<16xf32>,
        tpu.vector_store %arg15[%parallel_loop3A_864, %parallel_loop3A_865, %parallel_loop3A_866, %parallel_loop3A_867], %parallel_loop3A_756 {strides = array<i32>} : memref<8x4x8x128xf32, #tpu.memory_space<vmem>>, vector<16xf32>,
        %parallel_loop3A_869 = arith.constant 2 : i32
        %parallel_loop3A_870 = arith.constant 2 : i32
        %parallel_loop3A_871 = arith.index_cast %parallel_loop3A_869 : i32 to index
        %parallel_loop3A_872 = arith.index_cast %parallel_loop3A_487 : i32 to index
        %parallel_loop3A_873 = arith.index_cast %parallel_loop3A_870 : i32 to index
        %parallel_loop3A_874 = arith.index_cast %parallel_loop3A_518 : i32 to index
        %parallel_loop3A_875 = tpu.vector_load %arg15[%parallel_loop3A_871, %parallel_loop3A_872, %parallel_loop3A_873, %parallel_loop3A_874] {strides = array<i32>} : memref<8x4x8x128xf32, #tpu.memory_space<vmem>>, vector<16xf32>,
        tpu.vector_store %arg15[%parallel_loop3A_871, %parallel_loop3A_872, %parallel_loop3A_873, %parallel_loop3A_874], %parallel_loop3A_763 {strides = array<i32>} : memref<8x4x8x128xf32, #tpu.memory_space<vmem>>, vector<16xf32>,
        %parallel_loop3A_876 = arith.constant 2 : i32
        %parallel_loop3A_877 = arith.constant 3 : i32
        %parallel_loop3A_878 = arith.index_cast %parallel_loop3A_876 : i32 to index
        %parallel_loop3A_879 = arith.index_cast %parallel_loop3A_487 : i32 to index
        %parallel_loop3A_880 = arith.index_cast %parallel_loop3A_877 : i32 to index
        %parallel_loop3A_881 = arith.index_cast %parallel_loop3A_518 : i32 to index
        %parallel_loop3A_882 = tpu.vector_load %arg15[%parallel_loop3A_878, %parallel_loop3A_879, %parallel_loop3A_880, %parallel_loop3A_881] {strides = array<i32>} : memref<8x4x8x128xf32, #tpu.memory_space<vmem>>, vector<16xf32>,
        tpu.vector_store %arg15[%parallel_loop3A_878, %parallel_loop3A_879, %parallel_loop3A_880, %parallel_loop3A_881], %parallel_loop3A_770 {strides = array<i32>} : memref<8x4x8x128xf32, #tpu.memory_space<vmem>>, vector<16xf32>,
        %parallel_loop3A_883 = arith.constant 2 : i32
        %parallel_loop3A_884 = arith.constant 4 : i32
        %parallel_loop3A_885 = arith.index_cast %parallel_loop3A_883 : i32 to index
        %parallel_loop3A_886 = arith.index_cast %parallel_loop3A_487 : i32 to index
        %parallel_loop3A_887 = arith.index_cast %parallel_loop3A_884 : i32 to index
        %parallel_loop3A_888 = arith.index_cast %parallel_loop3A_518 : i32 to index
        %parallel_loop3A_889 = tpu.vector_load %arg15[%parallel_loop3A_885, %parallel_loop3A_886, %parallel_loop3A_887, %parallel_loop3A_888] {strides = array<i32>} : memref<8x4x8x128xf32, #tpu.memory_space<vmem>>, vector<16xf32>,
        tpu.vector_store %arg15[%parallel_loop3A_885, %parallel_loop3A_886, %parallel_loop3A_887, %parallel_loop3A_888], %parallel_loop3A_777 {strides = array<i32>} : memref<8x4x8x128xf32, #tpu.memory_space<vmem>>, vector<16xf32>,
        %parallel_loop3A_890 = arith.constant 2 : i32
        %parallel_loop3A_891 = arith.constant 5 : i32
        %parallel_loop3A_892 = arith.index_cast %parallel_loop3A_890 : i32 to index
        %parallel_loop3A_893 = arith.index_cast %parallel_loop3A_487 : i32 to index
        %parallel_loop3A_894 = arith.index_cast %parallel_loop3A_891 : i32 to index
        %parallel_loop3A_895 = arith.index_cast %parallel_loop3A_518 : i32 to index
        %parallel_loop3A_896 = tpu.vector_load %arg15[%parallel_loop3A_892, %parallel_loop3A_893, %parallel_loop3A_894, %parallel_loop3A_895] {strides = array<i32>} : memref<8x4x8x128xf32, #tpu.memory_space<vmem>>, vector<16xf32>,
        tpu.vector_store %arg15[%parallel_loop3A_892, %parallel_loop3A_893, %parallel_loop3A_894, %parallel_loop3A_895], %parallel_loop3A_784 {strides = array<i32>} : memref<8x4x8x128xf32, #tpu.memory_space<vmem>>, vector<16xf32>,
        %parallel_loop3A_897 = arith.constant 2 : i32
        %parallel_loop3A_898 = arith.constant 6 : i32
        %parallel_loop3A_899 = arith.index_cast %parallel_loop3A_897 : i32 to index
        %parallel_loop3A_900 = arith.index_cast %parallel_loop3A_487 : i32 to index
        %parallel_loop3A_901 = arith.index_cast %parallel_loop3A_898 : i32 to index
        %parallel_loop3A_902 = arith.index_cast %parallel_loop3A_518 : i32 to index
        %parallel_loop3A_903 = tpu.vector_load %arg15[%parallel_loop3A_899, %parallel_loop3A_900, %parallel_loop3A_901, %parallel_loop3A_902] {strides = array<i32>} : memref<8x4x8x128xf32, #tpu.memory_space<vmem>>, vector<16xf32>,
        tpu.vector_store %arg15[%parallel_loop3A_899, %parallel_loop3A_900, %parallel_loop3A_901, %parallel_loop3A_902], %parallel_loop3A_791 {strides = array<i32>} : memref<8x4x8x128xf32, #tpu.memory_space<vmem>>, vector<16xf32>,
        %parallel_loop3A_904 = arith.constant 2 : i32
        %parallel_loop3A_905 = arith.constant 7 : i32
        %parallel_loop3A_906 = arith.index_cast %parallel_loop3A_904 : i32 to index
        %parallel_loop3A_907 = arith.index_cast %parallel_loop3A_487 : i32 to index
        %parallel_loop3A_908 = arith.index_cast %parallel_loop3A_905 : i32 to index
        %parallel_loop3A_909 = arith.index_cast %parallel_loop3A_518 : i32 to index
        %parallel_loop3A_910 = tpu.vector_load %arg15[%parallel_loop3A_906, %parallel_loop3A_907, %parallel_loop3A_908, %parallel_loop3A_909] {strides = array<i32>} : memref<8x4x8x128xf32, #tpu.memory_space<vmem>>, vector<16xf32>,
        tpu.vector_store %arg15[%parallel_loop3A_906, %parallel_loop3A_907, %parallel_loop3A_908, %parallel_loop3A_909], %parallel_loop3A_798 {strides = array<i32>} : memref<8x4x8x128xf32, #tpu.memory_space<vmem>>, vector<16xf32>,
        %parallel_loop3A_911 = arith.constant 3 : i32
        %parallel_loop3A_912 = arith.constant 0 : i32
        %parallel_loop3A_913 = arith.index_cast %parallel_loop3A_911 : i32 to index
        %parallel_loop3A_914 = arith.index_cast %parallel_loop3A_487 : i32 to index
        %parallel_loop3A_915 = arith.index_cast %parallel_loop3A_912 : i32 to index
        %parallel_loop3A_916 = arith.index_cast %parallel_loop3A_518 : i32 to index
        %parallel_loop3A_917 = tpu.vector_load %arg15[%parallel_loop3A_913, %parallel_loop3A_914, %parallel_loop3A_915, %parallel_loop3A_916] {strides = array<i32>} : memref<8x4x8x128xf32, #tpu.memory_space<vmem>>, vector<16xf32>,
        tpu.vector_store %arg15[%parallel_loop3A_913, %parallel_loop3A_914, %parallel_loop3A_915, %parallel_loop3A_916], %parallel_loop3A_805 {strides = array<i32>} : memref<8x4x8x128xf32, #tpu.memory_space<vmem>>, vector<16xf32>,
        %parallel_loop3A_918 = arith.constant 3 : i32
        %parallel_loop3A_919 = arith.constant 1 : i32
        %parallel_loop3A_920 = arith.index_cast %parallel_loop3A_918 : i32 to index
        %parallel_loop3A_921 = arith.index_cast %parallel_loop3A_487 : i32 to index
        %parallel_loop3A_922 = arith.index_cast %parallel_loop3A_919 : i32 to index
        %parallel_loop3A_923 = arith.index_cast %parallel_loop3A_518 : i32 to index
        %parallel_loop3A_924 = tpu.vector_load %arg15[%parallel_loop3A_920, %parallel_loop3A_921, %parallel_loop3A_922, %parallel_loop3A_923] {strides = array<i32>} : memref<8x4x8x128xf32, #tpu.memory_space<vmem>>, vector<16xf32>,
        tpu.vector_store %arg15[%parallel_loop3A_920, %parallel_loop3A_921, %parallel_loop3A_922, %parallel_loop3A_923], %parallel_loop3A_812 {strides = array<i32>} : memref<8x4x8x128xf32, #tpu.memory_space<vmem>>, vector<16xf32>,
        %parallel_loop3A_925 = arith.constant 3 : i32
        %parallel_loop3A_926 = arith.constant 2 : i32
        %parallel_loop3A_927 = arith.index_cast %parallel_loop3A_925 : i32 to index
        %parallel_loop3A_928 = arith.index_cast %parallel_loop3A_487 : i32 to index
        %parallel_loop3A_929 = arith.index_cast %parallel_loop3A_926 : i32 to index
        %parallel_loop3A_930 = arith.index_cast %parallel_loop3A_518 : i32 to index
        %parallel_loop3A_931 = tpu.vector_load %arg15[%parallel_loop3A_927, %parallel_loop3A_928, %parallel_loop3A_929, %parallel_loop3A_930] {strides = array<i32>} : memref<8x4x8x128xf32, #tpu.memory_space<vmem>>, vector<16xf32>,
        tpu.vector_store %arg15[%parallel_loop3A_927, %parallel_loop3A_928, %parallel_loop3A_929, %parallel_loop3A_930], %parallel_loop3A_819 {strides = array<i32>} : memref<8x4x8x128xf32, #tpu.memory_space<vmem>>, vector<16xf32>,
        %parallel_loop3A_932 = arith.constant 3 : i32
        %parallel_loop3A_933 = arith.constant 3 : i32
        %parallel_loop3A_934 = arith.index_cast %parallel_loop3A_932 : i32 to index
        %parallel_loop3A_935 = arith.index_cast %parallel_loop3A_487 : i32 to index
        %parallel_loop3A_936 = arith.index_cast %parallel_loop3A_933 : i32 to index
        %parallel_loop3A_937 = arith.index_cast %parallel_loop3A_518 : i32 to index
        %parallel_loop3A_938 = tpu.vector_load %arg15[%parallel_loop3A_934, %parallel_loop3A_935, %parallel_loop3A_936, %parallel_loop3A_937] {strides = array<i32>} : memref<8x4x8x128xf32, #tpu.memory_space<vmem>>, vector<16xf32>,
        tpu.vector_store %arg15[%parallel_loop3A_934, %parallel_loop3A_935, %parallel_loop3A_936, %parallel_loop3A_937], %parallel_loop3A_826 {strides = array<i32>} : memref<8x4x8x128xf32, #tpu.memory_space<vmem>>, vector<16xf32>,
        %parallel_loop3A_939 = arith.constant 3 : i32
        %parallel_loop3A_940 = arith.constant 4 : i32
        %parallel_loop3A_941 = arith.index_cast %parallel_loop3A_939 : i32 to index
        %parallel_loop3A_942 = arith.index_cast %parallel_loop3A_487 : i32 to index
        %parallel_loop3A_943 = arith.index_cast %parallel_loop3A_940 : i32 to index
        %parallel_loop3A_944 = arith.index_cast %parallel_loop3A_518 : i32 to index
        %parallel_loop3A_945 = tpu.vector_load %arg15[%parallel_loop3A_941, %parallel_loop3A_942, %parallel_loop3A_943, %parallel_loop3A_944] {strides = array<i32>} : memref<8x4x8x128xf32, #tpu.memory_space<vmem>>, vector<16xf32>,
        tpu.vector_store %arg15[%parallel_loop3A_941, %parallel_loop3A_942, %parallel_loop3A_943, %parallel_loop3A_944], %parallel_loop3A_833 {strides = array<i32>} : memref<8x4x8x128xf32, #tpu.memory_space<vmem>>, vector<16xf32>,
        %parallel_loop3A_946 = arith.constant 3 : i32
        %parallel_loop3A_947 = arith.constant 5 : i32
        %parallel_loop3A_948 = arith.index_cast %parallel_loop3A_946 : i32 to index
        %parallel_loop3A_949 = arith.index_cast %parallel_loop3A_487 : i32 to index
        %parallel_loop3A_950 = arith.index_cast %parallel_loop3A_947 : i32 to index
        %parallel_loop3A_951 = arith.index_cast %parallel_loop3A_518 : i32 to index
        %parallel_loop3A_952 = tpu.vector_load %arg15[%parallel_loop3A_948, %parallel_loop3A_949, %parallel_loop3A_950, %parallel_loop3A_951] {strides = array<i32>} : memref<8x4x8x128xf32, #tpu.memory_space<vmem>>, vector<16xf32>,
        tpu.vector_store %arg15[%parallel_loop3A_948, %parallel_loop3A_949, %parallel_loop3A_950, %parallel_loop3A_951], %parallel_loop3A_840 {strides = array<i32>} : memref<8x4x8x128xf32, #tpu.memory_space<vmem>>, vector<16xf32>,
        %parallel_loop3A_953 = arith.constant 3 : i32
        %parallel_loop3A_954 = arith.constant 6 : i32
        %parallel_loop3A_955 = arith.index_cast %parallel_loop3A_953 : i32 to index
        %parallel_loop3A_956 = arith.index_cast %parallel_loop3A_487 : i32 to index
        %parallel_loop3A_957 = arith.index_cast %parallel_loop3A_954 : i32 to index
        %parallel_loop3A_958 = arith.index_cast %parallel_loop3A_518 : i32 to index
        %parallel_loop3A_959 = tpu.vector_load %arg15[%parallel_loop3A_955, %parallel_loop3A_956, %parallel_loop3A_957, %parallel_loop3A_958] {strides = array<i32>} : memref<8x4x8x128xf32, #tpu.memory_space<vmem>>, vector<16xf32>,
        tpu.vector_store %arg15[%parallel_loop3A_955, %parallel_loop3A_956, %parallel_loop3A_957, %parallel_loop3A_958], %parallel_loop3A_847 {strides = array<i32>} : memref<8x4x8x128xf32, #tpu.memory_space<vmem>>, vector<16xf32>,
        %parallel_loop3A_960 = arith.constant 3 : i32
        %parallel_loop3A_961 = arith.constant 7 : i32
        %parallel_loop3A_962 = arith.index_cast %parallel_loop3A_960 : i32 to index
        %parallel_loop3A_963 = arith.index_cast %parallel_loop3A_487 : i32 to index
        %parallel_loop3A_964 = arith.index_cast %parallel_loop3A_961 : i32 to index
        %parallel_loop3A_965 = arith.index_cast %parallel_loop3A_518 : i32 to index
        %parallel_loop3A_966 = tpu.vector_load %arg15[%parallel_loop3A_962, %parallel_loop3A_963, %parallel_loop3A_964, %parallel_loop3A_965] {strides = array<i32>} : memref<8x4x8x128xf32, #tpu.memory_space<vmem>>, vector<16xf32>,
        tpu.vector_store %arg15[%parallel_loop3A_962, %parallel_loop3A_963, %parallel_loop3A_964, %parallel_loop3A_965], %parallel_loop3A_854 {strides = array<i32>} : memref<8x4x8x128xf32, #tpu.memory_space<vmem>>, vector<16xf32>,
        %parallel_loop3A_967 = arith.constant 32 : i32
        %parallel_loop3A_968 = vector.broadcast %parallel_loop3A_967 : i32 to vector<16xi32>
        %parallel_loop3A_969 = arith.addi %parallel_loop3A_516, %parallel_loop3A_968 : vector<16xi32>
        %parallel_loop3A_970 = arith.constant 0 : i32
        %parallel_loop3A_971 = vector.broadcast %parallel_loop3A_970 : i32 to vector<16xi32>
        %parallel_loop3A_972 = arith.addi %parallel_loop3A_969, %parallel_loop3A_971 : vector<16xi32>
        %parallel_loop3A_973 = tpu.vector_load_idx %arg9[%parallel_loop3A_972] : memref<28800xf32, #tpu.memory_space<vmem>>[vector<16xi32>], vector<16xf32>,
        %parallel_loop3A_974 = arith.constant 32 : i32
        %parallel_loop3A_975 = vector.broadcast %parallel_loop3A_974 : i32 to vector<16xi32>
        %parallel_loop3A_976 = arith.addi %parallel_loop3A_516, %parallel_loop3A_975 : vector<16xi32>
        %parallel_loop3A_977 = arith.constant 1 : i32
        %parallel_loop3A_978 = vector.broadcast %parallel_loop3A_977 : i32 to vector<16xi32>
        %parallel_loop3A_979 = arith.addi %parallel_loop3A_976, %parallel_loop3A_978 : vector<16xi32>
        %parallel_loop3A_980 = tpu.vector_load_idx %arg9[%parallel_loop3A_979] : memref<28800xf32, #tpu.memory_space<vmem>>[vector<16xi32>], vector<16xf32>,
        %parallel_loop3A_981 = arith.constant 32 : i32
        %parallel_loop3A_982 = vector.broadcast %parallel_loop3A_981 : i32 to vector<16xi32>
        %parallel_loop3A_983 = arith.addi %parallel_loop3A_516, %parallel_loop3A_982 : vector<16xi32>
        %parallel_loop3A_984 = arith.constant 2 : i32
        %parallel_loop3A_985 = vector.broadcast %parallel_loop3A_984 : i32 to vector<16xi32>
        %parallel_loop3A_986 = arith.addi %parallel_loop3A_983, %parallel_loop3A_985 : vector<16xi32>
        %parallel_loop3A_987 = tpu.vector_load_idx %arg9[%parallel_loop3A_986] : memref<28800xf32, #tpu.memory_space<vmem>>[vector<16xi32>], vector<16xf32>,
        %parallel_loop3A_988 = arith.constant 32 : i32
        %parallel_loop3A_989 = vector.broadcast %parallel_loop3A_988 : i32 to vector<16xi32>
        %parallel_loop3A_990 = arith.addi %parallel_loop3A_516, %parallel_loop3A_989 : vector<16xi32>
        %parallel_loop3A_991 = arith.constant 3 : i32
        %parallel_loop3A_992 = vector.broadcast %parallel_loop3A_991 : i32 to vector<16xi32>
        %parallel_loop3A_993 = arith.addi %parallel_loop3A_990, %parallel_loop3A_992 : vector<16xi32>
        %parallel_loop3A_994 = tpu.vector_load_idx %arg9[%parallel_loop3A_993] : memref<28800xf32, #tpu.memory_space<vmem>>[vector<16xi32>], vector<16xf32>,
        %parallel_loop3A_995 = arith.constant 32 : i32
        %parallel_loop3A_996 = vector.broadcast %parallel_loop3A_995 : i32 to vector<16xi32>
        %parallel_loop3A_997 = arith.addi %parallel_loop3A_516, %parallel_loop3A_996 : vector<16xi32>
        %parallel_loop3A_998 = arith.constant 4 : i32
        %parallel_loop3A_999 = vector.broadcast %parallel_loop3A_998 : i32 to vector<16xi32>
        %parallel_loop3A_1000 = arith.addi %parallel_loop3A_997, %parallel_loop3A_999 : vector<16xi32>
        %parallel_loop3A_1001 = tpu.vector_load_idx %arg9[%parallel_loop3A_1000] : memref<28800xf32, #tpu.memory_space<vmem>>[vector<16xi32>], vector<16xf32>,
        %parallel_loop3A_1002 = arith.constant 32 : i32
        %parallel_loop3A_1003 = vector.broadcast %parallel_loop3A_1002 : i32 to vector<16xi32>
        %parallel_loop3A_1004 = arith.addi %parallel_loop3A_516, %parallel_loop3A_1003 : vector<16xi32>
        %parallel_loop3A_1005 = arith.constant 5 : i32
        %parallel_loop3A_1006 = vector.broadcast %parallel_loop3A_1005 : i32 to vector<16xi32>
        %parallel_loop3A_1007 = arith.addi %parallel_loop3A_1004, %parallel_loop3A_1006 : vector<16xi32>
        %parallel_loop3A_1008 = tpu.vector_load_idx %arg9[%parallel_loop3A_1007] : memref<28800xf32, #tpu.memory_space<vmem>>[vector<16xi32>], vector<16xf32>,
        %parallel_loop3A_1009 = arith.constant 32 : i32
        %parallel_loop3A_1010 = vector.broadcast %parallel_loop3A_1009 : i32 to vector<16xi32>
        %parallel_loop3A_1011 = arith.addi %parallel_loop3A_516, %parallel_loop3A_1010 : vector<16xi32>
        %parallel_loop3A_1012 = arith.constant 6 : i32
        %parallel_loop3A_1013 = vector.broadcast %parallel_loop3A_1012 : i32 to vector<16xi32>
        %parallel_loop3A_1014 = arith.addi %parallel_loop3A_1011, %parallel_loop3A_1013 : vector<16xi32>
        %parallel_loop3A_1015 = tpu.vector_load_idx %arg9[%parallel_loop3A_1014] : memref<28800xf32, #tpu.memory_space<vmem>>[vector<16xi32>], vector<16xf32>,
        %parallel_loop3A_1016 = arith.constant 32 : i32
        %parallel_loop3A_1017 = vector.broadcast %parallel_loop3A_1016 : i32 to vector<16xi32>
        %parallel_loop3A_1018 = arith.addi %parallel_loop3A_516, %parallel_loop3A_1017 : vector<16xi32>
        %parallel_loop3A_1019 = arith.constant 7 : i32
        %parallel_loop3A_1020 = vector.broadcast %parallel_loop3A_1019 : i32 to vector<16xi32>
        %parallel_loop3A_1021 = arith.addi %parallel_loop3A_1018, %parallel_loop3A_1020 : vector<16xi32>
        %parallel_loop3A_1022 = tpu.vector_load_idx %arg9[%parallel_loop3A_1021] : memref<28800xf32, #tpu.memory_space<vmem>>[vector<16xi32>], vector<16xf32>,
        %parallel_loop3A_1023 = arith.constant 32 : i32
        %parallel_loop3A_1024 = vector.broadcast %parallel_loop3A_1023 : i32 to vector<16xi32>
        %parallel_loop3A_1025 = arith.addi %parallel_loop3A_516, %parallel_loop3A_1024 : vector<16xi32>
        %parallel_loop3A_1026 = arith.constant 8 : i32
        %parallel_loop3A_1027 = vector.broadcast %parallel_loop3A_1026 : i32 to vector<16xi32>
        %parallel_loop3A_1028 = arith.addi %parallel_loop3A_1025, %parallel_loop3A_1027 : vector<16xi32>
        %parallel_loop3A_1029 = tpu.vector_load_idx %arg9[%parallel_loop3A_1028] : memref<28800xf32, #tpu.memory_space<vmem>>[vector<16xi32>], vector<16xf32>,
        %parallel_loop3A_1030 = arith.constant 32 : i32
        %parallel_loop3A_1031 = vector.broadcast %parallel_loop3A_1030 : i32 to vector<16xi32>
        %parallel_loop3A_1032 = arith.addi %parallel_loop3A_516, %parallel_loop3A_1031 : vector<16xi32>
        %parallel_loop3A_1033 = arith.constant 9 : i32
        %parallel_loop3A_1034 = vector.broadcast %parallel_loop3A_1033 : i32 to vector<16xi32>
        %parallel_loop3A_1035 = arith.addi %parallel_loop3A_1032, %parallel_loop3A_1034 : vector<16xi32>
        %parallel_loop3A_1036 = tpu.vector_load_idx %arg9[%parallel_loop3A_1035] : memref<28800xf32, #tpu.memory_space<vmem>>[vector<16xi32>], vector<16xf32>,
        %parallel_loop3A_1037 = arith.constant 32 : i32
        %parallel_loop3A_1038 = vector.broadcast %parallel_loop3A_1037 : i32 to vector<16xi32>
        %parallel_loop3A_1039 = arith.addi %parallel_loop3A_516, %parallel_loop3A_1038 : vector<16xi32>
        %parallel_loop3A_1040 = arith.constant 10 : i32
        %parallel_loop3A_1041 = vector.broadcast %parallel_loop3A_1040 : i32 to vector<16xi32>
        %parallel_loop3A_1042 = arith.addi %parallel_loop3A_1039, %parallel_loop3A_1041 : vector<16xi32>
        %parallel_loop3A_1043 = tpu.vector_load_idx %arg9[%parallel_loop3A_1042] : memref<28800xf32, #tpu.memory_space<vmem>>[vector<16xi32>], vector<16xf32>,
        %parallel_loop3A_1044 = arith.constant 32 : i32
        %parallel_loop3A_1045 = vector.broadcast %parallel_loop3A_1044 : i32 to vector<16xi32>
        %parallel_loop3A_1046 = arith.addi %parallel_loop3A_516, %parallel_loop3A_1045 : vector<16xi32>
        %parallel_loop3A_1047 = arith.constant 11 : i32
        %parallel_loop3A_1048 = vector.broadcast %parallel_loop3A_1047 : i32 to vector<16xi32>
        %parallel_loop3A_1049 = arith.addi %parallel_loop3A_1046, %parallel_loop3A_1048 : vector<16xi32>
        %parallel_loop3A_1050 = tpu.vector_load_idx %arg9[%parallel_loop3A_1049] : memref<28800xf32, #tpu.memory_space<vmem>>[vector<16xi32>], vector<16xf32>,
        %parallel_loop3A_1051 = arith.constant 32 : i32
        %parallel_loop3A_1052 = vector.broadcast %parallel_loop3A_1051 : i32 to vector<16xi32>
        %parallel_loop3A_1053 = arith.addi %parallel_loop3A_516, %parallel_loop3A_1052 : vector<16xi32>
        %parallel_loop3A_1054 = arith.constant 12 : i32
        %parallel_loop3A_1055 = vector.broadcast %parallel_loop3A_1054 : i32 to vector<16xi32>
        %parallel_loop3A_1056 = arith.addi %parallel_loop3A_1053, %parallel_loop3A_1055 : vector<16xi32>
        %parallel_loop3A_1057 = tpu.vector_load_idx %arg9[%parallel_loop3A_1056] : memref<28800xf32, #tpu.memory_space<vmem>>[vector<16xi32>], vector<16xf32>,
        %parallel_loop3A_1058 = arith.constant 32 : i32
        %parallel_loop3A_1059 = vector.broadcast %parallel_loop3A_1058 : i32 to vector<16xi32>
        %parallel_loop3A_1060 = arith.addi %parallel_loop3A_516, %parallel_loop3A_1059 : vector<16xi32>
        %parallel_loop3A_1061 = arith.constant 13 : i32
        %parallel_loop3A_1062 = vector.broadcast %parallel_loop3A_1061 : i32 to vector<16xi32>
        %parallel_loop3A_1063 = arith.addi %parallel_loop3A_1060, %parallel_loop3A_1062 : vector<16xi32>
        %parallel_loop3A_1064 = tpu.vector_load_idx %arg9[%parallel_loop3A_1063] : memref<28800xf32, #tpu.memory_space<vmem>>[vector<16xi32>], vector<16xf32>,
        %parallel_loop3A_1065 = arith.constant 32 : i32
        %parallel_loop3A_1066 = vector.broadcast %parallel_loop3A_1065 : i32 to vector<16xi32>
        %parallel_loop3A_1067 = arith.addi %parallel_loop3A_516, %parallel_loop3A_1066 : vector<16xi32>
        %parallel_loop3A_1068 = arith.constant 14 : i32
        %parallel_loop3A_1069 = vector.broadcast %parallel_loop3A_1068 : i32 to vector<16xi32>
        %parallel_loop3A_1070 = arith.addi %parallel_loop3A_1067, %parallel_loop3A_1069 : vector<16xi32>
        %parallel_loop3A_1071 = tpu.vector_load_idx %arg9[%parallel_loop3A_1070] : memref<28800xf32, #tpu.memory_space<vmem>>[vector<16xi32>], vector<16xf32>,
        %parallel_loop3A_1072 = arith.constant 32 : i32
        %parallel_loop3A_1073 = vector.broadcast %parallel_loop3A_1072 : i32 to vector<16xi32>
        %parallel_loop3A_1074 = arith.addi %parallel_loop3A_516, %parallel_loop3A_1073 : vector<16xi32>
        %parallel_loop3A_1075 = arith.constant 15 : i32
        %parallel_loop3A_1076 = vector.broadcast %parallel_loop3A_1075 : i32 to vector<16xi32>
        %parallel_loop3A_1077 = arith.addi %parallel_loop3A_1074, %parallel_loop3A_1076 : vector<16xi32>
        %parallel_loop3A_1078 = tpu.vector_load_idx %arg9[%parallel_loop3A_1077] : memref<28800xf32, #tpu.memory_space<vmem>>[vector<16xi32>], vector<16xf32>,
        %parallel_loop3A_1079 = arith.constant 4 : i32
        %parallel_loop3A_1080 = arith.constant 0 : i32
        %parallel_loop3A_1081 = arith.index_cast %parallel_loop3A_1079 : i32 to index
        %parallel_loop3A_1082 = arith.index_cast %parallel_loop3A_487 : i32 to index
        %parallel_loop3A_1083 = arith.index_cast %parallel_loop3A_1080 : i32 to index
        %parallel_loop3A_1084 = arith.index_cast %parallel_loop3A_518 : i32 to index
        %parallel_loop3A_1085 = tpu.vector_load %arg15[%parallel_loop3A_1081, %parallel_loop3A_1082, %parallel_loop3A_1083, %parallel_loop3A_1084] {strides = array<i32>} : memref<8x4x8x128xf32, #tpu.memory_space<vmem>>, vector<16xf32>,
        tpu.vector_store %arg15[%parallel_loop3A_1081, %parallel_loop3A_1082, %parallel_loop3A_1083, %parallel_loop3A_1084], %parallel_loop3A_973 {strides = array<i32>} : memref<8x4x8x128xf32, #tpu.memory_space<vmem>>, vector<16xf32>,
        %parallel_loop3A_1086 = arith.constant 4 : i32
        %parallel_loop3A_1087 = arith.constant 1 : i32
        %parallel_loop3A_1088 = arith.index_cast %parallel_loop3A_1086 : i32 to index
        %parallel_loop3A_1089 = arith.index_cast %parallel_loop3A_487 : i32 to index
        %parallel_loop3A_1090 = arith.index_cast %parallel_loop3A_1087 : i32 to index
        %parallel_loop3A_1091 = arith.index_cast %parallel_loop3A_518 : i32 to index
        %parallel_loop3A_1092 = tpu.vector_load %arg15[%parallel_loop3A_1088, %parallel_loop3A_1089, %parallel_loop3A_1090, %parallel_loop3A_1091] {strides = array<i32>} : memref<8x4x8x128xf32, #tpu.memory_space<vmem>>, vector<16xf32>,
        tpu.vector_store %arg15[%parallel_loop3A_1088, %parallel_loop3A_1089, %parallel_loop3A_1090, %parallel_loop3A_1091], %parallel_loop3A_980 {strides = array<i32>} : memref<8x4x8x128xf32, #tpu.memory_space<vmem>>, vector<16xf32>,
        %parallel_loop3A_1093 = arith.constant 4 : i32
        %parallel_loop3A_1094 = arith.constant 2 : i32
        %parallel_loop3A_1095 = arith.index_cast %parallel_loop3A_1093 : i32 to index
        %parallel_loop3A_1096 = arith.index_cast %parallel_loop3A_487 : i32 to index
        %parallel_loop3A_1097 = arith.index_cast %parallel_loop3A_1094 : i32 to index
        %parallel_loop3A_1098 = arith.index_cast %parallel_loop3A_518 : i32 to index
        %parallel_loop3A_1099 = tpu.vector_load %arg15[%parallel_loop3A_1095, %parallel_loop3A_1096, %parallel_loop3A_1097, %parallel_loop3A_1098] {strides = array<i32>} : memref<8x4x8x128xf32, #tpu.memory_space<vmem>>, vector<16xf32>,
        tpu.vector_store %arg15[%parallel_loop3A_1095, %parallel_loop3A_1096, %parallel_loop3A_1097, %parallel_loop3A_1098], %parallel_loop3A_987 {strides = array<i32>} : memref<8x4x8x128xf32, #tpu.memory_space<vmem>>, vector<16xf32>,
        %parallel_loop3A_1100 = arith.constant 4 : i32
        %parallel_loop3A_1101 = arith.constant 3 : i32
        %parallel_loop3A_1102 = arith.index_cast %parallel_loop3A_1100 : i32 to index
        %parallel_loop3A_1103 = arith.index_cast %parallel_loop3A_487 : i32 to index
        %parallel_loop3A_1104 = arith.index_cast %parallel_loop3A_1101 : i32 to index
        %parallel_loop3A_1105 = arith.index_cast %parallel_loop3A_518 : i32 to index
        %parallel_loop3A_1106 = tpu.vector_load %arg15[%parallel_loop3A_1102, %parallel_loop3A_1103, %parallel_loop3A_1104, %parallel_loop3A_1105] {strides = array<i32>} : memref<8x4x8x128xf32, #tpu.memory_space<vmem>>, vector<16xf32>,
        tpu.vector_store %arg15[%parallel_loop3A_1102, %parallel_loop3A_1103, %parallel_loop3A_1104, %parallel_loop3A_1105], %parallel_loop3A_994 {strides = array<i32>} : memref<8x4x8x128xf32, #tpu.memory_space<vmem>>, vector<16xf32>,
        %parallel_loop3A_1107 = arith.constant 4 : i32
        %parallel_loop3A_1108 = arith.constant 4 : i32
        %parallel_loop3A_1109 = arith.index_cast %parallel_loop3A_1107 : i32 to index
        %parallel_loop3A_1110 = arith.index_cast %parallel_loop3A_487 : i32 to index
        %parallel_loop3A_1111 = arith.index_cast %parallel_loop3A_1108 : i32 to index
        %parallel_loop3A_1112 = arith.index_cast %parallel_loop3A_518 : i32 to index
        %parallel_loop3A_1113 = tpu.vector_load %arg15[%parallel_loop3A_1109, %parallel_loop3A_1110, %parallel_loop3A_1111, %parallel_loop3A_1112] {strides = array<i32>} : memref<8x4x8x128xf32, #tpu.memory_space<vmem>>, vector<16xf32>,
        tpu.vector_store %arg15[%parallel_loop3A_1109, %parallel_loop3A_1110, %parallel_loop3A_1111, %parallel_loop3A_1112], %parallel_loop3A_1001 {strides = array<i32>} : memref<8x4x8x128xf32, #tpu.memory_space<vmem>>, vector<16xf32>,
        %parallel_loop3A_1114 = arith.constant 4 : i32
        %parallel_loop3A_1115 = arith.constant 5 : i32
        %parallel_loop3A_1116 = arith.index_cast %parallel_loop3A_1114 : i32 to index
        %parallel_loop3A_1117 = arith.index_cast %parallel_loop3A_487 : i32 to index
        %parallel_loop3A_1118 = arith.index_cast %parallel_loop3A_1115 : i32 to index
        %parallel_loop3A_1119 = arith.index_cast %parallel_loop3A_518 : i32 to index
        %parallel_loop3A_1120 = tpu.vector_load %arg15[%parallel_loop3A_1116, %parallel_loop3A_1117, %parallel_loop3A_1118, %parallel_loop3A_1119] {strides = array<i32>} : memref<8x4x8x128xf32, #tpu.memory_space<vmem>>, vector<16xf32>,
        tpu.vector_store %arg15[%parallel_loop3A_1116, %parallel_loop3A_1117, %parallel_loop3A_1118, %parallel_loop3A_1119], %parallel_loop3A_1008 {strides = array<i32>} : memref<8x4x8x128xf32, #tpu.memory_space<vmem>>, vector<16xf32>,
        %parallel_loop3A_1121 = arith.constant 4 : i32
        %parallel_loop3A_1122 = arith.constant 6 : i32
        %parallel_loop3A_1123 = arith.index_cast %parallel_loop3A_1121 : i32 to index
        %parallel_loop3A_1124 = arith.index_cast %parallel_loop3A_487 : i32 to index
        %parallel_loop3A_1125 = arith.index_cast %parallel_loop3A_1122 : i32 to index
        %parallel_loop3A_1126 = arith.index_cast %parallel_loop3A_518 : i32 to index
        %parallel_loop3A_1127 = tpu.vector_load %arg15[%parallel_loop3A_1123, %parallel_loop3A_1124, %parallel_loop3A_1125, %parallel_loop3A_1126] {strides = array<i32>} : memref<8x4x8x128xf32, #tpu.memory_space<vmem>>, vector<16xf32>,
        tpu.vector_store %arg15[%parallel_loop3A_1123, %parallel_loop3A_1124, %parallel_loop3A_1125, %parallel_loop3A_1126], %parallel_loop3A_1015 {strides = array<i32>} : memref<8x4x8x128xf32, #tpu.memory_space<vmem>>, vector<16xf32>,
        %parallel_loop3A_1128 = arith.constant 4 : i32
        %parallel_loop3A_1129 = arith.constant 7 : i32
        %parallel_loop3A_1130 = arith.index_cast %parallel_loop3A_1128 : i32 to index
        %parallel_loop3A_1131 = arith.index_cast %parallel_loop3A_487 : i32 to index
        %parallel_loop3A_1132 = arith.index_cast %parallel_loop3A_1129 : i32 to index
        %parallel_loop3A_1133 = arith.index_cast %parallel_loop3A_518 : i32 to index
        %parallel_loop3A_1134 = tpu.vector_load %arg15[%parallel_loop3A_1130, %parallel_loop3A_1131, %parallel_loop3A_1132, %parallel_loop3A_1133] {strides = array<i32>} : memref<8x4x8x128xf32, #tpu.memory_space<vmem>>, vector<16xf32>,
        tpu.vector_store %arg15[%parallel_loop3A_1130, %parallel_loop3A_1131, %parallel_loop3A_1132, %parallel_loop3A_1133], %parallel_loop3A_1022 {strides = array<i32>} : memref<8x4x8x128xf32, #tpu.memory_space<vmem>>, vector<16xf32>,
        %parallel_loop3A_1135 = arith.constant 5 : i32
        %parallel_loop3A_1136 = arith.constant 0 : i32
        %parallel_loop3A_1137 = arith.index_cast %parallel_loop3A_1135 : i32 to index
        %parallel_loop3A_1138 = arith.index_cast %parallel_loop3A_487 : i32 to index
        %parallel_loop3A_1139 = arith.index_cast %parallel_loop3A_1136 : i32 to index
        %parallel_loop3A_1140 = arith.index_cast %parallel_loop3A_518 : i32 to index
        %parallel_loop3A_1141 = tpu.vector_load %arg15[%parallel_loop3A_1137, %parallel_loop3A_1138, %parallel_loop3A_1139, %parallel_loop3A_1140] {strides = array<i32>} : memref<8x4x8x128xf32, #tpu.memory_space<vmem>>, vector<16xf32>,
        tpu.vector_store %arg15[%parallel_loop3A_1137, %parallel_loop3A_1138, %parallel_loop3A_1139, %parallel_loop3A_1140], %parallel_loop3A_1029 {strides = array<i32>} : memref<8x4x8x128xf32, #tpu.memory_space<vmem>>, vector<16xf32>,
        %parallel_loop3A_1142 = arith.constant 5 : i32
        %parallel_loop3A_1143 = arith.constant 1 : i32
        %parallel_loop3A_1144 = arith.index_cast %parallel_loop3A_1142 : i32 to index
        %parallel_loop3A_1145 = arith.index_cast %parallel_loop3A_487 : i32 to index
        %parallel_loop3A_1146 = arith.index_cast %parallel_loop3A_1143 : i32 to index
        %parallel_loop3A_1147 = arith.index_cast %parallel_loop3A_518 : i32 to index
        %parallel_loop3A_1148 = tpu.vector_load %arg15[%parallel_loop3A_1144, %parallel_loop3A_1145, %parallel_loop3A_1146, %parallel_loop3A_1147] {strides = array<i32>} : memref<8x4x8x128xf32, #tpu.memory_space<vmem>>, vector<16xf32>,
        tpu.vector_store %arg15[%parallel_loop3A_1144, %parallel_loop3A_1145, %parallel_loop3A_1146, %parallel_loop3A_1147], %parallel_loop3A_1036 {strides = array<i32>} : memref<8x4x8x128xf32, #tpu.memory_space<vmem>>, vector<16xf32>,
        %parallel_loop3A_1149 = arith.constant 5 : i32
        %parallel_loop3A_1150 = arith.constant 2 : i32
        %parallel_loop3A_1151 = arith.index_cast %parallel_loop3A_1149 : i32 to index
        %parallel_loop3A_1152 = arith.index_cast %parallel_loop3A_487 : i32 to index
        %parallel_loop3A_1153 = arith.index_cast %parallel_loop3A_1150 : i32 to index
        %parallel_loop3A_1154 = arith.index_cast %parallel_loop3A_518 : i32 to index
        %parallel_loop3A_1155 = tpu.vector_load %arg15[%parallel_loop3A_1151, %parallel_loop3A_1152, %parallel_loop3A_1153, %parallel_loop3A_1154] {strides = array<i32>} : memref<8x4x8x128xf32, #tpu.memory_space<vmem>>, vector<16xf32>,
        tpu.vector_store %arg15[%parallel_loop3A_1151, %parallel_loop3A_1152, %parallel_loop3A_1153, %parallel_loop3A_1154], %parallel_loop3A_1043 {strides = array<i32>} : memref<8x4x8x128xf32, #tpu.memory_space<vmem>>, vector<16xf32>,
        %parallel_loop3A_1156 = arith.constant 5 : i32
        %parallel_loop3A_1157 = arith.constant 3 : i32
        %parallel_loop3A_1158 = arith.index_cast %parallel_loop3A_1156 : i32 to index
        %parallel_loop3A_1159 = arith.index_cast %parallel_loop3A_487 : i32 to index
        %parallel_loop3A_1160 = arith.index_cast %parallel_loop3A_1157 : i32 to index
        %parallel_loop3A_1161 = arith.index_cast %parallel_loop3A_518 : i32 to index
        %parallel_loop3A_1162 = tpu.vector_load %arg15[%parallel_loop3A_1158, %parallel_loop3A_1159, %parallel_loop3A_1160, %parallel_loop3A_1161] {strides = array<i32>} : memref<8x4x8x128xf32, #tpu.memory_space<vmem>>, vector<16xf32>,
        tpu.vector_store %arg15[%parallel_loop3A_1158, %parallel_loop3A_1159, %parallel_loop3A_1160, %parallel_loop3A_1161], %parallel_loop3A_1050 {strides = array<i32>} : memref<8x4x8x128xf32, #tpu.memory_space<vmem>>, vector<16xf32>,
        %parallel_loop3A_1163 = arith.constant 5 : i32
        %parallel_loop3A_1164 = arith.constant 4 : i32
        %parallel_loop3A_1165 = arith.index_cast %parallel_loop3A_1163 : i32 to index
        %parallel_loop3A_1166 = arith.index_cast %parallel_loop3A_487 : i32 to index
        %parallel_loop3A_1167 = arith.index_cast %parallel_loop3A_1164 : i32 to index
        %parallel_loop3A_1168 = arith.index_cast %parallel_loop3A_518 : i32 to index
        %parallel_loop3A_1169 = tpu.vector_load %arg15[%parallel_loop3A_1165, %parallel_loop3A_1166, %parallel_loop3A_1167, %parallel_loop3A_1168] {strides = array<i32>} : memref<8x4x8x128xf32, #tpu.memory_space<vmem>>, vector<16xf32>,
        tpu.vector_store %arg15[%parallel_loop3A_1165, %parallel_loop3A_1166, %parallel_loop3A_1167, %parallel_loop3A_1168], %parallel_loop3A_1057 {strides = array<i32>} : memref<8x4x8x128xf32, #tpu.memory_space<vmem>>, vector<16xf32>,
        %parallel_loop3A_1170 = arith.constant 5 : i32
        %parallel_loop3A_1171 = arith.constant 5 : i32
        %parallel_loop3A_1172 = arith.index_cast %parallel_loop3A_1170 : i32 to index
        %parallel_loop3A_1173 = arith.index_cast %parallel_loop3A_487 : i32 to index
        %parallel_loop3A_1174 = arith.index_cast %parallel_loop3A_1171 : i32 to index
        %parallel_loop3A_1175 = arith.index_cast %parallel_loop3A_518 : i32 to index
        %parallel_loop3A_1176 = tpu.vector_load %arg15[%parallel_loop3A_1172, %parallel_loop3A_1173, %parallel_loop3A_1174, %parallel_loop3A_1175] {strides = array<i32>} : memref<8x4x8x128xf32, #tpu.memory_space<vmem>>, vector<16xf32>,
        tpu.vector_store %arg15[%parallel_loop3A_1172, %parallel_loop3A_1173, %parallel_loop3A_1174, %parallel_loop3A_1175], %parallel_loop3A_1064 {strides = array<i32>} : memref<8x4x8x128xf32, #tpu.memory_space<vmem>>, vector<16xf32>,
        %parallel_loop3A_1177 = arith.constant 5 : i32
        %parallel_loop3A_1178 = arith.constant 6 : i32
        %parallel_loop3A_1179 = arith.index_cast %parallel_loop3A_1177 : i32 to index
        %parallel_loop3A_1180 = arith.index_cast %parallel_loop3A_487 : i32 to index
        %parallel_loop3A_1181 = arith.index_cast %parallel_loop3A_1178 : i32 to index
        %parallel_loop3A_1182 = arith.index_cast %parallel_loop3A_518 : i32 to index
        %parallel_loop3A_1183 = tpu.vector_load %arg15[%parallel_loop3A_1179, %parallel_loop3A_1180, %parallel_loop3A_1181, %parallel_loop3A_1182] {strides = array<i32>} : memref<8x4x8x128xf32, #tpu.memory_space<vmem>>, vector<16xf32>,
        tpu.vector_store %arg15[%parallel_loop3A_1179, %parallel_loop3A_1180, %parallel_loop3A_1181, %parallel_loop3A_1182], %parallel_loop3A_1071 {strides = array<i32>} : memref<8x4x8x128xf32, #tpu.memory_space<vmem>>, vector<16xf32>,
        %parallel_loop3A_1184 = arith.constant 5 : i32
        %parallel_loop3A_1185 = arith.constant 7 : i32
        %parallel_loop3A_1186 = arith.index_cast %parallel_loop3A_1184 : i32 to index
        %parallel_loop3A_1187 = arith.index_cast %parallel_loop3A_487 : i32 to index
        %parallel_loop3A_1188 = arith.index_cast %parallel_loop3A_1185 : i32 to index
        %parallel_loop3A_1189 = arith.index_cast %parallel_loop3A_518 : i32 to index
        %parallel_loop3A_1190 = tpu.vector_load %arg15[%parallel_loop3A_1186, %parallel_loop3A_1187, %parallel_loop3A_1188, %parallel_loop3A_1189] {strides = array<i32>} : memref<8x4x8x128xf32, #tpu.memory_space<vmem>>, vector<16xf32>,
        tpu.vector_store %arg15[%parallel_loop3A_1186, %parallel_loop3A_1187, %parallel_loop3A_1188, %parallel_loop3A_1189], %parallel_loop3A_1078 {strides = array<i32>} : memref<8x4x8x128xf32, #tpu.memory_space<vmem>>, vector<16xf32>,
        %parallel_loop3A_1191 = arith.constant 48 : i32
        %parallel_loop3A_1192 = vector.broadcast %parallel_loop3A_1191 : i32 to vector<16xi32>
        %parallel_loop3A_1193 = arith.addi %parallel_loop3A_516, %parallel_loop3A_1192 : vector<16xi32>
        %parallel_loop3A_1194 = arith.constant 0 : i32
        %parallel_loop3A_1195 = vector.broadcast %parallel_loop3A_1194 : i32 to vector<16xi32>
        %parallel_loop3A_1196 = arith.addi %parallel_loop3A_1193, %parallel_loop3A_1195 : vector<16xi32>
        %parallel_loop3A_1197 = tpu.vector_load_idx %arg9[%parallel_loop3A_1196] : memref<28800xf32, #tpu.memory_space<vmem>>[vector<16xi32>], vector<16xf32>,
        %parallel_loop3A_1198 = arith.constant 48 : i32
        %parallel_loop3A_1199 = vector.broadcast %parallel_loop3A_1198 : i32 to vector<16xi32>
        %parallel_loop3A_1200 = arith.addi %parallel_loop3A_516, %parallel_loop3A_1199 : vector<16xi32>
        %parallel_loop3A_1201 = arith.constant 1 : i32
        %parallel_loop3A_1202 = vector.broadcast %parallel_loop3A_1201 : i32 to vector<16xi32>
        %parallel_loop3A_1203 = arith.addi %parallel_loop3A_1200, %parallel_loop3A_1202 : vector<16xi32>
        %parallel_loop3A_1204 = tpu.vector_load_idx %arg9[%parallel_loop3A_1203] : memref<28800xf32, #tpu.memory_space<vmem>>[vector<16xi32>], vector<16xf32>,
        %parallel_loop3A_1205 = arith.constant 48 : i32
        %parallel_loop3A_1206 = vector.broadcast %parallel_loop3A_1205 : i32 to vector<16xi32>
        %parallel_loop3A_1207 = arith.addi %parallel_loop3A_516, %parallel_loop3A_1206 : vector<16xi32>
        %parallel_loop3A_1208 = arith.constant 2 : i32
        %parallel_loop3A_1209 = vector.broadcast %parallel_loop3A_1208 : i32 to vector<16xi32>
        %parallel_loop3A_1210 = arith.addi %parallel_loop3A_1207, %parallel_loop3A_1209 : vector<16xi32>
        %parallel_loop3A_1211 = tpu.vector_load_idx %arg9[%parallel_loop3A_1210] : memref<28800xf32, #tpu.memory_space<vmem>>[vector<16xi32>], vector<16xf32>,
        %parallel_loop3A_1212 = arith.constant 48 : i32
        %parallel_loop3A_1213 = vector.broadcast %parallel_loop3A_1212 : i32 to vector<16xi32>
        %parallel_loop3A_1214 = arith.addi %parallel_loop3A_516, %parallel_loop3A_1213 : vector<16xi32>
        %parallel_loop3A_1215 = arith.constant 3 : i32
        %parallel_loop3A_1216 = vector.broadcast %parallel_loop3A_1215 : i32 to vector<16xi32>
        %parallel_loop3A_1217 = arith.addi %parallel_loop3A_1214, %parallel_loop3A_1216 : vector<16xi32>
        %parallel_loop3A_1218 = tpu.vector_load_idx %arg9[%parallel_loop3A_1217] : memref<28800xf32, #tpu.memory_space<vmem>>[vector<16xi32>], vector<16xf32>,
        %parallel_loop3A_1219 = arith.constant 48 : i32
        %parallel_loop3A_1220 = vector.broadcast %parallel_loop3A_1219 : i32 to vector<16xi32>
        %parallel_loop3A_1221 = arith.addi %parallel_loop3A_516, %parallel_loop3A_1220 : vector<16xi32>
        %parallel_loop3A_1222 = arith.constant 4 : i32
        %parallel_loop3A_1223 = vector.broadcast %parallel_loop3A_1222 : i32 to vector<16xi32>
        %parallel_loop3A_1224 = arith.addi %parallel_loop3A_1221, %parallel_loop3A_1223 : vector<16xi32>
        %parallel_loop3A_1225 = tpu.vector_load_idx %arg9[%parallel_loop3A_1224] : memref<28800xf32, #tpu.memory_space<vmem>>[vector<16xi32>], vector<16xf32>,
        %parallel_loop3A_1226 = arith.constant 48 : i32
        %parallel_loop3A_1227 = vector.broadcast %parallel_loop3A_1226 : i32 to vector<16xi32>
        %parallel_loop3A_1228 = arith.addi %parallel_loop3A_516, %parallel_loop3A_1227 : vector<16xi32>
        %parallel_loop3A_1229 = arith.constant 5 : i32
        %parallel_loop3A_1230 = vector.broadcast %parallel_loop3A_1229 : i32 to vector<16xi32>
        %parallel_loop3A_1231 = arith.addi %parallel_loop3A_1228, %parallel_loop3A_1230 : vector<16xi32>
        %parallel_loop3A_1232 = tpu.vector_load_idx %arg9[%parallel_loop3A_1231] : memref<28800xf32, #tpu.memory_space<vmem>>[vector<16xi32>], vector<16xf32>,
        %parallel_loop3A_1233 = arith.constant 48 : i32
        %parallel_loop3A_1234 = vector.broadcast %parallel_loop3A_1233 : i32 to vector<16xi32>
        %parallel_loop3A_1235 = arith.addi %parallel_loop3A_516, %parallel_loop3A_1234 : vector<16xi32>
        %parallel_loop3A_1236 = arith.constant 6 : i32
        %parallel_loop3A_1237 = vector.broadcast %parallel_loop3A_1236 : i32 to vector<16xi32>
        %parallel_loop3A_1238 = arith.addi %parallel_loop3A_1235, %parallel_loop3A_1237 : vector<16xi32>
        %parallel_loop3A_1239 = tpu.vector_load_idx %arg9[%parallel_loop3A_1238] : memref<28800xf32, #tpu.memory_space<vmem>>[vector<16xi32>], vector<16xf32>,
        %parallel_loop3A_1240 = arith.constant 48 : i32
        %parallel_loop3A_1241 = vector.broadcast %parallel_loop3A_1240 : i32 to vector<16xi32>
        %parallel_loop3A_1242 = arith.addi %parallel_loop3A_516, %parallel_loop3A_1241 : vector<16xi32>
        %parallel_loop3A_1243 = arith.constant 7 : i32
        %parallel_loop3A_1244 = vector.broadcast %parallel_loop3A_1243 : i32 to vector<16xi32>
        %parallel_loop3A_1245 = arith.addi %parallel_loop3A_1242, %parallel_loop3A_1244 : vector<16xi32>
        %parallel_loop3A_1246 = tpu.vector_load_idx %arg9[%parallel_loop3A_1245] : memref<28800xf32, #tpu.memory_space<vmem>>[vector<16xi32>], vector<16xf32>,
        %parallel_loop3A_1247 = arith.constant 48 : i32
        %parallel_loop3A_1248 = vector.broadcast %parallel_loop3A_1247 : i32 to vector<16xi32>
        %parallel_loop3A_1249 = arith.addi %parallel_loop3A_516, %parallel_loop3A_1248 : vector<16xi32>
        %parallel_loop3A_1250 = arith.constant 8 : i32
        %parallel_loop3A_1251 = vector.broadcast %parallel_loop3A_1250 : i32 to vector<16xi32>
        %parallel_loop3A_1252 = arith.addi %parallel_loop3A_1249, %parallel_loop3A_1251 : vector<16xi32>
        %parallel_loop3A_1253 = tpu.vector_load_idx %arg9[%parallel_loop3A_1252] : memref<28800xf32, #tpu.memory_space<vmem>>[vector<16xi32>], vector<16xf32>,
        %parallel_loop3A_1254 = arith.constant 48 : i32
        %parallel_loop3A_1255 = vector.broadcast %parallel_loop3A_1254 : i32 to vector<16xi32>
        %parallel_loop3A_1256 = arith.addi %parallel_loop3A_516, %parallel_loop3A_1255 : vector<16xi32>
        %parallel_loop3A_1257 = arith.constant 9 : i32
        %parallel_loop3A_1258 = vector.broadcast %parallel_loop3A_1257 : i32 to vector<16xi32>
        %parallel_loop3A_1259 = arith.addi %parallel_loop3A_1256, %parallel_loop3A_1258 : vector<16xi32>
        %parallel_loop3A_1260 = tpu.vector_load_idx %arg9[%parallel_loop3A_1259] : memref<28800xf32, #tpu.memory_space<vmem>>[vector<16xi32>], vector<16xf32>,
        %parallel_loop3A_1261 = arith.constant 48 : i32
        %parallel_loop3A_1262 = vector.broadcast %parallel_loop3A_1261 : i32 to vector<16xi32>
        %parallel_loop3A_1263 = arith.addi %parallel_loop3A_516, %parallel_loop3A_1262 : vector<16xi32>
        %parallel_loop3A_1264 = arith.constant 10 : i32
        %parallel_loop3A_1265 = vector.broadcast %parallel_loop3A_1264 : i32 to vector<16xi32>
        %parallel_loop3A_1266 = arith.addi %parallel_loop3A_1263, %parallel_loop3A_1265 : vector<16xi32>
        %parallel_loop3A_1267 = tpu.vector_load_idx %arg9[%parallel_loop3A_1266] : memref<28800xf32, #tpu.memory_space<vmem>>[vector<16xi32>], vector<16xf32>,
        %parallel_loop3A_1268 = arith.constant 48 : i32
        %parallel_loop3A_1269 = vector.broadcast %parallel_loop3A_1268 : i32 to vector<16xi32>
        %parallel_loop3A_1270 = arith.addi %parallel_loop3A_516, %parallel_loop3A_1269 : vector<16xi32>
        %parallel_loop3A_1271 = arith.constant 11 : i32
        %parallel_loop3A_1272 = vector.broadcast %parallel_loop3A_1271 : i32 to vector<16xi32>
        %parallel_loop3A_1273 = arith.addi %parallel_loop3A_1270, %parallel_loop3A_1272 : vector<16xi32>
        %parallel_loop3A_1274 = tpu.vector_load_idx %arg9[%parallel_loop3A_1273] : memref<28800xf32, #tpu.memory_space<vmem>>[vector<16xi32>], vector<16xf32>,
        %parallel_loop3A_1275 = arith.constant 48 : i32
        %parallel_loop3A_1276 = vector.broadcast %parallel_loop3A_1275 : i32 to vector<16xi32>
        %parallel_loop3A_1277 = arith.addi %parallel_loop3A_516, %parallel_loop3A_1276 : vector<16xi32>
        %parallel_loop3A_1278 = arith.constant 12 : i32
        %parallel_loop3A_1279 = vector.broadcast %parallel_loop3A_1278 : i32 to vector<16xi32>
        %parallel_loop3A_1280 = arith.addi %parallel_loop3A_1277, %parallel_loop3A_1279 : vector<16xi32>
        %parallel_loop3A_1281 = tpu.vector_load_idx %arg9[%parallel_loop3A_1280] : memref<28800xf32, #tpu.memory_space<vmem>>[vector<16xi32>], vector<16xf32>,
        %parallel_loop3A_1282 = arith.constant 48 : i32
        %parallel_loop3A_1283 = vector.broadcast %parallel_loop3A_1282 : i32 to vector<16xi32>
        %parallel_loop3A_1284 = arith.addi %parallel_loop3A_516, %parallel_loop3A_1283 : vector<16xi32>
        %parallel_loop3A_1285 = arith.constant 13 : i32
        %parallel_loop3A_1286 = vector.broadcast %parallel_loop3A_1285 : i32 to vector<16xi32>
        %parallel_loop3A_1287 = arith.addi %parallel_loop3A_1284, %parallel_loop3A_1286 : vector<16xi32>
        %parallel_loop3A_1288 = tpu.vector_load_idx %arg9[%parallel_loop3A_1287] : memref<28800xf32, #tpu.memory_space<vmem>>[vector<16xi32>], vector<16xf32>,
        %parallel_loop3A_1289 = arith.constant 48 : i32
        %parallel_loop3A_1290 = vector.broadcast %parallel_loop3A_1289 : i32 to vector<16xi32>
        %parallel_loop3A_1291 = arith.addi %parallel_loop3A_516, %parallel_loop3A_1290 : vector<16xi32>
        %parallel_loop3A_1292 = arith.constant 14 : i32
        %parallel_loop3A_1293 = vector.broadcast %parallel_loop3A_1292 : i32 to vector<16xi32>
        %parallel_loop3A_1294 = arith.addi %parallel_loop3A_1291, %parallel_loop3A_1293 : vector<16xi32>
        %parallel_loop3A_1295 = tpu.vector_load_idx %arg9[%parallel_loop3A_1294] : memref<28800xf32, #tpu.memory_space<vmem>>[vector<16xi32>], vector<16xf32>,
        %parallel_loop3A_1296 = arith.constant 48 : i32
        %parallel_loop3A_1297 = vector.broadcast %parallel_loop3A_1296 : i32 to vector<16xi32>
        %parallel_loop3A_1298 = arith.addi %parallel_loop3A_516, %parallel_loop3A_1297 : vector<16xi32>
        %parallel_loop3A_1299 = arith.constant 15 : i32
        %parallel_loop3A_1300 = vector.broadcast %parallel_loop3A_1299 : i32 to vector<16xi32>
        %parallel_loop3A_1301 = arith.addi %parallel_loop3A_1298, %parallel_loop3A_1300 : vector<16xi32>
        %parallel_loop3A_1302 = tpu.vector_load_idx %arg9[%parallel_loop3A_1301] : memref<28800xf32, #tpu.memory_space<vmem>>[vector<16xi32>], vector<16xf32>,
        %parallel_loop3A_1303 = arith.constant 6 : i32
        %parallel_loop3A_1304 = arith.constant 0 : i32
        %parallel_loop3A_1305 = arith.index_cast %parallel_loop3A_1303 : i32 to index
        %parallel_loop3A_1306 = arith.index_cast %parallel_loop3A_487 : i32 to index
        %parallel_loop3A_1307 = arith.index_cast %parallel_loop3A_1304 : i32 to index
        %parallel_loop3A_1308 = arith.index_cast %parallel_loop3A_518 : i32 to index
        %parallel_loop3A_1309 = tpu.vector_load %arg15[%parallel_loop3A_1305, %parallel_loop3A_1306, %parallel_loop3A_1307, %parallel_loop3A_1308] {strides = array<i32>} : memref<8x4x8x128xf32, #tpu.memory_space<vmem>>, vector<16xf32>,
        tpu.vector_store %arg15[%parallel_loop3A_1305, %parallel_loop3A_1306, %parallel_loop3A_1307, %parallel_loop3A_1308], %parallel_loop3A_1197 {strides = array<i32>} : memref<8x4x8x128xf32, #tpu.memory_space<vmem>>, vector<16xf32>,
        %parallel_loop3A_1310 = arith.constant 6 : i32
        %parallel_loop3A_1311 = arith.constant 1 : i32
        %parallel_loop3A_1312 = arith.index_cast %parallel_loop3A_1310 : i32 to index
        %parallel_loop3A_1313 = arith.index_cast %parallel_loop3A_487 : i32 to index
        %parallel_loop3A_1314 = arith.index_cast %parallel_loop3A_1311 : i32 to index
        %parallel_loop3A_1315 = arith.index_cast %parallel_loop3A_518 : i32 to index
        %parallel_loop3A_1316 = tpu.vector_load %arg15[%parallel_loop3A_1312, %parallel_loop3A_1313, %parallel_loop3A_1314, %parallel_loop3A_1315] {strides = array<i32>} : memref<8x4x8x128xf32, #tpu.memory_space<vmem>>, vector<16xf32>,
        tpu.vector_store %arg15[%parallel_loop3A_1312, %parallel_loop3A_1313, %parallel_loop3A_1314, %parallel_loop3A_1315], %parallel_loop3A_1204 {strides = array<i32>} : memref<8x4x8x128xf32, #tpu.memory_space<vmem>>, vector<16xf32>,
        %parallel_loop3A_1317 = arith.constant 6 : i32
        %parallel_loop3A_1318 = arith.constant 2 : i32
        %parallel_loop3A_1319 = arith.index_cast %parallel_loop3A_1317 : i32 to index
        %parallel_loop3A_1320 = arith.index_cast %parallel_loop3A_487 : i32 to index
        %parallel_loop3A_1321 = arith.index_cast %parallel_loop3A_1318 : i32 to index
        %parallel_loop3A_1322 = arith.index_cast %parallel_loop3A_518 : i32 to index
        %parallel_loop3A_1323 = tpu.vector_load %arg15[%parallel_loop3A_1319, %parallel_loop3A_1320, %parallel_loop3A_1321, %parallel_loop3A_1322] {strides = array<i32>} : memref<8x4x8x128xf32, #tpu.memory_space<vmem>>, vector<16xf32>,
        tpu.vector_store %arg15[%parallel_loop3A_1319, %parallel_loop3A_1320, %parallel_loop3A_1321, %parallel_loop3A_1322], %parallel_loop3A_1211 {strides = array<i32>} : memref<8x4x8x128xf32, #tpu.memory_space<vmem>>, vector<16xf32>,
        %parallel_loop3A_1324 = arith.constant 6 : i32
        %parallel_loop3A_1325 = arith.constant 3 : i32
        %parallel_loop3A_1326 = arith.index_cast %parallel_loop3A_1324 : i32 to index
        %parallel_loop3A_1327 = arith.index_cast %parallel_loop3A_487 : i32 to index
        %parallel_loop3A_1328 = arith.index_cast %parallel_loop3A_1325 : i32 to index
        %parallel_loop3A_1329 = arith.index_cast %parallel_loop3A_518 : i32 to index
        %parallel_loop3A_1330 = tpu.vector_load %arg15[%parallel_loop3A_1326, %parallel_loop3A_1327, %parallel_loop3A_1328, %parallel_loop3A_1329] {strides = array<i32>} : memref<8x4x8x128xf32, #tpu.memory_space<vmem>>, vector<16xf32>,
        tpu.vector_store %arg15[%parallel_loop3A_1326, %parallel_loop3A_1327, %parallel_loop3A_1328, %parallel_loop3A_1329], %parallel_loop3A_1218 {strides = array<i32>} : memref<8x4x8x128xf32, #tpu.memory_space<vmem>>, vector<16xf32>,
        %parallel_loop3A_1331 = arith.constant 6 : i32
        %parallel_loop3A_1332 = arith.constant 4 : i32
        %parallel_loop3A_1333 = arith.index_cast %parallel_loop3A_1331 : i32 to index
        %parallel_loop3A_1334 = arith.index_cast %parallel_loop3A_487 : i32 to index
        %parallel_loop3A_1335 = arith.index_cast %parallel_loop3A_1332 : i32 to index
        %parallel_loop3A_1336 = arith.index_cast %parallel_loop3A_518 : i32 to index
        %parallel_loop3A_1337 = tpu.vector_load %arg15[%parallel_loop3A_1333, %parallel_loop3A_1334, %parallel_loop3A_1335, %parallel_loop3A_1336] {strides = array<i32>} : memref<8x4x8x128xf32, #tpu.memory_space<vmem>>, vector<16xf32>,
        tpu.vector_store %arg15[%parallel_loop3A_1333, %parallel_loop3A_1334, %parallel_loop3A_1335, %parallel_loop3A_1336], %parallel_loop3A_1225 {strides = array<i32>} : memref<8x4x8x128xf32, #tpu.memory_space<vmem>>, vector<16xf32>,
        %parallel_loop3A_1338 = arith.constant 6 : i32
        %parallel_loop3A_1339 = arith.constant 5 : i32
        %parallel_loop3A_1340 = arith.index_cast %parallel_loop3A_1338 : i32 to index
        %parallel_loop3A_1341 = arith.index_cast %parallel_loop3A_487 : i32 to index
        %parallel_loop3A_1342 = arith.index_cast %parallel_loop3A_1339 : i32 to index
        %parallel_loop3A_1343 = arith.index_cast %parallel_loop3A_518 : i32 to index
        %parallel_loop3A_1344 = tpu.vector_load %arg15[%parallel_loop3A_1340, %parallel_loop3A_1341, %parallel_loop3A_1342, %parallel_loop3A_1343] {strides = array<i32>} : memref<8x4x8x128xf32, #tpu.memory_space<vmem>>, vector<16xf32>,
        tpu.vector_store %arg15[%parallel_loop3A_1340, %parallel_loop3A_1341, %parallel_loop3A_1342, %parallel_loop3A_1343], %parallel_loop3A_1232 {strides = array<i32>} : memref<8x4x8x128xf32, #tpu.memory_space<vmem>>, vector<16xf32>,
        %parallel_loop3A_1345 = arith.constant 6 : i32
        %parallel_loop3A_1346 = arith.constant 6 : i32
        %parallel_loop3A_1347 = arith.index_cast %parallel_loop3A_1345 : i32 to index
        %parallel_loop3A_1348 = arith.index_cast %parallel_loop3A_487 : i32 to index
        %parallel_loop3A_1349 = arith.index_cast %parallel_loop3A_1346 : i32 to index
        %parallel_loop3A_1350 = arith.index_cast %parallel_loop3A_518 : i32 to index
        %parallel_loop3A_1351 = tpu.vector_load %arg15[%parallel_loop3A_1347, %parallel_loop3A_1348, %parallel_loop3A_1349, %parallel_loop3A_1350] {strides = array<i32>} : memref<8x4x8x128xf32, #tpu.memory_space<vmem>>, vector<16xf32>,
        tpu.vector_store %arg15[%parallel_loop3A_1347, %parallel_loop3A_1348, %parallel_loop3A_1349, %parallel_loop3A_1350], %parallel_loop3A_1239 {strides = array<i32>} : memref<8x4x8x128xf32, #tpu.memory_space<vmem>>, vector<16xf32>,
        %parallel_loop3A_1352 = arith.constant 6 : i32
        %parallel_loop3A_1353 = arith.constant 7 : i32
        %parallel_loop3A_1354 = arith.index_cast %parallel_loop3A_1352 : i32 to index
        %parallel_loop3A_1355 = arith.index_cast %parallel_loop3A_487 : i32 to index
        %parallel_loop3A_1356 = arith.index_cast %parallel_loop3A_1353 : i32 to index
        %parallel_loop3A_1357 = arith.index_cast %parallel_loop3A_518 : i32 to index
        %parallel_loop3A_1358 = tpu.vector_load %arg15[%parallel_loop3A_1354, %parallel_loop3A_1355, %parallel_loop3A_1356, %parallel_loop3A_1357] {strides = array<i32>} : memref<8x4x8x128xf32, #tpu.memory_space<vmem>>, vector<16xf32>,
        tpu.vector_store %arg15[%parallel_loop3A_1354, %parallel_loop3A_1355, %parallel_loop3A_1356, %parallel_loop3A_1357], %parallel_loop3A_1246 {strides = array<i32>} : memref<8x4x8x128xf32, #tpu.memory_space<vmem>>, vector<16xf32>,
        %parallel_loop3A_1359 = arith.constant 7 : i32
        %parallel_loop3A_1360 = arith.constant 0 : i32
        %parallel_loop3A_1361 = arith.index_cast %parallel_loop3A_1359 : i32 to index
        %parallel_loop3A_1362 = arith.index_cast %parallel_loop3A_487 : i32 to index
        %parallel_loop3A_1363 = arith.index_cast %parallel_loop3A_1360 : i32 to index
        %parallel_loop3A_1364 = arith.index_cast %parallel_loop3A_518 : i32 to index
        %parallel_loop3A_1365 = tpu.vector_load %arg15[%parallel_loop3A_1361, %parallel_loop3A_1362, %parallel_loop3A_1363, %parallel_loop3A_1364] {strides = array<i32>} : memref<8x4x8x128xf32, #tpu.memory_space<vmem>>, vector<16xf32>,
        tpu.vector_store %arg15[%parallel_loop3A_1361, %parallel_loop3A_1362, %parallel_loop3A_1363, %parallel_loop3A_1364], %parallel_loop3A_1253 {strides = array<i32>} : memref<8x4x8x128xf32, #tpu.memory_space<vmem>>, vector<16xf32>,
        %parallel_loop3A_1366 = arith.constant 7 : i32
        %parallel_loop3A_1367 = arith.constant 1 : i32
        %parallel_loop3A_1368 = arith.index_cast %parallel_loop3A_1366 : i32 to index
        %parallel_loop3A_1369 = arith.index_cast %parallel_loop3A_487 : i32 to index
        %parallel_loop3A_1370 = arith.index_cast %parallel_loop3A_1367 : i32 to index
        %parallel_loop3A_1371 = arith.index_cast %parallel_loop3A_518 : i32 to index
        %parallel_loop3A_1372 = tpu.vector_load %arg15[%parallel_loop3A_1368, %parallel_loop3A_1369, %parallel_loop3A_1370, %parallel_loop3A_1371] {strides = array<i32>} : memref<8x4x8x128xf32, #tpu.memory_space<vmem>>, vector<16xf32>,
        tpu.vector_store %arg15[%parallel_loop3A_1368, %parallel_loop3A_1369, %parallel_loop3A_1370, %parallel_loop3A_1371], %parallel_loop3A_1260 {strides = array<i32>} : memref<8x4x8x128xf32, #tpu.memory_space<vmem>>, vector<16xf32>,
        %parallel_loop3A_1373 = arith.constant 7 : i32
        %parallel_loop3A_1374 = arith.constant 2 : i32
        %parallel_loop3A_1375 = arith.index_cast %parallel_loop3A_1373 : i32 to index
        %parallel_loop3A_1376 = arith.index_cast %parallel_loop3A_487 : i32 to index
        %parallel_loop3A_1377 = arith.index_cast %parallel_loop3A_1374 : i32 to index
        %parallel_loop3A_1378 = arith.index_cast %parallel_loop3A_518 : i32 to index
        %parallel_loop3A_1379 = tpu.vector_load %arg15[%parallel_loop3A_1375, %parallel_loop3A_1376, %parallel_loop3A_1377, %parallel_loop3A_1378] {strides = array<i32>} : memref<8x4x8x128xf32, #tpu.memory_space<vmem>>, vector<16xf32>,
        tpu.vector_store %arg15[%parallel_loop3A_1375, %parallel_loop3A_1376, %parallel_loop3A_1377, %parallel_loop3A_1378], %parallel_loop3A_1267 {strides = array<i32>} : memref<8x4x8x128xf32, #tpu.memory_space<vmem>>, vector<16xf32>,
        %parallel_loop3A_1380 = arith.constant 7 : i32
        %parallel_loop3A_1381 = arith.constant 3 : i32
        %parallel_loop3A_1382 = arith.index_cast %parallel_loop3A_1380 : i32 to index
        %parallel_loop3A_1383 = arith.index_cast %parallel_loop3A_487 : i32 to index
        %parallel_loop3A_1384 = arith.index_cast %parallel_loop3A_1381 : i32 to index
        %parallel_loop3A_1385 = arith.index_cast %parallel_loop3A_518 : i32 to index
        %parallel_loop3A_1386 = tpu.vector_load %arg15[%parallel_loop3A_1382, %parallel_loop3A_1383, %parallel_loop3A_1384, %parallel_loop3A_1385] {strides = array<i32>} : memref<8x4x8x128xf32, #tpu.memory_space<vmem>>, vector<16xf32>,
        tpu.vector_store %arg15[%parallel_loop3A_1382, %parallel_loop3A_1383, %parallel_loop3A_1384, %parallel_loop3A_1385], %parallel_loop3A_1274 {strides = array<i32>} : memref<8x4x8x128xf32, #tpu.memory_space<vmem>>, vector<16xf32>,
        %parallel_loop3A_1387 = arith.constant 7 : i32
        %parallel_loop3A_1388 = arith.constant 4 : i32
        %parallel_loop3A_1389 = arith.index_cast %parallel_loop3A_1387 : i32 to index
        %parallel_loop3A_1390 = arith.index_cast %parallel_loop3A_487 : i32 to index
        %parallel_loop3A_1391 = arith.index_cast %parallel_loop3A_1388 : i32 to index
        %parallel_loop3A_1392 = arith.index_cast %parallel_loop3A_518 : i32 to index
        %parallel_loop3A_1393 = tpu.vector_load %arg15[%parallel_loop3A_1389, %parallel_loop3A_1390, %parallel_loop3A_1391, %parallel_loop3A_1392] {strides = array<i32>} : memref<8x4x8x128xf32, #tpu.memory_space<vmem>>, vector<16xf32>,
        tpu.vector_store %arg15[%parallel_loop3A_1389, %parallel_loop3A_1390, %parallel_loop3A_1391, %parallel_loop3A_1392], %parallel_loop3A_1281 {strides = array<i32>} : memref<8x4x8x128xf32, #tpu.memory_space<vmem>>, vector<16xf32>,
        %parallel_loop3A_1394 = arith.constant 7 : i32
        %parallel_loop3A_1395 = arith.constant 5 : i32
        %parallel_loop3A_1396 = arith.index_cast %parallel_loop3A_1394 : i32 to index
        %parallel_loop3A_1397 = arith.index_cast %parallel_loop3A_487 : i32 to index
        %parallel_loop3A_1398 = arith.index_cast %parallel_loop3A_1395 : i32 to index
        %parallel_loop3A_1399 = arith.index_cast %parallel_loop3A_518 : i32 to index
        %parallel_loop3A_1400 = tpu.vector_load %arg15[%parallel_loop3A_1396, %parallel_loop3A_1397, %parallel_loop3A_1398, %parallel_loop3A_1399] {strides = array<i32>} : memref<8x4x8x128xf32, #tpu.memory_space<vmem>>, vector<16xf32>,
        tpu.vector_store %arg15[%parallel_loop3A_1396, %parallel_loop3A_1397, %parallel_loop3A_1398, %parallel_loop3A_1399], %parallel_loop3A_1288 {strides = array<i32>} : memref<8x4x8x128xf32, #tpu.memory_space<vmem>>, vector<16xf32>,
        %parallel_loop3A_1401 = arith.constant 7 : i32
        %parallel_loop3A_1402 = arith.constant 6 : i32
        %parallel_loop3A_1403 = arith.index_cast %parallel_loop3A_1401 : i32 to index
        %parallel_loop3A_1404 = arith.index_cast %parallel_loop3A_487 : i32 to index
        %parallel_loop3A_1405 = arith.index_cast %parallel_loop3A_1402 : i32 to index
        %parallel_loop3A_1406 = arith.index_cast %parallel_loop3A_518 : i32 to index
        %parallel_loop3A_1407 = tpu.vector_load %arg15[%parallel_loop3A_1403, %parallel_loop3A_1404, %parallel_loop3A_1405, %parallel_loop3A_1406] {strides = array<i32>} : memref<8x4x8x128xf32, #tpu.memory_space<vmem>>, vector<16xf32>,
        tpu.vector_store %arg15[%parallel_loop3A_1403, %parallel_loop3A_1404, %parallel_loop3A_1405, %parallel_loop3A_1406], %parallel_loop3A_1295 {strides = array<i32>} : memref<8x4x8x128xf32, #tpu.memory_space<vmem>>, vector<16xf32>,
        %parallel_loop3A_1408 = arith.constant 7 : i32
        %parallel_loop3A_1409 = arith.constant 7 : i32
        %parallel_loop3A_1410 = arith.index_cast %parallel_loop3A_1408 : i32 to index
        %parallel_loop3A_1411 = arith.index_cast %parallel_loop3A_487 : i32 to index
        %parallel_loop3A_1412 = arith.index_cast %parallel_loop3A_1409 : i32 to index
        %parallel_loop3A_1413 = arith.index_cast %parallel_loop3A_518 : i32 to index
        %parallel_loop3A_1414 = tpu.vector_load %arg15[%parallel_loop3A_1410, %parallel_loop3A_1411, %parallel_loop3A_1412, %parallel_loop3A_1413] {strides = array<i32>} : memref<8x4x8x128xf32, #tpu.memory_space<vmem>>, vector<16xf32>,
        tpu.vector_store %arg15[%parallel_loop3A_1410, %parallel_loop3A_1411, %parallel_loop3A_1412, %parallel_loop3A_1413], %parallel_loop3A_1302 {strides = array<i32>} : memref<8x4x8x128xf32, #tpu.memory_space<vmem>>, vector<16xf32>,
      } {sc.loop_unroll_factor = 1 : i64, sc.parallel_access}
      %add3A_404 = arith.constant 2 : i32
      %add3A_405 = arith.addi %add3A_344, %add3A_404 : i32
      %lt3A_406 = arith.constant 100 : i32
      %lt3A_407 = arith.cmpi slt, %add3A_405, %lt3A_406 : i32
      %convert_element_type3A_408 = arith.extui %lt3A_407 : i1 to i32
      %cond3A_409 = arith.constant 0 : i32
      %cond3A_410 = arith.cmpi ne, %convert_element_type3A_408, %cond3A_409 : i32
      scf.if %cond3A_410 {
        %add3A_463 = arith.constant 2 : i32
        %add3A_464 = arith.addi %add3A_345, %add3A_463 : i32
        %jit3A_465 = arith.constant 8 : i32
        %div3A_466 = arith.divsi %add3A_464, %jit3A_465 : i32
        %sign3A_467 = arith.constant 0 : i32
        %sign3A_468 = arith.cmpi sgt, %add3A_464, %sign3A_467 : i32
        %sign3A_469 = arith.extui %sign3A_468 : i1 to i32
        %sign3A_470 = arith.constant 0 : i32
        %sign3A_471 = arith.cmpi slt, %add3A_464, %sign3A_470 : i32
        %sign3A_472 = arith.extui %sign3A_471 : i1 to i32
        %sign3A_473 = arith.subi %sign3A_469, %sign3A_472 : i32
        %sign3A_474 = arith.constant 0 : i32
        %sign3A_475 = arith.cmpi sgt, %jit3A_465, %sign3A_474 : i32
        %sign3A_476 = arith.extui %sign3A_475 : i1 to i32
        %sign3A_477 = arith.constant 0 : i32
        %sign3A_478 = arith.cmpi slt, %jit3A_465, %sign3A_477 : i32
        %sign3A_479 = arith.extui %sign3A_478 : i1 to i32
        %sign3A_480 = arith.subi %sign3A_476, %sign3A_479 : i32
        %ne3A_481 = arith.cmpi ne, %sign3A_473, %sign3A_480 : i32
        %rem3A_482 = arith.remsi %add3A_464, %jit3A_465 : i32
        %ne3A_483 = arith.constant 0 : i32
        %ne3A_484 = arith.cmpi ne, %rem3A_482, %ne3A_483 : i32
        %and3A_485 = arith.andi %ne3A_481, %ne3A_484 : i1
        %sub3A_486 = arith.constant 1 : i32
        %sub3A_487 = arith.subi %div3A_466, %sub3A_486 : i32
        %select_n3A_488 = arith.select %and3A_485, %sub3A_487, %div3A_466 : i32
        %jit3A_489 = arith.constant 8 : i32
        %eq3A_490 = arith.constant 0 : i32
        %eq3A_491 = arith.cmpi eq, %jit3A_489, %eq3A_490 : i32
        %jit3A_492 = arith.constant 1 : i32
        %select_n3A_493 = arith.select %eq3A_491, %jit3A_492, %jit3A_489 : i32
        %rem3A_494 = arith.remsi %add3A_464, %select_n3A_493 : i32
        %ne3A_495 = arith.constant 0 : i32
        %ne3A_496 = arith.cmpi ne, %rem3A_494, %ne3A_495 : i32
        %lt3A_497 = arith.constant 0 : i32
        %lt3A_498 = arith.cmpi slt, %rem3A_494, %lt3A_497 : i32
        %lt3A_499 = arith.constant 0 : i32
        %lt3A_500 = arith.cmpi slt, %select_n3A_493, %lt3A_499 : i32
        %ne3A_501 = arith.xori %lt3A_498, %lt3A_500 : i1
        %and3A_502 = arith.andi %ne3A_501, %ne3A_496 : i1
        %add3A_503 = arith.addi %rem3A_494, %select_n3A_493 : i32
        %select_n3A_504 = arith.select %and3A_502, %add3A_503, %rem3A_494 : i32
        %mul3A_505 = arith.constant 512 : i32
        %mul3A_506 = arith.muli %select_n3A_504, %mul3A_505 : i32
        %dma_start3A_507 = tpu.memref_slice %arg2[%select_n3A_488, %mul3A_506] : memref<400x4096xi32, #tpu.memory_space<hbm>> -> memref<1x512xi32, #tpu.memory_space<hbm>>
        %dma_start3A_508 = tpu.memref_squeeze %dma_start3A_507 : memref<1x512xi32, #tpu.memory_space<hbm>> -> memref<512xi32, #tpu.memory_space<hbm>>
        %dma_start3A_509 = tpu.memref_slice %arg2[%select_n3A_488, %mul3A_506] : memref<400x4096xi32, #tpu.memory_space<hbm>> -> memref<1x512xi32, #tpu.memory_space<hbm>>
        %dma_start3A_510 = tpu.memref_squeeze %dma_start3A_509 : memref<1x512xi32, #tpu.memory_space<hbm>> -> memref<512xi32, #tpu.memory_space<hbm>>
        tpu.enqueue_dma source(%dma_start3A_510 : memref<512xi32, #tpu.memory_space<hbm>>) target(%arg11 : memref<512xi32, #tpu.memory_space<vmem>>) target_semaphore(%arg17 : memref<!tpu.dma_semaphore, #tpu.memory_space<semaphore_mem>>)
        %dma_start3A_511 = tpu.memref_slice %arg3[%select_n3A_488, %mul3A_506] : memref<400x4096xi32, #tpu.memory_space<hbm>> -> memref<1x512xi32, #tpu.memory_space<hbm>>
        %dma_start3A_512 = tpu.memref_squeeze %dma_start3A_511 : memref<1x512xi32, #tpu.memory_space<hbm>> -> memref<512xi32, #tpu.memory_space<hbm>>
        %dma_start3A_513 = tpu.memref_slice %arg3[%select_n3A_488, %mul3A_506] : memref<400x4096xi32, #tpu.memory_space<hbm>> -> memref<1x512xi32, #tpu.memory_space<hbm>>
        %dma_start3A_514 = tpu.memref_squeeze %dma_start3A_513 : memref<1x512xi32, #tpu.memory_space<hbm>> -> memref<512xi32, #tpu.memory_space<hbm>>
        tpu.enqueue_dma source(%dma_start3A_514 : memref<512xi32, #tpu.memory_space<hbm>>) target(%arg13 : memref<512xi32, #tpu.memory_space<vmem>>) target_semaphore(%arg17 : memref<!tpu.dma_semaphore, #tpu.memory_space<semaphore_mem>>)
      } else {
      }
      %jit3A_411 = arith.constant 8 : i32
      %div3A_412 = arith.divsi %add3A_345, %jit3A_411 : i32
      %sign3A_413 = arith.constant 0 : i32
      %sign3A_414 = arith.cmpi sgt, %add3A_345, %sign3A_413 : i32
      %sign3A_415 = arith.extui %sign3A_414 : i1 to i32
      %sign3A_416 = arith.constant 0 : i32
      %sign3A_417 = arith.cmpi slt, %add3A_345, %sign3A_416 : i32
      %sign3A_418 = arith.extui %sign3A_417 : i1 to i32
      %sign3A_419 = arith.subi %sign3A_415, %sign3A_418 : i32
      %sign3A_420 = arith.constant 0 : i32
      %sign3A_421 = arith.cmpi sgt, %jit3A_411, %sign3A_420 : i32
      %sign3A_422 = arith.extui %sign3A_421 : i1 to i32
      %sign3A_423 = arith.constant 0 : i32
      %sign3A_424 = arith.cmpi slt, %jit3A_411, %sign3A_423 : i32
      %sign3A_425 = arith.extui %sign3A_424 : i1 to i32
      %sign3A_426 = arith.subi %sign3A_422, %sign3A_425 : i32
      %ne3A_427 = arith.cmpi ne, %sign3A_419, %sign3A_426 : i32
      %rem3A_428 = arith.remsi %add3A_345, %jit3A_411 : i32
      %ne3A_429 = arith.constant 0 : i32
      %ne3A_430 = arith.cmpi ne, %rem3A_428, %ne3A_429 : i32
      %and3A_431 = arith.andi %ne3A_427, %ne3A_430 : i1
      %sub3A_432 = arith.constant 1 : i32
      %sub3A_433 = arith.subi %div3A_412, %sub3A_432 : i32
      %select_n3A_434 = arith.select %and3A_431, %sub3A_433, %div3A_412 : i32
      %jit3A_435 = arith.constant 8 : i32
      %eq3A_436 = arith.constant 0 : i32
      %eq3A_437 = arith.cmpi eq, %jit3A_435, %eq3A_436 : i32
      %jit3A_438 = arith.constant 1 : i32
      %select_n3A_439 = arith.select %eq3A_437, %jit3A_438, %jit3A_435 : i32
      %rem3A_440 = arith.remsi %add3A_345, %select_n3A_439 : i32
      %ne3A_441 = arith.constant 0 : i32
      %ne3A_442 = arith.cmpi ne, %rem3A_440, %ne3A_441 : i32
      %lt3A_443 = arith.constant 0 : i32
      %lt3A_444 = arith.cmpi slt, %rem3A_440, %lt3A_443 : i32
      %lt3A_445 = arith.constant 0 : i32
      %lt3A_446 = arith.cmpi slt, %select_n3A_439, %lt3A_445 : i32
      %ne3A_447 = arith.xori %lt3A_444, %lt3A_446 : i1
      %and3A_448 = arith.andi %ne3A_447, %ne3A_442 : i1
      %add3A_449 = arith.addi %rem3A_440, %select_n3A_439 : i32
      %select_n3A_450 = arith.select %and3A_448, %add3A_449, %rem3A_440 : i32
      %mul3A_451 = arith.constant 4 : i32
      %mul3A_452 = arith.muli %select_n3A_450, %mul3A_451 : i32
      %dma_start3A_453 = arith.constant 0 : i32
      %dma_start3A_454 = arith.constant 0 : i32
      %dma_start3A_455 = arith.constant 0 : i32
      %dma_start3A_456 = tpu.memref_slice %arg6[%select_n3A_434, %dma_start3A_453, %mul3A_452, %dma_start3A_454, %dma_start3A_455] : memref<400x8x32x8x128xf32, #tpu.memory_space<hbm>> -> memref<1x8x4x8x128xf32, #tpu.memory_space<hbm>>
      %dma_start3A_457 = tpu.memref_squeeze %dma_start3A_456 : memref<1x8x4x8x128xf32, #tpu.memory_space<hbm>> -> memref<8x4x8x128xf32, #tpu.memory_space<hbm>>
      %dma_start3A_458 = arith.constant 0 : i32
      %dma_start3A_459 = arith.constant 0 : i32
      %dma_start3A_460 = arith.constant 0 : i32
      %dma_start3A_461 = tpu.memref_slice %arg6[%select_n3A_434, %dma_start3A_458, %mul3A_452, %dma_start3A_459, %dma_start3A_460] : memref<400x8x32x8x128xf32, #tpu.memory_space<hbm>> -> memref<1x8x4x8x128xf32, #tpu.memory_space<hbm>>
      %dma_start3A_462 = tpu.memref_squeeze %dma_start3A_461 : memref<1x8x4x8x128xf32, #tpu.memory_space<hbm>> -> memref<8x4x8x128xf32, #tpu.memory_space<hbm>>
      tpu.enqueue_dma source(%arg15 : memref<8x4x8x128xf32, #tpu.memory_space<vmem>>) target(%dma_start3A_462 : memref<8x4x8x128xf32, #tpu.memory_space<hbm>>) target_semaphore(%arg19 : memref<!tpu.dma_semaphore, #tpu.memory_space<semaphore_mem>>)
    }
    %scan3A_106 = arith.constant 50 : i32
    %add3A_107 = arith.constant 100 : i32
    %add3A_108 = arith.addi %mul3A_2, %add3A_107 : i32
    %sub3A_109 = arith.constant 2 : i32
    %sub3A_110 = arith.subi %add3A_108, %sub3A_109 : i32
    %add3A_111 = arith.constant 0 : i32
    %add3A_112 = arith.addi %sub3A_110, %add3A_111 : i32
    %jit3A_113 = arith.constant 8 : i32
    %div3A_114 = arith.divsi %add3A_112, %jit3A_113 : i32
    %sign3A_115 = arith.constant 0 : i32
    %sign3A_116 = arith.cmpi sgt, %add3A_112, %sign3A_115 : i32
    %sign3A_117 = arith.extui %sign3A_116 : i1 to i32
    %sign3A_118 = arith.constant 0 : i32
    %sign3A_119 = arith.cmpi slt, %add3A_112, %sign3A_118 : i32
    %sign3A_120 = arith.extui %sign3A_119 : i1 to i32
    %sign3A_121 = arith.subi %sign3A_117, %sign3A_120 : i32
    %sign3A_122 = arith.constant 0 : i32
    %sign3A_123 = arith.cmpi sgt, %jit3A_113, %sign3A_122 : i32
    %sign3A_124 = arith.extui %sign3A_123 : i1 to i32
    %sign3A_125 = arith.constant 0 : i32
    %sign3A_126 = arith.cmpi slt, %jit3A_113, %sign3A_125 : i32
    %sign3A_127 = arith.extui %sign3A_126 : i1 to i32
    %sign3A_128 = arith.subi %sign3A_124, %sign3A_127 : i32
    %ne3A_129 = arith.cmpi ne, %sign3A_121, %sign3A_128 : i32
    %rem3A_130 = arith.remsi %add3A_112, %jit3A_113 : i32
    %ne3A_131 = arith.constant 0 : i32
    %ne3A_132 = arith.cmpi ne, %rem3A_130, %ne3A_131 : i32
    %and3A_133 = arith.andi %ne3A_129, %ne3A_132 : i1
    %sub3A_134 = arith.constant 1 : i32
    %sub3A_135 = arith.subi %div3A_114, %sub3A_134 : i32
    %select_n3A_136 = arith.select %and3A_133, %sub3A_135, %div3A_114 : i32
    %jit3A_137 = arith.constant 8 : i32
    %eq3A_138 = arith.constant 0 : i32
    %eq3A_139 = arith.cmpi eq, %jit3A_137, %eq3A_138 : i32
    %jit3A_140 = arith.constant 1 : i32
    %select_n3A_141 = arith.select %eq3A_139, %jit3A_140, %jit3A_137 : i32
    %rem3A_142 = arith.remsi %add3A_112, %select_n3A_141 : i32
    %ne3A_143 = arith.constant 0 : i32
    %ne3A_144 = arith.cmpi ne, %rem3A_142, %ne3A_143 : i32
    %lt3A_145 = arith.constant 0 : i32
    %lt3A_146 = arith.cmpi slt, %rem3A_142, %lt3A_145 : i32
    %lt3A_147 = arith.constant 0 : i32
    %lt3A_148 = arith.cmpi slt, %select_n3A_141, %lt3A_147 : i32
    %ne3A_149 = arith.xori %lt3A_146, %lt3A_148 : i1
    %and3A_150 = arith.andi %ne3A_149, %ne3A_144 : i1
    %add3A_151 = arith.addi %rem3A_142, %select_n3A_141 : i32
    %select_n3A_152 = arith.select %and3A_150, %add3A_151, %rem3A_142 : i32
    %mul3A_153 = arith.constant 4 : i32
    %mul3A_154 = arith.muli %select_n3A_152, %mul3A_153 : i32
    %dma_wait3A = arith.constant 0 : i32
    %dma_wait3A_155 = arith.constant 0 : i32
    %dma_wait3A_156 = arith.constant 0 : i32
    %dma_wait3A_157 = tpu.memref_slice %arg6[%select_n3A_136, %dma_wait3A, %mul3A_154, %dma_wait3A_155, %dma_wait3A_156] : memref<400x8x32x8x128xf32, #tpu.memory_space<hbm>> -> memref<1x8x4x8x128xf32, #tpu.memory_space<hbm>>
    %dma_wait3A_158 = tpu.memref_squeeze %dma_wait3A_157 : memref<1x8x4x8x128xf32, #tpu.memory_space<hbm>> -> memref<8x4x8x128xf32, #tpu.memory_space<hbm>>
    %dma_wait3A_159 = arith.constant 0 : i32
    %dma_wait3A_160 = arith.constant 0 : i32
    %dma_wait3A_161 = arith.constant 0 : i32
    %dma_wait3A_162 = tpu.memref_slice %arg6[%select_n3A_136, %dma_wait3A_159, %mul3A_154, %dma_wait3A_160, %dma_wait3A_161] : memref<400x8x32x8x128xf32, #tpu.memory_space<hbm>> -> memref<1x8x4x8x128xf32, #tpu.memory_space<hbm>>
    %dma_wait3A_163 = tpu.memref_squeeze %dma_wait3A_162 : memref<1x8x4x8x128xf32, #tpu.memory_space<hbm>> -> memref<8x4x8x128xf32, #tpu.memory_space<hbm>>
    tpu.wait_dma2 semaphore(%arg18 : memref<!tpu.dma_semaphore, #tpu.memory_space<semaphore_mem>>) src(%arg14 : memref<8x4x8x128xf32, #tpu.memory_space<vmem>>) dst(%dma_wait3A_163 : memref<8x4x8x128xf32, #tpu.memory_space<hbm>>)
    %add3A_164 = arith.constant 100 : i32
    %add3A_165 = arith.addi %mul3A_2, %add3A_164 : i32
    %sub3A_166 = arith.constant 2 : i32
    %sub3A_167 = arith.subi %add3A_165, %sub3A_166 : i32
    %add3A_168 = arith.constant 1 : i32
    %add3A_169 = arith.addi %sub3A_167, %add3A_168 : i32
    %jit3A_170 = arith.constant 8 : i32
    %div3A_171 = arith.divsi %add3A_169, %jit3A_170 : i32
    %sign3A_172 = arith.constant 0 : i32
    %sign3A_173 = arith.cmpi sgt, %add3A_169, %sign3A_172 : i32
    %sign3A_174 = arith.extui %sign3A_173 : i1 to i32
    %sign3A_175 = arith.constant 0 : i32
    %sign3A_176 = arith.cmpi slt, %add3A_169, %sign3A_175 : i32
    %sign3A_177 = arith.extui %sign3A_176 : i1 to i32
    %sign3A_178 = arith.subi %sign3A_174, %sign3A_177 : i32
    %sign3A_179 = arith.constant 0 : i32
    %sign3A_180 = arith.cmpi sgt, %jit3A_170, %sign3A_179 : i32
    %sign3A_181 = arith.extui %sign3A_180 : i1 to i32
    %sign3A_182 = arith.constant 0 : i32
    %sign3A_183 = arith.cmpi slt, %jit3A_170, %sign3A_182 : i32
    %sign3A_184 = arith.extui %sign3A_183 : i1 to i32
    %sign3A_185 = arith.subi %sign3A_181, %sign3A_184 : i32
    %ne3A_186 = arith.cmpi ne, %sign3A_178, %sign3A_185 : i32
    %rem3A_187 = arith.remsi %add3A_169, %jit3A_170 : i32
    %ne3A_188 = arith.constant 0 : i32
    %ne3A_189 = arith.cmpi ne, %rem3A_187, %ne3A_188 : i32
    %and3A_190 = arith.andi %ne3A_186, %ne3A_189 : i1
    %sub3A_191 = arith.constant 1 : i32
    %sub3A_192 = arith.subi %div3A_171, %sub3A_191 : i32
    %select_n3A_193 = arith.select %and3A_190, %sub3A_192, %div3A_171 : i32
    %jit3A_194 = arith.constant 8 : i32
    %eq3A_195 = arith.constant 0 : i32
    %eq3A_196 = arith.cmpi eq, %jit3A_194, %eq3A_195 : i32
    %jit3A_197 = arith.constant 1 : i32
    %select_n3A_198 = arith.select %eq3A_196, %jit3A_197, %jit3A_194 : i32
    %rem3A_199 = arith.remsi %add3A_169, %select_n3A_198 : i32
    %ne3A_200 = arith.constant 0 : i32
    %ne3A_201 = arith.cmpi ne, %rem3A_199, %ne3A_200 : i32
    %lt3A_202 = arith.constant 0 : i32
    %lt3A_203 = arith.cmpi slt, %rem3A_199, %lt3A_202 : i32
    %lt3A_204 = arith.constant 0 : i32
    %lt3A_205 = arith.cmpi slt, %select_n3A_198, %lt3A_204 : i32
    %ne3A_206 = arith.xori %lt3A_203, %lt3A_205 : i1
    %and3A_207 = arith.andi %ne3A_206, %ne3A_201 : i1
    %add3A_208 = arith.addi %rem3A_199, %select_n3A_198 : i32
    %select_n3A_209 = arith.select %and3A_207, %add3A_208, %rem3A_199 : i32
    %mul3A_210 = arith.constant 4 : i32
    %mul3A_211 = arith.muli %select_n3A_209, %mul3A_210 : i32
    %dma_wait3A_212 = arith.constant 0 : i32
    %dma_wait3A_213 = arith.constant 0 : i32
    %dma_wait3A_214 = arith.constant 0 : i32
    %dma_wait3A_215 = tpu.memref_slice %arg6[%select_n3A_193, %dma_wait3A_212, %mul3A_211, %dma_wait3A_213, %dma_wait3A_214] : memref<400x8x32x8x128xf32, #tpu.memory_space<hbm>> -> memref<1x8x4x8x128xf32, #tpu.memory_space<hbm>>
    %dma_wait3A_216 = tpu.memref_squeeze %dma_wait3A_215 : memref<1x8x4x8x128xf32, #tpu.memory_space<hbm>> -> memref<8x4x8x128xf32, #tpu.memory_space<hbm>>
    %dma_wait3A_217 = arith.constant 0 : i32
    %dma_wait3A_218 = arith.constant 0 : i32
    %dma_wait3A_219 = arith.constant 0 : i32
    %dma_wait3A_220 = tpu.memref_slice %arg6[%select_n3A_193, %dma_wait3A_217, %mul3A_211, %dma_wait3A_218, %dma_wait3A_219] : memref<400x8x32x8x128xf32, #tpu.memory_space<hbm>> -> memref<1x8x4x8x128xf32, #tpu.memory_space<hbm>>
    %dma_wait3A_221 = tpu.memref_squeeze %dma_wait3A_220 : memref<1x8x4x8x128xf32, #tpu.memory_space<hbm>> -> memref<8x4x8x128xf32, #tpu.memory_space<hbm>>
    tpu.wait_dma2 semaphore(%arg19 : memref<!tpu.dma_semaphore, #tpu.memory_space<semaphore_mem>>) src(%arg15 : memref<8x4x8x128xf32, #tpu.memory_space<vmem>>) dst(%dma_wait3A_221 : memref<8x4x8x128xf32, #tpu.memory_space<hbm>>)
    return
  }
}

</mosaic_0001>

<sc_bundles>
// kernel: kernel.3.cloned.1.call-start
scs
__scs_entry_jumppad:
0x0: {  	(pc) =	sbr.rel $0x88, $3  }
0x1: {  	(tag) =	ssettag $0x0;
	lr =	simm.s32 $0x1  }
0x2: {  	[smem:$0x3F9D] =	sst lr;
	_ =	strace $0xD0000000  }
0x3: {  	_ = 	snop  }
0x4: {  	_ = 	snop  }
0x5: {  	_ = 	snop  }
0x6: {  	_ = 	snop  }
0x7: {  	_ = 	snop  }
__scs_overlays_trampoline_lowered:
0x8: {  	[smem:$0x3FAC] =	sst s0  }
0x9: {  	[smem:$0x3FAD] =	sst s1  }
0xa: {  	[smem:$0x3FAE] =	sst s2  }
0xb: {  	[smem:$0x3FAF] =	sst s3  }
0xc: {  	[smem:$0x3FB0] =	sst s4  }
0xd: {  	[smem:$0x3FB1] =	sst s5  }
0xe: {  	[smem:$0x3FB2] =	sst s6  }
0xf: {  	[smem:$0x3FB3] =	sst s7  }
0x10: {  	[smem:$0x3FB4] =	sst s8  }
0x11: {  	[smem:$0x3FB5] =	sst s9;
	s0 =	simm.s32 @!p0 $0x0  }
0x12: {  	s1 =	sld [smem:$0x3F9B];
	s0 =	simm.s32 @p0 $0x1  }
0x13: {  	[smem:$0x3FB6] =	sst s0;
	s0 =	simm.s32 @!p1 $0x0  }
0x14: {  	s2 =	sld [smem:$0x3F9A];
	s0 =	simm.s32 @p1 $0x1  }
0x15: {  	[smem:$0x3FB7] =	sst s0;
	s0 =	simm.s32 @!p2 $0x0  }
0x16: {  	s3 =	sld [smem:$0x3FDB];
	s0 =	simm.s32 @p2 $0x1  }
0x17: {  	s4 =	simm.s32 $0x1BF5;
	[smem:$0x3FB9] =	sst s0  }
0x18: {  	s0 =	sld [smem:$0x3F9C];
	_ =	swait.ge [sflag:s4], $0x0  }
0x19: {  	s7 =	sld [smem:$0x3F9D]  }
0x1a: {  	s8 =	sadd.s32 $0xFFFFE003, lr  }
0x1b: {  	s9 =	sadd.s32 $0xFFFFFEF7, lr;
	s5 =	simm.s32 $0xFFFFFFFF;
	p2 =	slt.u32 s8, $0xFFFFF086  }
0x1c: {  	p1 =	slt.u32 s9, $0xF7A;
	s5 =	simm.s32 @!p2 $0x0  }
0x1d: {  	s5 =	simm.s32 @p1 $0x1;
	p0 =	seq.s32 s7, s2  }
0x1e: {  	s7 =	smul.u32 @!p0 $0xF7A, s2;
	p2 =	seq.s32 @!p0 s5, $0x0  }
0x1f: {  	s9 =	smul.u32 $0xF7A, s1;
	s8 =	simm.s32 @!p0 $0x1BF5;
	p2 =	por !p2, p0  }
0x20: {  	[sflag:s8] =	ssyncset.s32 @!p0 $0xFFFFF086;
	s6 =	sadd.s32 @!p0 s3, s7;
	s7 =	simm.s32 @!p0 $0x108  }
0x21: {  	s3 =	sadd.s32 s3, s9;
	s6 =	sadd.s32 @!p0 $0x88, s6;
	s7 =	simm.s32 @p2 $0x1082  }
0x22: {  	[simem:s7], [sflag:s8] =	dma.local @!p0 [hbm:s6], $0xF7A  }
0x23: {  	s9 =	sor.u32 $0xD0000000, s2;
	s6 =	simm.s32 $0x108;
	_ =	swait.ge @!p0 [sflag:s8], $0x0  }
0x24: {  	s3 =	sadd.s32 $0x88, s3;
	s6 =	simm.s32 @!p1 $0x1082;
	[sflag:s4] =	ssyncset.s32 $0xFFFFF086  }
0x25: {  	[simem:s6], [sflag:s4] =	dma.local [hbm:s3], $0xF7A  }
0x26: {  	[smem:$0x3F9D] =	sst s1;
	(tag) =	ssettag s2;
	_ =	strace s9  }
0x27: {  	s1 =	sld [smem:$0x3FAD]  }
0x28: {  	s2 =	sld [smem:$0x3FAE]  }
0x29: {  	s4 =	sld [smem:$0x3FB0]  }
0x2a: {  	p0 =	seq.s32 s5, $0x0;
	s5 =	sld [smem:$0x3FB1]  }
0x2b: {  	s6 =	sld [smem:$0x3FB2]  }
0x2c: {  	s7 =	sld [smem:$0x3FB3]  }
0x2d: {  	s3 =	simm.s32 $0x108;
	s8 =	sld [smem:$0x3FB4]  }
0x2e: {  	s3 =	simm.s32 @!p0 $0x1082;
	s9 =	sld [smem:$0x3FB5]  }
0x2f: {  	lr =	sadd.s32 s0, s3;
	s0 =	sld [smem:$0x3FAC]  }
0x30: {  	s3 =	sld [smem:$0x3FAF]  }
0x31: {  	[smem:$0x3FB8] =	sst s10  }
0x32: {  	s10 =	sld [smem:$0x3FB6];
	_ =	sdelay $0x3  }
0x33: {  	p0 =	seq.s32 s10, $0x1;
	s10 =	sld [smem:$0x3FB8];
	_ =	sdelay $0x3  }
0x34: {  	[smem:$0x3FB8] =	sst s10  }
0x35: {  	s10 =	sld [smem:$0x3FB7];
	_ =	sdelay $0x3  }
0x36: {  	p1 =	seq.s32 s10, $0x1;
	s10 =	sld [smem:$0x3FB8];
	_ =	sdelay $0x3  }
0x37: {  	[smem:$0x3FB8] =	sst s10  }
0x38: {  	s10 =	sld [smem:$0x3FB9]  }
0x39: {  	_ = 	snop;
	(pc) =	sbr.ind lr, $3  }
0x3a: {  	_ = 	snop  }
0x3b: {  	_ = 	snop  }
0x3c: {  	p2 =	seq.s32 s10, $0x1;
	s10 =	sld [smem:$0x3FB8]  }
0x3d: {  	_ =	shalt  }
0x3e: {  	_ =	shalt  }
0x3f: {  	_ =	shalt  }
0x40: {  	_ =	shalt  }
0x41: {  	_ =	shalt  }
0x42: {  	_ =	shalt  }
0x43: {  	_ =	shalt  }
0x44: {  	_ =	shalt  }
0x45: {  	_ =	shalt  }
0x46: {  	_ =	shalt  }
0x47: {  	_ =	shalt  }
0x48: {  	_ =	shalt  }
0x49: {  	_ =	shalt  }
0x4a: {  	_ =	shalt  }
0x4b: {  	_ =	shalt  }
0x4c: {  	_ =	shalt  }
0x4d: {  	_ =	shalt  }
0x4e: {  	_ =	shalt  }
0x4f: {  	_ =	shalt  }
0x50: {  	_ =	shalt  }
0x51: {  	_ =	shalt  }
0x52: {  	_ =	shalt  }
0x53: {  	_ =	shalt  }
0x54: {  	_ =	shalt  }
0x55: {  	_ =	shalt  }
0x56: {  	_ =	shalt  }
0x57: {  	_ =	shalt  }
0x58: {  	_ =	shalt  }
0x59: {  	_ =	shalt  }
0x5a: {  	_ =	shalt  }
0x5b: {  	_ =	shalt  }
0x5c: {  	_ =	shalt  }
0x5d: {  	_ =	shalt  }
0x5e: {  	_ =	shalt  }
0x5f: {  	_ =	shalt  }
0x60: {  	_ =	shalt  }
0x61: {  	_ =	shalt  }
0x62: {  	_ =	shalt  }
0x63: {  	_ =	shalt  }
0x64: {  	_ =	shalt  }
0x65: {  	_ =	shalt  }
0x66: {  	_ =	shalt  }
0x67: {  	_ =	shalt  }
0x68: {  	_ =	shalt  }
0x69: {  	_ =	shalt  }
0x6a: {  	_ =	shalt  }
0x6b: {  	_ =	shalt  }
0x6c: {  	_ =	shalt  }
0x6d: {  	_ =	shalt  }
0x6e: {  	_ =	shalt  }
0x6f: {  	_ =	shalt  }
0x70: {  	_ =	shalt  }
0x71: {  	_ =	shalt  }
0x72: {  	_ =	shalt  }
0x73: {  	_ =	shalt  }
0x74: {  	_ =	shalt  }
0x75: {  	_ =	shalt  }
0x76: {  	_ =	shalt  }
0x77: {  	_ =	shalt  }
0x78: {  	_ =	shalt  }
0x79: {  	_ =	shalt  }
0x7a: {  	_ =	shalt  }
0x7b: {  	_ =	shalt  }
0x7c: {  	_ =	shalt  }
0x7d: {  	_ =	shalt  }
0x7e: {  	_ =	shalt  }
0x7f: {  	_ =	shalt  }
0x80: {  	_ =	shalt  }
0x81: {  	_ =	shalt  }
0x82: {  	_ =	shalt  }
0x83: {  	_ =	shalt  }
0x84: {  	_ =	shalt  }
0x85: {  	_ =	shalt  }
0x86: {  	_ =	shalt  }
0x87: {  	_ =	shalt  }
.Lfunc_end0:
.L_simem_size_0:
called_computation_lowered:
.L_overlay_start_0:
0x88: {  	s2 =	sld [smem:$0x3FD9]  }
0x89: {  	s3 =	sld [smem:$0x3FFE];
	_ =	sdelay $0x1  }
0x8a: {  	s1 =	srdreg.scid  }
0x8b: {  	s0 =	sand.u32 $0x1, s1  }
0x8c: {  	s17 =	sshll.u32 s0, $0xA;
	s2 =	sadd.s32 s3, s2  }
0x8d: {  	s2 =	sadd.s32 s2, s17  }
0x8e: {  	[smem:$0x3FC4] =	sst s2  }
0x8f: {  	_ = 	snop  }
0x90: {  	s2 =	sld [smem:$0x3FD0];
	(tm) =	ssettm $0x1  }
0x91: {  	s18 =	sld [smem:$0x3FFB];
	_ =	sdelay $0x3  }
0x92: {  	_ =	strace s18  }
0x93: {  	s3 =	sld [smem:$0x3FFC];
	_ =	sdelay $0x3  }
0x94: {  	_ =	strace s3  }
0x95: {  	s3 =	sld [smem:$0x3FFD];
	_ =	sdelay $0x3  }
0x96: {  	_ =	strace s3  }
0x97: {  	_ =	strace $0x8FFFFFFF  }
0x98: {  	s19 =	sld [smem:$0x3FDB];
	_ =	sdelay $0x1  }
0x99: {  	s4 =	simm.s32 $_scs_section_size  }
0x9a: {  	s5 =	simm.s32 $_size__tile_overlayer_lowered;
	s6 =	simm.s32 $_tile_overlayer_lowered  }
0x9b: {  	s22 =	simm.s32 $0x1BFF;
	s21 =	sshll.u32 s6, $0x1;
	s3 =	sadd.s32 s4, s19  }
0x9c: {  	s7 =	simm.s32 $0x0;
	s20 =	sshll.u32 s5, $0x1;
	s5 =	sadd.s32 s21, s3  }
0x9d: {  	[timem:s7], [sflag:s22] =	dma.local [hbm:s5], s20  }
0x9e: {  	_ =	swait.ge [sflag:s22], s20  }
0x9f: {  	s4 =	ssub.s32 $0x0, s20;
	[sflag:s22] =	ssyncset.done $0x0  }
0xa0: {  	[sflag:s22] =	ssyncadd.s32 s4;
	_ =	sdelay $0x1  }
0xa1: {  	s23 =	simm.s32 $0x1B8B  }
0xa2: {  	_ =	swait.ge [sflag:s23], $0x1  }
0xa3: {  	[sflag:s23] =	ssyncset.done $0x0  }
0xa4: {  	s25 =	simm.s32 $0x1B8E;
	s24 =	sld [smem:$0x3FFE];
	[sflag:s23] =	ssyncadd.s32 $0xFFFFFFFF  }
0xa5: {  	s26 =	simm.s32 $execute0_lowered;
	[smem:$0x3FD2] =	sst s25  }
0xa6: {  	s5 =	sshll.u32 s26, $0x1;
	_ =	strace $0x80000046;
	[dreg:$0x1] =	wrdreg $0xFFFFFFFF  }
0xa7: {  	s28 =	simm.s32 $_size_execute0_lowered;
	s3 =	sadd.s32 s3, s5;
	[dreg:$0x0] =	wrdreg $0x0  }
0xa8: {  	s5 =	sshll.u32 s28, $0x1;
	[dreg:$0x2] =	wrdreg s3  }
0xa9: {  	[dreg:$0x3] =	wrdreg s5  }
0xaa: {  	[dreg:$0x4] =	wrdreg $0xC0  }
0xab: {  	_ =	task [dreg:s7], $0x5FFFF  }
0xac: {  	[dreg:$0x1] =	wrdreg $0xFFFFFFFF  }
0xad: {  	[dreg:$0x0] =	wrdreg $0x60  }
0xae: {  	[dreg:$0x2] =	wrdreg s24  }
0xaf: {  	[dreg:$0x3] =	wrdreg s2  }
0xb0: {  	[dreg:$0x4] =	wrdreg $0x9  }
0xb1: {  	_ =	task.clear_ibuf [dreg:s7], $0x5FFFF;
	_ =	strace $0x90000046  }
0xb2: {  	s29 =	simm.s32 $0x9;
	_ =	strace $0x80000048  }
0xb3: {  	_ =	swait.ge [sflag:s29], $0x1  }
0xb4: {  	[sflag:s29] =	ssyncadd.s32 $0xFFFFFFFF  }
0xb5: {  	_ =	strace $0x90000048  }
0xb6: {  	_ =	sfence  }
0xb7: {  	s30 =	sld [smem:$0x0];
	_ =	sdelay $0x2  }
0xb8: {  	s31 =	sshll.u32 s1, $0xD;
	s1 =	sshrl.u32 s1, $0x2  }
0xb9: {  	s3 =	sand.u32 $0x4000, s31;
	s1 =	sadd.s32 s1, s30  }
0xba: {  	s0 =	sor.u32 s3, s0;
	s1 =	sshll.u32 s1, $0x11  }
0xbb: {  	s0 =	sor.u32 s1, s0  }
0xbc: {  	s0 =	sadd.s32 $0x8F2B, s0  }
0xbd: {  	[sflag:s0] =	ssyncadd.remote.s32 $0x1  }
0xbe: {  	_ =	sfence.sel $0xFFFF  }
0xbf: {  	[dreg:$0x0] =	wrdreg $0xFFFFFFFF;
	(pc) =	sbr.abs _section_cstart, $3  }
0xc0: {  	[dreg:$0x1] =	wrdreg $0xFFFFFFFF  }
0xc1: {  	_ =	task.clear_ibuf [dreg:s7], $0x2FFFF;
	_ =	strace $0x9FFFFFFF  }
0xc2: {  	(tm) =	ssettm $0x7FFFFFFF  }
0xc3: {  	_ =	shalt  }
tec
execute0_lowered:
.L_overlay_start_1:
0x0: {  	(tag) =	ssettag $0x1  }
0x1: {  	s0 =	srdreg.scid;
	s1 =	rddreg [dreg:$0x0]  }
0x2: {  	s2 =	rddreg [dreg:$0x1];
	s5 =	stileid.u32;
	s4 =	simm.s32 $0x0  }
0x3: {  	s14 =	simm.s32 $0x5;
	s20 =	simm.s32 $0x1;
	s21 =	simm.s32 $0x3280  }
0x4: {  	s22 =	simm.s32 $0x1000;
	s23 =	simm.s32 $0x8000;
	s28 =	simm.s32 $0x3  }
0x5: {  	s29 =	simm.s32 $0x4;
	s30 =	simm.s32 $0x0;
	s31 =	simm.s32 $0x0  }
0x6: {  	s0 =	sand.u32 $0x1, s0;
	[smem:$0x7FF] =	sst s4;
	s4 =	sadd.s32 $0x1600, s1  }
0x7: {  	s7 =	sshll.u32 s5, $0xB;
	s24 =	sadd.s32 $0xE00, s1;
	s3 =	sshll.u32 s0, $0x4  }
0x8: {  	_ =	strace $0x80000047;
	s7 =	sand.u32 $0x800, s7;
	s3 =	sor.u32 s5, s3  }
0x9: {  	[dreg:$0x3] =	wrdreg s24;
	s0 =	ssub.s32 $0x2, s0;
	s6 =	smul.u32 $0xC800, s3  }
0xa: {  	s24 =	simm.s32 $0xAB00;
	s5 =	sadd.s32 $0x33600, s1;
	s1 =	sadd.s32 $0xC00, s1  }
0xb: {  	s25 =	sshrl.u32 s0, $0x1;
	[dreg:$0x4] =	wrdreg s1;
	s8 =	sand.u32 $0x1FF000, s6  }
0xc: {  	s0 =	ssub.s32 s0, s25;
	s25 =	simm.s32 $0x2;
	s8 =	sor.u32 s7, s8  }
0xd: {  	s13 =	smax.u32 s0, $0x1;
	s10 =	sshrl.u32 s8, $0x3;
	s8 =	smul.u32 $0x64, s3  }
0xe: {  	s26 =	sor.u32 $0x40, s10;
	s9 =	sadd.s32 s4, s10;
	s10 =	sadd.s32 s5, s10  }
0xf: {  	s11 =	sadd.s32 s4, s26;
	s12 =	sadd.s32 s5, s26;
	s26 =	simm.s32 $0x12B00  }
.LBB2_1:
0x10: {  	s0 =	simm.s32 $0x0;
	s1 =	rddreg [dreg:$0x3]  }
0x11: {  	[tilespmem:s0], [sflag:$0x5] =	stream.linear.gather [hbm4b:s1+s0], $0x3200, $0x38;
	[tilespmem:$0x1AB00] =	vst v63  }
0x12: {  	_ =	swait.ge [sflag:s14], $0x3200  }
0x13: {  	[sflag:s14] =	ssyncset.done $0x0  }
0x14: {  	s3 =	simm.s32 $0x3200;
	s18 =	rddreg [dreg:$0x4];
	[sflag:s14] =	ssyncadd.s32 $0xFFFFCE00  }
0x15: {  	[tilespmem:s3], [sflag:$0x5] =	stream.linear.gather [hbm4b:s18+s0], $0x80, $0x38;
	[tilespmem:$0x1AB00] =	vst v63  }
0x16: {  	_ =	swait.ge [sflag:s14], $0x80  }
0x17: {  	[sflag:s14] =	ssyncset.done $0x0  }
0x18: {  	s19 =	simm.s32 $0x0;
	[sflag:s14] =	ssyncadd.s32 $0xFFFFFF80  }
0x19: {  	v0 =	vld [tilespmem:s19+$0x0]  }
0x1a: {  	v1 =	vld [tilespmem:$0x3200];
	_ =	sdelay $0x4  }
0x1b: {  	v1 =	vadd.f32 v1, v0  }
0x1c: {  	s0 =	simm.s32 $0x6AF0  }
0x1d: {  	[tilespmem:s0+$0xFFFFC790] =	vst v1  }
0x1e: {  	v1 =	vld [tilespmem:$0x3240];
	_ =	sdelay $0x4  }
0x1f: {  	v0 =	vadd.f32 v1, v0;
	_ =	sdelay $0x1  }
0x20: {  	[tilespmem:s0+$0xFFFFFFD0] =	vst v0  }
0x21: {  	v0 =	vld [tilespmem:s19+$0x10]  }
0x22: {  	v1 =	vld [tilespmem:$0x3210];
	_ =	sdelay $0x4  }
0x23: {  	v1 =	vadd.f32 v1, v0;
	_ =	sdelay $0x1  }
0x24: {  	[tilespmem:s0+$0xFFFFC7A0] =	vst v1  }
0x25: {  	v1 =	vld [tilespmem:$0x3250];
	_ =	sdelay $0x4  }
0x26: {  	v0 =	vadd.f32 v1, v0;
	_ =	sdelay $0x1  }
0x27: {  	[tilespmem:s0+$0xFFFFFFE0] =	vst v0  }
0x28: {  	v0 =	vld [tilespmem:s19+$0x20]  }
0x29: {  	v1 =	vld [tilespmem:$0x3220];
	_ =	sdelay $0x4  }
0x2a: {  	v1 =	vadd.f32 v1, v0;
	_ =	sdelay $0x1  }
0x2b: {  	[tilespmem:s0+$0xFFFFC7B0] =	vst v1  }
0x2c: {  	v1 =	vld [tilespmem:$0x3260];
	_ =	sdelay $0x4  }
0x2d: {  	v0 =	vadd.f32 v1, v0;
	_ =	sdelay $0x1  }
0x2e: {  	[tilespmem:s0+$0xFFFFFFF0] =	vst v0  }
0x2f: {  	v0 =	vld [tilespmem:s19+$0x30]  }
0x30: {  	v1 =	vld [tilespmem:$0x3230];
	_ =	sdelay $0x4  }
0x31: {  	v1 =	vadd.f32 v1, v0;
	_ =	sdelay $0x1  }
0x32: {  	[tilespmem:s0+$0xFFFFC7C0] =	vst v1  }
0x33: {  	v1 =	vld [tilespmem:$0x3270];
	_ =	sdelay $0x4  }
0x34: {  	v0 =	vadd.f32 v1, v0;
	_ =	sdelay $0x1  }
0x35: {  	s1 =	simm.s32 $0x40;
	[tilespmem:s0+$0x0] =	vst v0  }
0x36: {  	v0 =	vld [tilespmem:s1+$0x0]  }
0x37: {  	v1 =	vld [tilespmem:$0x3200];
	_ =	sdelay $0x1  }
0x38: {  	s3 =	simm.s32 $0x200  }
.LBB2_2:
0x39: {  	p0 =	sne.s32 s3, $0xC700;
	_ =	sdelay $0x1  }
0x3a: {  	v1 =	vadd.f32 v1, v0  }
0x3b: {  	s0 =	sadd.s32 $0x48, s0  }
0x3c: {  	[tilespmem:s0+$0xFFFFC790] =	vst v1  }
0x3d: {  	v1 =	vld [tilespmem:$0x3240];
	_ =	sdelay $0x4  }
0x3e: {  	v0 =	vadd.f32 v1, v0;
	_ =	sdelay $0x1  }
0x3f: {  	[tilespmem:s0+$0xFFFFFFD0] =	vst v0  }
0x40: {  	v0 =	vld [tilespmem:s1+$0x10]  }
0x41: {  	v1 =	vld [tilespmem:$0x3210];
	_ =	sdelay $0x4  }
0x42: {  	v1 =	vadd.f32 v1, v0;
	_ =	sdelay $0x1  }
0x43: {  	[tilespmem:s0+$0xFFFFC7A0] =	vst v1  }
0x44: {  	v1 =	vld [tilespmem:$0x3250];
	_ =	sdelay $0x4  }
0x45: {  	v0 =	vadd.f32 v1, v0;
	_ =	sdelay $0x1  }
0x46: {  	[tilespmem:s0+$0xFFFFFFE0] =	vst v0  }
0x47: {  	v0 =	vld [tilespmem:s1+$0x20]  }
0x48: {  	v1 =	vld [tilespmem:$0x3220];
	_ =	sdelay $0x4  }
0x49: {  	v1 =	vadd.f32 v1, v0;
	_ =	sdelay $0x1  }
0x4a: {  	[tilespmem:s0+$0xFFFFC7B0] =	vst v1  }
0x4b: {  	v1 =	vld [tilespmem:$0x3260];
	_ =	sdelay $0x4  }
0x4c: {  	v0 =	vadd.f32 v1, v0;
	_ =	sdelay $0x1  }
0x4d: {  	[tilespmem:s0+$0xFFFFFFF0] =	vst v0  }
0x4e: {  	v0 =	vld [tilespmem:s1+$0x30]  }
0x4f: {  	v1 =	vld [tilespmem:$0x3230];
	_ =	sdelay $0x4  }
0x50: {  	v1 =	vadd.f32 v1, v0;
	_ =	sdelay $0x1  }
0x51: {  	[tilespmem:s0+$0xFFFFC7C0] =	vst v1  }
0x52: {  	v1 =	vld [tilespmem:$0x3270];
	_ =	sdelay $0x4  }
0x53: {  	v0 =	vadd.f32 v1, v0;
	_ =	sdelay $0x1  }
.Ltmp0:
0x54: {  	s1 =	sshra.s32 s3, $0x2;
	[tilespmem:s0+$0x0] =	vst v0;
	(pc) =	sbr.rel @p0 .LBB2_2-.Ltmp0, $3  }
0x55: {  	v0 =	vld [tilespmem:s1+$0x0]  }
0x56: {  	v1 =	vld [tilespmem:$0x3200];
	_ =	sdelay $0x1  }
0x57: {  	s3 =	sadd.s32 $0x100, s3  }
0x58: {  	_ =	sdelay $0x1  }
0x59: {  	v1 =	vadd.f32 v1, v0  }
0x5a: {  	s0 =	sadd.s32 $0x48, s0  }
0x5b: {  	[tilespmem:s0+$0xFFFFC790] =	vst v1  }
0x5c: {  	v1 =	vld [tilespmem:$0x3240];
	_ =	sdelay $0x4  }
0x5d: {  	v60 =	vadd.f32 v1, v0;
	_ =	sdelay $0x1  }
0x5e: {  	[tilespmem:s0+$0xFFFFFFD0] =	vst v60  }
0x5f: {  	v0 =	vld [tilespmem:s1+$0x10]  }
0x60: {  	v61 =	vld [tilespmem:$0x3210];
	_ =	sdelay $0x4  }
0x61: {  	v1 =	vadd.f32 v61, v0;
	_ =	sdelay $0x1  }
0x62: {  	[tilespmem:s0+$0xFFFFC7A0] =	vst v1  }
0x63: {  	v1 =	vld [tilespmem:$0x3250];
	_ =	sdelay $0x4  }
0x64: {  	v0 =	vadd.f32 v1, v0;
	_ =	sdelay $0x1  }
0x65: {  	[tilespmem:s0+$0xFFFFFFE0] =	vst v0  }
0x66: {  	v0 =	vld [tilespmem:s1+$0x20]  }
0x67: {  	v62 =	vld [tilespmem:$0x3220];
	_ =	sdelay $0x4  }
0x68: {  	v1 =	vadd.f32 v62, v0;
	_ =	sdelay $0x1  }
0x69: {  	[tilespmem:s0+$0xFFFFC7B0] =	vst v1  }
0x6a: {  	v1 =	vld [tilespmem:$0x3260];
	_ =	sdelay $0x4  }
0x6b: {  	v0 =	vadd.f32 v1, v0;
	_ =	sdelay $0x1  }
0x6c: {  	[tilespmem:s0+$0xFFFFFFF0] =	vst v0  }
0x6d: {  	v0 =	vld [tilespmem:s1+$0x30]  }
0x6e: {  	v63 =	vld [tilespmem:$0x3230];
	_ =	sdelay $0x4  }
0x6f: {  	v1 =	vadd.f32 v63, v0;
	_ =	sdelay $0x1  }
0x70: {  	[tilespmem:s0+$0xFFFFC7C0] =	vst v1  }
0x71: {  	v1 =	vld [tilespmem:$0x3270];
	_ =	sdelay $0x4  }
0x72: {  	v0 =	vadd.f32 v1, v0;
	_ =	sdelay $0x1  }
0x73: {  	s16 =	simm.s32 $0xA300;
	[tilespmem:s0+$0x0] =	vst v0  }
0x74: {  	[tilespmem:s16], [sflag:$0x1] =	stream.linear.gather [hbm4b:s9+s31], $0x200, $0x38;
	[tilespmem:$0x1AB00] =	vst v63  }
0x75: {  	s17 =	simm.s32 $0xA700  }
0x76: {  	[tilespmem:s17], [sflag:$0x1] =	stream.linear.gather [hbm4b:s10+s31], $0x200, $0x38;
	[tilespmem:$0x1AB00] =	vst v63  }
0x77: {  	s18 =	simm.s32 $0xA500  }
0x78: {  	[tilespmem:s18], [sflag:$0x2] =	stream.linear.gather [hbm4b:s11+s31], $0x200, $0x38;
	[tilespmem:$0x1AB00] =	vst v63  }
0x79: {  	s19 =	simm.s32 $0xA900;
	s0 =	simm.s32 $0x0  }
0x7a: {  	[tilespmem:s19], [sflag:$0x2] =	stream.linear.gather [hbm4b:s12+s31], $0x200, $0x38;
	[tilespmem:$0x1AB00] =	vst v63  }
.LBB2_4:
0x7b: {  	_ =	swait.ge [sflag:s20], $0x200  }
0x7c: {  	[sflag:s20] =	ssyncset.done $0x0  }
0x7d: {  	[sflag:s20] =	ssyncadd.s32 $0xFFFFFE00  }
0x7e: {  	_ =	swait.ge [sflag:s20], $0x200  }
0x7f: {  	p1 =	seq.s32 s0, $0x0;
	[sflag:s20] =	ssyncset.done $0x0  }
0x80: {  	s1 =	simm.s32 @!p1 $0x3;
	[sflag:s20] =	ssyncadd.s32 $0xFFFFFE00  }
0x81: {  	_ =	swait.ge @!p1 [sflag:s1], $0x8000  }
0x82: {  	[sflag:s1] =	ssyncset.done @!p1 $0x0  }
0x83: {  	s16 =	simm.s32 $0xA700;
	[sflag:s1] =	ssyncadd.s32 @!p1 $0xFFFF8000  }
0x84: {  	s17 =	simm.s32 $0xA300;
	v0 =	vld [tilespmem:s16+$0x0]  }
0x85: {  	v1 =	vld [tilespmem:s17+$0x0];
	_ =	sdelay $0x4  }
0x86: {  	v0 =	vmul.u32 $0x3840, v0;
	v1 =	vmul.u32 $0x48, v1;
	_ =	sdelay $0x1  }
0x87: {  	v0 =	vadd.s32 v0, v1  }
0x88: {  	v1 =	vor.u32 $0x1, v0  }
0x89: {  	v2 =	vor.u32 $0x2, v0  }
0x8a: {  	v3 =	vor.u32 $0x3, v0  }
0x8b: {  	v4 =	vor.u32 $0x4, v0  }
0x8c: {  	v6 =	vor.u32 $0x5, v0;
	v5 =	vld.idx.msk [tilespmem:v0+s21+$0x0], $0xffff  }
0x8d: {  	v7 =	vor.u32 $0x6, v0;
	v1 =	vld.idx.msk [tilespmem:v1+s21+$0x0], $0xffff  }
0x8e: {  	v8 =	vor.u32 $0x7, v0;
	v2 =	vld.idx.msk [tilespmem:v2+s21+$0x0], $0xffff  }
0x8f: {  	v9 =	vadd.s32 $0x8, v0;
	v3 =	vld.idx.msk [tilespmem:v3+s21+$0x0], $0xffff  }
0x90: {  	v10 =	vadd.s32 $0x9, v0;
	v4 =	vld.idx.msk [tilespmem:v4+s21+$0x0], $0xffff  }
0x91: {  	v11 =	vadd.s32 $0xA, v0;
	v6 =	vld.idx.msk [tilespmem:v6+s21+$0x0], $0xffff  }
0x92: {  	v12 =	vadd.s32 $0xB, v0;
	v7 =	vld.idx.msk [tilespmem:v7+s21+$0x0], $0xffff  }
0x93: {  	v13 =	vadd.s32 $0xC, v0;
	v8 =	vld.idx.msk [tilespmem:v8+s21+$0x0], $0xffff  }
0x94: {  	v14 =	vadd.s32 $0xD, v0;
	v9 =	vld.idx.msk [tilespmem:v9+s21+$0x0], $0xffff  }
0x95: {  	v15 =	vadd.s32 $0xE, v0;
	v10 =	vld.idx.msk [tilespmem:v10+s21+$0x0], $0xffff  }
0x96: {  	v16 =	vadd.s32 $0xF, v0;
	v11 =	vld.idx.msk [tilespmem:v11+s21+$0x0], $0xffff  }
0x97: {  	v12 =	vld.idx.msk [tilespmem:v12+s21+$0x0], $0xffff  }
0x98: {  	v13 =	vld.idx.msk [tilespmem:v13+s21+$0x0], $0xffff  }
0x99: {  	s19 =	sand.u32 $0x70, s31;
	s3 =	sand.u32 $0xC00, s31;
	v14 =	vld.idx.msk [tilespmem:v14+s21+$0x0], $0xffff  }
0x9a: {  	s15 =	sor.u32 s19, s3;
	v15 =	vld.idx.msk [tilespmem:v15+s21+$0x0], $0xffff  }
0x9b: {  	v16 =	vld.idx.msk [tilespmem:v16+s21+$0x0], $0xffff;
	[tilespmem:s15+$0xAB00] =	vst v5  }
0x9c: {  	[tilespmem:s15+$0xAB80] =	vst v1  }
0x9d: {  	[tilespmem:s15+$0xAC00] =	vst v2  }
0x9e: {  	[tilespmem:s15+$0xAC80] =	vst v3  }
0x9f: {  	[tilespmem:s15+$0xAD00] =	vst v4  }
0xa0: {  	[tilespmem:s15+$0xAD80] =	vst v6  }
0xa1: {  	[tilespmem:s15+$0xAE00] =	vst v7  }
0xa2: {  	[tilespmem:s15+$0xAE80] =	vst v8  }
0xa3: {  	[tilespmem:s15+$0xBB00] =	vst v9  }
0xa4: {  	[tilespmem:s15+$0xBB80] =	vst v10  }
0xa5: {  	[tilespmem:s15+$0xBC00] =	vst v11  }
0xa6: {  	v63 =	vadd.s32 $0x1F, v0;
	[tilespmem:s15+$0xBC80] =	vst v12  }
0xa7: {  	v5 =	vadd.s32 $0x14, v0;
	[tilespmem:s15+$0xBD00] =	vst v13  }
0xa8: {  	v1 =	vadd.s32 $0x10, v0;
	[tilespmem:s15+$0xBD80] =	vst v14  }
0xa9: {  	v2 =	vadd.s32 $0x11, v0;
	[tilespmem:s15+$0xBE00] =	vst v15  }
0xaa: {  	v3 =	vadd.s32 $0x12, v0;
	[tilespmem:s15+$0xBE80] =	vst v16  }
0xab: {  	v4 =	vadd.s32 $0x13, v0;
	v16 =	vld.idx.msk [tilespmem:v63+s21+$0x0], $0xffff  }
0xac: {  	v6 =	vadd.s32 $0x15, v0;
	v5 =	vld.idx.msk [tilespmem:v5+s21+$0x0], $0xffff  }
0xad: {  	v7 =	vadd.s32 $0x16, v0;
	v1 =	vld.idx.msk [tilespmem:v1+s21+$0x0], $0xffff  }
0xae: {  	v8 =	vadd.s32 $0x17, v0;
	v2 =	vld.idx.msk [tilespmem:v2+s21+$0x0], $0xffff  }
0xaf: {  	v9 =	vadd.s32 $0x18, v0;
	v3 =	vld.idx.msk [tilespmem:v3+s21+$0x0], $0xffff  }
0xb0: {  	v10 =	vadd.s32 $0x19, v0;
	v4 =	vld.idx.msk [tilespmem:v4+s21+$0x0], $0xffff  }
0xb1: {  	v11 =	vadd.s32 $0x1A, v0;
	v6 =	vld.idx.msk [tilespmem:v6+s21+$0x0], $0xffff  }
0xb2: {  	v12 =	vadd.s32 $0x1B, v0;
	v7 =	vld.idx.msk [tilespmem:v7+s21+$0x0], $0xffff  }
0xb3: {  	v13 =	vadd.s32 $0x1C, v0;
	v8 =	vld.idx.msk [tilespmem:v8+s21+$0x0], $0xffff  }
0xb4: {  	v14 =	vadd.s32 $0x1D, v0;
	v9 =	vld.idx.msk [tilespmem:v9+s21+$0x0], $0xffff  }
0xb5: {  	v15 =	vadd.s32 $0x1E, v0;
	v10 =	vld.idx.msk [tilespmem:v10+s21+$0x0], $0xffff  }
0xb6: {  	v11 =	vld.idx.msk [tilespmem:v11+s21+$0x0], $0xffff  }
0xb7: {  	v12 =	vld.idx.msk [tilespmem:v12+s21+$0x0], $0xffff  }
0xb8: {  	v13 =	vld.idx.msk [tilespmem:v13+s21+$0x0], $0xffff  }
0xb9: {  	v14 =	vld.idx.msk [tilespmem:v14+s21+$0x0], $0xffff  }
0xba: {  	v15 =	vld.idx.msk [tilespmem:v15+s21+$0x0], $0xffff;
	[tilespmem:s15+$0xDE80] =	vst v16  }
0xbb: {  	[tilespmem:s15+$0xCD00] =	vst v5  }
0xbc: {  	[tilespmem:s15+$0xCB00] =	vst v1  }
0xbd: {  	[tilespmem:s15+$0xCB80] =	vst v2  }
0xbe: {  	[tilespmem:s15+$0xCC00] =	vst v3  }
0xbf: {  	[tilespmem:s15+$0xCC80] =	vst v4  }
0xc0: {  	[tilespmem:s15+$0xCD80] =	vst v6  }
0xc1: {  	[tilespmem:s15+$0xCE00] =	vst v7  }
0xc2: {  	[tilespmem:s15+$0xCE80] =	vst v8  }
0xc3: {  	[tilespmem:s15+$0xDB00] =	vst v9  }
0xc4: {  	[tilespmem:s15+$0xDB80] =	vst v10  }
0xc5: {  	v5 =	vadd.s32 $0x24, v0;
	[tilespmem:s15+$0xDC00] =	vst v11  }
0xc6: {  	[tilespmem:s15+$0xDC80] =	vst v12;
	v1 =	vadd.s32 $0x20, v0  }
0xc7: {  	[tilespmem:s15+$0xDD00] =	vst v13;
	v2 =	vadd.s32 $0x21, v0  }
0xc8: {  	[tilespmem:s15+$0xDD80] =	vst v14;
	v3 =	vadd.s32 $0x22, v0  }
0xc9: {  	[tilespmem:s15+$0xDE00] =	vst v15;
	v4 =	vadd.s32 $0x23, v0  }
0xca: {  	v6 =	vadd.s32 $0x25, v0;
	v5 =	vld.idx.msk [tilespmem:v5+s21+$0x0], $0xffff  }
0xcb: {  	v7 =	vadd.s32 $0x26, v0;
	v1 =	vld.idx.msk [tilespmem:v1+s21+$0x0], $0xffff  }
0xcc: {  	v11 =	vadd.s32 $0x27, v0;
	v2 =	vld.idx.msk [tilespmem:v2+s21+$0x0], $0xffff  }
0xcd: {  	v8 =	vadd.s32 $0x28, v0;
	v3 =	vld.idx.msk [tilespmem:v3+s21+$0x0], $0xffff  }
0xce: {  	v12 =	vadd.s32 $0x29, v0;
	v4 =	vld.idx.msk [tilespmem:v4+s21+$0x0], $0xffff  }
0xcf: {  	s1 =	sshll.u32 s0, $0x1;
	v9 =	vadd.s32 $0x2A, v0;
	v6 =	vld.idx.msk [tilespmem:v6+s21+$0x0], $0xffff  }
0xd0: {  	s19 =	simm.s32 $0x80;
	s3 =	simm.s32 $0x0;
	s18 =	sadd.s32 s8, s1;
	v10 =	vadd.s32 $0x2B, v0;
	v7 =	vld.idx.msk [tilespmem:v7+s21+$0x0], $0xffff  }
.LBB2_5:
0xd1: {  	p0 =	sne.s32 s19, $0xF80;
	v11 =	vld.idx.msk [tilespmem:v11+s21+$0x0], $0xffff;
	v13 =	vadd.s32 $0x2C, v0  }
0xd2: {  	v14 =	vadd.s32 $0x2D, v0;
	v8 =	vld.idx.msk [tilespmem:v8+s21+$0x0], $0xffff  }
0xd3: {  	v15 =	vadd.s32 $0x2E, v0;
	v12 =	vld.idx.msk [tilespmem:v12+s21+$0x0], $0xffff  }
0xd4: {  	v16 =	vadd.s32 $0x2F, v0;
	v9 =	vld.idx.msk [tilespmem:v9+s21+$0x0], $0xffff  }
0xd5: {  	v10 =	vld.idx.msk [tilespmem:v10+s21+$0x0], $0xffff  }
0xd6: {  	v13 =	vld.idx.msk [tilespmem:v13+s21+$0x0], $0xffff  }
0xd7: {  	v14 =	vld.idx.msk [tilespmem:v14+s21+$0x0], $0xffff  }
0xd8: {  	v15 =	vld.idx.msk [tilespmem:v15+s21+$0x0], $0xffff  }
0xd9: {  	s16 =	sadd.s32 $0x10, s16;
	v16 =	vld.idx.msk [tilespmem:v16+s21+$0x0], $0xffff;
	[tilespmem:s15+$0xEB00] =	vst v1  }
0xda: {  	s17 =	sadd.s32 $0x10, s17;
	v1 =	vld [tilespmem:s16+$0x0];
	[tilespmem:s15+$0xEB80] =	vst v2  }
0xdb: {  	v2 =	vld [tilespmem:s17+$0x0];
	[tilespmem:s15+$0xEC00] =	vst v3  }
0xdc: {  	[tilespmem:s15+$0xEC80] =	vst v4  }
0xdd: {  	[tilespmem:s15+$0xED00] =	vst v5  }
0xde: {  	[tilespmem:s15+$0xED80] =	vst v6  }
0xdf: {  	[tilespmem:s15+$0xEE00] =	vst v7  }
0xe0: {  	v1 =	vmul.u32 $0x3840, v1;
	v2 =	vmul.u32 $0x48, v2;
	[tilespmem:s15+$0xEE80] =	vst v11  }
0xe1: {  	[tilespmem:s15+$0xFB00] =	vst v8  }
0xe2: {  	v1 =	vadd.s32 v1, v2;
	[tilespmem:s15+$0xFB80] =	vst v12  }
0xe3: {  	v2 =	vor.u32 $0x1, v1;
	[tilespmem:s15+$0xFC00] =	vst v9  }
0xe4: {  	v3 =	vadd.s32 $0x30, v0;
	[tilespmem:s15+$0xFC80] =	vst v10  }
0xe5: {  	v4 =	vadd.s32 $0x31, v0;
	[tilespmem:s15+$0xFD00] =	vst v13  }
0xe6: {  	v5 =	vadd.s32 $0x32, v0;
	[tilespmem:s15+$0xFD80] =	vst v14  }
0xe7: {  	v7 =	vadd.s32 $0x33, v0;
	v6 =	vld.idx.msk [tilespmem:v1+s21+$0x0], $0xffff;
	[tilespmem:s15+$0xFE00] =	vst v15  }
0xe8: {  	v8 =	vadd.s32 $0x34, v0;
	v2 =	vld.idx.msk [tilespmem:v2+s21+$0x0], $0xffff;
	[tilespmem:s15+$0xFE80] =	vst v16  }
0xe9: {  	v9 =	vadd.s32 $0x35, v0;
	v3 =	vld.idx.msk [tilespmem:v3+s21+$0x0], $0xffff  }
0xea: {  	v10 =	vadd.s32 $0x36, v0;
	v4 =	vld.idx.msk [tilespmem:v4+s21+$0x0], $0xffff  }
0xeb: {  	v11 =	vadd.s32 $0x37, v0;
	v5 =	vld.idx.msk [tilespmem:v5+s21+$0x0], $0xffff  }
0xec: {  	v12 =	vadd.s32 $0x38, v0;
	v7 =	vld.idx.msk [tilespmem:v7+s21+$0x0], $0xffff  }
0xed: {  	v13 =	vadd.s32 $0x3F, v0;
	v8 =	vld.idx.msk [tilespmem:v8+s21+$0x0], $0xffff  }
0xee: {  	v14 =	vadd.s32 $0x39, v0;
	v9 =	vld.idx.msk [tilespmem:v9+s21+$0x0], $0xffff  }
0xef: {  	v15 =	vadd.s32 $0x3A, v0;
	v10 =	vld.idx.msk [tilespmem:v10+s21+$0x0], $0xffff  }
0xf0: {  	v16 =	vadd.s32 $0x3B, v0;
	v11 =	vld.idx.msk [tilespmem:v11+s21+$0x0], $0xffff  }
0xf1: {  	v17 =	vadd.s32 $0x3C, v0;
	v12 =	vld.idx.msk [tilespmem:v12+s21+$0x0], $0xffff  }
0xf2: {  	v18 =	vadd.s32 $0x3D, v0;
	v13 =	vld.idx.msk [tilespmem:v13+s21+$0x0], $0xffff  }
0xf3: {  	v19 =	vadd.s32 $0x3E, v0;
	v0 =	vmov v1;
	v14 =	vld.idx.msk [tilespmem:v14+s21+$0x0], $0xffff  }
0xf4: {  	v1 =	vor.u32 $0x2, v0;
	v15 =	vld.idx.msk [tilespmem:v15+s21+$0x0], $0xffff  }
0xf5: {  	v20 =	vor.u32 $0x3, v0;
	v16 =	vld.idx.msk [tilespmem:v16+s21+$0x0], $0xffff  }
0xf6: {  	v21 =	vor.u32 $0x4, v0;
	v17 =	vld.idx.msk [tilespmem:v17+s21+$0x0], $0xffff  }
0xf7: {  	v22 =	vor.u32 $0x5, v0;
	v18 =	vld.idx.msk [tilespmem:v18+s21+$0x0], $0xffff  }
0xf8: {  	v23 =	vor.u32 $0x6, v0;
	v19 =	vld.idx.msk [tilespmem:v19+s21+$0x0], $0xffff;
	[tilespmem:s15+$0x11E80] =	vst v13  }
0xf9: {  	v13 =	vor.u32 $0x7, v0;
	v1 =	vld.idx.msk [tilespmem:v1+s21+$0x0], $0xffff;
	[tilespmem:s15+$0x10B00] =	vst v3  }
0xfa: {  	v3 =	vld.idx.msk [tilespmem:v20+s21+$0x0], $0xffff;
	v20 =	vadd.s32 $0x8, v0;
	[tilespmem:s15+$0x10B80] =	vst v4  }
0xfb: {  	v4 =	vld.idx.msk [tilespmem:v21+s21+$0x0], $0xffff;
	v21 =	vadd.s32 $0x9, v0;
	[tilespmem:s15+$0x10C00] =	vst v5  }
0xfc: {  	v5 =	vld.idx.msk [tilespmem:v22+s21+$0x0], $0xffff;
	v22 =	vadd.s32 $0xA, v0;
	[tilespmem:s15+$0x10C80] =	vst v7  }
0xfd: {  	v7 =	vld.idx.msk [tilespmem:v23+s21+$0x0], $0xffff;
	v23 =	vadd.s32 $0xB, v0;
	[tilespmem:s15+$0x10D00] =	vst v8  }
0xfe: {  	v8 =	vld.idx.msk [tilespmem:v13+s21+$0x0], $0xffff;
	v13 =	vadd.s32 $0xC, v0;
	[tilespmem:s15+$0x10D80] =	vst v9  }
0xff: {  	v9 =	vld.idx.msk [tilespmem:v20+s21+$0x0], $0xffff;
	v20 =	vadd.s32 $0xD, v0;
	[tilespmem:s15+$0x10E00] =	vst v10  }
0x100: {  	v10 =	vld.idx.msk [tilespmem:v21+s21+$0x0], $0xffff;
	v21 =	vadd.s32 $0xE, v0;
	[tilespmem:s15+$0x10E80] =	vst v11  }
0x101: {  	v11 =	vld.idx.msk [tilespmem:v22+s21+$0x0], $0xffff;
	v22 =	vadd.s32 $0xF, v0;
	[tilespmem:s15+$0x11B00] =	vst v12  }
0x102: {  	v12 =	vld.idx.msk [tilespmem:v23+s21+$0x0], $0xffff;
	[tilespmem:s15+$0x11B80] =	vst v14  }
0x103: {  	s3 =	sadd.s32 $0x10, s3;
	v13 =	vld.idx.msk [tilespmem:v13+s21+$0x0], $0xffff;
	[tilespmem:s15+$0x11C00] =	vst v15  }
0x104: {  	s7 =	sand.u32 $0xC00, s19;
	s6 =	sand.u32 $0x70, s3;
	v14 =	vld.idx.msk [tilespmem:v20+s21+$0x0], $0xffff;
	[tilespmem:s15+$0x11C80] =	vst v16  }
0x105: {  	s6 =	sor.u32 s6, s7;
	v15 =	vld.idx.msk [tilespmem:v21+s21+$0x0], $0xffff;
	[tilespmem:s15+$0x11D00] =	vst v17  }
0x106: {  	v16 =	vld.idx.msk [tilespmem:v22+s21+$0x0], $0xffff;
	[tilespmem:s6+$0xAB00] =	vst v6  }
0x107: {  	[tilespmem:s6+$0xAB80] =	vst v2  }
0x108: {  	[tilespmem:s6+$0xAC00] =	vst v1  }
0x109: {  	[tilespmem:s6+$0xAC80] =	vst v3  }
0x10a: {  	[tilespmem:s6+$0xAD00] =	vst v4  }
0x10b: {  	[tilespmem:s6+$0xAD80] =	vst v5  }
0x10c: {  	[tilespmem:s6+$0xAE00] =	vst v7  }
0x10d: {  	[tilespmem:s6+$0xAE80] =	vst v8  }
0x10e: {  	[tilespmem:s6+$0xBB00] =	vst v9  }
0x10f: {  	[tilespmem:s6+$0xBB80] =	vst v10  }
0x110: {  	[tilespmem:s6+$0xBC00] =	vst v11  }
0x111: {  	v1 =	vadd.s32 $0x10, v0;
	[tilespmem:s6+$0xBC80] =	vst v12  }
0x112: {  	v2 =	vadd.s32 $0x11, v0;
	[tilespmem:s6+$0xBD00] =	vst v13  }
0x113: {  	v3 =	vadd.s32 $0x12, v0;
	[tilespmem:s6+$0xBD80] =	vst v14  }
0x114: {  	v4 =	vadd.s32 $0x13, v0;
	[tilespmem:s6+$0xBE00] =	vst v15  }
0x115: {  	v5 =	vadd.s32 $0x14, v0;
	[tilespmem:s6+$0xBE80] =	vst v16  }
0x116: {  	v6 =	vadd.s32 $0x15, v0;
	v1 =	vld.idx.msk [tilespmem:v1+s21+$0x0], $0xffff;
	[tilespmem:s15+$0x11D80] =	vst v18  }
0x117: {  	v7 =	vadd.s32 $0x16, v0;
	v2 =	vld.idx.msk [tilespmem:v2+s21+$0x0], $0xffff;
	[tilespmem:s15+$0x11E00] =	vst v19;
	s15 =	smov.u32 s6  }
0x118: {  	v8 =	vadd.s32 $0x17, v0;
	v3 =	vld.idx.msk [tilespmem:v3+s21+$0x0], $0xffff  }
0x119: {  	v9 =	vadd.s32 $0x18, v0;
	v4 =	vld.idx.msk [tilespmem:v4+s21+$0x0], $0xffff  }
0x11a: {  	v10 =	vadd.s32 $0x19, v0;
	v5 =	vld.idx.msk [tilespmem:v5+s21+$0x0], $0xffff  }
0x11b: {  	v11 =	vadd.s32 $0x1A, v0;
	v6 =	vld.idx.msk [tilespmem:v6+s21+$0x0], $0xffff  }
0x11c: {  	v12 =	vadd.s32 $0x1B, v0;
	v7 =	vld.idx.msk [tilespmem:v7+s21+$0x0], $0xffff  }
0x11d: {  	v13 =	vadd.s32 $0x1C, v0;
	v8 =	vld.idx.msk [tilespmem:v8+s21+$0x0], $0xffff  }
0x11e: {  	v14 =	vadd.s32 $0x1D, v0;
	v9 =	vld.idx.msk [tilespmem:v9+s21+$0x0], $0xffff  }
0x11f: {  	v15 =	vadd.s32 $0x1E, v0;
	v10 =	vld.idx.msk [tilespmem:v10+s21+$0x0], $0xffff  }
0x120: {  	v16 =	vadd.s32 $0x1F, v0;
	v11 =	vld.idx.msk [tilespmem:v11+s21+$0x0], $0xffff  }
0x121: {  	v12 =	vld.idx.msk [tilespmem:v12+s21+$0x0], $0xffff  }
0x122: {  	v13 =	vld.idx.msk [tilespmem:v13+s21+$0x0], $0xffff  }
0x123: {  	v14 =	vld.idx.msk [tilespmem:v14+s21+$0x0], $0xffff  }
0x124: {  	v15 =	vld.idx.msk [tilespmem:v15+s21+$0x0], $0xffff  }
0x125: {  	v16 =	vld.idx.msk [tilespmem:v16+s21+$0x0], $0xffff;
	[tilespmem:s15+$0xCB00] =	vst v1  }
0x126: {  	[tilespmem:s15+$0xCB80] =	vst v2  }
0x127: {  	[tilespmem:s15+$0xCC00] =	vst v3  }
0x128: {  	[tilespmem:s15+$0xCC80] =	vst v4  }
0x129: {  	[tilespmem:s15+$0xCD00] =	vst v5  }
0x12a: {  	[tilespmem:s15+$0xCD80] =	vst v6  }
0x12b: {  	[tilespmem:s15+$0xCE00] =	vst v7  }
0x12c: {  	[tilespmem:s15+$0xCE80] =	vst v8  }
0x12d: {  	[tilespmem:s15+$0xDB00] =	vst v9  }
0x12e: {  	[tilespmem:s15+$0xDB80] =	vst v10  }
0x12f: {  	[tilespmem:s15+$0xDC00] =	vst v11  }
0x130: {  	v1 =	vadd.s32 $0x20, v0;
	[tilespmem:s15+$0xDC80] =	vst v12  }
0x131: {  	v2 =	vadd.s32 $0x21, v0;
	[tilespmem:s15+$0xDD00] =	vst v13  }
0x132: {  	v3 =	vadd.s32 $0x22, v0;
	[tilespmem:s15+$0xDD80] =	vst v14  }
0x133: {  	v4 =	vadd.s32 $0x23, v0;
	[tilespmem:s15+$0xDE00] =	vst v15  }
0x134: {  	v5 =	vadd.s32 $0x24, v0;
	[tilespmem:s15+$0xDE80] =	vst v16  }
0x135: {  	v6 =	vadd.s32 $0x25, v0;
	v1 =	vld.idx.msk [tilespmem:v1+s21+$0x0], $0xffff  }
0x136: {  	v7 =	vadd.s32 $0x26, v0;
	v2 =	vld.idx.msk [tilespmem:v2+s21+$0x0], $0xffff  }
.Ltmp1:
0x137: {  	v11 =	vadd.s32 $0x27, v0;
	v3 =	vld.idx.msk [tilespmem:v3+s21+$0x0], $0xffff;
	(pc) =	sbr.rel @p0 .LBB2_5-.Ltmp1, $4  }
0x138: {  	v8 =	vadd.s32 $0x28, v0;
	v4 =	vld.idx.msk [tilespmem:v4+s21+$0x0], $0xffff  }
0x139: {  	v12 =	vadd.s32 $0x29, v0;
	v5 =	vld.idx.msk [tilespmem:v5+s21+$0x0], $0xffff  }
0x13a: {  	v9 =	vadd.s32 $0x2A, v0;
	v6 =	vld.idx.msk [tilespmem:v6+s21+$0x0], $0xffff  }
0x13b: {  	s19 =	sadd.s32 $0x80, s19;
	v10 =	vadd.s32 $0x2B, v0;
	v7 =	vld.idx.msk [tilespmem:v7+s21+$0x0], $0xffff  }
0x13c: {  	_ =	sdelay $0x3  }
0x13d: {  	v11 =	vld.idx.msk [tilespmem:v11+s21+$0x0], $0xffff;
	v13 =	vadd.s32 $0x2C, v0  }
0x13e: {  	v8 =	vld.idx.msk [tilespmem:v8+s21+$0x0], $0xffff;
	v14 =	vadd.s32 $0x2D, v0  }
0x13f: {  	v12 =	vld.idx.msk [tilespmem:v12+s21+$0x0], $0xffff;
	v15 =	vadd.s32 $0x2E, v0  }
0x140: {  	v9 =	vld.idx.msk [tilespmem:v9+s21+$0x0], $0xffff;
	v16 =	vadd.s32 $0x2F, v0  }
0x141: {  	v10 =	vld.idx.msk [tilespmem:v10+s21+$0x0], $0xffff  }
0x142: {  	v13 =	vld.idx.msk [tilespmem:v13+s21+$0x0], $0xffff  }
0x143: {  	v14 =	vld.idx.msk [tilespmem:v14+s21+$0x0], $0xffff  }
0x144: {  	v15 =	vld.idx.msk [tilespmem:v15+s21+$0x0], $0xffff  }
0x145: {  	v16 =	vld.idx.msk [tilespmem:v16+s21+$0x0], $0xffff;
	[tilespmem:s15+$0xEB00] =	vst v1  }
0x146: {  	[tilespmem:s15+$0xEB80] =	vst v2  }
0x147: {  	[tilespmem:s15+$0xEC00] =	vst v3  }
0x148: {  	[tilespmem:s15+$0xEC80] =	vst v4  }
0x149: {  	[tilespmem:s15+$0xED00] =	vst v5  }
0x14a: {  	[tilespmem:s15+$0xED80] =	vst v6  }
0x14b: {  	[tilespmem:s15+$0xEE00] =	vst v7  }
0x14c: {  	[tilespmem:s15+$0xEE80] =	vst v11  }
0x14d: {  	[tilespmem:s15+$0xFB00] =	vst v8  }
0x14e: {  	[tilespmem:s15+$0xFB80] =	vst v12  }
0x14f: {  	[tilespmem:s15+$0xFC00] =	vst v9  }
0x150: {  	[tilespmem:s15+$0xFC80] =	vst v10;
	v1 =	vadd.s32 $0x30, v0  }
0x151: {  	v2 =	vadd.s32 $0x31, v0;
	[tilespmem:s15+$0xFD00] =	vst v13  }
0x152: {  	v3 =	vadd.s32 $0x32, v0;
	[tilespmem:s15+$0xFD80] =	vst v14  }
0x153: {  	v4 =	vadd.s32 $0x33, v0;
	[tilespmem:s15+$0xFE00] =	vst v15  }
0x154: {  	v5 =	vadd.s32 $0x34, v0;
	[tilespmem:s15+$0xFE80] =	vst v16  }
0x155: {  	v6 =	vadd.s32 $0x35, v0;
	v1 =	vld.idx.msk [tilespmem:v1+s21+$0x0], $0xffff  }
0x156: {  	v7 =	vadd.s32 $0x36, v0;
	v2 =	vld.idx.msk [tilespmem:v2+s21+$0x0], $0xffff  }
0x157: {  	v8 =	vadd.s32 $0x37, v0;
	v3 =	vld.idx.msk [tilespmem:v3+s21+$0x0], $0xffff  }
0x158: {  	v9 =	vadd.s32 $0x38, v0;
	v4 =	vld.idx.msk [tilespmem:v4+s21+$0x0], $0xffff  }
0x159: {  	v10 =	vadd.s32 $0x3F, v0;
	v5 =	vld.idx.msk [tilespmem:v5+s21+$0x0], $0xffff  }
0x15a: {  	v11 =	vadd.s32 $0x39, v0;
	v6 =	vld.idx.msk [tilespmem:v6+s21+$0x0], $0xffff  }
0x15b: {  	v12 =	vadd.s32 $0x3A, v0;
	v7 =	vld.idx.msk [tilespmem:v7+s21+$0x0], $0xffff  }
0x15c: {  	v13 =	vadd.s32 $0x3B, v0;
	v8 =	vld.idx.msk [tilespmem:v8+s21+$0x0], $0xffff  }
0x15d: {  	v14 =	vadd.s32 $0x3C, v0;
	v9 =	vld.idx.msk [tilespmem:v9+s21+$0x0], $0xffff  }
0x15e: {  	v15 =	vadd.s32 $0x3D, v0;
	v10 =	vld.idx.msk [tilespmem:v10+s21+$0x0], $0xffff  }
0x15f: {  	v0 =	vadd.s32 $0x3E, v0;
	v11 =	vld.idx.msk [tilespmem:v11+s21+$0x0], $0xffff  }
0x160: {  	v12 =	vld.idx.msk [tilespmem:v12+s21+$0x0], $0xffff  }
0x161: {  	v13 =	vld.idx.msk [tilespmem:v13+s21+$0x0], $0xffff  }
0x162: {  	v14 =	vld.idx.msk [tilespmem:v14+s21+$0x0], $0xffff  }
0x163: {  	v15 =	vld.idx.msk [tilespmem:v15+s21+$0x0], $0xffff  }
0x164: {  	v0 =	vld.idx.msk [tilespmem:v0+s21+$0x0], $0xffff;
	[tilespmem:s15+$0x11E80] =	vst v10  }
0x165: {  	[tilespmem:s15+$0x10B00] =	vst v1  }
0x166: {  	[tilespmem:s15+$0x10B80] =	vst v2  }
0x167: {  	[tilespmem:s15+$0x10C00] =	vst v3  }
0x168: {  	[tilespmem:s15+$0x10C80] =	vst v4  }
0x169: {  	[tilespmem:s15+$0x10D00] =	vst v5  }
0x16a: {  	[tilespmem:s15+$0x10D80] =	vst v6  }
0x16b: {  	[tilespmem:s15+$0x10E00] =	vst v7  }
0x16c: {  	[tilespmem:s15+$0x10E80] =	vst v8  }
0x16d: {  	[tilespmem:s15+$0x11B00] =	vst v9  }
0x16e: {  	[tilespmem:s15+$0x11B80] =	vst v11  }
0x16f: {  	[tilespmem:s15+$0x11C00] =	vst v12  }
0x170: {  	p0 =	seq.s32 s0, $0x31;
	[tilespmem:s15+$0x11C80] =	vst v13  }
0x171: {  	s3 =	sshll.u32 @!p0 s18, $0x6;
	[tilespmem:s15+$0x11D00] =	vst v14  }
0x172: {  	s3 =	sadd.s32 @!p0 $0x80, s3;
	[tilespmem:s15+$0x11D80] =	vst v15  }
0x173: {  	s7 =	simm.s32 @!p0 $0x0;
	s6 =	sadd.s32 @!p0 s4, s3;
	[tilespmem:s15+$0x11E00] =	vst v0;
	s15 =	simm.s32 @!p0 $0xA300  }
0x174: {  	[tilespmem:s15], [sflag:$0x1] =	stream.linear.gather @!p0 [hbm4b:s6+s7], $0x200, $0x38;
	[tilespmem:$0x1AB00] =	vst v63  }
0x175: {  	s3 =	sadd.s32 @!p0 s5, s3;
	s6 =	simm.s32 @!p0 $0xA700  }
0x176: {  	[tilespmem:s6], [sflag:$0x1] =	stream.linear.gather @!p0 [hbm4b:s3+s7], $0x200, $0x38;
	[tilespmem:$0x1AB00] =	vst v63  }
0x177: {  	s6 =	sshll.u32 s18, $0x9  }
0x178: {  	s7 =	sshll.u32 s18, $0xC;
	s3 =	sand.u32 $0xC00, s6  }
0x179: {  	s6 =	sand.u32 $0xFFF8000, s7;
	s3 =	sadd.s32 s2, s3  }
0x17a: {  	s3 =	sadd.s32 s6, s3  }
0x17b: {  	[hbm4b:s3+s22] =	stream.strided.scatter [tilespmem:s24], [sflag:$0x3], $0x8000, s23, s22, $0x38;
	[tilespmem:$0x1AB00] =	vst v63  }
0x17c: {  	_ =	swait.ge [sflag:s25], $0x200  }
0x17d: {  	[sflag:s25] =	ssyncset.done $0x0  }
0x17e: {  	[sflag:s25] =	ssyncadd.s32 $0xFFFFFE00  }
0x17f: {  	_ =	swait.ge [sflag:s25], $0x200  }
0x180: {  	[sflag:s25] =	ssyncset.done $0x0  }
0x181: {  	s3 =	simm.s32 @!p1 $0x4;
	[sflag:s25] =	ssyncadd.s32 $0xFFFFFE00  }
0x182: {  	_ =	swait.ge @!p1 [sflag:s3], $0x8000  }
0x183: {  	[sflag:s3] =	ssyncset.done @!p1 $0x0  }
0x184: {  	s16 =	simm.s32 $0xA900;
	[sflag:s3] =	ssyncadd.s32 @!p1 $0xFFFF8000  }
0x185: {  	s17 =	simm.s32 $0xA500;
	v0 =	vld [tilespmem:s16+$0x0]  }
0x186: {  	v1 =	vld [tilespmem:s17+$0x0];
	_ =	sdelay $0x4  }
0x187: {  	v0 =	vmul.u32 $0x3840, v0;
	v1 =	vmul.u32 $0x48, v1;
	_ =	sdelay $0x1  }
0x188: {  	v0 =	vadd.s32 v0, v1  }
0x189: {  	v1 =	vor.u32 $0x1, v0  }
0x18a: {  	v2 =	vor.u32 $0x2, v0  }
0x18b: {  	v3 =	vor.u32 $0x3, v0  }
0x18c: {  	v4 =	vor.u32 $0x4, v0  }
0x18d: {  	v6 =	vor.u32 $0x5, v0;
	v5 =	vld.idx.msk [tilespmem:v0+s21+$0x0], $0xffff  }
0x18e: {  	v7 =	vor.u32 $0x6, v0;
	v1 =	vld.idx.msk [tilespmem:v1+s21+$0x0], $0xffff  }
0x18f: {  	v8 =	vor.u32 $0x7, v0;
	v2 =	vld.idx.msk [tilespmem:v2+s21+$0x0], $0xffff  }
0x190: {  	v9 =	vadd.s32 $0x8, v0;
	v3 =	vld.idx.msk [tilespmem:v3+s21+$0x0], $0xffff  }
0x191: {  	v10 =	vadd.s32 $0x9, v0;
	v4 =	vld.idx.msk [tilespmem:v4+s21+$0x0], $0xffff  }
0x192: {  	v11 =	vadd.s32 $0xA, v0;
	v6 =	vld.idx.msk [tilespmem:v6+s21+$0x0], $0xffff  }
0x193: {  	v12 =	vadd.s32 $0xB, v0;
	v7 =	vld.idx.msk [tilespmem:v7+s21+$0x0], $0xffff  }
0x194: {  	v13 =	vadd.s32 $0xC, v0;
	v8 =	vld.idx.msk [tilespmem:v8+s21+$0x0], $0xffff  }
0x195: {  	v14 =	vadd.s32 $0xD, v0;
	v9 =	vld.idx.msk [tilespmem:v9+s21+$0x0], $0xffff  }
0x196: {  	v15 =	vadd.s32 $0xE, v0;
	v10 =	vld.idx.msk [tilespmem:v10+s21+$0x0], $0xffff  }
0x197: {  	v62 =	vadd.s32 $0xF, v0;
	v11 =	vld.idx.msk [tilespmem:v11+s21+$0x0], $0xffff  }
0x198: {  	v12 =	vld.idx.msk [tilespmem:v12+s21+$0x0], $0xffff  }
0x199: {  	s18 =	simm.s32 $0x0;
	v13 =	vld.idx.msk [tilespmem:v13+s21+$0x0], $0xffff  }
0x19a: {  	s15 =	sand.u32 $0x70, s18;
	s19 =	sand.u32 $0xC00, s18;
	v14 =	vld.idx.msk [tilespmem:v14+s21+$0x0], $0xffff  }
0x19b: {  	s15 =	sor.u32 s15, s19;
	v15 =	vld.idx.msk [tilespmem:v15+s21+$0x0], $0xffff  }
0x19c: {  	s3 =	sadd.s32 $0x12B00, s15;
	v16 =	vld.idx.msk [tilespmem:v62+s21+$0x0], $0xffff;
	[tilespmem:s15+$0x12B00] =	vst v5  }
0x19d: {  	[tilespmem:s3+$0x80] =	vst v1  }
0x19e: {  	[tilespmem:s3+$0x100] =	vst v2  }
0x19f: {  	[tilespmem:s3+$0x180] =	vst v3  }
0x1a0: {  	[tilespmem:s3+$0x200] =	vst v4  }
0x1a1: {  	[tilespmem:s3+$0x280] =	vst v6  }
0x1a2: {  	[tilespmem:s3+$0x300] =	vst v7  }
0x1a3: {  	[tilespmem:s3+$0x380] =	vst v8  }
0x1a4: {  	[tilespmem:s15+$0x13B00] =	vst v9  }
0x1a5: {  	[tilespmem:s15+$0x13B80] =	vst v10  }
0x1a6: {  	[tilespmem:s15+$0x13C00] =	vst v11  }
0x1a7: {  	v63 =	vadd.s32 $0x1F, v0;
	[tilespmem:s15+$0x13C80] =	vst v12  }
0x1a8: {  	v5 =	vadd.s32 $0x14, v0;
	[tilespmem:s15+$0x13D00] =	vst v13  }
0x1a9: {  	v1 =	vadd.s32 $0x10, v0;
	[tilespmem:s15+$0x13D80] =	vst v14  }
0x1aa: {  	v2 =	vadd.s32 $0x11, v0;
	[tilespmem:s15+$0x13E00] =	vst v15  }
0x1ab: {  	v3 =	vadd.s32 $0x12, v0;
	[tilespmem:s15+$0x13E80] =	vst v16  }
0x1ac: {  	v4 =	vadd.s32 $0x13, v0;
	v16 =	vld.idx.msk [tilespmem:v63+s21+$0x0], $0xffff  }
0x1ad: {  	v6 =	vadd.s32 $0x15, v0;
	v5 =	vld.idx.msk [tilespmem:v5+s21+$0x0], $0xffff  }
0x1ae: {  	v7 =	vadd.s32 $0x16, v0;
	v1 =	vld.idx.msk [tilespmem:v1+s21+$0x0], $0xffff  }
0x1af: {  	v8 =	vadd.s32 $0x17, v0;
	v2 =	vld.idx.msk [tilespmem:v2+s21+$0x0], $0xffff  }
0x1b0: {  	v9 =	vadd.s32 $0x18, v0;
	v3 =	vld.idx.msk [tilespmem:v3+s21+$0x0], $0xffff  }
0x1b1: {  	v10 =	vadd.s32 $0x19, v0;
	v4 =	vld.idx.msk [tilespmem:v4+s21+$0x0], $0xffff  }
0x1b2: {  	v11 =	vadd.s32 $0x1A, v0;
	v6 =	vld.idx.msk [tilespmem:v6+s21+$0x0], $0xffff  }
0x1b3: {  	v12 =	vadd.s32 $0x1B, v0;
	v7 =	vld.idx.msk [tilespmem:v7+s21+$0x0], $0xffff  }
0x1b4: {  	v13 =	vadd.s32 $0x1C, v0;
	v8 =	vld.idx.msk [tilespmem:v8+s21+$0x0], $0xffff  }
0x1b5: {  	v14 =	vadd.s32 $0x1D, v0;
	v9 =	vld.idx.msk [tilespmem:v9+s21+$0x0], $0xffff  }
0x1b6: {  	v15 =	vadd.s32 $0x1E, v0;
	v10 =	vld.idx.msk [tilespmem:v10+s21+$0x0], $0xffff  }
0x1b7: {  	v11 =	vld.idx.msk [tilespmem:v11+s21+$0x0], $0xffff  }
0x1b8: {  	v12 =	vld.idx.msk [tilespmem:v12+s21+$0x0], $0xffff  }
0x1b9: {  	v13 =	vld.idx.msk [tilespmem:v13+s21+$0x0], $0xffff  }
0x1ba: {  	v14 =	vld.idx.msk [tilespmem:v14+s21+$0x0], $0xffff  }
0x1bb: {  	v15 =	vld.idx.msk [tilespmem:v15+s21+$0x0], $0xffff;
	[tilespmem:s15+$0x15E80] =	vst v16  }
0x1bc: {  	[tilespmem:s15+$0x14D00] =	vst v5  }
0x1bd: {  	[tilespmem:s15+$0x14B00] =	vst v1  }
0x1be: {  	[tilespmem:s15+$0x14B80] =	vst v2  }
0x1bf: {  	[tilespmem:s15+$0x14C00] =	vst v3  }
0x1c0: {  	[tilespmem:s15+$0x14C80] =	vst v4  }
0x1c1: {  	[tilespmem:s15+$0x14D80] =	vst v6  }
0x1c2: {  	[tilespmem:s15+$0x14E00] =	vst v7  }
0x1c3: {  	[tilespmem:s15+$0x14E80] =	vst v8  }
0x1c4: {  	[tilespmem:s15+$0x15B00] =	vst v9  }
0x1c5: {  	[tilespmem:s15+$0x15B80] =	vst v10  }
0x1c6: {  	v5 =	vadd.s32 $0x24, v0;
	[tilespmem:s15+$0x15C00] =	vst v11  }
0x1c7: {  	v1 =	vadd.s32 $0x20, v0;
	[tilespmem:s15+$0x15C80] =	vst v12  }
0x1c8: {  	v2 =	vadd.s32 $0x21, v0;
	[tilespmem:s15+$0x15D00] =	vst v13  }
0x1c9: {  	v3 =	vadd.s32 $0x22, v0;
	[tilespmem:s15+$0x15D80] =	vst v14  }
0x1ca: {  	v4 =	vadd.s32 $0x23, v0;
	[tilespmem:s15+$0x15E00] =	vst v15  }
0x1cb: {  	v6 =	vadd.s32 $0x25, v0;
	v5 =	vld.idx.msk [tilespmem:v5+s21+$0x0], $0xffff  }
0x1cc: {  	v7 =	vadd.s32 $0x26, v0;
	v1 =	vld.idx.msk [tilespmem:v1+s21+$0x0], $0xffff  }
0x1cd: {  	v11 =	vadd.s32 $0x27, v0;
	v2 =	vld.idx.msk [tilespmem:v2+s21+$0x0], $0xffff  }
0x1ce: {  	v8 =	vadd.s32 $0x28, v0;
	v3 =	vld.idx.msk [tilespmem:v3+s21+$0x0], $0xffff  }
0x1cf: {  	v12 =	vadd.s32 $0x29, v0;
	v4 =	vld.idx.msk [tilespmem:v4+s21+$0x0], $0xffff  }
0x1d0: {  	s1 =	sadd.s32 s1, s8;
	v9 =	vadd.s32 $0x2A, v0;
	v6 =	vld.idx.msk [tilespmem:v6+s21+$0x0], $0xffff  }
0x1d1: {  	s1 =	sadd.s32 $0x1, s1;
	s19 =	simm.s32 $0x80;
	v10 =	vadd.s32 $0x2B, v0;
	v7 =	vld.idx.msk [tilespmem:v7+s21+$0x0], $0xffff  }
.LBB2_7:
0x1d2: {  	p1 =	sne.s32 s19, $0xF80;
	v11 =	vld.idx.msk [tilespmem:v11+s21+$0x0], $0xffff;
	v13 =	vadd.s32 $0x2C, v0  }
0x1d3: {  	v14 =	vadd.s32 $0x2D, v0;
	v8 =	vld.idx.msk [tilespmem:v8+s21+$0x0], $0xffff  }
0x1d4: {  	v15 =	vadd.s32 $0x2E, v0;
	v12 =	vld.idx.msk [tilespmem:v12+s21+$0x0], $0xffff  }
0x1d5: {  	v16 =	vadd.s32 $0x2F, v0;
	v9 =	vld.idx.msk [tilespmem:v9+s21+$0x0], $0xffff  }
0x1d6: {  	v10 =	vld.idx.msk [tilespmem:v10+s21+$0x0], $0xffff  }
0x1d7: {  	v13 =	vld.idx.msk [tilespmem:v13+s21+$0x0], $0xffff  }
0x1d8: {  	v14 =	vld.idx.msk [tilespmem:v14+s21+$0x0], $0xffff  }
0x1d9: {  	v15 =	vld.idx.msk [tilespmem:v15+s21+$0x0], $0xffff  }
0x1da: {  	s16 =	sadd.s32 $0x10, s16;
	v16 =	vld.idx.msk [tilespmem:v16+s21+$0x0], $0xffff;
	[tilespmem:s15+$0x16B00] =	vst v1  }
0x1db: {  	s17 =	sadd.s32 $0x10, s17;
	v1 =	vld [tilespmem:s16+$0x0];
	[tilespmem:s15+$0x16B80] =	vst v2  }
0x1dc: {  	v2 =	vld [tilespmem:s17+$0x0];
	[tilespmem:s15+$0x16C00] =	vst v3  }
0x1dd: {  	[tilespmem:s15+$0x16C80] =	vst v4  }
0x1de: {  	[tilespmem:s15+$0x16D00] =	vst v5  }
0x1df: {  	[tilespmem:s15+$0x16D80] =	vst v6  }
0x1e0: {  	[tilespmem:s15+$0x16E00] =	vst v7  }
0x1e1: {  	v1 =	vmul.u32 $0x3840, v1;
	v2 =	vmul.u32 $0x48, v2;
	[tilespmem:s15+$0x16E80] =	vst v11  }
0x1e2: {  	[tilespmem:s15+$0x17B00] =	vst v8  }
0x1e3: {  	v1 =	vadd.s32 v1, v2;
	[tilespmem:s15+$0x17B80] =	vst v12  }
0x1e4: {  	v2 =	vor.u32 $0x1, v1;
	[tilespmem:s15+$0x17C00] =	vst v9  }
0x1e5: {  	v3 =	vadd.s32 $0x30, v0;
	[tilespmem:s15+$0x17C80] =	vst v10  }
0x1e6: {  	v4 =	vadd.s32 $0x31, v0;
	[tilespmem:s15+$0x17D00] =	vst v13  }
0x1e7: {  	v5 =	vadd.s32 $0x32, v0;
	[tilespmem:s15+$0x17D80] =	vst v14  }
0x1e8: {  	v7 =	vadd.s32 $0x33, v0;
	v6 =	vld.idx.msk [tilespmem:v1+s21+$0x0], $0xffff;
	[tilespmem:s15+$0x17E00] =	vst v15  }
0x1e9: {  	v8 =	vadd.s32 $0x34, v0;
	v2 =	vld.idx.msk [tilespmem:v2+s21+$0x0], $0xffff;
	[tilespmem:s15+$0x17E80] =	vst v16  }
0x1ea: {  	v9 =	vadd.s32 $0x35, v0;
	v3 =	vld.idx.msk [tilespmem:v3+s21+$0x0], $0xffff  }
0x1eb: {  	v10 =	vadd.s32 $0x36, v0;
	v4 =	vld.idx.msk [tilespmem:v4+s21+$0x0], $0xffff  }
0x1ec: {  	v11 =	vadd.s32 $0x37, v0;
	v5 =	vld.idx.msk [tilespmem:v5+s21+$0x0], $0xffff  }
0x1ed: {  	v12 =	vadd.s32 $0x38, v0;
	v7 =	vld.idx.msk [tilespmem:v7+s21+$0x0], $0xffff  }
0x1ee: {  	v13 =	vadd.s32 $0x3F, v0;
	v8 =	vld.idx.msk [tilespmem:v8+s21+$0x0], $0xffff  }
0x1ef: {  	v14 =	vadd.s32 $0x39, v0;
	v9 =	vld.idx.msk [tilespmem:v9+s21+$0x0], $0xffff  }
0x1f0: {  	v15 =	vadd.s32 $0x3A, v0;
	v10 =	vld.idx.msk [tilespmem:v10+s21+$0x0], $0xffff  }
0x1f1: {  	v16 =	vadd.s32 $0x3B, v0;
	v11 =	vld.idx.msk [tilespmem:v11+s21+$0x0], $0xffff  }
0x1f2: {  	v17 =	vadd.s32 $0x3C, v0;
	v12 =	vld.idx.msk [tilespmem:v12+s21+$0x0], $0xffff  }
0x1f3: {  	v18 =	vadd.s32 $0x3D, v0;
	v13 =	vld.idx.msk [tilespmem:v13+s21+$0x0], $0xffff  }
0x1f4: {  	v19 =	vadd.s32 $0x3E, v0;
	v0 =	vmov v1;
	v14 =	vld.idx.msk [tilespmem:v14+s21+$0x0], $0xffff  }
0x1f5: {  	v1 =	vor.u32 $0x2, v0;
	v15 =	vld.idx.msk [tilespmem:v15+s21+$0x0], $0xffff  }
0x1f6: {  	v20 =	vor.u32 $0x3, v0;
	v16 =	vld.idx.msk [tilespmem:v16+s21+$0x0], $0xffff  }
0x1f7: {  	v21 =	vor.u32 $0x4, v0;
	v17 =	vld.idx.msk [tilespmem:v17+s21+$0x0], $0xffff  }
0x1f8: {  	v22 =	vor.u32 $0x5, v0;
	v18 =	vld.idx.msk [tilespmem:v18+s21+$0x0], $0xffff  }
0x1f9: {  	v23 =	vor.u32 $0x6, v0;
	v19 =	vld.idx.msk [tilespmem:v19+s21+$0x0], $0xffff;
	[tilespmem:s15+$0x19E80] =	vst v13  }
0x1fa: {  	v13 =	vor.u32 $0x7, v0;
	v1 =	vld.idx.msk [tilespmem:v1+s21+$0x0], $0xffff;
	[tilespmem:s15+$0x18B00] =	vst v3  }
0x1fb: {  	v3 =	vld.idx.msk [tilespmem:v20+s21+$0x0], $0xffff;
	v20 =	vadd.s32 $0x8, v0;
	[tilespmem:s15+$0x18B80] =	vst v4  }
0x1fc: {  	v4 =	vld.idx.msk [tilespmem:v21+s21+$0x0], $0xffff;
	v21 =	vadd.s32 $0x9, v0;
	[tilespmem:s15+$0x18C00] =	vst v5  }
0x1fd: {  	v5 =	vld.idx.msk [tilespmem:v22+s21+$0x0], $0xffff;
	v22 =	vadd.s32 $0xA, v0;
	[tilespmem:s15+$0x18C80] =	vst v7  }
0x1fe: {  	v7 =	vld.idx.msk [tilespmem:v23+s21+$0x0], $0xffff;
	v23 =	vadd.s32 $0xB, v0;
	[tilespmem:s15+$0x18D00] =	vst v8  }
0x1ff: {  	v8 =	vld.idx.msk [tilespmem:v13+s21+$0x0], $0xffff;
	v13 =	vadd.s32 $0xC, v0;
	[tilespmem:s15+$0x18D80] =	vst v9  }
0x200: {  	v9 =	vld.idx.msk [tilespmem:v20+s21+$0x0], $0xffff;
	v20 =	vadd.s32 $0xD, v0;
	[tilespmem:s15+$0x18E00] =	vst v10  }
0x201: {  	v10 =	vld.idx.msk [tilespmem:v21+s21+$0x0], $0xffff;
	v21 =	vadd.s32 $0xE, v0;
	[tilespmem:s15+$0x18E80] =	vst v11  }
0x202: {  	v11 =	vld.idx.msk [tilespmem:v22+s21+$0x0], $0xffff;
	v22 =	vadd.s32 $0xF, v0;
	[tilespmem:s15+$0x19B00] =	vst v12  }
0x203: {  	v12 =	vld.idx.msk [tilespmem:v23+s21+$0x0], $0xffff;
	[tilespmem:s15+$0x19B80] =	vst v14  }
0x204: {  	s18 =	sadd.s32 $0x10, s18;
	v13 =	vld.idx.msk [tilespmem:v13+s21+$0x0], $0xffff;
	[tilespmem:s15+$0x19C00] =	vst v15  }
0x205: {  	s6 =	sand.u32 $0xC00, s19;
	s3 =	sand.u32 $0x70, s18;
	v14 =	vld.idx.msk [tilespmem:v20+s21+$0x0], $0xffff;
	[tilespmem:s15+$0x19C80] =	vst v16  }
0x206: {  	s3 =	sor.u32 s3, s6;
	v15 =	vld.idx.msk [tilespmem:v21+s21+$0x0], $0xffff;
	[tilespmem:s15+$0x19D00] =	vst v17  }
0x207: {  	s6 =	sadd.s32 $0x12B00, s3;
	v16 =	vld.idx.msk [tilespmem:v22+s21+$0x0], $0xffff;
	[tilespmem:s3+$0x12B00] =	vst v6  }
0x208: {  	[tilespmem:s6+$0x80] =	vst v2  }
0x209: {  	[tilespmem:s6+$0x100] =	vst v1  }
0x20a: {  	[tilespmem:s6+$0x180] =	vst v3  }
0x20b: {  	[tilespmem:s6+$0x200] =	vst v4  }
0x20c: {  	[tilespmem:s6+$0x280] =	vst v5  }
0x20d: {  	[tilespmem:s6+$0x300] =	vst v7  }
0x20e: {  	[tilespmem:s6+$0x380] =	vst v8  }
0x20f: {  	[tilespmem:s3+$0x13B00] =	vst v9  }
0x210: {  	[tilespmem:s3+$0x13B80] =	vst v10  }
0x211: {  	[tilespmem:s3+$0x13C00] =	vst v11  }
0x212: {  	v1 =	vadd.s32 $0x10, v0;
	[tilespmem:s3+$0x13C80] =	vst v12  }
0x213: {  	v2 =	vadd.s32 $0x11, v0;
	[tilespmem:s3+$0x13D00] =	vst v13  }
0x214: {  	v3 =	vadd.s32 $0x12, v0;
	[tilespmem:s3+$0x13D80] =	vst v14  }
0x215: {  	v4 =	vadd.s32 $0x13, v0;
	[tilespmem:s3+$0x13E00] =	vst v15  }
0x216: {  	v5 =	vadd.s32 $0x14, v0;
	[tilespmem:s3+$0x13E80] =	vst v16  }
0x217: {  	v6 =	vadd.s32 $0x15, v0;
	v1 =	vld.idx.msk [tilespmem:v1+s21+$0x0], $0xffff;
	[tilespmem:s15+$0x19D80] =	vst v18  }
0x218: {  	v7 =	vadd.s32 $0x16, v0;
	v2 =	vld.idx.msk [tilespmem:v2+s21+$0x0], $0xffff;
	[tilespmem:s15+$0x19E00] =	vst v19;
	s15 =	smov.u32 s3  }
0x219: {  	v8 =	vadd.s32 $0x17, v0;
	v3 =	vld.idx.msk [tilespmem:v3+s21+$0x0], $0xffff  }
0x21a: {  	v9 =	vadd.s32 $0x18, v0;
	v4 =	vld.idx.msk [tilespmem:v4+s21+$0x0], $0xffff  }
0x21b: {  	v10 =	vadd.s32 $0x19, v0;
	v5 =	vld.idx.msk [tilespmem:v5+s21+$0x0], $0xffff  }
0x21c: {  	v11 =	vadd.s32 $0x1A, v0;
	v6 =	vld.idx.msk [tilespmem:v6+s21+$0x0], $0xffff  }
0x21d: {  	v12 =	vadd.s32 $0x1B, v0;
	v7 =	vld.idx.msk [tilespmem:v7+s21+$0x0], $0xffff  }
0x21e: {  	v13 =	vadd.s32 $0x1C, v0;
	v8 =	vld.idx.msk [tilespmem:v8+s21+$0x0], $0xffff  }
0x21f: {  	v14 =	vadd.s32 $0x1D, v0;
	v9 =	vld.idx.msk [tilespmem:v9+s21+$0x0], $0xffff  }
0x220: {  	v15 =	vadd.s32 $0x1E, v0;
	v10 =	vld.idx.msk [tilespmem:v10+s21+$0x0], $0xffff  }
0x221: {  	v16 =	vadd.s32 $0x1F, v0;
	v11 =	vld.idx.msk [tilespmem:v11+s21+$0x0], $0xffff  }
0x222: {  	v12 =	vld.idx.msk [tilespmem:v12+s21+$0x0], $0xffff  }
0x223: {  	v13 =	vld.idx.msk [tilespmem:v13+s21+$0x0], $0xffff  }
0x224: {  	v14 =	vld.idx.msk [tilespmem:v14+s21+$0x0], $0xffff  }
0x225: {  	v15 =	vld.idx.msk [tilespmem:v15+s21+$0x0], $0xffff  }
0x226: {  	v16 =	vld.idx.msk [tilespmem:v16+s21+$0x0], $0xffff;
	[tilespmem:s15+$0x14B00] =	vst v1  }
0x227: {  	[tilespmem:s15+$0x14B80] =	vst v2  }
0x228: {  	[tilespmem:s15+$0x14C00] =	vst v3  }
0x229: {  	[tilespmem:s15+$0x14C80] =	vst v4  }
0x22a: {  	[tilespmem:s15+$0x14D00] =	vst v5  }
0x22b: {  	[tilespmem:s15+$0x14D80] =	vst v6  }
0x22c: {  	[tilespmem:s15+$0x14E00] =	vst v7  }
0x22d: {  	[tilespmem:s15+$0x14E80] =	vst v8  }
0x22e: {  	[tilespmem:s15+$0x15B00] =	vst v9  }
0x22f: {  	[tilespmem:s15+$0x15B80] =	vst v10  }
0x230: {  	[tilespmem:s15+$0x15C00] =	vst v11  }
0x231: {  	v1 =	vadd.s32 $0x20, v0;
	[tilespmem:s15+$0x15C80] =	vst v12  }
0x232: {  	v2 =	vadd.s32 $0x21, v0;
	[tilespmem:s15+$0x15D00] =	vst v13  }
0x233: {  	v3 =	vadd.s32 $0x22, v0;
	[tilespmem:s15+$0x15D80] =	vst v14  }
0x234: {  	v4 =	vadd.s32 $0x23, v0;
	[tilespmem:s15+$0x15E00] =	vst v15  }
0x235: {  	v5 =	vadd.s32 $0x24, v0;
	[tilespmem:s15+$0x15E80] =	vst v16  }
0x236: {  	v6 =	vadd.s32 $0x25, v0;
	v1 =	vld.idx.msk [tilespmem:v1+s21+$0x0], $0xffff  }
0x237: {  	v7 =	vadd.s32 $0x26, v0;
	v2 =	vld.idx.msk [tilespmem:v2+s21+$0x0], $0xffff  }
.Ltmp2:
0x238: {  	v11 =	vadd.s32 $0x27, v0;
	v3 =	vld.idx.msk [tilespmem:v3+s21+$0x0], $0xffff;
	(pc) =	sbr.rel @p1 .LBB2_7-.Ltmp2, $4  }
0x239: {  	v8 =	vadd.s32 $0x28, v0;
	v4 =	vld.idx.msk [tilespmem:v4+s21+$0x0], $0xffff  }
0x23a: {  	v12 =	vadd.s32 $0x29, v0;
	v5 =	vld.idx.msk [tilespmem:v5+s21+$0x0], $0xffff  }
0x23b: {  	v9 =	vadd.s32 $0x2A, v0;
	v6 =	vld.idx.msk [tilespmem:v6+s21+$0x0], $0xffff  }
0x23c: {  	s19 =	sadd.s32 $0x80, s19;
	v10 =	vadd.s32 $0x2B, v0;
	v7 =	vld.idx.msk [tilespmem:v7+s21+$0x0], $0xffff  }
0x23d: {  	_ =	sdelay $0x3  }
0x23e: {  	v11 =	vld.idx.msk [tilespmem:v11+s21+$0x0], $0xffff;
	v13 =	vadd.s32 $0x2C, v0  }
0x23f: {  	v8 =	vld.idx.msk [tilespmem:v8+s21+$0x0], $0xffff;
	v14 =	vadd.s32 $0x2D, v0  }
0x240: {  	v12 =	vld.idx.msk [tilespmem:v12+s21+$0x0], $0xffff;
	v15 =	vadd.s32 $0x2E, v0  }
0x241: {  	v9 =	vld.idx.msk [tilespmem:v9+s21+$0x0], $0xffff;
	v16 =	vadd.s32 $0x2F, v0  }
0x242: {  	v10 =	vld.idx.msk [tilespmem:v10+s21+$0x0], $0xffff  }
0x243: {  	v13 =	vld.idx.msk [tilespmem:v13+s21+$0x0], $0xffff  }
0x244: {  	v14 =	vld.idx.msk [tilespmem:v14+s21+$0x0], $0xffff  }
0x245: {  	v15 =	vld.idx.msk [tilespmem:v15+s21+$0x0], $0xffff  }
0x246: {  	v16 =	vld.idx.msk [tilespmem:v16+s21+$0x0], $0xffff;
	[tilespmem:s15+$0x16B00] =	vst v1  }
0x247: {  	[tilespmem:s15+$0x16B80] =	vst v2  }
0x248: {  	[tilespmem:s15+$0x16C00] =	vst v3  }
0x249: {  	[tilespmem:s15+$0x16C80] =	vst v4  }
0x24a: {  	[tilespmem:s15+$0x16D00] =	vst v5  }
0x24b: {  	[tilespmem:s15+$0x16D80] =	vst v6  }
0x24c: {  	[tilespmem:s15+$0x16E00] =	vst v7  }
0x24d: {  	[tilespmem:s15+$0x16E80] =	vst v11  }
0x24e: {  	[tilespmem:s15+$0x17B00] =	vst v8  }
0x24f: {  	[tilespmem:s15+$0x17B80] =	vst v12  }
0x250: {  	[tilespmem:s15+$0x17C00] =	vst v9  }
0x251: {  	v48 =	vadd.s32 $0x30, v0;
	[tilespmem:s15+$0x17C80] =	vst v10  }
0x252: {  	v49 =	vadd.s32 $0x31, v0;
	[tilespmem:s15+$0x17D00] =	vst v13  }
0x253: {  	v50 =	vadd.s32 $0x32, v0;
	[tilespmem:s15+$0x17D80] =	vst v14  }
0x254: {  	v51 =	vadd.s32 $0x33, v0;
	[tilespmem:s15+$0x17E00] =	vst v15  }
0x255: {  	v52 =	vadd.s32 $0x34, v0;
	[tilespmem:s15+$0x17E80] =	vst v16  }
0x256: {  	v53 =	vadd.s32 $0x35, v0;
	v1 =	vld.idx.msk [tilespmem:v48+s21+$0x0], $0xffff  }
0x257: {  	v54 =	vadd.s32 $0x36, v0;
	v2 =	vld.idx.msk [tilespmem:v49+s21+$0x0], $0xffff  }
0x258: {  	v55 =	vadd.s32 $0x37, v0;
	v3 =	vld.idx.msk [tilespmem:v50+s21+$0x0], $0xffff  }
0x259: {  	v56 =	vadd.s32 $0x38, v0;
	v4 =	vld.idx.msk [tilespmem:v51+s21+$0x0], $0xffff  }
0x25a: {  	v57 =	vadd.s32 $0x3F, v0;
	v5 =	vld.idx.msk [tilespmem:v52+s21+$0x0], $0xffff  }
0x25b: {  	v58 =	vadd.s32 $0x39, v0;
	v6 =	vld.idx.msk [tilespmem:v53+s21+$0x0], $0xffff  }
0x25c: {  	v59 =	vadd.s32 $0x3A, v0;
	v7 =	vld.idx.msk [tilespmem:v54+s21+$0x0], $0xffff  }
0x25d: {  	v60 =	vadd.s32 $0x3B, v0;
	v8 =	vld.idx.msk [tilespmem:v55+s21+$0x0], $0xffff  }
0x25e: {  	v61 =	vadd.s32 $0x3C, v0;
	v9 =	vld.idx.msk [tilespmem:v56+s21+$0x0], $0xffff  }
0x25f: {  	v62 =	vadd.s32 $0x3D, v0;
	v10 =	vld.idx.msk [tilespmem:v57+s21+$0x0], $0xffff  }
0x260: {  	v63 =	vadd.s32 $0x3E, v0;
	v11 =	vld.idx.msk [tilespmem:v58+s21+$0x0], $0xffff  }
0x261: {  	v12 =	vld.idx.msk [tilespmem:v59+s21+$0x0], $0xffff  }
0x262: {  	v13 =	vld.idx.msk [tilespmem:v60+s21+$0x0], $0xffff  }
0x263: {  	v14 =	vld.idx.msk [tilespmem:v61+s21+$0x0], $0xffff  }
0x264: {  	v15 =	vld.idx.msk [tilespmem:v62+s21+$0x0], $0xffff  }
0x265: {  	v0 =	vld.idx.msk [tilespmem:v63+s21+$0x0], $0xffff;
	[tilespmem:s15+$0x19E80] =	vst v10  }
0x266: {  	[tilespmem:s15+$0x18B00] =	vst v1  }
0x267: {  	[tilespmem:s15+$0x18B80] =	vst v2  }
0x268: {  	[tilespmem:s15+$0x18C00] =	vst v3  }
0x269: {  	[tilespmem:s15+$0x18C80] =	vst v4  }
0x26a: {  	[tilespmem:s15+$0x18D00] =	vst v5  }
0x26b: {  	[tilespmem:s15+$0x18D80] =	vst v6  }
0x26c: {  	[tilespmem:s15+$0x18E00] =	vst v7  }
0x26d: {  	[tilespmem:s15+$0x18E80] =	vst v8  }
0x26e: {  	[tilespmem:s15+$0x19B00] =	vst v9  }
0x26f: {  	[tilespmem:s15+$0x19B80] =	vst v11  }
0x270: {  	[tilespmem:s15+$0x19C00] =	vst v12  }
0x271: {  	[tilespmem:s15+$0x19C80] =	vst v13  }
0x272: {  	s3 =	sshll.u32 @!p0 s1, $0x6;
	[tilespmem:s15+$0x19D00] =	vst v14  }
0x273: {  	s3 =	sadd.s32 @!p0 $0x80, s3;
	[tilespmem:s15+$0x19D80] =	vst v15  }
0x274: {  	s7 =	simm.s32 @!p0 $0x0;
	s6 =	sadd.s32 @!p0 s4, s3;
	[tilespmem:s15+$0x19E00] =	vst v0;
	s15 =	simm.s32 @!p0 $0xA500  }
0x275: {  	[tilespmem:s15], [sflag:$0x2] =	stream.linear.gather @!p0 [hbm4b:s6+s7], $0x200, $0x38;
	[tilespmem:$0x1AB00] =	vst v63  }
0x276: {  	s0 =	sadd.s32 $0x1, s0;
	s3 =	sadd.s32 @!p0 s5, s3;
	s6 =	simm.s32 @!p0 $0xA900  }
0x277: {  	[tilespmem:s6], [sflag:$0x2] =	stream.linear.gather @!p0 [hbm4b:s3+s7], $0x200, $0x38;
	[tilespmem:$0x1AB00] =	vst v63  }
0x278: {  	p0 =	sne.s32 s0, $0x32  }
.Ltmp3:
0x279: {  	s18 =	sshll.u32 s1, $0x9;
	(pc) =	sbr.rel @p0 .LBB2_4-.Ltmp3, $4  }
0x27a: {  	s19 =	sshll.u32 s1, $0xC;
	s3 =	sand.u32 $0xE00, s18  }
0x27b: {  	s1 =	sand.u32 $0xFFF8000, s19;
	s3 =	sadd.s32 s2, s3  }
0x27c: {  	s1 =	sadd.s32 s1, s3  }
0x27d: {  	[hbm4b:s1+s22] =	stream.strided.scatter [tilespmem:s26], [sflag:$0x4], $0x8000, s23, s22, $0x38;
	[tilespmem:$0x1AB00] =	vst v63  }
0x27e: {  	s30 =	sadd.s32 $0x1, s30  }
0x27f: {  	_ =	swait.ge [sflag:s28], $0x8000;
	p0 =	sne.s32 s30, s13  }
.Ltmp4:
0x280: {  	[sflag:s28] =	ssyncset.done $0x0;
	(pc) =	sbr.rel @p0 .LBB2_1-.Ltmp4, $4  }
0x281: {  	[sflag:s28] =	ssyncadd.s32 $0xFFFF8000  }
0x282: {  	_ =	swait.ge [sflag:s29], $0x8000  }
0x283: {  	[sflag:s29] =	ssyncset.done $0x0  }
0x284: {  	[sflag:s29] =	ssyncadd.s32 $0xFFFF8000  }
0x285: {  	_ =	sfence.sel $0x180000  }
0x286: {  	[bflag:$0x0] =	sbarrier.arrive $0xFFFF  }
0x287: {  	_ =	strace $0x90000047  }
0x288: {  	s0 =	stileid.u32;
	[bflag:$0x2] =	sbarrier.arrive $0xFFFF  }
0x289: {  	p0 =	sne.s32 s0, $0x0;
	s0 =	rddreg [dreg:$0x2]  }
0x28a: {  	s0 =	sadd.s32 @!p0 $0x100000, s0  }
0x28b: {  	[sflag:s0] =	ssyncadd.tile.s32 @!p0 $0x1;
	_ =	shalt  }
.Lfunc_end2:
_tile_overlayer_lowered:
.L_overlay_start_2:
0x28c: {  	(tag) =	ssettag $0x2  }
0x28d: {  	s0 =	rddreg [dreg:$0x0];
	s2 =	stileid.u32  }
0x28e: {  	s1 =	rddreg [dreg:$0x1];
	p0 =	sne.s32 s2, $0x0  }
0x28f: {  	s3 =	rddreg [dreg:$0x2];
	[bflag:$0x3] =	sbarrier.arrive $0xFFFF;
	s2 =	simm.s32 @!p0 $0x1C05  }
0x290: {  	[timem:s3], [sflag:s2] =	dma.local @!p0 [hbm:s0], s1  }
0x291: {  	s0 =	simm.s32 @!p0 $0x5  }
0x292: {  	_ =	swait.ge @!p0 [sflag:s0], s1  }
0x293: {  	s1 =	ssub.s32 @!p0 $0x0, s1;
	[sflag:s0] =	ssyncset.done @!p0 $0x0  }
0x294: {  	[sflag:s0] =	ssyncadd.s32 @!p0 s1  }
0x295: {  	[bflag:$0x3] =	sbarrier.arrive $0xFFFF  }
0x296: {  	_ =	shalt  }

</sc_bundles>
